<compile_context>
chip_gen: v7x
topology: tpu7x:2x2x1
jax: 0.10.2.dev20260603
libtpu: 0.0.44.dev20260713+nightly
codegen_flags: <defaults>
</compile_context>

<pallas_src>
import functools

import jax
import jax.numpy as jnp
from jax import lax
from jax.experimental import pallas as pl
from jax.experimental.pallas import tpu as pltpu
from jax.experimental.pallas import tpu_sc as plsc

N = 4194304
KTOP = 419431
NC = 2
NS = 16
NW = NC * NS
L = 16

CHUNK_A = N // NW
WA = 8192
NWIN = CHUNK_A // WA
BINS_A = 4096
SHIFT_A = 20

CANDCAP = 589824
CHUNK_R = CANDCAP // NW
CHUNK_S = CANDCAP // NS
PASSES = ((0, 2047), (11, 2047), (22, 1023))
CAP_T = 32768
SENT_I32 = -1


_CP = pltpu.CompilerParams(needs_layout_passes=False)


def _wid():
    return lax.axis_index("s") * NC + lax.axis_index("c")


def _key_from_f32(x):
    u = lax.bitcast_convert_type(x, jnp.uint32)
    m = u >> 31
    return u ^ (m * jnp.uint32(0x7FFFFFFF) + jnp.uint32(0x80000000))


@functools.cache
def _build():
    mesh = plsc.VectorSubcoreMesh(
        core_axis_name="c", subcore_axis_name="s", num_cores=NC, num_subcores=NS
    )

    @functools.partial(
        pl.kernel,
        out_type=jax.ShapeDtypeStruct((NW, L * BINS_A), jnp.int32),
        mesh=mesh,
        compiler_params=_CP,
        scratch_types=[
            pltpu.VMEM((2, WA), jnp.float32),
            pltpu.VMEM((L * BINS_A,), jnp.int32),
            pltpu.SemaphoreType.DMA,
        ],
    )
    def hist_kernel(w_hbm, hist_hbm, wbuf, hist_v, dsem):
        wid = _wid()
        lane = lax.iota(jnp.int32, L)
        ones = jnp.ones((L,), jnp.int32)

        def zbody(i, c):
            hist_v[pl.ds(i * L, L)] = jnp.zeros((L,), jnp.int32)
            return c

        lax.fori_loop(0, (L * BINS_A) // L, zbody, 0)

        base = wid * CHUNK_A
        pltpu.async_copy(
            w_hbm.at[pl.ds(pl.multiple_of(base, 16), WA)], wbuf.at[0], dsem
        )

        def wbody(g, c):
            pltpu.make_async_copy(
                w_hbm.at[pl.ds(0, WA)], wbuf.at[0], dsem
            ).wait()

            @pl.when(g + 1 < NWIN)
            def _():
                pltpu.async_copy(
                    w_hbm.at[pl.ds(pl.multiple_of(base + (g + 1) * WA, 16), WA)],
                    wbuf.at[(g + 1) % 2], dsem,
                )

            def ibody(j, c2):
                key = _key_from_f32(wbuf[g % 2, pl.ds(j * L, L)])
                b = (key >> SHIFT_A).astype(jnp.int32)
                plsc.addupdate_scatter(hist_v, [lane * BINS_A + b], ones)
                return c2

            return lax.fori_loop(0, WA // L, ibody, c)

        lax.fori_loop(0, NWIN, wbody, 0)
        pltpu.sync_copy(hist_v, hist_hbm.at[wid])

    @functools.partial(
        pl.kernel,
        out_type=(
            jax.ShapeDtypeStruct((CANDCAP,), jnp.int32),
            jax.ShapeDtypeStruct((CANDCAP,), jnp.int32),
        ),
        mesh=mesh,
        compiler_params=_CP,
        scratch_types=[
            pltpu.VMEM((2, WA), jnp.float32),
            pltpu.VMEM((CAP_T + L,), jnp.int32),
            pltpu.VMEM((CAP_T + L,), jnp.int32),
            pltpu.VMEM((WA,), jnp.int32),
            pltpu.VMEM((40,), jnp.int32),
            pltpu.SemaphoreType.DMA,
        ],
    )
    def compact_kernel(w_hbm, par_hbm, ck_hbm, ci_hbm, wbuf, kbuf, ibuf, sbuf,
                       pbuf, dsem):
        wid = _wid()
        lane = lax.iota(jnp.int32, L)
        pltpu.sync_copy(par_hbm, pbuf)
        p0 = pbuf[pl.ds(0, L)]
        thr_v = lax.bitcast_convert_type(jnp.full((L,), 0, jnp.int32) + p0[0], jnp.uint32)
        bw_v = plsc.load_gather(pbuf, [jnp.full((L,), 0, jnp.int32) + (1 + wid)])
        base_w = bw_v[0]
        cbase = wid * CHUNK_A
        pltpu.async_copy(
            w_hbm.at[pl.ds(pl.multiple_of(cbase, 16), WA)], wbuf.at[0], dsem
        )

        def wbody(g, off):
            pltpu.make_async_copy(
                w_hbm.at[pl.ds(0, WA)], wbuf.at[0], dsem
            ).wait()

            @pl.when(g + 1 < NWIN)
            def _():
                pltpu.async_copy(
                    w_hbm.at[pl.ds(pl.multiple_of(cbase + (g + 1) * WA, 16), WA)],
                    wbuf.at[(g + 1) % 2], dsem,
                )

            def ibody(j, off2):
                key = _key_from_f32(wbuf[g % 2, pl.ds(j * L, L)])
                msk = key >= thr_v
                fkey = lax.bitcast_convert_type(~key, jnp.int32)
                gidx = cbase + g * WA + j * L + lane
                plsc.store_compressed(kbuf.at[pl.ds(off2, L)], fkey, mask=msk)
                plsc.store_compressed(ibuf.at[pl.ds(off2, L)], gidx, mask=msk)
                cnt = jnp.sum(msk.astype(jnp.int32))
                return jnp.minimum(off2 + cnt, CAP_T)

            return lax.fori_loop(0, WA // L, ibody, off)

        off = lax.fori_loop(0, NWIN, wbody, 0)
        kbuf[pl.ds(off, L)] = jnp.full((L,), SENT_I32, jnp.int32)
        ibuf[pl.ds(off, L)] = jnp.zeros((L,), jnp.int32)
        r16 = (off + 15) & ~15
        pos = jnp.int32(0)
        for pbit in range(11, -1, -1):
            sz = 16 << pbit
            take = (r16 & sz) != 0
            cur = pos

            @pl.when(take)
            def _(cur=cur, sz=sz):
                pltpu.sync_copy(
                    kbuf.at[pl.ds(pl.multiple_of(cur, 16), sz)], ck_hbm.at[pl.ds(pl.multiple_of(base_w + cur, 16), sz)]
                )
                pltpu.sync_copy(
                    ibuf.at[pl.ds(pl.multiple_of(cur, 16), sz)], ci_hbm.at[pl.ds(pl.multiple_of(base_w + cur, 16), sz)]
                )

            pos = pos + jnp.where(take, sz, 0)

        @pl.when(wid == NW - 1)
        def _():
            def sb(i, c):
                sbuf[pl.ds(i * L, L)] = jnp.full((L,), SENT_I32, jnp.int32)
                return c

            lax.fori_loop(0, WA // L, sb, 0)
            tot = pbuf[pl.ds(24, L)][9]
            nfull = (CANDCAP - tot) // WA

            def fb(i, c):
                pltpu.sync_copy(sbuf, ck_hbm.at[pl.ds(pl.multiple_of(tot + i * WA, 16), WA)])
                return c

            lax.fori_loop(0, nfull, fb, 0)
            rem_base = tot + nfull * WA
            rem = CANDCAP - rem_base
            tpos = rem_base
            for pbit in range(8, -1, -1):
                sz = 16 << pbit
                take = (rem & sz) != 0
                cur = tpos

                @pl.when(take)
                def _(cur=cur, sz=sz):
                    pltpu.sync_copy(sbuf.at[pl.ds(0, sz)], ck_hbm.at[pl.ds(pl.multiple_of(cur, 16), sz)])

                tpos = tpos + jnp.where(take, sz, 0)

    RBINS = 2048

    @functools.partial(
        pl.kernel,
        out_type=jax.ShapeDtypeStruct((NW, RBINS), jnp.int32),
        mesh=mesh,
        compiler_params=_CP,
        scratch_types=[
            pltpu.VMEM((CHUNK_R,), jnp.int32),
            pltpu.VMEM((L * RBINS,), jnp.int32),
            pltpu.VMEM((16,), jnp.int32),
        ],
    )
    def count_kernel(ck_hbm, par_hbm, hist_hbm, kchunk, histv, pbuf):
        wid = _wid()
        lane = lax.iota(jnp.int32, L)
        ones = jnp.ones((L,), jnp.int32)
        pltpu.sync_copy(par_hbm, pbuf)
        pv = pbuf[pl.ds(0, L)]
        shv = (jnp.full((L,), 0, jnp.int32) + pv[0]).astype(jnp.uint32)
        mkv = (jnp.full((L,), 0, jnp.int32) + pv[1]).astype(jnp.uint32)

        def zb(i, c):
            histv[pl.ds(i * L, L)] = jnp.zeros((L,), jnp.int32)
            return c

        lax.fori_loop(0, (L * RBINS) // L, zb, 0)
        pltpu.sync_copy(ck_hbm.at[pl.ds(pl.multiple_of(wid * CHUNK_R, 16), CHUNK_R)], kchunk)

        def ib(j, c):
            x = lax.bitcast_convert_type(kchunk[pl.ds(j * L, L)], jnp.uint32)
            d = ((x >> shv) & mkv).astype(jnp.int32)
            plsc.addupdate_scatter(histv, [lane * RBINS + d], ones)
            return c

        lax.fori_loop(0, CHUNK_R // L, ib, 0)

        def mb(c, carry):
            acc = jnp.zeros((L,), jnp.int32)
            for l in range(L):
                acc = acc + histv[pl.ds(l * RBINS + c * L, L)]
            histv[pl.ds(c * L, L)] = acc
            return carry

        lax.fori_loop(0, RBINS // L, mb, 0)
        pltpu.sync_copy(histv.at[pl.ds(0, RBINS)], hist_hbm.at[wid])

    SEG = 65536
    NRND = 5
    HCH = CHUNK_S // 4

    scatter_out_type = (
        jax.ShapeDtypeStruct((CANDCAP,), jnp.int32),
        jax.ShapeDtypeStruct((CANDCAP,), jnp.int32),
    )
    scatter_scratch = [
        pltpu.VMEM((CHUNK_S,), jnp.int32),
        pltpu.VMEM((CHUNK_S,), jnp.int32),
        pltpu.VMEM((CHUNK_S // 128, 128), jnp.int32),
        pltpu.VMEM((HCH // 128, 128), jnp.int32),
        pltpu.VMEM((RBINS,), jnp.int32),
        pltpu.VMEM((16,), jnp.int32),
        pltpu.VMEM_SHARED((SEG + 32,), jnp.int32),
        pltpu.VMEM_SHARED((SEG + 32,), jnp.int32),
        pltpu.SemaphoreType.DMA,
    ]

    @functools.partial(
        pl.kernel, out_type=scatter_out_type, mesh=mesh, compiler_params=_CP,
        scratch_types=scatter_scratch
    )
    def scatter_kernel(ck_hbm, ci_hbm, par_hbm, offs_hbm, cko_hbm, cio_hbm,
                       kchunk, ichunk, posb, padj, ctr, pbuf, cko_sh, cio_sh, sem):
            sid = lax.axis_index("s")
            cid = lax.axis_index("c")
            cb = sid * CHUNK_S
            pltpu.sync_copy(ck_hbm.at[pl.ds(pl.multiple_of(cb, 16), CHUNK_S)], kchunk)
            pltpu.sync_copy(ci_hbm.at[pl.ds(pl.multiple_of(cb, 16), CHUNK_S)], ichunk)
            pltpu.sync_copy(offs_hbm.at[2 * sid], ctr)
            pltpu.sync_copy(par_hbm, pbuf)
            pv = pbuf[pl.ds(0, L)]
            shv = (jnp.full((L,), 0, jnp.int32) + pv[0]).astype(jnp.uint32)
            mkv = (jnp.full((L,), 0, jnp.int32) + pv[1]).astype(jnp.uint32)
            cprobe, _ = plsc.scan_count(jnp.zeros((L,), jnp.int32))
            b0 = jnp.min(cprobe)

            def ib(j, c):
                xu = lax.bitcast_convert_type(kchunk[pl.ds(j * L, L)], jnp.uint32)
                d = ((xu >> shv) & mkv).astype(jnp.int32)
                cnt, lastm = plsc.scan_count(d)
                rank = cnt - b0
                basev = plsc.load_gather(ctr, [d])
                pos = basev + rank
                plsc.addupdate_scatter(ctr, [d], rank + 1, mask=lastm)
                posb[j // 8, pl.ds((j % 8) * L, L)] = pos
                return c

            lax.fori_loop(0, CHUNK_S // L, ib, 0)

            def round_body(r, carry):
                segbase = (cid * 4 + r) * SEG

                def sub_body(h, c2):
                    def adj(q, c):
                        row = h * (HCH // 128) + q // 8
                        pos = posb[row, pl.ds((q % 8) * L, L)]
                        pos_l = pos - segbase
                        ins = (pos_l >= 0) & (pos_l < SEG)
                        pd = jnp.where(ins, pos_l, SEG + (pos & 31))
                        padj[q // 8, pl.ds((q % 8) * L, L)] = pd
                        return c

                    lax.fori_loop(0, HCH // L, adj, 0)
                    hb = pl.multiple_of(h * HCH, 128)

                    def sb2(t, c):
                        tb = pl.multiple_of(hb + t * 128, 128)
                        pltpu.async_copy(
                            kchunk.at[pl.ds(tb, 128)],
                            cko_sh.at[padj.at[t]], sem,
                        )
                        pltpu.async_copy(
                            ichunk.at[pl.ds(tb, 128)],
                            cio_sh.at[padj.at[t]], sem,
                        )
                        return c

                    lax.fori_loop(0, HCH // 128, sb2, 0)
                    pltpu.make_async_copy(
                        ck_hbm.at[pl.ds(0, HCH)], kchunk.at[pl.ds(0, HCH)], sem
                    ).wait()
                    pltpu.make_async_copy(
                        ck_hbm.at[pl.ds(0, HCH)], ichunk.at[pl.ds(0, HCH)], sem
                    ).wait()
                    return c2

                lax.fori_loop(0, 4, sub_body, 0)
                plsc.subcore_barrier()
                wseg = SEG // NS
                lwb = sid * wseg
                gwb = pl.multiple_of(segbase + lwb, 16)
                pltpu.sync_copy(cko_sh.at[pl.ds(lwb, wseg)],
                                cko_hbm.at[pl.ds(gwb, wseg)])
                pltpu.sync_copy(cio_sh.at[pl.ds(lwb, wseg)],
                                cio_hbm.at[pl.ds(gwb, wseg)])
                plsc.subcore_barrier()
                return carry

            lax.fori_loop(0, NRND, round_body, 0)



    NCONV = 419840

    @functools.partial(
        pl.pallas_call,
        out_shape=jax.ShapeDtypeStruct((NCONV // 1024, 1024), jnp.float32),
    )
    def conv_kernel(fk_ref, out_ref):
        key = ~lax.bitcast_convert_type(fk_ref[...], jnp.uint32)
        m = key >> 31
        u = key ^ (jnp.uint32(0xFFFFFFFF) - m * jnp.uint32(0x7FFFFFFF))
        out_ref[...] = lax.bitcast_convert_type(u, jnp.float32)

    return hist_kernel, compact_kernel, count_kernel, scatter_kernel, conv_kernel


def _pass_offsets(hist):
    totals = hist.sum(axis=0)
    digit_base = jnp.cumsum(totals) - totals
    tile_cum = jnp.cumsum(hist, axis=0) - hist
    return (digit_base[None, :] + tile_cum).astype(jnp.int32)


def kernel(weight, k):
    (hist_kernel, compact_kernel, count_kernel, scatter_kernel,
     conv_kernel) = _build()
    hist = hist_kernel(weight)
    h3 = hist.reshape(NW, L, BINS_A)
    gbin = h3.sum(axis=(0, 1))
    suffix = jnp.cumsum(gbin[::-1])[::-1]
    t1 = jnp.sum((suffix >= KTOP).astype(jnp.int32)) - 1
    thr_u = t1.astype(jnp.uint32) << SHIFT_A
    thr_i = lax.bitcast_convert_type(thr_u, jnp.int32)
    per_tile = h3.sum(axis=1)
    sel = (jnp.arange(BINS_A, dtype=jnp.int32) >= t1)[None, :]
    cnt = jnp.where(sel, per_tile, 0).sum(axis=1).astype(jnp.int32)
    r16 = (cnt + 15) // 16 * 16
    base = jnp.concatenate(
        [jnp.zeros((1,), jnp.int32), jnp.cumsum(r16)[:-1].astype(jnp.int32)]
    )
    total16 = jnp.sum(r16).astype(jnp.int32)
    par = (
        jnp.zeros((40,), jnp.int32)
        .at[0].set(thr_i)
        .at[1:33].set(base)
        .at[33].set(total16)
    )
    ck, ci = compact_kernel(weight, par)
    for shift, dmask in PASSES:
        ppar = jnp.full((16,), 0, jnp.int32).at[0].set(shift).at[1].set(dmask)
        histp = count_kernel(ck, ppar)
        offs = _pass_offsets(histp)
        ck, ci = scatter_kernel(ck, ci, ppar, offs)
    NCONV = 419840
    vals = conv_kernel(ck[:NCONV].reshape(NCONV // 1024, 1024))
    values = vals.reshape(-1)[:KTOP]
    indices = ci[:KTOP] + (jnp.asarray(k, jnp.int32) - KTOP)
    return values, indices

# --- scband reference (transcript-rebuilt; emitter-appended) ---
"""Pipeline reference for scband-stubase-59399397703864 (READ-ONLY COPY).

The authoritative reference and input builder live on the scoring server;
editing this copy changes nothing except your own understanding.
"""

import jax, jax.numpy as jnp
import numpy as np

T = 128
S = 32768
K = 419431  # ceil(T*S*0.1)

def setup_inputs(seed: int = 0) -> dict:
    key = jax.random.key(seed)
    weight = jax.random.normal(key, (T * S,), dtype=jnp.float32)
    return {"weight": weight, "k": K}

def reference(weight, k):
    # Faithful translation of STUBase.global_select(weight, ratio, method='largest'):
    #   _, spatial_index = torch.topk(weight, n_tokens, largest=True)
    # We return both the top-k values and the selected spatial indices
    # (values are needed to define a differentiable output; indices are the
    #  spatial_index the torch module returns).
    values, spatial_index = jax.lax.top_k(weight, K)
    spatial_index = spatial_index + (jnp.asarray(k, dtype=spatial_index.dtype) - K)
    return values, spatial_index

if __name__ == "__main__":
    import jax
    _d = setup_inputs()
    print(jax.jit(kernel)(*tuple(_d.values())))

</pallas_src>

<mosaic_0001>
#map = affine_map<(d0, d1) -> (0)>
#map1 = affine_map<(d0, d1) -> (0, 0)>
module attributes {stable_mosaic.version = 14 : i64} {
  func.func @hist_kernel(%arg0: i32, %arg1: i32, %arg2: memref<4194304xf32, #tpu.memory_space<hbm>>, %arg3: memref<32x65536xi32, #tpu.memory_space<hbm>>, %arg4: memref<2x8192xf32, #tpu.memory_space<vmem>>, %arg5: memref<65536xi32, #tpu.memory_space<vmem>>, %arg6: memref<!tpu.dma_semaphore, #tpu.memory_space<semaphore_mem>>) attributes {dimension_semantics = [#tpu.dimension_semantics<core_parallel>, #tpu.dimension_semantics<subcore_parallel>], iteration_bounds = array<i64: 2, 16>, scalar_prefetch = 0 : i64, scratch_operands = 3 : i64, tpu.core_type = #tpu.core_type<sc_vector_subcore>, window_params = [{transform_indices = #map}, {transform_indices = #map1}]} {
    %mul3A = arith.constant 2 : i32
    %mul3A_0 = arith.muli %arg1, %mul3A : i32
    %add3A = arith.addi %mul3A_0, %arg0 : i32
    %iota3A = tpu.iota {dimensions = array<i32: 0>} : vector<16xi32>
    %broadcast_in_dim3A = arith.constant 1 : i32
    %broadcast_in_dim3A_1 = vector.broadcast %broadcast_in_dim3A : i32 to vector<16xi32>
    %scan3A = arith.constant 0 : i32
    %scan3A_2 = arith.constant 0 : i32
    %scan3A_3 = arith.constant 4096 : i32
    %scan3A_4 = arith.addi %scan3A_2, %scan3A_3 : i32
    %scan3A_5 = arith.constant 1 : i32
    scf.for %scan3A_23 = %scan3A_2 to %scan3A_4 step %scan3A_5  : i32 {
      %broadcast_in_dim3A_24 = arith.constant 0 : i32
      %broadcast_in_dim3A_25 = vector.broadcast %broadcast_in_dim3A_24 : i32 to vector<16xi32>
      %mul3A_26 = arith.constant 16 : i32
      %mul3A_27 = arith.muli %scan3A_23, %mul3A_26 : i32
      %swap3A = arith.index_cast %mul3A_27 : i32 to index
      %swap3A_28 = tpu.vector_load %arg5[%swap3A] {strides = array<i32>} : memref<65536xi32, #tpu.memory_space<vmem>>, vector<16xi32>,
      tpu.vector_store %arg5[%swap3A], %broadcast_in_dim3A_25 {strides = array<i32>} : memref<65536xi32, #tpu.memory_space<vmem>>, vector<16xi32>,
    }
    %scan3A_6 = arith.constant 4096 : i32
    %mul3A_7 = arith.constant 131072 : i32
    %mul3A_8 = arith.muli %add3A, %mul3A_7 : i32
    %multiple_of3A = tpu.assume_multiple %mul3A_8, 16 : i32
    %dma_start3A = arith.constant 0 : i32
    %dma_start3A_9 = arith.constant 0 : i32
    %dma_start3A_10 = tpu.memref_slice %arg4[%dma_start3A, %dma_start3A_9] : memref<2x8192xf32, #tpu.memory_space<vmem>> -> memref<1x8192xf32, #tpu.memory_space<vmem>>
    %dma_start3A_11 = tpu.memref_squeeze %dma_start3A_10 : memref<1x8192xf32, #tpu.memory_space<vmem>> -> memref<8192xf32, #tpu.memory_space<vmem>>
    %dma_start3A_12 = tpu.memref_slice %arg2[%multiple_of3A] : memref<4194304xf32, #tpu.memory_space<hbm>> -> memref<8192xf32, #tpu.memory_space<hbm>>
    %dma_start3A_13 = arith.constant 0 : i32
    %dma_start3A_14 = tpu.memref_slice %arg4[%dma_start3A, %dma_start3A_13] : memref<2x8192xf32, #tpu.memory_space<vmem>> -> memref<1x8192xf32, #tpu.memory_space<vmem>>
    %dma_start3A_15 = tpu.memref_squeeze %dma_start3A_14 : memref<1x8192xf32, #tpu.memory_space<vmem>> -> memref<8192xf32, #tpu.memory_space<vmem>>
    %dma_start3A_16 = tpu.memref_slice %arg2[%multiple_of3A] : memref<4194304xf32, #tpu.memory_space<hbm>> -> memref<8192xf32, #tpu.memory_space<hbm>>
    tpu.enqueue_dma source(%dma_start3A_16 : memref<8192xf32, #tpu.memory_space<hbm>>) target(%dma_start3A_15 : memref<8192xf32, #tpu.memory_space<vmem>>) target_semaphore(%arg6 : memref<!tpu.dma_semaphore, #tpu.memory_space<semaphore_mem>>)
    %scan3A_17 = arith.constant 0 : i32
    %scan3A_18 = arith.constant 0 : i32
    %scan3A_19 = arith.constant 16 : i32
    %scan3A_20 = arith.addi %scan3A_18, %scan3A_19 : i32
    %scan3A_21 = arith.constant 1 : i32
    scf.for %scan3A_23 = %scan3A_18 to %scan3A_20 step %scan3A_21  : i32 {
      %dma_wait3A = arith.constant 0 : i32
      %dma_wait3A_24 = arith.constant 0 : i32
      %dma_wait3A_25 = tpu.memref_slice %arg4[%dma_wait3A, %dma_wait3A_24] : memref<2x8192xf32, #tpu.memory_space<vmem>> -> memref<1x8192xf32, #tpu.memory_space<vmem>>
      %dma_wait3A_26 = tpu.memref_squeeze %dma_wait3A_25 : memref<1x8192xf32, #tpu.memory_space<vmem>> -> memref<8192xf32, #tpu.memory_space<vmem>>
      %dma_wait3A_27 = arith.constant 0 : i32
      %dma_wait3A_28 = tpu.memref_slice %arg2[%dma_wait3A_27] : memref<4194304xf32, #tpu.memory_space<hbm>> -> memref<8192xf32, #tpu.memory_space<hbm>>
      %dma_wait3A_29 = arith.constant 0 : i32
      %dma_wait3A_30 = tpu.memref_slice %arg4[%dma_wait3A, %dma_wait3A_29] : memref<2x8192xf32, #tpu.memory_space<vmem>> -> memref<1x8192xf32, #tpu.memory_space<vmem>>
      %dma_wait3A_31 = tpu.memref_squeeze %dma_wait3A_30 : memref<1x8192xf32, #tpu.memory_space<vmem>> -> memref<8192xf32, #tpu.memory_space<vmem>>
      %dma_wait3A_32 = arith.constant 0 : i32
      %dma_wait3A_33 = tpu.memref_slice %arg2[%dma_wait3A_32] : memref<4194304xf32, #tpu.memory_space<hbm>> -> memref<8192xf32, #tpu.memory_space<hbm>>
      tpu.wait_dma2 semaphore(%arg6 : memref<!tpu.dma_semaphore, #tpu.memory_space<semaphore_mem>>) src(%dma_wait3A_33 : memref<8192xf32, #tpu.memory_space<hbm>>) dst(%dma_wait3A_31 : memref<8192xf32, #tpu.memory_space<vmem>>)
      %add3A_34 = arith.constant 1 : i32
      %add3A_35 = arith.addi %scan3A_23, %add3A_34 : i32
      %lt3A = arith.constant 16 : i32
      %lt3A_36 = arith.cmpi slt, %add3A_35, %lt3A : i32
      %convert_element_type3A = arith.extui %lt3A_36 : i1 to i32
      %cond3A = arith.constant 0 : i32
      %cond3A_37 = arith.cmpi ne, %convert_element_type3A, %cond3A : i32
      scf.if %cond3A_37 {
        %add3A_43 = arith.constant 1 : i32
        %add3A_44 = arith.addi %scan3A_23, %add3A_43 : i32
        %mul3A_45 = arith.constant 8192 : i32
        %mul3A_46 = arith.muli %add3A_44, %mul3A_45 : i32
        %add3A_47 = arith.addi %mul3A_8, %mul3A_46 : i32
        %multiple_of3A_48 = tpu.assume_multiple %add3A_47, 16 : i32
        %add3A_49 = arith.constant 1 : i32
        %add3A_50 = arith.addi %scan3A_23, %add3A_49 : i32
        %jit3A = arith.constant 2 : i32
        %eq3A = arith.constant 0 : i32
        %eq3A_51 = arith.cmpi eq, %jit3A, %eq3A : i32
        %jit3A_52 = arith.constant 1 : i32
        %select_n3A = arith.select %eq3A_51, %jit3A_52, %jit3A : i32
        %rem3A = arith.remsi %add3A_50, %select_n3A : i32
        %ne3A = arith.constant 0 : i32
        %ne3A_53 = arith.cmpi ne, %rem3A, %ne3A : i32
        %lt3A_54 = arith.constant 0 : i32
        %lt3A_55 = arith.cmpi slt, %rem3A, %lt3A_54 : i32
        %lt3A_56 = arith.constant 0 : i32
        %lt3A_57 = arith.cmpi slt, %select_n3A, %lt3A_56 : i32
        %ne3A_58 = arith.xori %lt3A_55, %lt3A_57 : i1
        %and3A = arith.andi %ne3A_58, %ne3A_53 : i1
        %add3A_59 = arith.addi %rem3A, %select_n3A : i32
        %select_n3A_60 = arith.select %and3A, %add3A_59, %rem3A : i32
        %dma_start3A_61 = arith.constant 0 : i32
        %dma_start3A_62 = tpu.memref_slice %arg4[%select_n3A_60, %dma_start3A_61] : memref<2x8192xf32, #tpu.memory_space<vmem>> -> memref<1x8192xf32, #tpu.memory_space<vmem>>
        %dma_start3A_63 = tpu.memref_squeeze %dma_start3A_62 : memref<1x8192xf32, #tpu.memory_space<vmem>> -> memref<8192xf32, #tpu.memory_space<vmem>>
        %dma_start3A_64 = tpu.memref_slice %arg2[%multiple_of3A_48] : memref<4194304xf32, #tpu.memory_space<hbm>> -> memref<8192xf32, #tpu.memory_space<hbm>>
        %dma_start3A_65 = arith.constant 0 : i32
        %dma_start3A_66 = tpu.memref_slice %arg4[%select_n3A_60, %dma_start3A_65] : memref<2x8192xf32, #tpu.memory_space<vmem>> -> memref<1x8192xf32, #tpu.memory_space<vmem>>
        %dma_start3A_67 = tpu.memref_squeeze %dma_start3A_66 : memref<1x8192xf32, #tpu.memory_space<vmem>> -> memref<8192xf32, #tpu.memory_space<vmem>>
        %dma_start3A_68 = tpu.memref_slice %arg2[%multiple_of3A_48] : memref<4194304xf32, #tpu.memory_space<hbm>> -> memref<8192xf32, #tpu.memory_space<hbm>>
        tpu.enqueue_dma source(%dma_start3A_68 : memref<8192xf32, #tpu.memory_space<hbm>>) target(%dma_start3A_67 : memref<8192xf32, #tpu.memory_space<vmem>>) target_semaphore(%arg6 : memref<!tpu.dma_semaphore, #tpu.memory_space<semaphore_mem>>)
      } else {
      }
      %scan3A_38 = arith.constant 0 : i32
      %scan3A_39 = arith.constant 512 : i32
      %scan3A_40 = arith.addi %scan3A_38, %scan3A_39 : i32
      %scan3A_41 = arith.constant 1 : i32
      scf.for %scan3A_43 = %scan3A_38 to %scan3A_40 step %scan3A_41  : i32 {
        %jit3A = arith.constant 2 : i32
        %eq3A = arith.constant 0 : i32
        %eq3A_44 = arith.cmpi eq, %jit3A, %eq3A : i32
        %jit3A_45 = arith.constant 1 : i32
        %select_n3A = arith.select %eq3A_44, %jit3A_45, %jit3A : i32
        %rem3A = arith.remsi %scan3A_23, %select_n3A : i32
        %ne3A = arith.constant 0 : i32
        %ne3A_46 = arith.cmpi ne, %rem3A, %ne3A : i32
        %lt3A_47 = arith.constant 0 : i32
        %lt3A_48 = arith.cmpi slt, %rem3A, %lt3A_47 : i32
        %lt3A_49 = arith.constant 0 : i32
        %lt3A_50 = arith.cmpi slt, %select_n3A, %lt3A_49 : i32
        %ne3A_51 = arith.xori %lt3A_48, %lt3A_50 : i1
        %and3A = arith.andi %ne3A_51, %ne3A_46 : i1
        %add3A_52 = arith.addi %rem3A, %select_n3A : i32
        %select_n3A_53 = arith.select %and3A, %add3A_52, %rem3A : i32
        %mul3A_54 = arith.constant 16 : i32
        %mul3A_55 = arith.muli %scan3A_43, %mul3A_54 : i32
        %get3A = arith.index_cast %select_n3A_53 : i32 to index
        %get3A_56 = arith.index_cast %mul3A_55 : i32 to index
        %get3A_57 = tpu.vector_load %arg4[%get3A, %get3A_56] {strides = array<i32>} : memref<2x8192xf32, #tpu.memory_space<vmem>>, vector<16xf32>,
        %bitcast_convert_type3A = tpu.bitcast %get3A_57 : vector<16xf32> -> vector<16xi32>
        %shift_right_logical3A = arith.constant 31 : i32
        %shift_right_logical3A_58 = vector.broadcast %shift_right_logical3A : i32 to vector<16xi32>
        %shift_right_logical3A_59 = arith.shrui %bitcast_convert_type3A, %shift_right_logical3A_58 : vector<16xi32>
        %mul3A_60 = arith.constant 2147483647 : i32
        %mul3A_61 = vector.broadcast %mul3A_60 : i32 to vector<16xi32>
        %mul3A_62 = arith.muli %shift_right_logical3A_59, %mul3A_61 : vector<16xi32>
        %add3A_63 = arith.constant -2147483648 : i32
        %add3A_64 = vector.broadcast %add3A_63 : i32 to vector<16xi32>
        %add3A_65 = arith.addi %mul3A_62, %add3A_64 : vector<16xi32>
        %xor3A = arith.xori %bitcast_convert_type3A, %add3A_65 : vector<16xi32>
        %shift_right_logical3A_66 = arith.constant 20 : i32
        %shift_right_logical3A_67 = vector.broadcast %shift_right_logical3A_66 : i32 to vector<16xi32>
        %shift_right_logical3A_68 = arith.shrui %xor3A, %shift_right_logical3A_67 : vector<16xi32>
        %mul3A_69 = arith.constant 4096 : i32
        %mul3A_70 = vector.broadcast %mul3A_69 : i32 to vector<16xi32>
        %mul3A_71 = arith.muli %iota3A, %mul3A_70 : vector<16xi32>
        %add3A_72 = arith.addi %mul3A_71, %shift_right_logical3A_68 : vector<16xi32>
        tpu.vector_store_idx %arg5[%add3A_72], %broadcast_in_dim3A_1 {add = true} : memref<65536xi32, #tpu.memory_space<vmem>>[vector<16xi32>], vector<16xi32>,
      }
      %scan3A_42 = arith.constant 512 : i32
    }
    %scan3A_22 = arith.constant 16 : i32
    "tpu.region"() ({
      %run_scoped3A = tpu.sem_alloc : memref<!tpu.dma_semaphore, #tpu.memory_space<semaphore_mem>>
      %dma_start3A_23 = arith.constant 0 : i32
      %dma_start3A_24 = tpu.memref_slice %arg3[%add3A, %dma_start3A_23] : memref<32x65536xi32, #tpu.memory_space<hbm>> -> memref<1x65536xi32, #tpu.memory_space<hbm>>
      %dma_start3A_25 = tpu.memref_squeeze %dma_start3A_24 : memref<1x65536xi32, #tpu.memory_space<hbm>> -> memref<65536xi32, #tpu.memory_space<hbm>>
      %dma_start3A_26 = arith.constant 0 : i32
      %dma_start3A_27 = tpu.memref_slice %arg3[%add3A, %dma_start3A_26] : memref<32x65536xi32, #tpu.memory_space<hbm>> -> memref<1x65536xi32, #tpu.memory_space<hbm>>
      %dma_start3A_28 = tpu.memref_squeeze %dma_start3A_27 : memref<1x65536xi32, #tpu.memory_space<hbm>> -> memref<65536xi32, #tpu.memory_space<hbm>>
      tpu.enqueue_dma source(%arg5 : memref<65536xi32, #tpu.memory_space<vmem>>) target(%dma_start3A_28 : memref<65536xi32, #tpu.memory_space<hbm>>) target_semaphore(%run_scoped3A : memref<!tpu.dma_semaphore, #tpu.memory_space<semaphore_mem>>)
      %dma_wait3A = arith.constant 0 : i32
      %dma_wait3A_29 = tpu.memref_slice %arg3[%add3A, %dma_wait3A] : memref<32x65536xi32, #tpu.memory_space<hbm>> -> memref<1x65536xi32, #tpu.memory_space<hbm>>
      %dma_wait3A_30 = tpu.memref_squeeze %dma_wait3A_29 : memref<1x65536xi32, #tpu.memory_space<hbm>> -> memref<65536xi32, #tpu.memory_space<hbm>>
      %dma_wait3A_31 = arith.constant 0 : i32
      %dma_wait3A_32 = tpu.memref_slice %arg3[%add3A, %dma_wait3A_31] : memref<32x65536xi32, #tpu.memory_space<hbm>> -> memref<1x65536xi32, #tpu.memory_space<hbm>>
      %dma_wait3A_33 = tpu.memref_squeeze %dma_wait3A_32 : memref<1x65536xi32, #tpu.memory_space<hbm>> -> memref<65536xi32, #tpu.memory_space<hbm>>
      tpu.wait_dma2 semaphore(%run_scoped3A : memref<!tpu.dma_semaphore, #tpu.memory_space<semaphore_mem>>) src(%arg5 : memref<65536xi32, #tpu.memory_space<vmem>>) dst(%dma_wait3A_33 : memref<65536xi32, #tpu.memory_space<hbm>>)
      tpu.yield
    }) : () -> ()
    return
  }
}

#map = affine_map<(d0, d1) -> (0)>
module attributes {stable_mosaic.version = 14 : i64} {
  func.func @compact_kernel(%arg0: i32, %arg1: i32, %arg2: memref<4194304xf32, #tpu.memory_space<hbm>>, %arg3: memref<40xi32, #tpu.memory_space<hbm>>, %arg4: memref<589824xi32, #tpu.memory_space<hbm>>, %arg5: memref<589824xi32, #tpu.memory_space<hbm>>, %arg6: memref<2x8192xf32, #tpu.memory_space<vmem>>, %arg7: memref<32784xi32, #tpu.memory_space<vmem>>, %arg8: memref<32784xi32, #tpu.memory_space<vmem>>, %arg9: memref<8192xi32, #tpu.memory_space<vmem>>, %arg10: memref<40xi32, #tpu.memory_space<vmem>>, %arg11: memref<!tpu.dma_semaphore, #tpu.memory_space<semaphore_mem>>) attributes {dimension_semantics = [#tpu.dimension_semantics<core_parallel>, #tpu.dimension_semantics<subcore_parallel>], iteration_bounds = array<i64: 2, 16>, scalar_prefetch = 0 : i64, scratch_operands = 6 : i64, tpu.core_type = #tpu.core_type<sc_vector_subcore>, window_params = [{transform_indices = #map}, {transform_indices = #map}, {transform_indices = #map}, {transform_indices = #map}]} {
    %mul3A = arith.constant 2 : i32
    %mul3A_0 = arith.muli %arg1, %mul3A : i32
    %add3A = arith.addi %mul3A_0, %arg0 : i32
    %iota3A = tpu.iota {dimensions = array<i32: 0>} : vector<16xi32>
    "tpu.region"() ({
      %run_scoped3A = tpu.sem_alloc : memref<!tpu.dma_semaphore, #tpu.memory_space<semaphore_mem>>
      tpu.enqueue_dma source(%arg3 : memref<40xi32, #tpu.memory_space<hbm>>) target(%arg10 : memref<40xi32, #tpu.memory_space<vmem>>) target_semaphore(%run_scoped3A : memref<!tpu.dma_semaphore, #tpu.memory_space<semaphore_mem>>)
      tpu.wait_dma2 semaphore(%run_scoped3A : memref<!tpu.dma_semaphore, #tpu.memory_space<semaphore_mem>>) src(%arg3 : memref<40xi32, #tpu.memory_space<hbm>>) dst(%arg10 : memref<40xi32, #tpu.memory_space<vmem>>)
      tpu.yield
    }) : () -> ()
    %get3A = arith.constant 0 : index
    %get3A_1 = tpu.vector_load %arg10[%get3A] {strides = array<i32>} : memref<40xi32, #tpu.memory_space<vmem>>, vector<16xi32>,
    %broadcast_in_dim3A = arith.constant 0 : i32
    %broadcast_in_dim3A_2 = vector.broadcast %broadcast_in_dim3A : i32 to vector<16xi32>
    %slice3A = vector.extract_strided_slice %get3A_1 {offsets = [0], sizes = [1], strides = [1]} : vector<16xi32> to vector<1xi32>
    %squeeze3A = vector.extract %slice3A[0] : i32 from vector<1xi32>
    %add3A_3 = vector.broadcast %squeeze3A : i32 to vector<16xi32>
    %add3A_4 = arith.addi %broadcast_in_dim3A_2, %add3A_3 : vector<16xi32>
    %bitcast_convert_type3A = tpu.bitcast %add3A_4 : vector<16xi32> -> vector<16xi32>
    %broadcast_in_dim3A_5 = arith.constant 0 : i32
    %broadcast_in_dim3A_6 = vector.broadcast %broadcast_in_dim3A_5 : i32 to vector<16xi32>
    %add3A_7 = arith.constant 1 : i32
    %add3A_8 = arith.addi %add3A_7, %add3A : i32
    %add3A_9 = vector.broadcast %add3A_8 : i32 to vector<16xi32>
    %add3A_10 = arith.addi %broadcast_in_dim3A_6, %add3A_9 : vector<16xi32>
    %gather3A = tpu.vector_load_idx %arg10[%add3A_10] : memref<40xi32, #tpu.memory_space<vmem>>[vector<16xi32>], vector<16xi32>,
    %slice3A_11 = vector.extract_strided_slice %gather3A {offsets = [0], sizes = [1], strides = [1]} : vector<16xi32> to vector<1xi32>
    %squeeze3A_12 = vector.extract %slice3A_11[0] : i32 from vector<1xi32>
    %mul3A_13 = arith.constant 131072 : i32
    %mul3A_14 = arith.muli %add3A, %mul3A_13 : i32
    %multiple_of3A = tpu.assume_multiple %mul3A_14, 16 : i32
    %dma_start3A = arith.constant 0 : i32
    %dma_start3A_15 = arith.constant 0 : i32
    %dma_start3A_16 = tpu.memref_slice %arg6[%dma_start3A, %dma_start3A_15] : memref<2x8192xf32, #tpu.memory_space<vmem>> -> memref<1x8192xf32, #tpu.memory_space<vmem>>
    %dma_start3A_17 = tpu.memref_squeeze %dma_start3A_16 : memref<1x8192xf32, #tpu.memory_space<vmem>> -> memref<8192xf32, #tpu.memory_space<vmem>>
    %dma_start3A_18 = tpu.memref_slice %arg2[%multiple_of3A] : memref<4194304xf32, #tpu.memory_space<hbm>> -> memref<8192xf32, #tpu.memory_space<hbm>>
    %dma_start3A_19 = arith.constant 0 : i32
    %dma_start3A_20 = tpu.memref_slice %arg6[%dma_start3A, %dma_start3A_19] : memref<2x8192xf32, #tpu.memory_space<vmem>> -> memref<1x8192xf32, #tpu.memory_space<vmem>>
    %dma_start3A_21 = tpu.memref_squeeze %dma_start3A_20 : memref<1x8192xf32, #tpu.memory_space<vmem>> -> memref<8192xf32, #tpu.memory_space<vmem>>
    %dma_start3A_22 = tpu.memref_slice %arg2[%multiple_of3A] : memref<4194304xf32, #tpu.memory_space<hbm>> -> memref<8192xf32, #tpu.memory_space<hbm>>
    tpu.enqueue_dma source(%dma_start3A_22 : memref<8192xf32, #tpu.memory_space<hbm>>) target(%dma_start3A_21 : memref<8192xf32, #tpu.memory_space<vmem>>) target_semaphore(%arg11 : memref<!tpu.dma_semaphore, #tpu.memory_space<semaphore_mem>>)
    %scan3A = arith.constant 0 : i32
    %scan3A_23 = arith.constant 0 : i32
    %scan3A_24 = arith.constant 16 : i32
    %scan3A_25 = arith.addi %scan3A_23, %scan3A_24 : i32
    %scan3A_26 = arith.constant 1 : i32
    %scan3A_27 = scf.for %scan3A_172 = %scan3A_23 to %scan3A_25 step %scan3A_26 iter_args(%scan3A_173 = %scan3A) -> (i32)  : i32 {
      %dma_wait3A = arith.constant 0 : i32
      %dma_wait3A_174 = arith.constant 0 : i32
      %dma_wait3A_175 = tpu.memref_slice %arg6[%dma_wait3A, %dma_wait3A_174] : memref<2x8192xf32, #tpu.memory_space<vmem>> -> memref<1x8192xf32, #tpu.memory_space<vmem>>
      %dma_wait3A_176 = tpu.memref_squeeze %dma_wait3A_175 : memref<1x8192xf32, #tpu.memory_space<vmem>> -> memref<8192xf32, #tpu.memory_space<vmem>>
      %dma_wait3A_177 = arith.constant 0 : i32
      %dma_wait3A_178 = tpu.memref_slice %arg2[%dma_wait3A_177] : memref<4194304xf32, #tpu.memory_space<hbm>> -> memref<8192xf32, #tpu.memory_space<hbm>>
      %dma_wait3A_179 = arith.constant 0 : i32
      %dma_wait3A_180 = tpu.memref_slice %arg6[%dma_wait3A, %dma_wait3A_179] : memref<2x8192xf32, #tpu.memory_space<vmem>> -> memref<1x8192xf32, #tpu.memory_space<vmem>>
      %dma_wait3A_181 = tpu.memref_squeeze %dma_wait3A_180 : memref<1x8192xf32, #tpu.memory_space<vmem>> -> memref<8192xf32, #tpu.memory_space<vmem>>
      %dma_wait3A_182 = arith.constant 0 : i32
      %dma_wait3A_183 = tpu.memref_slice %arg2[%dma_wait3A_182] : memref<4194304xf32, #tpu.memory_space<hbm>> -> memref<8192xf32, #tpu.memory_space<hbm>>
      tpu.wait_dma2 semaphore(%arg11 : memref<!tpu.dma_semaphore, #tpu.memory_space<semaphore_mem>>) src(%dma_wait3A_183 : memref<8192xf32, #tpu.memory_space<hbm>>) dst(%dma_wait3A_181 : memref<8192xf32, #tpu.memory_space<vmem>>)
      %add3A_184 = arith.constant 1 : i32
      %add3A_185 = arith.addi %scan3A_172, %add3A_184 : i32
      %lt3A = arith.constant 16 : i32
      %lt3A_186 = arith.cmpi slt, %add3A_185, %lt3A : i32
      %convert_element_type3A_187 = arith.extui %lt3A_186 : i1 to i32
      %cond3A_188 = arith.constant 0 : i32
      %cond3A_189 = arith.cmpi ne, %convert_element_type3A_187, %cond3A_188 : i32
      scf.if %cond3A_189 {
        %add3A_196 = arith.constant 1 : i32
        %add3A_197 = arith.addi %scan3A_172, %add3A_196 : i32
        %mul3A_198 = arith.constant 8192 : i32
        %mul3A_199 = arith.muli %add3A_197, %mul3A_198 : i32
        %add3A_200 = arith.addi %mul3A_14, %mul3A_199 : i32
        %multiple_of3A_201 = tpu.assume_multiple %add3A_200, 16 : i32
        %add3A_202 = arith.constant 1 : i32
        %add3A_203 = arith.addi %scan3A_172, %add3A_202 : i32
        %jit3A_204 = arith.constant 2 : i32
        %eq3A_205 = arith.constant 0 : i32
        %eq3A_206 = arith.cmpi eq, %jit3A_204, %eq3A_205 : i32
        %jit3A_207 = arith.constant 1 : i32
        %select_n3A_208 = arith.select %eq3A_206, %jit3A_207, %jit3A_204 : i32
        %rem3A = arith.remsi %add3A_203, %select_n3A_208 : i32
        %ne3A_209 = arith.constant 0 : i32
        %ne3A_210 = arith.cmpi ne, %rem3A, %ne3A_209 : i32
        %lt3A_211 = arith.constant 0 : i32
        %lt3A_212 = arith.cmpi slt, %rem3A, %lt3A_211 : i32
        %lt3A_213 = arith.constant 0 : i32
        %lt3A_214 = arith.cmpi slt, %select_n3A_208, %lt3A_213 : i32
        %ne3A_215 = arith.xori %lt3A_212, %lt3A_214 : i1
        %and3A_216 = arith.andi %ne3A_215, %ne3A_210 : i1
        %add3A_217 = arith.addi %rem3A, %select_n3A_208 : i32
        %select_n3A_218 = arith.select %and3A_216, %add3A_217, %rem3A : i32
        %dma_start3A_219 = arith.constant 0 : i32
        %dma_start3A_220 = tpu.memref_slice %arg6[%select_n3A_218, %dma_start3A_219] : memref<2x8192xf32, #tpu.memory_space<vmem>> -> memref<1x8192xf32, #tpu.memory_space<vmem>>
        %dma_start3A_221 = tpu.memref_squeeze %dma_start3A_220 : memref<1x8192xf32, #tpu.memory_space<vmem>> -> memref<8192xf32, #tpu.memory_space<vmem>>
        %dma_start3A_222 = tpu.memref_slice %arg2[%multiple_of3A_201] : memref<4194304xf32, #tpu.memory_space<hbm>> -> memref<8192xf32, #tpu.memory_space<hbm>>
        %dma_start3A_223 = arith.constant 0 : i32
        %dma_start3A_224 = tpu.memref_slice %arg6[%select_n3A_218, %dma_start3A_223] : memref<2x8192xf32, #tpu.memory_space<vmem>> -> memref<1x8192xf32, #tpu.memory_space<vmem>>
        %dma_start3A_225 = tpu.memref_squeeze %dma_start3A_224 : memref<1x8192xf32, #tpu.memory_space<vmem>> -> memref<8192xf32, #tpu.memory_space<vmem>>
        %dma_start3A_226 = tpu.memref_slice %arg2[%multiple_of3A_201] : memref<4194304xf32, #tpu.memory_space<hbm>> -> memref<8192xf32, #tpu.memory_space<hbm>>
        tpu.enqueue_dma source(%dma_start3A_226 : memref<8192xf32, #tpu.memory_space<hbm>>) target(%dma_start3A_225 : memref<8192xf32, #tpu.memory_space<vmem>>) target_semaphore(%arg11 : memref<!tpu.dma_semaphore, #tpu.memory_space<semaphore_mem>>)
      } else {
      }
      %scan3A_190 = arith.constant 0 : i32
      %scan3A_191 = arith.constant 512 : i32
      %scan3A_192 = arith.addi %scan3A_190, %scan3A_191 : i32
      %scan3A_193 = arith.constant 1 : i32
      %scan3A_194 = scf.for %scan3A_196 = %scan3A_190 to %scan3A_192 step %scan3A_193 iter_args(%scan3A_197 = %scan3A_173) -> (i32)  : i32 {
        %jit3A_198 = arith.constant 2 : i32
        %eq3A_199 = arith.constant 0 : i32
        %eq3A_200 = arith.cmpi eq, %jit3A_198, %eq3A_199 : i32
        %jit3A_201 = arith.constant 1 : i32
        %select_n3A_202 = arith.select %eq3A_200, %jit3A_201, %jit3A_198 : i32
        %rem3A = arith.remsi %scan3A_172, %select_n3A_202 : i32
        %ne3A_203 = arith.constant 0 : i32
        %ne3A_204 = arith.cmpi ne, %rem3A, %ne3A_203 : i32
        %lt3A_205 = arith.constant 0 : i32
        %lt3A_206 = arith.cmpi slt, %rem3A, %lt3A_205 : i32
        %lt3A_207 = arith.constant 0 : i32
        %lt3A_208 = arith.cmpi slt, %select_n3A_202, %lt3A_207 : i32
        %ne3A_209 = arith.xori %lt3A_206, %lt3A_208 : i1
        %and3A_210 = arith.andi %ne3A_209, %ne3A_204 : i1
        %add3A_211 = arith.addi %rem3A, %select_n3A_202 : i32
        %select_n3A_212 = arith.select %and3A_210, %add3A_211, %rem3A : i32
        %mul3A_213 = arith.constant 16 : i32
        %mul3A_214 = arith.muli %scan3A_196, %mul3A_213 : i32
        %get3A_215 = arith.index_cast %select_n3A_212 : i32 to index
        %get3A_216 = arith.index_cast %mul3A_214 : i32 to index
        %get3A_217 = tpu.vector_load %arg6[%get3A_215, %get3A_216] {strides = array<i32>} : memref<2x8192xf32, #tpu.memory_space<vmem>>, vector<16xf32>,
        %bitcast_convert_type3A_218 = tpu.bitcast %get3A_217 : vector<16xf32> -> vector<16xi32>
        %shift_right_logical3A = arith.constant 31 : i32
        %shift_right_logical3A_219 = vector.broadcast %shift_right_logical3A : i32 to vector<16xi32>
        %shift_right_logical3A_220 = arith.shrui %bitcast_convert_type3A_218, %shift_right_logical3A_219 : vector<16xi32>
        %mul3A_221 = arith.constant 2147483647 : i32
        %mul3A_222 = vector.broadcast %mul3A_221 : i32 to vector<16xi32>
        %mul3A_223 = arith.muli %shift_right_logical3A_220, %mul3A_222 : vector<16xi32>
        %add3A_224 = arith.constant -2147483648 : i32
        %add3A_225 = vector.broadcast %add3A_224 : i32 to vector<16xi32>
        %add3A_226 = arith.addi %mul3A_223, %add3A_225 : vector<16xi32>
        %xor3A = arith.xori %bitcast_convert_type3A_218, %add3A_226 : vector<16xi32>
        %ge3A = arith.cmpi uge, %xor3A, %bitcast_convert_type3A : vector<16xi32>
        %not3A = arith.constant dense<-1> : vector<16xi32>
        %not3A_227 = arith.xori %xor3A, %not3A : vector<16xi32>
        %bitcast_convert_type3A_228 = tpu.bitcast %not3A_227 : vector<16xi32> -> vector<16xi32>
        %mul3A_229 = arith.constant 8192 : i32
        %mul3A_230 = arith.muli %scan3A_172, %mul3A_229 : i32
        %add3A_231 = arith.addi %mul3A_14, %mul3A_230 : i32
        %mul3A_232 = arith.constant 16 : i32
        %mul3A_233 = arith.muli %scan3A_196, %mul3A_232 : i32
        %add3A_234 = arith.addi %add3A_231, %mul3A_233 : i32
        %add3A_235 = vector.broadcast %add3A_234 : i32 to vector<16xi32>
        %add3A_236 = arith.addi %add3A_235, %iota3A : vector<16xi32>
        %swap3A_237 = arith.index_cast %scan3A_197 : i32 to index
        %swap3A_238 = tpu.vector_load %arg7[%swap3A_237] masked %ge3A {strides = array<i32>} : memref<32784xi32, #tpu.memory_space<vmem>>, vector<16xi32>, vector<16xi1>
        tpu.vector_store %arg7[%swap3A_237], %bitcast_convert_type3A_228 masked %ge3A {strides = array<i32>} : memref<32784xi32, #tpu.memory_space<vmem>>, vector<16xi32>, vector<16xi1>
        %swap3A_239 = arith.index_cast %scan3A_197 : i32 to index
        %swap3A_240 = tpu.vector_load %arg8[%swap3A_239] masked %ge3A {strides = array<i32>} : memref<32784xi32, #tpu.memory_space<vmem>>, vector<16xi32>, vector<16xi1>
        tpu.vector_store %arg8[%swap3A_239], %add3A_236 masked %ge3A {strides = array<i32>} : memref<32784xi32, #tpu.memory_space<vmem>>, vector<16xi32>, vector<16xi1>
        %convert_element_type3A_241 = arith.extui %ge3A : vector<16xi1> to vector<16xi32>
        %reduce_sum3A = arith.constant true
        %reduce_sum3A_242 = vector.broadcast %reduce_sum3A : i1 to vector<16xi1>
        %reduce_sum3A_243 = tpu.scan <sum>, %convert_element_type3A_241 masked %reduce_sum3A_242 : vector<16xi32>, vector<16xi1> -> vector<16xi32>
        %reduce_sum3A_244 = vector.extract %reduce_sum3A_243[15] : i32 from vector<16xi32>
        %add3A_245 = arith.addi %scan3A_197, %reduce_sum3A_244 : i32
        %min3A = arith.constant 32768 : i32
        %min3A_246 = arith.minsi %add3A_245, %min3A : i32
        scf.yield %min3A_246 : i32
      }
      %scan3A_195 = arith.constant 512 : i32
      scf.yield %scan3A_194 : i32
    }
    %scan3A_28 = arith.constant 16 : i32
    %broadcast_in_dim3A_29 = arith.constant -1 : i32
    %broadcast_in_dim3A_30 = vector.broadcast %broadcast_in_dim3A_29 : i32 to vector<16xi32>
    %swap3A = arith.index_cast %scan3A_27 : i32 to index
    %swap3A_31 = tpu.vector_load %arg7[%swap3A] {strides = array<i32>} : memref<32784xi32, #tpu.memory_space<vmem>>, vector<16xi32>,
    tpu.vector_store %arg7[%swap3A], %broadcast_in_dim3A_30 {strides = array<i32>} : memref<32784xi32, #tpu.memory_space<vmem>>, vector<16xi32>,
    %broadcast_in_dim3A_32 = arith.constant 0 : i32
    %broadcast_in_dim3A_33 = vector.broadcast %broadcast_in_dim3A_32 : i32 to vector<16xi32>
    %swap3A_34 = arith.index_cast %scan3A_27 : i32 to index
    %swap3A_35 = tpu.vector_load %arg8[%swap3A_34] {strides = array<i32>} : memref<32784xi32, #tpu.memory_space<vmem>>, vector<16xi32>,
    tpu.vector_store %arg8[%swap3A_34], %broadcast_in_dim3A_33 {strides = array<i32>} : memref<32784xi32, #tpu.memory_space<vmem>>, vector<16xi32>,
    %add3A_36 = arith.constant 15 : i32
    %add3A_37 = arith.addi %scan3A_27, %add3A_36 : i32
    %and3A = arith.constant -16 : i32
    %and3A_38 = arith.andi %add3A_37, %and3A : i32
    %and3A_39 = arith.constant 32768 : i32
    %and3A_40 = arith.andi %and3A_38, %and3A_39 : i32
    %ne3A = arith.constant 0 : i32
    %ne3A_41 = arith.cmpi ne, %and3A_40, %ne3A : i32
    %convert_element_type3A = arith.extui %ne3A_41 : i1 to i32
    %cond3A = arith.constant 0 : i32
    %cond3A_42 = arith.constant 0 : i32
    %cond3A_43 = arith.cmpi ne, %convert_element_type3A, %cond3A_42 : i32
    scf.if %cond3A_43 {
      %multiple_of3A_172 = tpu.assume_multiple %cond3A, 16 : i32
      %add3A_173 = arith.addi %squeeze3A_12, %cond3A : i32
      %multiple_of3A_174 = tpu.assume_multiple %add3A_173, 16 : i32
      "tpu.region"() ({
        %run_scoped3A = tpu.sem_alloc : memref<!tpu.dma_semaphore, #tpu.memory_space<semaphore_mem>>
        %dma_start3A_178 = tpu.memref_slice %arg7[%multiple_of3A_172] : memref<32784xi32, #tpu.memory_space<vmem>> -> memref<32768xi32, #tpu.memory_space<vmem>>
        %dma_start3A_179 = tpu.memref_slice %arg4[%multiple_of3A_174] : memref<589824xi32, #tpu.memory_space<hbm>> -> memref<32768xi32, #tpu.memory_space<hbm>>
        %dma_start3A_180 = tpu.memref_slice %arg4[%multiple_of3A_174] : memref<589824xi32, #tpu.memory_space<hbm>> -> memref<32768xi32, #tpu.memory_space<hbm>>
        %dma_start3A_181 = tpu.memref_slice %arg7[%multiple_of3A_172] : memref<32784xi32, #tpu.memory_space<vmem>> -> memref<32768xi32, #tpu.memory_space<vmem>>
        tpu.enqueue_dma source(%dma_start3A_181 : memref<32768xi32, #tpu.memory_space<vmem>>) target(%dma_start3A_180 : memref<32768xi32, #tpu.memory_space<hbm>>) target_semaphore(%run_scoped3A : memref<!tpu.dma_semaphore, #tpu.memory_space<semaphore_mem>>)
        %dma_wait3A = tpu.memref_slice %arg7[%multiple_of3A_172] : memref<32784xi32, #tpu.memory_space<vmem>> -> memref<32768xi32, #tpu.memory_space<vmem>>
        %dma_wait3A_182 = tpu.memref_slice %arg4[%multiple_of3A_174] : memref<589824xi32, #tpu.memory_space<hbm>> -> memref<32768xi32, #tpu.memory_space<hbm>>
        %dma_wait3A_183 = tpu.memref_slice %arg4[%multiple_of3A_174] : memref<589824xi32, #tpu.memory_space<hbm>> -> memref<32768xi32, #tpu.memory_space<hbm>>
        %dma_wait3A_184 = tpu.memref_slice %arg7[%multiple_of3A_172] : memref<32784xi32, #tpu.memory_space<vmem>> -> memref<32768xi32, #tpu.memory_space<vmem>>
        tpu.wait_dma2 semaphore(%run_scoped3A : memref<!tpu.dma_semaphore, #tpu.memory_space<semaphore_mem>>) src(%dma_wait3A_184 : memref<32768xi32, #tpu.memory_space<vmem>>) dst(%dma_wait3A_183 : memref<32768xi32, #tpu.memory_space<hbm>>)
        tpu.yield
      }) : () -> ()
      %multiple_of3A_175 = tpu.assume_multiple %cond3A, 16 : i32
      %add3A_176 = arith.addi %squeeze3A_12, %cond3A : i32
      %multiple_of3A_177 = tpu.assume_multiple %add3A_176, 16 : i32
      "tpu.region"() ({
        %run_scoped3A = tpu.sem_alloc : memref<!tpu.dma_semaphore, #tpu.memory_space<semaphore_mem>>
        %dma_start3A_178 = tpu.memref_slice %arg8[%multiple_of3A_175] : memref<32784xi32, #tpu.memory_space<vmem>> -> memref<32768xi32, #tpu.memory_space<vmem>>
        %dma_start3A_179 = tpu.memref_slice %arg5[%multiple_of3A_177] : memref<589824xi32, #tpu.memory_space<hbm>> -> memref<32768xi32, #tpu.memory_space<hbm>>
        %dma_start3A_180 = tpu.memref_slice %arg5[%multiple_of3A_177] : memref<589824xi32, #tpu.memory_space<hbm>> -> memref<32768xi32, #tpu.memory_space<hbm>>
        %dma_start3A_181 = tpu.memref_slice %arg8[%multiple_of3A_175] : memref<32784xi32, #tpu.memory_space<vmem>> -> memref<32768xi32, #tpu.memory_space<vmem>>
        tpu.enqueue_dma source(%dma_start3A_181 : memref<32768xi32, #tpu.memory_space<vmem>>) target(%dma_start3A_180 : memref<32768xi32, #tpu.memory_space<hbm>>) target_semaphore(%run_scoped3A : memref<!tpu.dma_semaphore, #tpu.memory_space<semaphore_mem>>)
        %dma_wait3A = tpu.memref_slice %arg8[%multiple_of3A_175] : memref<32784xi32, #tpu.memory_space<vmem>> -> memref<32768xi32, #tpu.memory_space<vmem>>
        %dma_wait3A_182 = tpu.memref_slice %arg5[%multiple_of3A_177] : memref<589824xi32, #tpu.memory_space<hbm>> -> memref<32768xi32, #tpu.memory_space<hbm>>
        %dma_wait3A_183 = tpu.memref_slice %arg5[%multiple_of3A_177] : memref<589824xi32, #tpu.memory_space<hbm>> -> memref<32768xi32, #tpu.memory_space<hbm>>
        %dma_wait3A_184 = tpu.memref_slice %arg8[%multiple_of3A_175] : memref<32784xi32, #tpu.memory_space<vmem>> -> memref<32768xi32, #tpu.memory_space<vmem>>
        tpu.wait_dma2 semaphore(%run_scoped3A : memref<!tpu.dma_semaphore, #tpu.memory_space<semaphore_mem>>) src(%dma_wait3A_184 : memref<32768xi32, #tpu.memory_space<vmem>>) dst(%dma_wait3A_183 : memref<32768xi32, #tpu.memory_space<hbm>>)
        tpu.yield
      }) : () -> ()
    } else {
    }
    %jit3A = arith.constant 32768 : i32
    %jit3A_44 = arith.constant 0 : i32
    %select_n3A = arith.select %ne3A_41, %jit3A, %jit3A_44 : i32
    %add3A_45 = arith.constant 0 : i32
    %add3A_46 = arith.addi %add3A_45, %select_n3A : i32
    %and3A_47 = arith.constant 16384 : i32
    %and3A_48 = arith.andi %and3A_38, %and3A_47 : i32
    %ne3A_49 = arith.constant 0 : i32
    %ne3A_50 = arith.cmpi ne, %and3A_48, %ne3A_49 : i32
    %convert_element_type3A_51 = arith.extui %ne3A_50 : i1 to i32
    %cond3A_52 = arith.constant 0 : i32
    %cond3A_53 = arith.cmpi ne, %convert_element_type3A_51, %cond3A_52 : i32
    scf.if %cond3A_53 {
      %multiple_of3A_172 = tpu.assume_multiple %add3A_46, 16 : i32
      %add3A_173 = arith.addi %squeeze3A_12, %add3A_46 : i32
      %multiple_of3A_174 = tpu.assume_multiple %add3A_173, 16 : i32
      "tpu.region"() ({
        %run_scoped3A = tpu.sem_alloc : memref<!tpu.dma_semaphore, #tpu.memory_space<semaphore_mem>>
        %dma_start3A_178 = tpu.memref_slice %arg7[%multiple_of3A_172] : memref<32784xi32, #tpu.memory_space<vmem>> -> memref<16384xi32, #tpu.memory_space<vmem>>
        %dma_start3A_179 = tpu.memref_slice %arg4[%multiple_of3A_174] : memref<589824xi32, #tpu.memory_space<hbm>> -> memref<16384xi32, #tpu.memory_space<hbm>>
        %dma_start3A_180 = tpu.memref_slice %arg4[%multiple_of3A_174] : memref<589824xi32, #tpu.memory_space<hbm>> -> memref<16384xi32, #tpu.memory_space<hbm>>
        %dma_start3A_181 = tpu.memref_slice %arg7[%multiple_of3A_172] : memref<32784xi32, #tpu.memory_space<vmem>> -> memref<16384xi32, #tpu.memory_space<vmem>>
        tpu.enqueue_dma source(%dma_start3A_181 : memref<16384xi32, #tpu.memory_space<vmem>>) target(%dma_start3A_180 : memref<16384xi32, #tpu.memory_space<hbm>>) target_semaphore(%run_scoped3A : memref<!tpu.dma_semaphore, #tpu.memory_space<semaphore_mem>>)
        %dma_wait3A = tpu.memref_slice %arg7[%multiple_of3A_172] : memref<32784xi32, #tpu.memory_space<vmem>> -> memref<16384xi32, #tpu.memory_space<vmem>>
        %dma_wait3A_182 = tpu.memref_slice %arg4[%multiple_of3A_174] : memref<589824xi32, #tpu.memory_space<hbm>> -> memref<16384xi32, #tpu.memory_space<hbm>>
        %dma_wait3A_183 = tpu.memref_slice %arg4[%multiple_of3A_174] : memref<589824xi32, #tpu.memory_space<hbm>> -> memref<16384xi32, #tpu.memory_space<hbm>>
        %dma_wait3A_184 = tpu.memref_slice %arg7[%multiple_of3A_172] : memref<32784xi32, #tpu.memory_space<vmem>> -> memref<16384xi32, #tpu.memory_space<vmem>>
        tpu.wait_dma2 semaphore(%run_scoped3A : memref<!tpu.dma_semaphore, #tpu.memory_space<semaphore_mem>>) src(%dma_wait3A_184 : memref<16384xi32, #tpu.memory_space<vmem>>) dst(%dma_wait3A_183 : memref<16384xi32, #tpu.memory_space<hbm>>)
        tpu.yield
      }) : () -> ()
      %multiple_of3A_175 = tpu.assume_multiple %add3A_46, 16 : i32
      %add3A_176 = arith.addi %squeeze3A_12, %add3A_46 : i32
      %multiple_of3A_177 = tpu.assume_multiple %add3A_176, 16 : i32
      "tpu.region"() ({
        %run_scoped3A = tpu.sem_alloc : memref<!tpu.dma_semaphore, #tpu.memory_space<semaphore_mem>>
        %dma_start3A_178 = tpu.memref_slice %arg8[%multiple_of3A_175] : memref<32784xi32, #tpu.memory_space<vmem>> -> memref<16384xi32, #tpu.memory_space<vmem>>
        %dma_start3A_179 = tpu.memref_slice %arg5[%multiple_of3A_177] : memref<589824xi32, #tpu.memory_space<hbm>> -> memref<16384xi32, #tpu.memory_space<hbm>>
        %dma_start3A_180 = tpu.memref_slice %arg5[%multiple_of3A_177] : memref<589824xi32, #tpu.memory_space<hbm>> -> memref<16384xi32, #tpu.memory_space<hbm>>
        %dma_start3A_181 = tpu.memref_slice %arg8[%multiple_of3A_175] : memref<32784xi32, #tpu.memory_space<vmem>> -> memref<16384xi32, #tpu.memory_space<vmem>>
        tpu.enqueue_dma source(%dma_start3A_181 : memref<16384xi32, #tpu.memory_space<vmem>>) target(%dma_start3A_180 : memref<16384xi32, #tpu.memory_space<hbm>>) target_semaphore(%run_scoped3A : memref<!tpu.dma_semaphore, #tpu.memory_space<semaphore_mem>>)
        %dma_wait3A = tpu.memref_slice %arg8[%multiple_of3A_175] : memref<32784xi32, #tpu.memory_space<vmem>> -> memref<16384xi32, #tpu.memory_space<vmem>>
        %dma_wait3A_182 = tpu.memref_slice %arg5[%multiple_of3A_177] : memref<589824xi32, #tpu.memory_space<hbm>> -> memref<16384xi32, #tpu.memory_space<hbm>>
        %dma_wait3A_183 = tpu.memref_slice %arg5[%multiple_of3A_177] : memref<589824xi32, #tpu.memory_space<hbm>> -> memref<16384xi32, #tpu.memory_space<hbm>>
        %dma_wait3A_184 = tpu.memref_slice %arg8[%multiple_of3A_175] : memref<32784xi32, #tpu.memory_space<vmem>> -> memref<16384xi32, #tpu.memory_space<vmem>>
        tpu.wait_dma2 semaphore(%run_scoped3A : memref<!tpu.dma_semaphore, #tpu.memory_space<semaphore_mem>>) src(%dma_wait3A_184 : memref<16384xi32, #tpu.memory_space<vmem>>) dst(%dma_wait3A_183 : memref<16384xi32, #tpu.memory_space<hbm>>)
        tpu.yield
      }) : () -> ()
    } else {
    }
    %jit3A_54 = arith.constant 16384 : i32
    %jit3A_55 = arith.constant 0 : i32
    %select_n3A_56 = arith.select %ne3A_50, %jit3A_54, %jit3A_55 : i32
    %add3A_57 = arith.addi %add3A_46, %select_n3A_56 : i32
    %and3A_58 = arith.constant 8192 : i32
    %and3A_59 = arith.andi %and3A_38, %and3A_58 : i32
    %ne3A_60 = arith.constant 0 : i32
    %ne3A_61 = arith.cmpi ne, %and3A_59, %ne3A_60 : i32
    %convert_element_type3A_62 = arith.extui %ne3A_61 : i1 to i32
    %cond3A_63 = arith.constant 0 : i32
    %cond3A_64 = arith.cmpi ne, %convert_element_type3A_62, %cond3A_63 : i32
    scf.if %cond3A_64 {
      %multiple_of3A_172 = tpu.assume_multiple %add3A_57, 16 : i32
      %add3A_173 = arith.addi %squeeze3A_12, %add3A_57 : i32
      %multiple_of3A_174 = tpu.assume_multiple %add3A_173, 16 : i32
      "tpu.region"() ({
        %run_scoped3A = tpu.sem_alloc : memref<!tpu.dma_semaphore, #tpu.memory_space<semaphore_mem>>
        %dma_start3A_178 = tpu.memref_slice %arg7[%multiple_of3A_172] : memref<32784xi32, #tpu.memory_space<vmem>> -> memref<8192xi32, #tpu.memory_space<vmem>>
        %dma_start3A_179 = tpu.memref_slice %arg4[%multiple_of3A_174] : memref<589824xi32, #tpu.memory_space<hbm>> -> memref<8192xi32, #tpu.memory_space<hbm>>
        %dma_start3A_180 = tpu.memref_slice %arg4[%multiple_of3A_174] : memref<589824xi32, #tpu.memory_space<hbm>> -> memref<8192xi32, #tpu.memory_space<hbm>>
        %dma_start3A_181 = tpu.memref_slice %arg7[%multiple_of3A_172] : memref<32784xi32, #tpu.memory_space<vmem>> -> memref<8192xi32, #tpu.memory_space<vmem>>
        tpu.enqueue_dma source(%dma_start3A_181 : memref<8192xi32, #tpu.memory_space<vmem>>) target(%dma_start3A_180 : memref<8192xi32, #tpu.memory_space<hbm>>) target_semaphore(%run_scoped3A : memref<!tpu.dma_semaphore, #tpu.memory_space<semaphore_mem>>)
        %dma_wait3A = tpu.memref_slice %arg7[%multiple_of3A_172] : memref<32784xi32, #tpu.memory_space<vmem>> -> memref<8192xi32, #tpu.memory_space<vmem>>
        %dma_wait3A_182 = tpu.memref_slice %arg4[%multiple_of3A_174] : memref<589824xi32, #tpu.memory_space<hbm>> -> memref<8192xi32, #tpu.memory_space<hbm>>
        %dma_wait3A_183 = tpu.memref_slice %arg4[%multiple_of3A_174] : memref<589824xi32, #tpu.memory_space<hbm>> -> memref<8192xi32, #tpu.memory_space<hbm>>
        %dma_wait3A_184 = tpu.memref_slice %arg7[%multiple_of3A_172] : memref<32784xi32, #tpu.memory_space<vmem>> -> memref<8192xi32, #tpu.memory_space<vmem>>
        tpu.wait_dma2 semaphore(%run_scoped3A : memref<!tpu.dma_semaphore, #tpu.memory_space<semaphore_mem>>) src(%dma_wait3A_184 : memref<8192xi32, #tpu.memory_space<vmem>>) dst(%dma_wait3A_183 : memref<8192xi32, #tpu.memory_space<hbm>>)
        tpu.yield
      }) : () -> ()
      %multiple_of3A_175 = tpu.assume_multiple %add3A_57, 16 : i32
      %add3A_176 = arith.addi %squeeze3A_12, %add3A_57 : i32
      %multiple_of3A_177 = tpu.assume_multiple %add3A_176, 16 : i32
      "tpu.region"() ({
        %run_scoped3A = tpu.sem_alloc : memref<!tpu.dma_semaphore, #tpu.memory_space<semaphore_mem>>
        %dma_start3A_178 = tpu.memref_slice %arg8[%multiple_of3A_175] : memref<32784xi32, #tpu.memory_space<vmem>> -> memref<8192xi32, #tpu.memory_space<vmem>>
        %dma_start3A_179 = tpu.memref_slice %arg5[%multiple_of3A_177] : memref<589824xi32, #tpu.memory_space<hbm>> -> memref<8192xi32, #tpu.memory_space<hbm>>
        %dma_start3A_180 = tpu.memref_slice %arg5[%multiple_of3A_177] : memref<589824xi32, #tpu.memory_space<hbm>> -> memref<8192xi32, #tpu.memory_space<hbm>>
        %dma_start3A_181 = tpu.memref_slice %arg8[%multiple_of3A_175] : memref<32784xi32, #tpu.memory_space<vmem>> -> memref<8192xi32, #tpu.memory_space<vmem>>
        tpu.enqueue_dma source(%dma_start3A_181 : memref<8192xi32, #tpu.memory_space<vmem>>) target(%dma_start3A_180 : memref<8192xi32, #tpu.memory_space<hbm>>) target_semaphore(%run_scoped3A : memref<!tpu.dma_semaphore, #tpu.memory_space<semaphore_mem>>)
        %dma_wait3A = tpu.memref_slice %arg8[%multiple_of3A_175] : memref<32784xi32, #tpu.memory_space<vmem>> -> memref<8192xi32, #tpu.memory_space<vmem>>
        %dma_wait3A_182 = tpu.memref_slice %arg5[%multiple_of3A_177] : memref<589824xi32, #tpu.memory_space<hbm>> -> memref<8192xi32, #tpu.memory_space<hbm>>
        %dma_wait3A_183 = tpu.memref_slice %arg5[%multiple_of3A_177] : memref<589824xi32, #tpu.memory_space<hbm>> -> memref<8192xi32, #tpu.memory_space<hbm>>
        %dma_wait3A_184 = tpu.memref_slice %arg8[%multiple_of3A_175] : memref<32784xi32, #tpu.memory_space<vmem>> -> memref<8192xi32, #tpu.memory_space<vmem>>
        tpu.wait_dma2 semaphore(%run_scoped3A : memref<!tpu.dma_semaphore, #tpu.memory_space<semaphore_mem>>) src(%dma_wait3A_184 : memref<8192xi32, #tpu.memory_space<vmem>>) dst(%dma_wait3A_183 : memref<8192xi32, #tpu.memory_space<hbm>>)
        tpu.yield
      }) : () -> ()
    } else {
    }
    %jit3A_65 = arith.constant 8192 : i32
    %jit3A_66 = arith.constant 0 : i32
    %select_n3A_67 = arith.select %ne3A_61, %jit3A_65, %jit3A_66 : i32
    %add3A_68 = arith.addi %add3A_57, %select_n3A_67 : i32
    %and3A_69 = arith.constant 4096 : i32
    %and3A_70 = arith.andi %and3A_38, %and3A_69 : i32
    %ne3A_71 = arith.constant 0 : i32
    %ne3A_72 = arith.cmpi ne, %and3A_70, %ne3A_71 : i32
    %convert_element_type3A_73 = arith.extui %ne3A_72 : i1 to i32
    %cond3A_74 = arith.constant 0 : i32
    %cond3A_75 = arith.cmpi ne, %convert_element_type3A_73, %cond3A_74 : i32
    scf.if %cond3A_75 {
      %multiple_of3A_172 = tpu.assume_multiple %add3A_68, 16 : i32
      %add3A_173 = arith.addi %squeeze3A_12, %add3A_68 : i32
      %multiple_of3A_174 = tpu.assume_multiple %add3A_173, 16 : i32
      "tpu.region"() ({
        %run_scoped3A = tpu.sem_alloc : memref<!tpu.dma_semaphore, #tpu.memory_space<semaphore_mem>>
        %dma_start3A_178 = tpu.memref_slice %arg7[%multiple_of3A_172] : memref<32784xi32, #tpu.memory_space<vmem>> -> memref<4096xi32, #tpu.memory_space<vmem>>
        %dma_start3A_179 = tpu.memref_slice %arg4[%multiple_of3A_174] : memref<589824xi32, #tpu.memory_space<hbm>> -> memref<4096xi32, #tpu.memory_space<hbm>>
        %dma_start3A_180 = tpu.memref_slice %arg4[%multiple_of3A_174] : memref<589824xi32, #tpu.memory_space<hbm>> -> memref<4096xi32, #tpu.memory_space<hbm>>
        %dma_start3A_181 = tpu.memref_slice %arg7[%multiple_of3A_172] : memref<32784xi32, #tpu.memory_space<vmem>> -> memref<4096xi32, #tpu.memory_space<vmem>>
        tpu.enqueue_dma source(%dma_start3A_181 : memref<4096xi32, #tpu.memory_space<vmem>>) target(%dma_start3A_180 : memref<4096xi32, #tpu.memory_space<hbm>>) target_semaphore(%run_scoped3A : memref<!tpu.dma_semaphore, #tpu.memory_space<semaphore_mem>>)
        %dma_wait3A = tpu.memref_slice %arg7[%multiple_of3A_172] : memref<32784xi32, #tpu.memory_space<vmem>> -> memref<4096xi32, #tpu.memory_space<vmem>>
        %dma_wait3A_182 = tpu.memref_slice %arg4[%multiple_of3A_174] : memref<589824xi32, #tpu.memory_space<hbm>> -> memref<4096xi32, #tpu.memory_space<hbm>>
        %dma_wait3A_183 = tpu.memref_slice %arg4[%multiple_of3A_174] : memref<589824xi32, #tpu.memory_space<hbm>> -> memref<4096xi32, #tpu.memory_space<hbm>>
        %dma_wait3A_184 = tpu.memref_slice %arg7[%multiple_of3A_172] : memref<32784xi32, #tpu.memory_space<vmem>> -> memref<4096xi32, #tpu.memory_space<vmem>>
        tpu.wait_dma2 semaphore(%run_scoped3A : memref<!tpu.dma_semaphore, #tpu.memory_space<semaphore_mem>>) src(%dma_wait3A_184 : memref<4096xi32, #tpu.memory_space<vmem>>) dst(%dma_wait3A_183 : memref<4096xi32, #tpu.memory_space<hbm>>)
        tpu.yield
      }) : () -> ()
      %multiple_of3A_175 = tpu.assume_multiple %add3A_68, 16 : i32
      %add3A_176 = arith.addi %squeeze3A_12, %add3A_68 : i32
      %multiple_of3A_177 = tpu.assume_multiple %add3A_176, 16 : i32
      "tpu.region"() ({
        %run_scoped3A = tpu.sem_alloc : memref<!tpu.dma_semaphore, #tpu.memory_space<semaphore_mem>>
        %dma_start3A_178 = tpu.memref_slice %arg8[%multiple_of3A_175] : memref<32784xi32, #tpu.memory_space<vmem>> -> memref<4096xi32, #tpu.memory_space<vmem>>
        %dma_start3A_179 = tpu.memref_slice %arg5[%multiple_of3A_177] : memref<589824xi32, #tpu.memory_space<hbm>> -> memref<4096xi32, #tpu.memory_space<hbm>>
        %dma_start3A_180 = tpu.memref_slice %arg5[%multiple_of3A_177] : memref<589824xi32, #tpu.memory_space<hbm>> -> memref<4096xi32, #tpu.memory_space<hbm>>
        %dma_start3A_181 = tpu.memref_slice %arg8[%multiple_of3A_175] : memref<32784xi32, #tpu.memory_space<vmem>> -> memref<4096xi32, #tpu.memory_space<vmem>>
        tpu.enqueue_dma source(%dma_start3A_181 : memref<4096xi32, #tpu.memory_space<vmem>>) target(%dma_start3A_180 : memref<4096xi32, #tpu.memory_space<hbm>>) target_semaphore(%run_scoped3A : memref<!tpu.dma_semaphore, #tpu.memory_space<semaphore_mem>>)
        %dma_wait3A = tpu.memref_slice %arg8[%multiple_of3A_175] : memref<32784xi32, #tpu.memory_space<vmem>> -> memref<4096xi32, #tpu.memory_space<vmem>>
        %dma_wait3A_182 = tpu.memref_slice %arg5[%multiple_of3A_177] : memref<589824xi32, #tpu.memory_space<hbm>> -> memref<4096xi32, #tpu.memory_space<hbm>>
        %dma_wait3A_183 = tpu.memref_slice %arg5[%multiple_of3A_177] : memref<589824xi32, #tpu.memory_space<hbm>> -> memref<4096xi32, #tpu.memory_space<hbm>>
        %dma_wait3A_184 = tpu.memref_slice %arg8[%multiple_of3A_175] : memref<32784xi32, #tpu.memory_space<vmem>> -> memref<4096xi32, #tpu.memory_space<vmem>>
        tpu.wait_dma2 semaphore(%run_scoped3A : memref<!tpu.dma_semaphore, #tpu.memory_space<semaphore_mem>>) src(%dma_wait3A_184 : memref<4096xi32, #tpu.memory_space<vmem>>) dst(%dma_wait3A_183 : memref<4096xi32, #tpu.memory_space<hbm>>)
        tpu.yield
      }) : () -> ()
    } else {
    }
    %jit3A_76 = arith.constant 4096 : i32
    %jit3A_77 = arith.constant 0 : i32
    %select_n3A_78 = arith.select %ne3A_72, %jit3A_76, %jit3A_77 : i32
    %add3A_79 = arith.addi %add3A_68, %select_n3A_78 : i32
    %and3A_80 = arith.constant 2048 : i32
    %and3A_81 = arith.andi %and3A_38, %and3A_80 : i32
    %ne3A_82 = arith.constant 0 : i32
    %ne3A_83 = arith.cmpi ne, %and3A_81, %ne3A_82 : i32
    %convert_element_type3A_84 = arith.extui %ne3A_83 : i1 to i32
    %cond3A_85 = arith.constant 0 : i32
    %cond3A_86 = arith.cmpi ne, %convert_element_type3A_84, %cond3A_85 : i32
    scf.if %cond3A_86 {
      %multiple_of3A_172 = tpu.assume_multiple %add3A_79, 16 : i32
      %add3A_173 = arith.addi %squeeze3A_12, %add3A_79 : i32
      %multiple_of3A_174 = tpu.assume_multiple %add3A_173, 16 : i32
      "tpu.region"() ({
        %run_scoped3A = tpu.sem_alloc : memref<!tpu.dma_semaphore, #tpu.memory_space<semaphore_mem>>
        %dma_start3A_178 = tpu.memref_slice %arg7[%multiple_of3A_172] : memref<32784xi32, #tpu.memory_space<vmem>> -> memref<2048xi32, #tpu.memory_space<vmem>>
        %dma_start3A_179 = tpu.memref_slice %arg4[%multiple_of3A_174] : memref<589824xi32, #tpu.memory_space<hbm>> -> memref<2048xi32, #tpu.memory_space<hbm>>
        %dma_start3A_180 = tpu.memref_slice %arg4[%multiple_of3A_174] : memref<589824xi32, #tpu.memory_space<hbm>> -> memref<2048xi32, #tpu.memory_space<hbm>>
        %dma_start3A_181 = tpu.memref_slice %arg7[%multiple_of3A_172] : memref<32784xi32, #tpu.memory_space<vmem>> -> memref<2048xi32, #tpu.memory_space<vmem>>
        tpu.enqueue_dma source(%dma_start3A_181 : memref<2048xi32, #tpu.memory_space<vmem>>) target(%dma_start3A_180 : memref<2048xi32, #tpu.memory_space<hbm>>) target_semaphore(%run_scoped3A : memref<!tpu.dma_semaphore, #tpu.memory_space<semaphore_mem>>)
        %dma_wait3A = tpu.memref_slice %arg7[%multiple_of3A_172] : memref<32784xi32, #tpu.memory_space<vmem>> -> memref<2048xi32, #tpu.memory_space<vmem>>
        %dma_wait3A_182 = tpu.memref_slice %arg4[%multiple_of3A_174] : memref<589824xi32, #tpu.memory_space<hbm>> -> memref<2048xi32, #tpu.memory_space<hbm>>
        %dma_wait3A_183 = tpu.memref_slice %arg4[%multiple_of3A_174] : memref<589824xi32, #tpu.memory_space<hbm>> -> memref<2048xi32, #tpu.memory_space<hbm>>
        %dma_wait3A_184 = tpu.memref_slice %arg7[%multiple_of3A_172] : memref<32784xi32, #tpu.memory_space<vmem>> -> memref<2048xi32, #tpu.memory_space<vmem>>
        tpu.wait_dma2 semaphore(%run_scoped3A : memref<!tpu.dma_semaphore, #tpu.memory_space<semaphore_mem>>) src(%dma_wait3A_184 : memref<2048xi32, #tpu.memory_space<vmem>>) dst(%dma_wait3A_183 : memref<2048xi32, #tpu.memory_space<hbm>>)
        tpu.yield
      }) : () -> ()
      %multiple_of3A_175 = tpu.assume_multiple %add3A_79, 16 : i32
      %add3A_176 = arith.addi %squeeze3A_12, %add3A_79 : i32
      %multiple_of3A_177 = tpu.assume_multiple %add3A_176, 16 : i32
      "tpu.region"() ({
        %run_scoped3A = tpu.sem_alloc : memref<!tpu.dma_semaphore, #tpu.memory_space<semaphore_mem>>
        %dma_start3A_178 = tpu.memref_slice %arg8[%multiple_of3A_175] : memref<32784xi32, #tpu.memory_space<vmem>> -> memref<2048xi32, #tpu.memory_space<vmem>>
        %dma_start3A_179 = tpu.memref_slice %arg5[%multiple_of3A_177] : memref<589824xi32, #tpu.memory_space<hbm>> -> memref<2048xi32, #tpu.memory_space<hbm>>
        %dma_start3A_180 = tpu.memref_slice %arg5[%multiple_of3A_177] : memref<589824xi32, #tpu.memory_space<hbm>> -> memref<2048xi32, #tpu.memory_space<hbm>>
        %dma_start3A_181 = tpu.memref_slice %arg8[%multiple_of3A_175] : memref<32784xi32, #tpu.memory_space<vmem>> -> memref<2048xi32, #tpu.memory_space<vmem>>
        tpu.enqueue_dma source(%dma_start3A_181 : memref<2048xi32, #tpu.memory_space<vmem>>) target(%dma_start3A_180 : memref<2048xi32, #tpu.memory_space<hbm>>) target_semaphore(%run_scoped3A : memref<!tpu.dma_semaphore, #tpu.memory_space<semaphore_mem>>)
        %dma_wait3A = tpu.memref_slice %arg8[%multiple_of3A_175] : memref<32784xi32, #tpu.memory_space<vmem>> -> memref<2048xi32, #tpu.memory_space<vmem>>
        %dma_wait3A_182 = tpu.memref_slice %arg5[%multiple_of3A_177] : memref<589824xi32, #tpu.memory_space<hbm>> -> memref<2048xi32, #tpu.memory_space<hbm>>
        %dma_wait3A_183 = tpu.memref_slice %arg5[%multiple_of3A_177] : memref<589824xi32, #tpu.memory_space<hbm>> -> memref<2048xi32, #tpu.memory_space<hbm>>
        %dma_wait3A_184 = tpu.memref_slice %arg8[%multiple_of3A_175] : memref<32784xi32, #tpu.memory_space<vmem>> -> memref<2048xi32, #tpu.memory_space<vmem>>
        tpu.wait_dma2 semaphore(%run_scoped3A : memref<!tpu.dma_semaphore, #tpu.memory_space<semaphore_mem>>) src(%dma_wait3A_184 : memref<2048xi32, #tpu.memory_space<vmem>>) dst(%dma_wait3A_183 : memref<2048xi32, #tpu.memory_space<hbm>>)
        tpu.yield
      }) : () -> ()
    } else {
    }
    %jit3A_87 = arith.constant 2048 : i32
    %jit3A_88 = arith.constant 0 : i32
    %select_n3A_89 = arith.select %ne3A_83, %jit3A_87, %jit3A_88 : i32
    %add3A_90 = arith.addi %add3A_79, %select_n3A_89 : i32
    %and3A_91 = arith.constant 1024 : i32
    %and3A_92 = arith.andi %and3A_38, %and3A_91 : i32
    %ne3A_93 = arith.constant 0 : i32
    %ne3A_94 = arith.cmpi ne, %and3A_92, %ne3A_93 : i32
    %convert_element_type3A_95 = arith.extui %ne3A_94 : i1 to i32
    %cond3A_96 = arith.constant 0 : i32
    %cond3A_97 = arith.cmpi ne, %convert_element_type3A_95, %cond3A_96 : i32
    scf.if %cond3A_97 {
      %multiple_of3A_172 = tpu.assume_multiple %add3A_90, 16 : i32
      %add3A_173 = arith.addi %squeeze3A_12, %add3A_90 : i32
      %multiple_of3A_174 = tpu.assume_multiple %add3A_173, 16 : i32
      "tpu.region"() ({
        %run_scoped3A = tpu.sem_alloc : memref<!tpu.dma_semaphore, #tpu.memory_space<semaphore_mem>>
        %dma_start3A_178 = tpu.memref_slice %arg7[%multiple_of3A_172] : memref<32784xi32, #tpu.memory_space<vmem>> -> memref<1024xi32, #tpu.memory_space<vmem>>
        %dma_start3A_179 = tpu.memref_slice %arg4[%multiple_of3A_174] : memref<589824xi32, #tpu.memory_space<hbm>> -> memref<1024xi32, #tpu.memory_space<hbm>>
        %dma_start3A_180 = tpu.memref_slice %arg4[%multiple_of3A_174] : memref<589824xi32, #tpu.memory_space<hbm>> -> memref<1024xi32, #tpu.memory_space<hbm>>
        %dma_start3A_181 = tpu.memref_slice %arg7[%multiple_of3A_172] : memref<32784xi32, #tpu.memory_space<vmem>> -> memref<1024xi32, #tpu.memory_space<vmem>>
        tpu.enqueue_dma source(%dma_start3A_181 : memref<1024xi32, #tpu.memory_space<vmem>>) target(%dma_start3A_180 : memref<1024xi32, #tpu.memory_space<hbm>>) target_semaphore(%run_scoped3A : memref<!tpu.dma_semaphore, #tpu.memory_space<semaphore_mem>>)
        %dma_wait3A = tpu.memref_slice %arg7[%multiple_of3A_172] : memref<32784xi32, #tpu.memory_space<vmem>> -> memref<1024xi32, #tpu.memory_space<vmem>>
        %dma_wait3A_182 = tpu.memref_slice %arg4[%multiple_of3A_174] : memref<589824xi32, #tpu.memory_space<hbm>> -> memref<1024xi32, #tpu.memory_space<hbm>>
        %dma_wait3A_183 = tpu.memref_slice %arg4[%multiple_of3A_174] : memref<589824xi32, #tpu.memory_space<hbm>> -> memref<1024xi32, #tpu.memory_space<hbm>>
        %dma_wait3A_184 = tpu.memref_slice %arg7[%multiple_of3A_172] : memref<32784xi32, #tpu.memory_space<vmem>> -> memref<1024xi32, #tpu.memory_space<vmem>>
        tpu.wait_dma2 semaphore(%run_scoped3A : memref<!tpu.dma_semaphore, #tpu.memory_space<semaphore_mem>>) src(%dma_wait3A_184 : memref<1024xi32, #tpu.memory_space<vmem>>) dst(%dma_wait3A_183 : memref<1024xi32, #tpu.memory_space<hbm>>)
        tpu.yield
      }) : () -> ()
      %multiple_of3A_175 = tpu.assume_multiple %add3A_90, 16 : i32
      %add3A_176 = arith.addi %squeeze3A_12, %add3A_90 : i32
      %multiple_of3A_177 = tpu.assume_multiple %add3A_176, 16 : i32
      "tpu.region"() ({
        %run_scoped3A = tpu.sem_alloc : memref<!tpu.dma_semaphore, #tpu.memory_space<semaphore_mem>>
        %dma_start3A_178 = tpu.memref_slice %arg8[%multiple_of3A_175] : memref<32784xi32, #tpu.memory_space<vmem>> -> memref<1024xi32, #tpu.memory_space<vmem>>
        %dma_start3A_179 = tpu.memref_slice %arg5[%multiple_of3A_177] : memref<589824xi32, #tpu.memory_space<hbm>> -> memref<1024xi32, #tpu.memory_space<hbm>>
        %dma_start3A_180 = tpu.memref_slice %arg5[%multiple_of3A_177] : memref<589824xi32, #tpu.memory_space<hbm>> -> memref<1024xi32, #tpu.memory_space<hbm>>
        %dma_start3A_181 = tpu.memref_slice %arg8[%multiple_of3A_175] : memref<32784xi32, #tpu.memory_space<vmem>> -> memref<1024xi32, #tpu.memory_space<vmem>>
        tpu.enqueue_dma source(%dma_start3A_181 : memref<1024xi32, #tpu.memory_space<vmem>>) target(%dma_start3A_180 : memref<1024xi32, #tpu.memory_space<hbm>>) target_semaphore(%run_scoped3A : memref<!tpu.dma_semaphore, #tpu.memory_space<semaphore_mem>>)
        %dma_wait3A = tpu.memref_slice %arg8[%multiple_of3A_175] : memref<32784xi32, #tpu.memory_space<vmem>> -> memref<1024xi32, #tpu.memory_space<vmem>>
        %dma_wait3A_182 = tpu.memref_slice %arg5[%multiple_of3A_177] : memref<589824xi32, #tpu.memory_space<hbm>> -> memref<1024xi32, #tpu.memory_space<hbm>>
        %dma_wait3A_183 = tpu.memref_slice %arg5[%multiple_of3A_177] : memref<589824xi32, #tpu.memory_space<hbm>> -> memref<1024xi32, #tpu.memory_space<hbm>>
        %dma_wait3A_184 = tpu.memref_slice %arg8[%multiple_of3A_175] : memref<32784xi32, #tpu.memory_space<vmem>> -> memref<1024xi32, #tpu.memory_space<vmem>>
        tpu.wait_dma2 semaphore(%run_scoped3A : memref<!tpu.dma_semaphore, #tpu.memory_space<semaphore_mem>>) src(%dma_wait3A_184 : memref<1024xi32, #tpu.memory_space<vmem>>) dst(%dma_wait3A_183 : memref<1024xi32, #tpu.memory_space<hbm>>)
        tpu.yield
      }) : () -> ()
    } else {
    }
    %jit3A_98 = arith.constant 1024 : i32
    %jit3A_99 = arith.constant 0 : i32
    %select_n3A_100 = arith.select %ne3A_94, %jit3A_98, %jit3A_99 : i32
    %add3A_101 = arith.addi %add3A_90, %select_n3A_100 : i32
    %and3A_102 = arith.constant 512 : i32
    %and3A_103 = arith.andi %and3A_38, %and3A_102 : i32
    %ne3A_104 = arith.constant 0 : i32
    %ne3A_105 = arith.cmpi ne, %and3A_103, %ne3A_104 : i32
    %convert_element_type3A_106 = arith.extui %ne3A_105 : i1 to i32
    %cond3A_107 = arith.constant 0 : i32
    %cond3A_108 = arith.cmpi ne, %convert_element_type3A_106, %cond3A_107 : i32
    scf.if %cond3A_108 {
      %multiple_of3A_172 = tpu.assume_multiple %add3A_101, 16 : i32
      %add3A_173 = arith.addi %squeeze3A_12, %add3A_101 : i32
      %multiple_of3A_174 = tpu.assume_multiple %add3A_173, 16 : i32
      "tpu.region"() ({
        %run_scoped3A = tpu.sem_alloc : memref<!tpu.dma_semaphore, #tpu.memory_space<semaphore_mem>>
        %dma_start3A_178 = tpu.memref_slice %arg7[%multiple_of3A_172] : memref<32784xi32, #tpu.memory_space<vmem>> -> memref<512xi32, #tpu.memory_space<vmem>>
        %dma_start3A_179 = tpu.memref_slice %arg4[%multiple_of3A_174] : memref<589824xi32, #tpu.memory_space<hbm>> -> memref<512xi32, #tpu.memory_space<hbm>>
        %dma_start3A_180 = tpu.memref_slice %arg4[%multiple_of3A_174] : memref<589824xi32, #tpu.memory_space<hbm>> -> memref<512xi32, #tpu.memory_space<hbm>>
        %dma_start3A_181 = tpu.memref_slice %arg7[%multiple_of3A_172] : memref<32784xi32, #tpu.memory_space<vmem>> -> memref<512xi32, #tpu.memory_space<vmem>>
        tpu.enqueue_dma source(%dma_start3A_181 : memref<512xi32, #tpu.memory_space<vmem>>) target(%dma_start3A_180 : memref<512xi32, #tpu.memory_space<hbm>>) target_semaphore(%run_scoped3A : memref<!tpu.dma_semaphore, #tpu.memory_space<semaphore_mem>>)
        %dma_wait3A = tpu.memref_slice %arg7[%multiple_of3A_172] : memref<32784xi32, #tpu.memory_space<vmem>> -> memref<512xi32, #tpu.memory_space<vmem>>
        %dma_wait3A_182 = tpu.memref_slice %arg4[%multiple_of3A_174] : memref<589824xi32, #tpu.memory_space<hbm>> -> memref<512xi32, #tpu.memory_space<hbm>>
        %dma_wait3A_183 = tpu.memref_slice %arg4[%multiple_of3A_174] : memref<589824xi32, #tpu.memory_space<hbm>> -> memref<512xi32, #tpu.memory_space<hbm>>
        %dma_wait3A_184 = tpu.memref_slice %arg7[%multiple_of3A_172] : memref<32784xi32, #tpu.memory_space<vmem>> -> memref<512xi32, #tpu.memory_space<vmem>>
        tpu.wait_dma2 semaphore(%run_scoped3A : memref<!tpu.dma_semaphore, #tpu.memory_space<semaphore_mem>>) src(%dma_wait3A_184 : memref<512xi32, #tpu.memory_space<vmem>>) dst(%dma_wait3A_183 : memref<512xi32, #tpu.memory_space<hbm>>)
        tpu.yield
      }) : () -> ()
      %multiple_of3A_175 = tpu.assume_multiple %add3A_101, 16 : i32
      %add3A_176 = arith.addi %squeeze3A_12, %add3A_101 : i32
      %multiple_of3A_177 = tpu.assume_multiple %add3A_176, 16 : i32
      "tpu.region"() ({
        %run_scoped3A = tpu.sem_alloc : memref<!tpu.dma_semaphore, #tpu.memory_space<semaphore_mem>>
        %dma_start3A_178 = tpu.memref_slice %arg8[%multiple_of3A_175] : memref<32784xi32, #tpu.memory_space<vmem>> -> memref<512xi32, #tpu.memory_space<vmem>>
        %dma_start3A_179 = tpu.memref_slice %arg5[%multiple_of3A_177] : memref<589824xi32, #tpu.memory_space<hbm>> -> memref<512xi32, #tpu.memory_space<hbm>>
        %dma_start3A_180 = tpu.memref_slice %arg5[%multiple_of3A_177] : memref<589824xi32, #tpu.memory_space<hbm>> -> memref<512xi32, #tpu.memory_space<hbm>>
        %dma_start3A_181 = tpu.memref_slice %arg8[%multiple_of3A_175] : memref<32784xi32, #tpu.memory_space<vmem>> -> memref<512xi32, #tpu.memory_space<vmem>>
        tpu.enqueue_dma source(%dma_start3A_181 : memref<512xi32, #tpu.memory_space<vmem>>) target(%dma_start3A_180 : memref<512xi32, #tpu.memory_space<hbm>>) target_semaphore(%run_scoped3A : memref<!tpu.dma_semaphore, #tpu.memory_space<semaphore_mem>>)
        %dma_wait3A = tpu.memref_slice %arg8[%multiple_of3A_175] : memref<32784xi32, #tpu.memory_space<vmem>> -> memref<512xi32, #tpu.memory_space<vmem>>
        %dma_wait3A_182 = tpu.memref_slice %arg5[%multiple_of3A_177] : memref<589824xi32, #tpu.memory_space<hbm>> -> memref<512xi32, #tpu.memory_space<hbm>>
        %dma_wait3A_183 = tpu.memref_slice %arg5[%multiple_of3A_177] : memref<589824xi32, #tpu.memory_space<hbm>> -> memref<512xi32, #tpu.memory_space<hbm>>
        %dma_wait3A_184 = tpu.memref_slice %arg8[%multiple_of3A_175] : memref<32784xi32, #tpu.memory_space<vmem>> -> memref<512xi32, #tpu.memory_space<vmem>>
        tpu.wait_dma2 semaphore(%run_scoped3A : memref<!tpu.dma_semaphore, #tpu.memory_space<semaphore_mem>>) src(%dma_wait3A_184 : memref<512xi32, #tpu.memory_space<vmem>>) dst(%dma_wait3A_183 : memref<512xi32, #tpu.memory_space<hbm>>)
        tpu.yield
      }) : () -> ()
    } else {
    }
    %jit3A_109 = arith.constant 512 : i32
    %jit3A_110 = arith.constant 0 : i32
    %select_n3A_111 = arith.select %ne3A_105, %jit3A_109, %jit3A_110 : i32
    %add3A_112 = arith.addi %add3A_101, %select_n3A_111 : i32
    %and3A_113 = arith.constant 256 : i32
    %and3A_114 = arith.andi %and3A_38, %and3A_113 : i32
    %ne3A_115 = arith.constant 0 : i32
    %ne3A_116 = arith.cmpi ne, %and3A_114, %ne3A_115 : i32
    %convert_element_type3A_117 = arith.extui %ne3A_116 : i1 to i32
    %cond3A_118 = arith.constant 0 : i32
    %cond3A_119 = arith.cmpi ne, %convert_element_type3A_117, %cond3A_118 : i32
    scf.if %cond3A_119 {
      %multiple_of3A_172 = tpu.assume_multiple %add3A_112, 16 : i32
      %add3A_173 = arith.addi %squeeze3A_12, %add3A_112 : i32
      %multiple_of3A_174 = tpu.assume_multiple %add3A_173, 16 : i32
      "tpu.region"() ({
        %run_scoped3A = tpu.sem_alloc : memref<!tpu.dma_semaphore, #tpu.memory_space<semaphore_mem>>
        %dma_start3A_178 = tpu.memref_slice %arg7[%multiple_of3A_172] : memref<32784xi32, #tpu.memory_space<vmem>> -> memref<256xi32, #tpu.memory_space<vmem>>
        %dma_start3A_179 = tpu.memref_slice %arg4[%multiple_of3A_174] : memref<589824xi32, #tpu.memory_space<hbm>> -> memref<256xi32, #tpu.memory_space<hbm>>
        %dma_start3A_180 = tpu.memref_slice %arg4[%multiple_of3A_174] : memref<589824xi32, #tpu.memory_space<hbm>> -> memref<256xi32, #tpu.memory_space<hbm>>
        %dma_start3A_181 = tpu.memref_slice %arg7[%multiple_of3A_172] : memref<32784xi32, #tpu.memory_space<vmem>> -> memref<256xi32, #tpu.memory_space<vmem>>
        tpu.enqueue_dma source(%dma_start3A_181 : memref<256xi32, #tpu.memory_space<vmem>>) target(%dma_start3A_180 : memref<256xi32, #tpu.memory_space<hbm>>) target_semaphore(%run_scoped3A : memref<!tpu.dma_semaphore, #tpu.memory_space<semaphore_mem>>)
        %dma_wait3A = tpu.memref_slice %arg7[%multiple_of3A_172] : memref<32784xi32, #tpu.memory_space<vmem>> -> memref<256xi32, #tpu.memory_space<vmem>>
        %dma_wait3A_182 = tpu.memref_slice %arg4[%multiple_of3A_174] : memref<589824xi32, #tpu.memory_space<hbm>> -> memref<256xi32, #tpu.memory_space<hbm>>
        %dma_wait3A_183 = tpu.memref_slice %arg4[%multiple_of3A_174] : memref<589824xi32, #tpu.memory_space<hbm>> -> memref<256xi32, #tpu.memory_space<hbm>>
        %dma_wait3A_184 = tpu.memref_slice %arg7[%multiple_of3A_172] : memref<32784xi32, #tpu.memory_space<vmem>> -> memref<256xi32, #tpu.memory_space<vmem>>
        tpu.wait_dma2 semaphore(%run_scoped3A : memref<!tpu.dma_semaphore, #tpu.memory_space<semaphore_mem>>) src(%dma_wait3A_184 : memref<256xi32, #tpu.memory_space<vmem>>) dst(%dma_wait3A_183 : memref<256xi32, #tpu.memory_space<hbm>>)
        tpu.yield
      }) : () -> ()
      %multiple_of3A_175 = tpu.assume_multiple %add3A_112, 16 : i32
      %add3A_176 = arith.addi %squeeze3A_12, %add3A_112 : i32
      %multiple_of3A_177 = tpu.assume_multiple %add3A_176, 16 : i32
      "tpu.region"() ({
        %run_scoped3A = tpu.sem_alloc : memref<!tpu.dma_semaphore, #tpu.memory_space<semaphore_mem>>
        %dma_start3A_178 = tpu.memref_slice %arg8[%multiple_of3A_175] : memref<32784xi32, #tpu.memory_space<vmem>> -> memref<256xi32, #tpu.memory_space<vmem>>
        %dma_start3A_179 = tpu.memref_slice %arg5[%multiple_of3A_177] : memref<589824xi32, #tpu.memory_space<hbm>> -> memref<256xi32, #tpu.memory_space<hbm>>
        %dma_start3A_180 = tpu.memref_slice %arg5[%multiple_of3A_177] : memref<589824xi32, #tpu.memory_space<hbm>> -> memref<256xi32, #tpu.memory_space<hbm>>
        %dma_start3A_181 = tpu.memref_slice %arg8[%multiple_of3A_175] : memref<32784xi32, #tpu.memory_space<vmem>> -> memref<256xi32, #tpu.memory_space<vmem>>
        tpu.enqueue_dma source(%dma_start3A_181 : memref<256xi32, #tpu.memory_space<vmem>>) target(%dma_start3A_180 : memref<256xi32, #tpu.memory_space<hbm>>) target_semaphore(%run_scoped3A : memref<!tpu.dma_semaphore, #tpu.memory_space<semaphore_mem>>)
        %dma_wait3A = tpu.memref_slice %arg8[%multiple_of3A_175] : memref<32784xi32, #tpu.memory_space<vmem>> -> memref<256xi32, #tpu.memory_space<vmem>>
        %dma_wait3A_182 = tpu.memref_slice %arg5[%multiple_of3A_177] : memref<589824xi32, #tpu.memory_space<hbm>> -> memref<256xi32, #tpu.memory_space<hbm>>
        %dma_wait3A_183 = tpu.memref_slice %arg5[%multiple_of3A_177] : memref<589824xi32, #tpu.memory_space<hbm>> -> memref<256xi32, #tpu.memory_space<hbm>>
        %dma_wait3A_184 = tpu.memref_slice %arg8[%multiple_of3A_175] : memref<32784xi32, #tpu.memory_space<vmem>> -> memref<256xi32, #tpu.memory_space<vmem>>
        tpu.wait_dma2 semaphore(%run_scoped3A : memref<!tpu.dma_semaphore, #tpu.memory_space<semaphore_mem>>) src(%dma_wait3A_184 : memref<256xi32, #tpu.memory_space<vmem>>) dst(%dma_wait3A_183 : memref<256xi32, #tpu.memory_space<hbm>>)
        tpu.yield
      }) : () -> ()
    } else {
    }
    %jit3A_120 = arith.constant 256 : i32
    %jit3A_121 = arith.constant 0 : i32
    %select_n3A_122 = arith.select %ne3A_116, %jit3A_120, %jit3A_121 : i32
    %add3A_123 = arith.addi %add3A_112, %select_n3A_122 : i32
    %and3A_124 = arith.constant 128 : i32
    %and3A_125 = arith.andi %and3A_38, %and3A_124 : i32
    %ne3A_126 = arith.constant 0 : i32
    %ne3A_127 = arith.cmpi ne, %and3A_125, %ne3A_126 : i32
    %convert_element_type3A_128 = arith.extui %ne3A_127 : i1 to i32
    %cond3A_129 = arith.constant 0 : i32
    %cond3A_130 = arith.cmpi ne, %convert_element_type3A_128, %cond3A_129 : i32
    scf.if %cond3A_130 {
      %multiple_of3A_172 = tpu.assume_multiple %add3A_123, 16 : i32
      %add3A_173 = arith.addi %squeeze3A_12, %add3A_123 : i32
      %multiple_of3A_174 = tpu.assume_multiple %add3A_173, 16 : i32
      "tpu.region"() ({
        %run_scoped3A = tpu.sem_alloc : memref<!tpu.dma_semaphore, #tpu.memory_space<semaphore_mem>>
        %dma_start3A_178 = tpu.memref_slice %arg7[%multiple_of3A_172] : memref<32784xi32, #tpu.memory_space<vmem>> -> memref<128xi32, #tpu.memory_space<vmem>>
        %dma_start3A_179 = tpu.memref_slice %arg4[%multiple_of3A_174] : memref<589824xi32, #tpu.memory_space<hbm>> -> memref<128xi32, #tpu.memory_space<hbm>>
        %dma_start3A_180 = tpu.memref_slice %arg4[%multiple_of3A_174] : memref<589824xi32, #tpu.memory_space<hbm>> -> memref<128xi32, #tpu.memory_space<hbm>>
        %dma_start3A_181 = tpu.memref_slice %arg7[%multiple_of3A_172] : memref<32784xi32, #tpu.memory_space<vmem>> -> memref<128xi32, #tpu.memory_space<vmem>>
        tpu.enqueue_dma source(%dma_start3A_181 : memref<128xi32, #tpu.memory_space<vmem>>) target(%dma_start3A_180 : memref<128xi32, #tpu.memory_space<hbm>>) target_semaphore(%run_scoped3A : memref<!tpu.dma_semaphore, #tpu.memory_space<semaphore_mem>>)
        %dma_wait3A = tpu.memref_slice %arg7[%multiple_of3A_172] : memref<32784xi32, #tpu.memory_space<vmem>> -> memref<128xi32, #tpu.memory_space<vmem>>
        %dma_wait3A_182 = tpu.memref_slice %arg4[%multiple_of3A_174] : memref<589824xi32, #tpu.memory_space<hbm>> -> memref<128xi32, #tpu.memory_space<hbm>>
        %dma_wait3A_183 = tpu.memref_slice %arg4[%multiple_of3A_174] : memref<589824xi32, #tpu.memory_space<hbm>> -> memref<128xi32, #tpu.memory_space<hbm>>
        %dma_wait3A_184 = tpu.memref_slice %arg7[%multiple_of3A_172] : memref<32784xi32, #tpu.memory_space<vmem>> -> memref<128xi32, #tpu.memory_space<vmem>>
        tpu.wait_dma2 semaphore(%run_scoped3A : memref<!tpu.dma_semaphore, #tpu.memory_space<semaphore_mem>>) src(%dma_wait3A_184 : memref<128xi32, #tpu.memory_space<vmem>>) dst(%dma_wait3A_183 : memref<128xi32, #tpu.memory_space<hbm>>)
        tpu.yield
      }) : () -> ()
      %multiple_of3A_175 = tpu.assume_multiple %add3A_123, 16 : i32
      %add3A_176 = arith.addi %squeeze3A_12, %add3A_123 : i32
      %multiple_of3A_177 = tpu.assume_multiple %add3A_176, 16 : i32
      "tpu.region"() ({
        %run_scoped3A = tpu.sem_alloc : memref<!tpu.dma_semaphore, #tpu.memory_space<semaphore_mem>>
        %dma_start3A_178 = tpu.memref_slice %arg8[%multiple_of3A_175] : memref<32784xi32, #tpu.memory_space<vmem>> -> memref<128xi32, #tpu.memory_space<vmem>>
        %dma_start3A_179 = tpu.memref_slice %arg5[%multiple_of3A_177] : memref<589824xi32, #tpu.memory_space<hbm>> -> memref<128xi32, #tpu.memory_space<hbm>>
        %dma_start3A_180 = tpu.memref_slice %arg5[%multiple_of3A_177] : memref<589824xi32, #tpu.memory_space<hbm>> -> memref<128xi32, #tpu.memory_space<hbm>>
        %dma_start3A_181 = tpu.memref_slice %arg8[%multiple_of3A_175] : memref<32784xi32, #tpu.memory_space<vmem>> -> memref<128xi32, #tpu.memory_space<vmem>>
        tpu.enqueue_dma source(%dma_start3A_181 : memref<128xi32, #tpu.memory_space<vmem>>) target(%dma_start3A_180 : memref<128xi32, #tpu.memory_space<hbm>>) target_semaphore(%run_scoped3A : memref<!tpu.dma_semaphore, #tpu.memory_space<semaphore_mem>>)
        %dma_wait3A = tpu.memref_slice %arg8[%multiple_of3A_175] : memref<32784xi32, #tpu.memory_space<vmem>> -> memref<128xi32, #tpu.memory_space<vmem>>
        %dma_wait3A_182 = tpu.memref_slice %arg5[%multiple_of3A_177] : memref<589824xi32, #tpu.memory_space<hbm>> -> memref<128xi32, #tpu.memory_space<hbm>>
        %dma_wait3A_183 = tpu.memref_slice %arg5[%multiple_of3A_177] : memref<589824xi32, #tpu.memory_space<hbm>> -> memref<128xi32, #tpu.memory_space<hbm>>
        %dma_wait3A_184 = tpu.memref_slice %arg8[%multiple_of3A_175] : memref<32784xi32, #tpu.memory_space<vmem>> -> memref<128xi32, #tpu.memory_space<vmem>>
        tpu.wait_dma2 semaphore(%run_scoped3A : memref<!tpu.dma_semaphore, #tpu.memory_space<semaphore_mem>>) src(%dma_wait3A_184 : memref<128xi32, #tpu.memory_space<vmem>>) dst(%dma_wait3A_183 : memref<128xi32, #tpu.memory_space<hbm>>)
        tpu.yield
      }) : () -> ()
    } else {
    }
    %jit3A_131 = arith.constant 128 : i32
    %jit3A_132 = arith.constant 0 : i32
    %select_n3A_133 = arith.select %ne3A_127, %jit3A_131, %jit3A_132 : i32
    %add3A_134 = arith.addi %add3A_123, %select_n3A_133 : i32
    %and3A_135 = arith.constant 64 : i32
    %and3A_136 = arith.andi %and3A_38, %and3A_135 : i32
    %ne3A_137 = arith.constant 0 : i32
    %ne3A_138 = arith.cmpi ne, %and3A_136, %ne3A_137 : i32
    %convert_element_type3A_139 = arith.extui %ne3A_138 : i1 to i32
    %cond3A_140 = arith.constant 0 : i32
    %cond3A_141 = arith.cmpi ne, %convert_element_type3A_139, %cond3A_140 : i32
    scf.if %cond3A_141 {
      %multiple_of3A_172 = tpu.assume_multiple %add3A_134, 16 : i32
      %add3A_173 = arith.addi %squeeze3A_12, %add3A_134 : i32
      %multiple_of3A_174 = tpu.assume_multiple %add3A_173, 16 : i32
      "tpu.region"() ({
        %run_scoped3A = tpu.sem_alloc : memref<!tpu.dma_semaphore, #tpu.memory_space<semaphore_mem>>
        %dma_start3A_178 = tpu.memref_slice %arg7[%multiple_of3A_172] : memref<32784xi32, #tpu.memory_space<vmem>> -> memref<64xi32, #tpu.memory_space<vmem>>
        %dma_start3A_179 = tpu.memref_slice %arg4[%multiple_of3A_174] : memref<589824xi32, #tpu.memory_space<hbm>> -> memref<64xi32, #tpu.memory_space<hbm>>
        %dma_start3A_180 = tpu.memref_slice %arg4[%multiple_of3A_174] : memref<589824xi32, #tpu.memory_space<hbm>> -> memref<64xi32, #tpu.memory_space<hbm>>
        %dma_start3A_181 = tpu.memref_slice %arg7[%multiple_of3A_172] : memref<32784xi32, #tpu.memory_space<vmem>> -> memref<64xi32, #tpu.memory_space<vmem>>
        tpu.enqueue_dma source(%dma_start3A_181 : memref<64xi32, #tpu.memory_space<vmem>>) target(%dma_start3A_180 : memref<64xi32, #tpu.memory_space<hbm>>) target_semaphore(%run_scoped3A : memref<!tpu.dma_semaphore, #tpu.memory_space<semaphore_mem>>)
        %dma_wait3A = tpu.memref_slice %arg7[%multiple_of3A_172] : memref<32784xi32, #tpu.memory_space<vmem>> -> memref<64xi32, #tpu.memory_space<vmem>>
        %dma_wait3A_182 = tpu.memref_slice %arg4[%multiple_of3A_174] : memref<589824xi32, #tpu.memory_space<hbm>> -> memref<64xi32, #tpu.memory_space<hbm>>
        %dma_wait3A_183 = tpu.memref_slice %arg4[%multiple_of3A_174] : memref<589824xi32, #tpu.memory_space<hbm>> -> memref<64xi32, #tpu.memory_space<hbm>>
        %dma_wait3A_184 = tpu.memref_slice %arg7[%multiple_of3A_172] : memref<32784xi32, #tpu.memory_space<vmem>> -> memref<64xi32, #tpu.memory_space<vmem>>
        tpu.wait_dma2 semaphore(%run_scoped3A : memref<!tpu.dma_semaphore, #tpu.memory_space<semaphore_mem>>) src(%dma_wait3A_184 : memref<64xi32, #tpu.memory_space<vmem>>) dst(%dma_wait3A_183 : memref<64xi32, #tpu.memory_space<hbm>>)
        tpu.yield
      }) : () -> ()
      %multiple_of3A_175 = tpu.assume_multiple %add3A_134, 16 : i32
      %add3A_176 = arith.addi %squeeze3A_12, %add3A_134 : i32
      %multiple_of3A_177 = tpu.assume_multiple %add3A_176, 16 : i32
      "tpu.region"() ({
        %run_scoped3A = tpu.sem_alloc : memref<!tpu.dma_semaphore, #tpu.memory_space<semaphore_mem>>
        %dma_start3A_178 = tpu.memref_slice %arg8[%multiple_of3A_175] : memref<32784xi32, #tpu.memory_space<vmem>> -> memref<64xi32, #tpu.memory_space<vmem>>
        %dma_start3A_179 = tpu.memref_slice %arg5[%multiple_of3A_177] : memref<589824xi32, #tpu.memory_space<hbm>> -> memref<64xi32, #tpu.memory_space<hbm>>
        %dma_start3A_180 = tpu.memref_slice %arg5[%multiple_of3A_177] : memref<589824xi32, #tpu.memory_space<hbm>> -> memref<64xi32, #tpu.memory_space<hbm>>
        %dma_start3A_181 = tpu.memref_slice %arg8[%multiple_of3A_175] : memref<32784xi32, #tpu.memory_space<vmem>> -> memref<64xi32, #tpu.memory_space<vmem>>
        tpu.enqueue_dma source(%dma_start3A_181 : memref<64xi32, #tpu.memory_space<vmem>>) target(%dma_start3A_180 : memref<64xi32, #tpu.memory_space<hbm>>) target_semaphore(%run_scoped3A : memref<!tpu.dma_semaphore, #tpu.memory_space<semaphore_mem>>)
        %dma_wait3A = tpu.memref_slice %arg8[%multiple_of3A_175] : memref<32784xi32, #tpu.memory_space<vmem>> -> memref<64xi32, #tpu.memory_space<vmem>>
        %dma_wait3A_182 = tpu.memref_slice %arg5[%multiple_of3A_177] : memref<589824xi32, #tpu.memory_space<hbm>> -> memref<64xi32, #tpu.memory_space<hbm>>
        %dma_wait3A_183 = tpu.memref_slice %arg5[%multiple_of3A_177] : memref<589824xi32, #tpu.memory_space<hbm>> -> memref<64xi32, #tpu.memory_space<hbm>>
        %dma_wait3A_184 = tpu.memref_slice %arg8[%multiple_of3A_175] : memref<32784xi32, #tpu.memory_space<vmem>> -> memref<64xi32, #tpu.memory_space<vmem>>
        tpu.wait_dma2 semaphore(%run_scoped3A : memref<!tpu.dma_semaphore, #tpu.memory_space<semaphore_mem>>) src(%dma_wait3A_184 : memref<64xi32, #tpu.memory_space<vmem>>) dst(%dma_wait3A_183 : memref<64xi32, #tpu.memory_space<hbm>>)
        tpu.yield
      }) : () -> ()
    } else {
    }
    %jit3A_142 = arith.constant 64 : i32
    %jit3A_143 = arith.constant 0 : i32
    %select_n3A_144 = arith.select %ne3A_138, %jit3A_142, %jit3A_143 : i32
    %add3A_145 = arith.addi %add3A_134, %select_n3A_144 : i32
    %and3A_146 = arith.constant 32 : i32
    %and3A_147 = arith.andi %and3A_38, %and3A_146 : i32
    %ne3A_148 = arith.constant 0 : i32
    %ne3A_149 = arith.cmpi ne, %and3A_147, %ne3A_148 : i32
    %convert_element_type3A_150 = arith.extui %ne3A_149 : i1 to i32
    %cond3A_151 = arith.constant 0 : i32
    %cond3A_152 = arith.cmpi ne, %convert_element_type3A_150, %cond3A_151 : i32
    scf.if %cond3A_152 {
      %multiple_of3A_172 = tpu.assume_multiple %add3A_145, 16 : i32
      %add3A_173 = arith.addi %squeeze3A_12, %add3A_145 : i32
      %multiple_of3A_174 = tpu.assume_multiple %add3A_173, 16 : i32
      "tpu.region"() ({
        %run_scoped3A = tpu.sem_alloc : memref<!tpu.dma_semaphore, #tpu.memory_space<semaphore_mem>>
        %dma_start3A_178 = tpu.memref_slice %arg7[%multiple_of3A_172] : memref<32784xi32, #tpu.memory_space<vmem>> -> memref<32xi32, #tpu.memory_space<vmem>>
        %dma_start3A_179 = tpu.memref_slice %arg4[%multiple_of3A_174] : memref<589824xi32, #tpu.memory_space<hbm>> -> memref<32xi32, #tpu.memory_space<hbm>>
        %dma_start3A_180 = tpu.memref_slice %arg4[%multiple_of3A_174] : memref<589824xi32, #tpu.memory_space<hbm>> -> memref<32xi32, #tpu.memory_space<hbm>>
        %dma_start3A_181 = tpu.memref_slice %arg7[%multiple_of3A_172] : memref<32784xi32, #tpu.memory_space<vmem>> -> memref<32xi32, #tpu.memory_space<vmem>>
        tpu.enqueue_dma source(%dma_start3A_181 : memref<32xi32, #tpu.memory_space<vmem>>) target(%dma_start3A_180 : memref<32xi32, #tpu.memory_space<hbm>>) target_semaphore(%run_scoped3A : memref<!tpu.dma_semaphore, #tpu.memory_space<semaphore_mem>>)
        %dma_wait3A = tpu.memref_slice %arg7[%multiple_of3A_172] : memref<32784xi32, #tpu.memory_space<vmem>> -> memref<32xi32, #tpu.memory_space<vmem>>
        %dma_wait3A_182 = tpu.memref_slice %arg4[%multiple_of3A_174] : memref<589824xi32, #tpu.memory_space<hbm>> -> memref<32xi32, #tpu.memory_space<hbm>>
        %dma_wait3A_183 = tpu.memref_slice %arg4[%multiple_of3A_174] : memref<589824xi32, #tpu.memory_space<hbm>> -> memref<32xi32, #tpu.memory_space<hbm>>
        %dma_wait3A_184 = tpu.memref_slice %arg7[%multiple_of3A_172] : memref<32784xi32, #tpu.memory_space<vmem>> -> memref<32xi32, #tpu.memory_space<vmem>>
        tpu.wait_dma2 semaphore(%run_scoped3A : memref<!tpu.dma_semaphore, #tpu.memory_space<semaphore_mem>>) src(%dma_wait3A_184 : memref<32xi32, #tpu.memory_space<vmem>>) dst(%dma_wait3A_183 : memref<32xi32, #tpu.memory_space<hbm>>)
        tpu.yield
      }) : () -> ()
      %multiple_of3A_175 = tpu.assume_multiple %add3A_145, 16 : i32
      %add3A_176 = arith.addi %squeeze3A_12, %add3A_145 : i32
      %multiple_of3A_177 = tpu.assume_multiple %add3A_176, 16 : i32
      "tpu.region"() ({
        %run_scoped3A = tpu.sem_alloc : memref<!tpu.dma_semaphore, #tpu.memory_space<semaphore_mem>>
        %dma_start3A_178 = tpu.memref_slice %arg8[%multiple_of3A_175] : memref<32784xi32, #tpu.memory_space<vmem>> -> memref<32xi32, #tpu.memory_space<vmem>>
        %dma_start3A_179 = tpu.memref_slice %arg5[%multiple_of3A_177] : memref<589824xi32, #tpu.memory_space<hbm>> -> memref<32xi32, #tpu.memory_space<hbm>>
        %dma_start3A_180 = tpu.memref_slice %arg5[%multiple_of3A_177] : memref<589824xi32, #tpu.memory_space<hbm>> -> memref<32xi32, #tpu.memory_space<hbm>>
        %dma_start3A_181 = tpu.memref_slice %arg8[%multiple_of3A_175] : memref<32784xi32, #tpu.memory_space<vmem>> -> memref<32xi32, #tpu.memory_space<vmem>>
        tpu.enqueue_dma source(%dma_start3A_181 : memref<32xi32, #tpu.memory_space<vmem>>) target(%dma_start3A_180 : memref<32xi32, #tpu.memory_space<hbm>>) target_semaphore(%run_scoped3A : memref<!tpu.dma_semaphore, #tpu.memory_space<semaphore_mem>>)
        %dma_wait3A = tpu.memref_slice %arg8[%multiple_of3A_175] : memref<32784xi32, #tpu.memory_space<vmem>> -> memref<32xi32, #tpu.memory_space<vmem>>
        %dma_wait3A_182 = tpu.memref_slice %arg5[%multiple_of3A_177] : memref<589824xi32, #tpu.memory_space<hbm>> -> memref<32xi32, #tpu.memory_space<hbm>>
        %dma_wait3A_183 = tpu.memref_slice %arg5[%multiple_of3A_177] : memref<589824xi32, #tpu.memory_space<hbm>> -> memref<32xi32, #tpu.memory_space<hbm>>
        %dma_wait3A_184 = tpu.memref_slice %arg8[%multiple_of3A_175] : memref<32784xi32, #tpu.memory_space<vmem>> -> memref<32xi32, #tpu.memory_space<vmem>>
        tpu.wait_dma2 semaphore(%run_scoped3A : memref<!tpu.dma_semaphore, #tpu.memory_space<semaphore_mem>>) src(%dma_wait3A_184 : memref<32xi32, #tpu.memory_space<vmem>>) dst(%dma_wait3A_183 : memref<32xi32, #tpu.memory_space<hbm>>)
        tpu.yield
      }) : () -> ()
    } else {
    }
    %jit3A_153 = arith.constant 32 : i32
    %jit3A_154 = arith.constant 0 : i32
    %select_n3A_155 = arith.select %ne3A_149, %jit3A_153, %jit3A_154 : i32
    %add3A_156 = arith.addi %add3A_145, %select_n3A_155 : i32
    %and3A_157 = arith.constant 16 : i32
    %and3A_158 = arith.andi %and3A_38, %and3A_157 : i32
    %ne3A_159 = arith.constant 0 : i32
    %ne3A_160 = arith.cmpi ne, %and3A_158, %ne3A_159 : i32
    %convert_element_type3A_161 = arith.extui %ne3A_160 : i1 to i32
    %cond3A_162 = arith.constant 0 : i32
    %cond3A_163 = arith.cmpi ne, %convert_element_type3A_161, %cond3A_162 : i32
    scf.if %cond3A_163 {
      %multiple_of3A_172 = tpu.assume_multiple %add3A_156, 16 : i32
      %add3A_173 = arith.addi %squeeze3A_12, %add3A_156 : i32
      %multiple_of3A_174 = tpu.assume_multiple %add3A_173, 16 : i32
      "tpu.region"() ({
        %run_scoped3A = tpu.sem_alloc : memref<!tpu.dma_semaphore, #tpu.memory_space<semaphore_mem>>
        %dma_start3A_178 = tpu.memref_slice %arg7[%multiple_of3A_172] : memref<32784xi32, #tpu.memory_space<vmem>> -> memref<16xi32, #tpu.memory_space<vmem>>
        %dma_start3A_179 = tpu.memref_slice %arg4[%multiple_of3A_174] : memref<589824xi32, #tpu.memory_space<hbm>> -> memref<16xi32, #tpu.memory_space<hbm>>
        %dma_start3A_180 = tpu.memref_slice %arg4[%multiple_of3A_174] : memref<589824xi32, #tpu.memory_space<hbm>> -> memref<16xi32, #tpu.memory_space<hbm>>
        %dma_start3A_181 = tpu.memref_slice %arg7[%multiple_of3A_172] : memref<32784xi32, #tpu.memory_space<vmem>> -> memref<16xi32, #tpu.memory_space<vmem>>
        tpu.enqueue_dma source(%dma_start3A_181 : memref<16xi32, #tpu.memory_space<vmem>>) target(%dma_start3A_180 : memref<16xi32, #tpu.memory_space<hbm>>) target_semaphore(%run_scoped3A : memref<!tpu.dma_semaphore, #tpu.memory_space<semaphore_mem>>)
        %dma_wait3A = tpu.memref_slice %arg7[%multiple_of3A_172] : memref<32784xi32, #tpu.memory_space<vmem>> -> memref<16xi32, #tpu.memory_space<vmem>>
        %dma_wait3A_182 = tpu.memref_slice %arg4[%multiple_of3A_174] : memref<589824xi32, #tpu.memory_space<hbm>> -> memref<16xi32, #tpu.memory_space<hbm>>
        %dma_wait3A_183 = tpu.memref_slice %arg4[%multiple_of3A_174] : memref<589824xi32, #tpu.memory_space<hbm>> -> memref<16xi32, #tpu.memory_space<hbm>>
        %dma_wait3A_184 = tpu.memref_slice %arg7[%multiple_of3A_172] : memref<32784xi32, #tpu.memory_space<vmem>> -> memref<16xi32, #tpu.memory_space<vmem>>
        tpu.wait_dma2 semaphore(%run_scoped3A : memref<!tpu.dma_semaphore, #tpu.memory_space<semaphore_mem>>) src(%dma_wait3A_184 : memref<16xi32, #tpu.memory_space<vmem>>) dst(%dma_wait3A_183 : memref<16xi32, #tpu.memory_space<hbm>>)
        tpu.yield
      }) : () -> ()
      %multiple_of3A_175 = tpu.assume_multiple %add3A_156, 16 : i32
      %add3A_176 = arith.addi %squeeze3A_12, %add3A_156 : i32
      %multiple_of3A_177 = tpu.assume_multiple %add3A_176, 16 : i32
      "tpu.region"() ({
        %run_scoped3A = tpu.sem_alloc : memref<!tpu.dma_semaphore, #tpu.memory_space<semaphore_mem>>
        %dma_start3A_178 = tpu.memref_slice %arg8[%multiple_of3A_175] : memref<32784xi32, #tpu.memory_space<vmem>> -> memref<16xi32, #tpu.memory_space<vmem>>
        %dma_start3A_179 = tpu.memref_slice %arg5[%multiple_of3A_177] : memref<589824xi32, #tpu.memory_space<hbm>> -> memref<16xi32, #tpu.memory_space<hbm>>
        %dma_start3A_180 = tpu.memref_slice %arg5[%multiple_of3A_177] : memref<589824xi32, #tpu.memory_space<hbm>> -> memref<16xi32, #tpu.memory_space<hbm>>
        %dma_start3A_181 = tpu.memref_slice %arg8[%multiple_of3A_175] : memref<32784xi32, #tpu.memory_space<vmem>> -> memref<16xi32, #tpu.memory_space<vmem>>
        tpu.enqueue_dma source(%dma_start3A_181 : memref<16xi32, #tpu.memory_space<vmem>>) target(%dma_start3A_180 : memref<16xi32, #tpu.memory_space<hbm>>) target_semaphore(%run_scoped3A : memref<!tpu.dma_semaphore, #tpu.memory_space<semaphore_mem>>)
        %dma_wait3A = tpu.memref_slice %arg8[%multiple_of3A_175] : memref<32784xi32, #tpu.memory_space<vmem>> -> memref<16xi32, #tpu.memory_space<vmem>>
        %dma_wait3A_182 = tpu.memref_slice %arg5[%multiple_of3A_177] : memref<589824xi32, #tpu.memory_space<hbm>> -> memref<16xi32, #tpu.memory_space<hbm>>
        %dma_wait3A_183 = tpu.memref_slice %arg5[%multiple_of3A_177] : memref<589824xi32, #tpu.memory_space<hbm>> -> memref<16xi32, #tpu.memory_space<hbm>>
        %dma_wait3A_184 = tpu.memref_slice %arg8[%multiple_of3A_175] : memref<32784xi32, #tpu.memory_space<vmem>> -> memref<16xi32, #tpu.memory_space<vmem>>
        tpu.wait_dma2 semaphore(%run_scoped3A : memref<!tpu.dma_semaphore, #tpu.memory_space<semaphore_mem>>) src(%dma_wait3A_184 : memref<16xi32, #tpu.memory_space<vmem>>) dst(%dma_wait3A_183 : memref<16xi32, #tpu.memory_space<hbm>>)
        tpu.yield
      }) : () -> ()
    } else {
    }
    %jit3A_164 = arith.constant 16 : i32
    %jit3A_165 = arith.constant 0 : i32
    %select_n3A_166 = arith.select %ne3A_160, %jit3A_164, %jit3A_165 : i32
    %add3A_167 = arith.addi %add3A_156, %select_n3A_166 : i32
    %eq3A = arith.constant 31 : i32
    %eq3A_168 = arith.cmpi eq, %add3A, %eq3A : i32
    %convert_element_type3A_169 = arith.extui %eq3A_168 : i1 to i32
    %cond3A_170 = arith.constant 0 : i32
    %cond3A_171 = arith.cmpi ne, %convert_element_type3A_169, %cond3A_170 : i32
    scf.if %cond3A_171 {
      %scan3A_172 = arith.constant 0 : i32
      %scan3A_173 = arith.constant 0 : i32
      %scan3A_174 = arith.constant 512 : i32
      %scan3A_175 = arith.addi %scan3A_173, %scan3A_174 : i32
      %scan3A_176 = arith.constant 1 : i32
      scf.for %scan3A_317 = %scan3A_173 to %scan3A_175 step %scan3A_176  : i32 {
        %broadcast_in_dim3A_318 = arith.constant -1 : i32
        %broadcast_in_dim3A_319 = vector.broadcast %broadcast_in_dim3A_318 : i32 to vector<16xi32>
        %mul3A_320 = arith.constant 16 : i32
        %mul3A_321 = arith.muli %scan3A_317, %mul3A_320 : i32
        %swap3A_322 = arith.index_cast %mul3A_321 : i32 to index
        %swap3A_323 = tpu.vector_load %arg9[%swap3A_322] {strides = array<i32>} : memref<8192xi32, #tpu.memory_space<vmem>>, vector<16xi32>,
        tpu.vector_store %arg9[%swap3A_322], %broadcast_in_dim3A_319 {strides = array<i32>} : memref<8192xi32, #tpu.memory_space<vmem>>, vector<16xi32>,
      }
      %scan3A_177 = arith.constant 512 : i32
      %get3A_178 = arith.constant 24 : index
      %get3A_179 = tpu.vector_load %arg10[%get3A_178] {strides = array<i32>} : memref<40xi32, #tpu.memory_space<vmem>>, vector<16xi32>,
      %slice3A_180 = vector.extract_strided_slice %get3A_179 {offsets = [9], sizes = [1], strides = [1]} : vector<16xi32> to vector<1xi32>
      %squeeze3A_181 = vector.extract %slice3A_180[0] : i32 from vector<1xi32>
      %sub3A = arith.constant 589824 : i32
      %sub3A_182 = arith.subi %sub3A, %squeeze3A_181 : i32
      %jit3A_183 = arith.constant 8192 : i32
      %div3A = arith.divsi %sub3A_182, %jit3A_183 : i32
      %sign3A = arith.constant 0 : i32
      %sign3A_184 = arith.cmpi sgt, %sub3A_182, %sign3A : i32
      %sign3A_185 = arith.extui %sign3A_184 : i1 to i32
      %sign3A_186 = arith.constant 0 : i32
      %sign3A_187 = arith.cmpi slt, %sub3A_182, %sign3A_186 : i32
      %sign3A_188 = arith.extui %sign3A_187 : i1 to i32
      %sign3A_189 = arith.subi %sign3A_185, %sign3A_188 : i32
      %sign3A_190 = arith.constant 0 : i32
      %sign3A_191 = arith.cmpi sgt, %jit3A_183, %sign3A_190 : i32
      %sign3A_192 = arith.extui %sign3A_191 : i1 to i32
      %sign3A_193 = arith.constant 0 : i32
      %sign3A_194 = arith.cmpi slt, %jit3A_183, %sign3A_193 : i32
      %sign3A_195 = arith.extui %sign3A_194 : i1 to i32
      %sign3A_196 = arith.subi %sign3A_192, %sign3A_195 : i32
      %ne3A_197 = arith.cmpi ne, %sign3A_189, %sign3A_196 : i32
      %rem3A = arith.remsi %sub3A_182, %jit3A_183 : i32
      %ne3A_198 = arith.constant 0 : i32
      %ne3A_199 = arith.cmpi ne, %rem3A, %ne3A_198 : i32
      %and3A_200 = arith.andi %ne3A_197, %ne3A_199 : i1
      %sub3A_201 = arith.constant 1 : i32
      %sub3A_202 = arith.subi %div3A, %sub3A_201 : i32
      %select_n3A_203 = arith.select %and3A_200, %sub3A_202, %div3A : i32
      %while3A = arith.constant 0 : i32
      %while3A_204 = arith.constant 0 : i32
      %while3A_205 = arith.subi %select_n3A_203, %while3A_204 : i32
      %while3A_206 = arith.addi %while3A_204, %while3A_205 : i32
      %while3A_207 = arith.constant 1 : i32
      %while3A_208 = arith.divsi %while3A_205, %while3A_207 : i32
      %while3A_209 = arith.muli %while3A_208, %while3A_207 : i32
      %while3A_210 = arith.addi %while3A_204, %while3A_209 : i32
      %while3A_211 = arith.constant 1 : i32
      scf.for %while3A_317 = %while3A_204 to %while3A_210 step %while3A_211  : i32 {
        %mul3A_318 = arith.constant 8192 : i32
        %mul3A_319 = arith.muli %while3A_317, %mul3A_318 : i32
        %add3A_320 = arith.addi %squeeze3A_181, %mul3A_319 : i32
        %multiple_of3A_321 = tpu.assume_multiple %add3A_320, 16 : i32
        "tpu.region"() ({
          %run_scoped3A = tpu.sem_alloc : memref<!tpu.dma_semaphore, #tpu.memory_space<semaphore_mem>>
          %dma_start3A_322 = tpu.memref_slice %arg4[%multiple_of3A_321] : memref<589824xi32, #tpu.memory_space<hbm>> -> memref<8192xi32, #tpu.memory_space<hbm>>
          %dma_start3A_323 = tpu.memref_slice %arg4[%multiple_of3A_321] : memref<589824xi32, #tpu.memory_space<hbm>> -> memref<8192xi32, #tpu.memory_space<hbm>>
          tpu.enqueue_dma source(%arg9 : memref<8192xi32, #tpu.memory_space<vmem>>) target(%dma_start3A_323 : memref<8192xi32, #tpu.memory_space<hbm>>) target_semaphore(%run_scoped3A : memref<!tpu.dma_semaphore, #tpu.memory_space<semaphore_mem>>)
          %dma_wait3A = tpu.memref_slice %arg4[%multiple_of3A_321] : memref<589824xi32, #tpu.memory_space<hbm>> -> memref<8192xi32, #tpu.memory_space<hbm>>
          %dma_wait3A_324 = tpu.memref_slice %arg4[%multiple_of3A_321] : memref<589824xi32, #tpu.memory_space<hbm>> -> memref<8192xi32, #tpu.memory_space<hbm>>
          tpu.wait_dma2 semaphore(%run_scoped3A : memref<!tpu.dma_semaphore, #tpu.memory_space<semaphore_mem>>) src(%arg9 : memref<8192xi32, #tpu.memory_space<vmem>>) dst(%dma_wait3A_324 : memref<8192xi32, #tpu.memory_space<hbm>>)
          tpu.yield
        }) : () -> ()
      }
      %while3A_212 = arith.constant 1 : i32
      scf.for %while3A_317 = %while3A_210 to %while3A_206 step %while3A_212  : i32 {
        %mul3A_318 = arith.constant 8192 : i32
        %mul3A_319 = arith.muli %while3A_317, %mul3A_318 : i32
        %add3A_320 = arith.addi %squeeze3A_181, %mul3A_319 : i32
        %multiple_of3A_321 = tpu.assume_multiple %add3A_320, 16 : i32
        "tpu.region"() ({
          %run_scoped3A = tpu.sem_alloc : memref<!tpu.dma_semaphore, #tpu.memory_space<semaphore_mem>>
          %dma_start3A_322 = tpu.memref_slice %arg4[%multiple_of3A_321] : memref<589824xi32, #tpu.memory_space<hbm>> -> memref<8192xi32, #tpu.memory_space<hbm>>
          %dma_start3A_323 = tpu.memref_slice %arg4[%multiple_of3A_321] : memref<589824xi32, #tpu.memory_space<hbm>> -> memref<8192xi32, #tpu.memory_space<hbm>>
          tpu.enqueue_dma source(%arg9 : memref<8192xi32, #tpu.memory_space<vmem>>) target(%dma_start3A_323 : memref<8192xi32, #tpu.memory_space<hbm>>) target_semaphore(%run_scoped3A : memref<!tpu.dma_semaphore, #tpu.memory_space<semaphore_mem>>)
          %dma_wait3A = tpu.memref_slice %arg4[%multiple_of3A_321] : memref<589824xi32, #tpu.memory_space<hbm>> -> memref<8192xi32, #tpu.memory_space<hbm>>
          %dma_wait3A_324 = tpu.memref_slice %arg4[%multiple_of3A_321] : memref<589824xi32, #tpu.memory_space<hbm>> -> memref<8192xi32, #tpu.memory_space<hbm>>
          tpu.wait_dma2 semaphore(%run_scoped3A : memref<!tpu.dma_semaphore, #tpu.memory_space<semaphore_mem>>) src(%arg9 : memref<8192xi32, #tpu.memory_space<vmem>>) dst(%dma_wait3A_324 : memref<8192xi32, #tpu.memory_space<hbm>>)
          tpu.yield
        }) : () -> ()
      }
      %mul3A_213 = arith.constant 8192 : i32
      %mul3A_214 = arith.muli %select_n3A_203, %mul3A_213 : i32
      %add3A_215 = arith.addi %squeeze3A_181, %mul3A_214 : i32
      %sub3A_216 = arith.constant 589824 : i32
      %sub3A_217 = arith.subi %sub3A_216, %add3A_215 : i32
      %and3A_218 = arith.constant 4096 : i32
      %and3A_219 = arith.andi %sub3A_217, %and3A_218 : i32
      %ne3A_220 = arith.constant 0 : i32
      %ne3A_221 = arith.cmpi ne, %and3A_219, %ne3A_220 : i32
      %convert_element_type3A_222 = arith.extui %ne3A_221 : i1 to i32
      %cond3A_223 = arith.constant 0 : i32
      %cond3A_224 = arith.cmpi ne, %convert_element_type3A_222, %cond3A_223 : i32
      scf.if %cond3A_224 {
        %multiple_of3A_317 = tpu.assume_multiple %add3A_215, 16 : i32
        "tpu.region"() ({
          %run_scoped3A = tpu.sem_alloc : memref<!tpu.dma_semaphore, #tpu.memory_space<semaphore_mem>>
          %dma_start3A_318 = arith.constant 0 : i32
          %dma_start3A_319 = tpu.memref_slice %arg9[%dma_start3A_318] : memref<8192xi32, #tpu.memory_space<vmem>> -> memref<4096xi32, #tpu.memory_space<vmem>>
          %dma_start3A_320 = tpu.memref_slice %arg4[%multiple_of3A_317] : memref<589824xi32, #tpu.memory_space<hbm>> -> memref<4096xi32, #tpu.memory_space<hbm>>
          %dma_start3A_321 = tpu.memref_slice %arg4[%multiple_of3A_317] : memref<589824xi32, #tpu.memory_space<hbm>> -> memref<4096xi32, #tpu.memory_space<hbm>>
          %dma_start3A_322 = arith.constant 0 : i32
          %dma_start3A_323 = tpu.memref_slice %arg9[%dma_start3A_322] : memref<8192xi32, #tpu.memory_space<vmem>> -> memref<4096xi32, #tpu.memory_space<vmem>>
          tpu.enqueue_dma source(%dma_start3A_323 : memref<4096xi32, #tpu.memory_space<vmem>>) target(%dma_start3A_321 : memref<4096xi32, #tpu.memory_space<hbm>>) target_semaphore(%run_scoped3A : memref<!tpu.dma_semaphore, #tpu.memory_space<semaphore_mem>>)
          %dma_wait3A = arith.constant 0 : i32
          %dma_wait3A_324 = tpu.memref_slice %arg9[%dma_wait3A] : memref<8192xi32, #tpu.memory_space<vmem>> -> memref<4096xi32, #tpu.memory_space<vmem>>
          %dma_wait3A_325 = tpu.memref_slice %arg4[%multiple_of3A_317] : memref<589824xi32, #tpu.memory_space<hbm>> -> memref<4096xi32, #tpu.memory_space<hbm>>
          %dma_wait3A_326 = tpu.memref_slice %arg4[%multiple_of3A_317] : memref<589824xi32, #tpu.memory_space<hbm>> -> memref<4096xi32, #tpu.memory_space<hbm>>
          %dma_wait3A_327 = arith.constant 0 : i32
          %dma_wait3A_328 = tpu.memref_slice %arg9[%dma_wait3A_327] : memref<8192xi32, #tpu.memory_space<vmem>> -> memref<4096xi32, #tpu.memory_space<vmem>>
          tpu.wait_dma2 semaphore(%run_scoped3A : memref<!tpu.dma_semaphore, #tpu.memory_space<semaphore_mem>>) src(%dma_wait3A_328 : memref<4096xi32, #tpu.memory_space<vmem>>) dst(%dma_wait3A_326 : memref<4096xi32, #tpu.memory_space<hbm>>)
          tpu.yield
        }) : () -> ()
      } else {
      }
      %jit3A_225 = arith.constant 4096 : i32
      %jit3A_226 = arith.constant 0 : i32
      %select_n3A_227 = arith.select %ne3A_221, %jit3A_225, %jit3A_226 : i32
      %add3A_228 = arith.addi %add3A_215, %select_n3A_227 : i32
      %and3A_229 = arith.constant 2048 : i32
      %and3A_230 = arith.andi %sub3A_217, %and3A_229 : i32
      %ne3A_231 = arith.constant 0 : i32
      %ne3A_232 = arith.cmpi ne, %and3A_230, %ne3A_231 : i32
      %convert_element_type3A_233 = arith.extui %ne3A_232 : i1 to i32
      %cond3A_234 = arith.constant 0 : i32
      %cond3A_235 = arith.cmpi ne, %convert_element_type3A_233, %cond3A_234 : i32
      scf.if %cond3A_235 {
        %multiple_of3A_317 = tpu.assume_multiple %add3A_228, 16 : i32
        "tpu.region"() ({
          %run_scoped3A = tpu.sem_alloc : memref<!tpu.dma_semaphore, #tpu.memory_space<semaphore_mem>>
          %dma_start3A_318 = arith.constant 0 : i32
          %dma_start3A_319 = tpu.memref_slice %arg9[%dma_start3A_318] : memref<8192xi32, #tpu.memory_space<vmem>> -> memref<2048xi32, #tpu.memory_space<vmem>>
          %dma_start3A_320 = tpu.memref_slice %arg4[%multiple_of3A_317] : memref<589824xi32, #tpu.memory_space<hbm>> -> memref<2048xi32, #tpu.memory_space<hbm>>
          %dma_start3A_321 = tpu.memref_slice %arg4[%multiple_of3A_317] : memref<589824xi32, #tpu.memory_space<hbm>> -> memref<2048xi32, #tpu.memory_space<hbm>>
          %dma_start3A_322 = arith.constant 0 : i32
          %dma_start3A_323 = tpu.memref_slice %arg9[%dma_start3A_322] : memref<8192xi32, #tpu.memory_space<vmem>> -> memref<2048xi32, #tpu.memory_space<vmem>>
          tpu.enqueue_dma source(%dma_start3A_323 : memref<2048xi32, #tpu.memory_space<vmem>>) target(%dma_start3A_321 : memref<2048xi32, #tpu.memory_space<hbm>>) target_semaphore(%run_scoped3A : memref<!tpu.dma_semaphore, #tpu.memory_space<semaphore_mem>>)
          %dma_wait3A = arith.constant 0 : i32
          %dma_wait3A_324 = tpu.memref_slice %arg9[%dma_wait3A] : memref<8192xi32, #tpu.memory_space<vmem>> -> memref<2048xi32, #tpu.memory_space<vmem>>
          %dma_wait3A_325 = tpu.memref_slice %arg4[%multiple_of3A_317] : memref<589824xi32, #tpu.memory_space<hbm>> -> memref<2048xi32, #tpu.memory_space<hbm>>
          %dma_wait3A_326 = tpu.memref_slice %arg4[%multiple_of3A_317] : memref<589824xi32, #tpu.memory_space<hbm>> -> memref<2048xi32, #tpu.memory_space<hbm>>
          %dma_wait3A_327 = arith.constant 0 : i32
          %dma_wait3A_328 = tpu.memref_slice %arg9[%dma_wait3A_327] : memref<8192xi32, #tpu.memory_space<vmem>> -> memref<2048xi32, #tpu.memory_space<vmem>>
          tpu.wait_dma2 semaphore(%run_scoped3A : memref<!tpu.dma_semaphore, #tpu.memory_space<semaphore_mem>>) src(%dma_wait3A_328 : memref<2048xi32, #tpu.memory_space<vmem>>) dst(%dma_wait3A_326 : memref<2048xi32, #tpu.memory_space<hbm>>)
          tpu.yield
        }) : () -> ()
      } else {
      }
      %jit3A_236 = arith.constant 2048 : i32
      %jit3A_237 = arith.constant 0 : i32
      %select_n3A_238 = arith.select %ne3A_232, %jit3A_236, %jit3A_237 : i32
      %add3A_239 = arith.addi %add3A_228, %select_n3A_238 : i32
      %and3A_240 = arith.constant 1024 : i32
      %and3A_241 = arith.andi %sub3A_217, %and3A_240 : i32
      %ne3A_242 = arith.constant 0 : i32
      %ne3A_243 = arith.cmpi ne, %and3A_241, %ne3A_242 : i32
      %convert_element_type3A_244 = arith.extui %ne3A_243 : i1 to i32
      %cond3A_245 = arith.constant 0 : i32
      %cond3A_246 = arith.cmpi ne, %convert_element_type3A_244, %cond3A_245 : i32
      scf.if %cond3A_246 {
        %multiple_of3A_317 = tpu.assume_multiple %add3A_239, 16 : i32
        "tpu.region"() ({
          %run_scoped3A = tpu.sem_alloc : memref<!tpu.dma_semaphore, #tpu.memory_space<semaphore_mem>>
          %dma_start3A_318 = arith.constant 0 : i32
          %dma_start3A_319 = tpu.memref_slice %arg9[%dma_start3A_318] : memref<8192xi32, #tpu.memory_space<vmem>> -> memref<1024xi32, #tpu.memory_space<vmem>>
          %dma_start3A_320 = tpu.memref_slice %arg4[%multiple_of3A_317] : memref<589824xi32, #tpu.memory_space<hbm>> -> memref<1024xi32, #tpu.memory_space<hbm>>
          %dma_start3A_321 = tpu.memref_slice %arg4[%multiple_of3A_317] : memref<589824xi32, #tpu.memory_space<hbm>> -> memref<1024xi32, #tpu.memory_space<hbm>>
          %dma_start3A_322 = arith.constant 0 : i32
          %dma_start3A_323 = tpu.memref_slice %arg9[%dma_start3A_322] : memref<8192xi32, #tpu.memory_space<vmem>> -> memref<1024xi32, #tpu.memory_space<vmem>>
          tpu.enqueue_dma source(%dma_start3A_323 : memref<1024xi32, #tpu.memory_space<vmem>>) target(%dma_start3A_321 : memref<1024xi32, #tpu.memory_space<hbm>>) target_semaphore(%run_scoped3A : memref<!tpu.dma_semaphore, #tpu.memory_space<semaphore_mem>>)
          %dma_wait3A = arith.constant 0 : i32
          %dma_wait3A_324 = tpu.memref_slice %arg9[%dma_wait3A] : memref<8192xi32, #tpu.memory_space<vmem>> -> memref<1024xi32, #tpu.memory_space<vmem>>
          %dma_wait3A_325 = tpu.memref_slice %arg4[%multiple_of3A_317] : memref<589824xi32, #tpu.memory_space<hbm>> -> memref<1024xi32, #tpu.memory_space<hbm>>
          %dma_wait3A_326 = tpu.memref_slice %arg4[%multiple_of3A_317] : memref<589824xi32, #tpu.memory_space<hbm>> -> memref<1024xi32, #tpu.memory_space<hbm>>
          %dma_wait3A_327 = arith.constant 0 : i32
          %dma_wait3A_328 = tpu.memref_slice %arg9[%dma_wait3A_327] : memref<8192xi32, #tpu.memory_space<vmem>> -> memref<1024xi32, #tpu.memory_space<vmem>>
          tpu.wait_dma2 semaphore(%run_scoped3A : memref<!tpu.dma_semaphore, #tpu.memory_space<semaphore_mem>>) src(%dma_wait3A_328 : memref<1024xi32, #tpu.memory_space<vmem>>) dst(%dma_wait3A_326 : memref<1024xi32, #tpu.memory_space<hbm>>)
          tpu.yield
        }) : () -> ()
      } else {
      }
      %jit3A_247 = arith.constant 1024 : i32
      %jit3A_248 = arith.constant 0 : i32
      %select_n3A_249 = arith.select %ne3A_243, %jit3A_247, %jit3A_248 : i32
      %add3A_250 = arith.addi %add3A_239, %select_n3A_249 : i32
      %and3A_251 = arith.constant 512 : i32
      %and3A_252 = arith.andi %sub3A_217, %and3A_251 : i32
      %ne3A_253 = arith.constant 0 : i32
      %ne3A_254 = arith.cmpi ne, %and3A_252, %ne3A_253 : i32
      %convert_element_type3A_255 = arith.extui %ne3A_254 : i1 to i32
      %cond3A_256 = arith.constant 0 : i32
      %cond3A_257 = arith.cmpi ne, %convert_element_type3A_255, %cond3A_256 : i32
      scf.if %cond3A_257 {
        %multiple_of3A_317 = tpu.assume_multiple %add3A_250, 16 : i32
        "tpu.region"() ({
          %run_scoped3A = tpu.sem_alloc : memref<!tpu.dma_semaphore, #tpu.memory_space<semaphore_mem>>
          %dma_start3A_318 = arith.constant 0 : i32
          %dma_start3A_319 = tpu.memref_slice %arg9[%dma_start3A_318] : memref<8192xi32, #tpu.memory_space<vmem>> -> memref<512xi32, #tpu.memory_space<vmem>>
          %dma_start3A_320 = tpu.memref_slice %arg4[%multiple_of3A_317] : memref<589824xi32, #tpu.memory_space<hbm>> -> memref<512xi32, #tpu.memory_space<hbm>>
          %dma_start3A_321 = tpu.memref_slice %arg4[%multiple_of3A_317] : memref<589824xi32, #tpu.memory_space<hbm>> -> memref<512xi32, #tpu.memory_space<hbm>>
          %dma_start3A_322 = arith.constant 0 : i32
          %dma_start3A_323 = tpu.memref_slice %arg9[%dma_start3A_322] : memref<8192xi32, #tpu.memory_space<vmem>> -> memref<512xi32, #tpu.memory_space<vmem>>
          tpu.enqueue_dma source(%dma_start3A_323 : memref<512xi32, #tpu.memory_space<vmem>>) target(%dma_start3A_321 : memref<512xi32, #tpu.memory_space<hbm>>) target_semaphore(%run_scoped3A : memref<!tpu.dma_semaphore, #tpu.memory_space<semaphore_mem>>)
          %dma_wait3A = arith.constant 0 : i32
          %dma_wait3A_324 = tpu.memref_slice %arg9[%dma_wait3A] : memref<8192xi32, #tpu.memory_space<vmem>> -> memref<512xi32, #tpu.memory_space<vmem>>
          %dma_wait3A_325 = tpu.memref_slice %arg4[%multiple_of3A_317] : memref<589824xi32, #tpu.memory_space<hbm>> -> memref<512xi32, #tpu.memory_space<hbm>>
          %dma_wait3A_326 = tpu.memref_slice %arg4[%multiple_of3A_317] : memref<589824xi32, #tpu.memory_space<hbm>> -> memref<512xi32, #tpu.memory_space<hbm>>
          %dma_wait3A_327 = arith.constant 0 : i32
          %dma_wait3A_328 = tpu.memref_slice %arg9[%dma_wait3A_327] : memref<8192xi32, #tpu.memory_space<vmem>> -> memref<512xi32, #tpu.memory_space<vmem>>
          tpu.wait_dma2 semaphore(%run_scoped3A : memref<!tpu.dma_semaphore, #tpu.memory_space<semaphore_mem>>) src(%dma_wait3A_328 : memref<512xi32, #tpu.memory_space<vmem>>) dst(%dma_wait3A_326 : memref<512xi32, #tpu.memory_space<hbm>>)
          tpu.yield
        }) : () -> ()
      } else {
      }
      %jit3A_258 = arith.constant 512 : i32
      %jit3A_259 = arith.constant 0 : i32
      %select_n3A_260 = arith.select %ne3A_254, %jit3A_258, %jit3A_259 : i32
      %add3A_261 = arith.addi %add3A_250, %select_n3A_260 : i32
      %and3A_262 = arith.constant 256 : i32
      %and3A_263 = arith.andi %sub3A_217, %and3A_262 : i32
      %ne3A_264 = arith.constant 0 : i32
      %ne3A_265 = arith.cmpi ne, %and3A_263, %ne3A_264 : i32
      %convert_element_type3A_266 = arith.extui %ne3A_265 : i1 to i32
      %cond3A_267 = arith.constant 0 : i32
      %cond3A_268 = arith.cmpi ne, %convert_element_type3A_266, %cond3A_267 : i32
      scf.if %cond3A_268 {
        %multiple_of3A_317 = tpu.assume_multiple %add3A_261, 16 : i32
        "tpu.region"() ({
          %run_scoped3A = tpu.sem_alloc : memref<!tpu.dma_semaphore, #tpu.memory_space<semaphore_mem>>
          %dma_start3A_318 = arith.constant 0 : i32
          %dma_start3A_319 = tpu.memref_slice %arg9[%dma_start3A_318] : memref<8192xi32, #tpu.memory_space<vmem>> -> memref<256xi32, #tpu.memory_space<vmem>>
          %dma_start3A_320 = tpu.memref_slice %arg4[%multiple_of3A_317] : memref<589824xi32, #tpu.memory_space<hbm>> -> memref<256xi32, #tpu.memory_space<hbm>>
          %dma_start3A_321 = tpu.memref_slice %arg4[%multiple_of3A_317] : memref<589824xi32, #tpu.memory_space<hbm>> -> memref<256xi32, #tpu.memory_space<hbm>>
          %dma_start3A_322 = arith.constant 0 : i32
          %dma_start3A_323 = tpu.memref_slice %arg9[%dma_start3A_322] : memref<8192xi32, #tpu.memory_space<vmem>> -> memref<256xi32, #tpu.memory_space<vmem>>
          tpu.enqueue_dma source(%dma_start3A_323 : memref<256xi32, #tpu.memory_space<vmem>>) target(%dma_start3A_321 : memref<256xi32, #tpu.memory_space<hbm>>) target_semaphore(%run_scoped3A : memref<!tpu.dma_semaphore, #tpu.memory_space<semaphore_mem>>)
          %dma_wait3A = arith.constant 0 : i32
          %dma_wait3A_324 = tpu.memref_slice %arg9[%dma_wait3A] : memref<8192xi32, #tpu.memory_space<vmem>> -> memref<256xi32, #tpu.memory_space<vmem>>
          %dma_wait3A_325 = tpu.memref_slice %arg4[%multiple_of3A_317] : memref<589824xi32, #tpu.memory_space<hbm>> -> memref<256xi32, #tpu.memory_space<hbm>>
          %dma_wait3A_326 = tpu.memref_slice %arg4[%multiple_of3A_317] : memref<589824xi32, #tpu.memory_space<hbm>> -> memref<256xi32, #tpu.memory_space<hbm>>
          %dma_wait3A_327 = arith.constant 0 : i32
          %dma_wait3A_328 = tpu.memref_slice %arg9[%dma_wait3A_327] : memref<8192xi32, #tpu.memory_space<vmem>> -> memref<256xi32, #tpu.memory_space<vmem>>
          tpu.wait_dma2 semaphore(%run_scoped3A : memref<!tpu.dma_semaphore, #tpu.memory_space<semaphore_mem>>) src(%dma_wait3A_328 : memref<256xi32, #tpu.memory_space<vmem>>) dst(%dma_wait3A_326 : memref<256xi32, #tpu.memory_space<hbm>>)
          tpu.yield
        }) : () -> ()
      } else {
      }
      %jit3A_269 = arith.constant 256 : i32
      %jit3A_270 = arith.constant 0 : i32
      %select_n3A_271 = arith.select %ne3A_265, %jit3A_269, %jit3A_270 : i32
      %add3A_272 = arith.addi %add3A_261, %select_n3A_271 : i32
      %and3A_273 = arith.constant 128 : i32
      %and3A_274 = arith.andi %sub3A_217, %and3A_273 : i32
      %ne3A_275 = arith.constant 0 : i32
      %ne3A_276 = arith.cmpi ne, %and3A_274, %ne3A_275 : i32
      %convert_element_type3A_277 = arith.extui %ne3A_276 : i1 to i32
      %cond3A_278 = arith.constant 0 : i32
      %cond3A_279 = arith.cmpi ne, %convert_element_type3A_277, %cond3A_278 : i32
      scf.if %cond3A_279 {
        %multiple_of3A_317 = tpu.assume_multiple %add3A_272, 16 : i32
        "tpu.region"() ({
          %run_scoped3A = tpu.sem_alloc : memref<!tpu.dma_semaphore, #tpu.memory_space<semaphore_mem>>
          %dma_start3A_318 = arith.constant 0 : i32
          %dma_start3A_319 = tpu.memref_slice %arg9[%dma_start3A_318] : memref<8192xi32, #tpu.memory_space<vmem>> -> memref<128xi32, #tpu.memory_space<vmem>>
          %dma_start3A_320 = tpu.memref_slice %arg4[%multiple_of3A_317] : memref<589824xi32, #tpu.memory_space<hbm>> -> memref<128xi32, #tpu.memory_space<hbm>>
          %dma_start3A_321 = tpu.memref_slice %arg4[%multiple_of3A_317] : memref<589824xi32, #tpu.memory_space<hbm>> -> memref<128xi32, #tpu.memory_space<hbm>>
          %dma_start3A_322 = arith.constant 0 : i32
          %dma_start3A_323 = tpu.memref_slice %arg9[%dma_start3A_322] : memref<8192xi32, #tpu.memory_space<vmem>> -> memref<128xi32, #tpu.memory_space<vmem>>
          tpu.enqueue_dma source(%dma_start3A_323 : memref<128xi32, #tpu.memory_space<vmem>>) target(%dma_start3A_321 : memref<128xi32, #tpu.memory_space<hbm>>) target_semaphore(%run_scoped3A : memref<!tpu.dma_semaphore, #tpu.memory_space<semaphore_mem>>)
          %dma_wait3A = arith.constant 0 : i32
          %dma_wait3A_324 = tpu.memref_slice %arg9[%dma_wait3A] : memref<8192xi32, #tpu.memory_space<vmem>> -> memref<128xi32, #tpu.memory_space<vmem>>
          %dma_wait3A_325 = tpu.memref_slice %arg4[%multiple_of3A_317] : memref<589824xi32, #tpu.memory_space<hbm>> -> memref<128xi32, #tpu.memory_space<hbm>>
          %dma_wait3A_326 = tpu.memref_slice %arg4[%multiple_of3A_317] : memref<589824xi32, #tpu.memory_space<hbm>> -> memref<128xi32, #tpu.memory_space<hbm>>
          %dma_wait3A_327 = arith.constant 0 : i32
          %dma_wait3A_328 = tpu.memref_slice %arg9[%dma_wait3A_327] : memref<8192xi32, #tpu.memory_space<vmem>> -> memref<128xi32, #tpu.memory_space<vmem>>
          tpu.wait_dma2 semaphore(%run_scoped3A : memref<!tpu.dma_semaphore, #tpu.memory_space<semaphore_mem>>) src(%dma_wait3A_328 : memref<128xi32, #tpu.memory_space<vmem>>) dst(%dma_wait3A_326 : memref<128xi32, #tpu.memory_space<hbm>>)
          tpu.yield
        }) : () -> ()
      } else {
      }
      %jit3A_280 = arith.constant 128 : i32
      %jit3A_281 = arith.constant 0 : i32
      %select_n3A_282 = arith.select %ne3A_276, %jit3A_280, %jit3A_281 : i32
      %add3A_283 = arith.addi %add3A_272, %select_n3A_282 : i32
      %and3A_284 = arith.constant 64 : i32
      %and3A_285 = arith.andi %sub3A_217, %and3A_284 : i32
      %ne3A_286 = arith.constant 0 : i32
      %ne3A_287 = arith.cmpi ne, %and3A_285, %ne3A_286 : i32
      %convert_element_type3A_288 = arith.extui %ne3A_287 : i1 to i32
      %cond3A_289 = arith.constant 0 : i32
      %cond3A_290 = arith.cmpi ne, %convert_element_type3A_288, %cond3A_289 : i32
      scf.if %cond3A_290 {
        %multiple_of3A_317 = tpu.assume_multiple %add3A_283, 16 : i32
        "tpu.region"() ({
          %run_scoped3A = tpu.sem_alloc : memref<!tpu.dma_semaphore, #tpu.memory_space<semaphore_mem>>
          %dma_start3A_318 = arith.constant 0 : i32
          %dma_start3A_319 = tpu.memref_slice %arg9[%dma_start3A_318] : memref<8192xi32, #tpu.memory_space<vmem>> -> memref<64xi32, #tpu.memory_space<vmem>>
          %dma_start3A_320 = tpu.memref_slice %arg4[%multiple_of3A_317] : memref<589824xi32, #tpu.memory_space<hbm>> -> memref<64xi32, #tpu.memory_space<hbm>>
          %dma_start3A_321 = tpu.memref_slice %arg4[%multiple_of3A_317] : memref<589824xi32, #tpu.memory_space<hbm>> -> memref<64xi32, #tpu.memory_space<hbm>>
          %dma_start3A_322 = arith.constant 0 : i32
          %dma_start3A_323 = tpu.memref_slice %arg9[%dma_start3A_322] : memref<8192xi32, #tpu.memory_space<vmem>> -> memref<64xi32, #tpu.memory_space<vmem>>
          tpu.enqueue_dma source(%dma_start3A_323 : memref<64xi32, #tpu.memory_space<vmem>>) target(%dma_start3A_321 : memref<64xi32, #tpu.memory_space<hbm>>) target_semaphore(%run_scoped3A : memref<!tpu.dma_semaphore, #tpu.memory_space<semaphore_mem>>)
          %dma_wait3A = arith.constant 0 : i32
          %dma_wait3A_324 = tpu.memref_slice %arg9[%dma_wait3A] : memref<8192xi32, #tpu.memory_space<vmem>> -> memref<64xi32, #tpu.memory_space<vmem>>
          %dma_wait3A_325 = tpu.memref_slice %arg4[%multiple_of3A_317] : memref<589824xi32, #tpu.memory_space<hbm>> -> memref<64xi32, #tpu.memory_space<hbm>>
          %dma_wait3A_326 = tpu.memref_slice %arg4[%multiple_of3A_317] : memref<589824xi32, #tpu.memory_space<hbm>> -> memref<64xi32, #tpu.memory_space<hbm>>
          %dma_wait3A_327 = arith.constant 0 : i32
          %dma_wait3A_328 = tpu.memref_slice %arg9[%dma_wait3A_327] : memref<8192xi32, #tpu.memory_space<vmem>> -> memref<64xi32, #tpu.memory_space<vmem>>
          tpu.wait_dma2 semaphore(%run_scoped3A : memref<!tpu.dma_semaphore, #tpu.memory_space<semaphore_mem>>) src(%dma_wait3A_328 : memref<64xi32, #tpu.memory_space<vmem>>) dst(%dma_wait3A_326 : memref<64xi32, #tpu.memory_space<hbm>>)
          tpu.yield
        }) : () -> ()
      } else {
      }
      %jit3A_291 = arith.constant 64 : i32
      %jit3A_292 = arith.constant 0 : i32
      %select_n3A_293 = arith.select %ne3A_287, %jit3A_291, %jit3A_292 : i32
      %add3A_294 = arith.addi %add3A_283, %select_n3A_293 : i32
      %and3A_295 = arith.constant 32 : i32
      %and3A_296 = arith.andi %sub3A_217, %and3A_295 : i32
      %ne3A_297 = arith.constant 0 : i32
      %ne3A_298 = arith.cmpi ne, %and3A_296, %ne3A_297 : i32
      %convert_element_type3A_299 = arith.extui %ne3A_298 : i1 to i32
      %cond3A_300 = arith.constant 0 : i32
      %cond3A_301 = arith.cmpi ne, %convert_element_type3A_299, %cond3A_300 : i32
      scf.if %cond3A_301 {
        %multiple_of3A_317 = tpu.assume_multiple %add3A_294, 16 : i32
        "tpu.region"() ({
          %run_scoped3A = tpu.sem_alloc : memref<!tpu.dma_semaphore, #tpu.memory_space<semaphore_mem>>
          %dma_start3A_318 = arith.constant 0 : i32
          %dma_start3A_319 = tpu.memref_slice %arg9[%dma_start3A_318] : memref<8192xi32, #tpu.memory_space<vmem>> -> memref<32xi32, #tpu.memory_space<vmem>>
          %dma_start3A_320 = tpu.memref_slice %arg4[%multiple_of3A_317] : memref<589824xi32, #tpu.memory_space<hbm>> -> memref<32xi32, #tpu.memory_space<hbm>>
          %dma_start3A_321 = tpu.memref_slice %arg4[%multiple_of3A_317] : memref<589824xi32, #tpu.memory_space<hbm>> -> memref<32xi32, #tpu.memory_space<hbm>>
          %dma_start3A_322 = arith.constant 0 : i32
          %dma_start3A_323 = tpu.memref_slice %arg9[%dma_start3A_322] : memref<8192xi32, #tpu.memory_space<vmem>> -> memref<32xi32, #tpu.memory_space<vmem>>
          tpu.enqueue_dma source(%dma_start3A_323 : memref<32xi32, #tpu.memory_space<vmem>>) target(%dma_start3A_321 : memref<32xi32, #tpu.memory_space<hbm>>) target_semaphore(%run_scoped3A : memref<!tpu.dma_semaphore, #tpu.memory_space<semaphore_mem>>)
          %dma_wait3A = arith.constant 0 : i32
          %dma_wait3A_324 = tpu.memref_slice %arg9[%dma_wait3A] : memref<8192xi32, #tpu.memory_space<vmem>> -> memref<32xi32, #tpu.memory_space<vmem>>
          %dma_wait3A_325 = tpu.memref_slice %arg4[%multiple_of3A_317] : memref<589824xi32, #tpu.memory_space<hbm>> -> memref<32xi32, #tpu.memory_space<hbm>>
          %dma_wait3A_326 = tpu.memref_slice %arg4[%multiple_of3A_317] : memref<589824xi32, #tpu.memory_space<hbm>> -> memref<32xi32, #tpu.memory_space<hbm>>
          %dma_wait3A_327 = arith.constant 0 : i32
          %dma_wait3A_328 = tpu.memref_slice %arg9[%dma_wait3A_327] : memref<8192xi32, #tpu.memory_space<vmem>> -> memref<32xi32, #tpu.memory_space<vmem>>
          tpu.wait_dma2 semaphore(%run_scoped3A : memref<!tpu.dma_semaphore, #tpu.memory_space<semaphore_mem>>) src(%dma_wait3A_328 : memref<32xi32, #tpu.memory_space<vmem>>) dst(%dma_wait3A_326 : memref<32xi32, #tpu.memory_space<hbm>>)
          tpu.yield
        }) : () -> ()
      } else {
      }
      %jit3A_302 = arith.constant 32 : i32
      %jit3A_303 = arith.constant 0 : i32
      %select_n3A_304 = arith.select %ne3A_298, %jit3A_302, %jit3A_303 : i32
      %add3A_305 = arith.addi %add3A_294, %select_n3A_304 : i32
      %and3A_306 = arith.constant 16 : i32
      %and3A_307 = arith.andi %sub3A_217, %and3A_306 : i32
      %ne3A_308 = arith.constant 0 : i32
      %ne3A_309 = arith.cmpi ne, %and3A_307, %ne3A_308 : i32
      %convert_element_type3A_310 = arith.extui %ne3A_309 : i1 to i32
      %cond3A_311 = arith.constant 0 : i32
      %cond3A_312 = arith.cmpi ne, %convert_element_type3A_310, %cond3A_311 : i32
      scf.if %cond3A_312 {
        %multiple_of3A_317 = tpu.assume_multiple %add3A_305, 16 : i32
        "tpu.region"() ({
          %run_scoped3A = tpu.sem_alloc : memref<!tpu.dma_semaphore, #tpu.memory_space<semaphore_mem>>
          %dma_start3A_318 = arith.constant 0 : i32
          %dma_start3A_319 = tpu.memref_slice %arg9[%dma_start3A_318] : memref<8192xi32, #tpu.memory_space<vmem>> -> memref<16xi32, #tpu.memory_space<vmem>>
          %dma_start3A_320 = tpu.memref_slice %arg4[%multiple_of3A_317] : memref<589824xi32, #tpu.memory_space<hbm>> -> memref<16xi32, #tpu.memory_space<hbm>>
          %dma_start3A_321 = tpu.memref_slice %arg4[%multiple_of3A_317] : memref<589824xi32, #tpu.memory_space<hbm>> -> memref<16xi32, #tpu.memory_space<hbm>>
          %dma_start3A_322 = arith.constant 0 : i32
          %dma_start3A_323 = tpu.memref_slice %arg9[%dma_start3A_322] : memref<8192xi32, #tpu.memory_space<vmem>> -> memref<16xi32, #tpu.memory_space<vmem>>
          tpu.enqueue_dma source(%dma_start3A_323 : memref<16xi32, #tpu.memory_space<vmem>>) target(%dma_start3A_321 : memref<16xi32, #tpu.memory_space<hbm>>) target_semaphore(%run_scoped3A : memref<!tpu.dma_semaphore, #tpu.memory_space<semaphore_mem>>)
          %dma_wait3A = arith.constant 0 : i32
          %dma_wait3A_324 = tpu.memref_slice %arg9[%dma_wait3A] : memref<8192xi32, #tpu.memory_space<vmem>> -> memref<16xi32, #tpu.memory_space<vmem>>
          %dma_wait3A_325 = tpu.memref_slice %arg4[%multiple_of3A_317] : memref<589824xi32, #tpu.memory_space<hbm>> -> memref<16xi32, #tpu.memory_space<hbm>>
          %dma_wait3A_326 = tpu.memref_slice %arg4[%multiple_of3A_317] : memref<589824xi32, #tpu.memory_space<hbm>> -> memref<16xi32, #tpu.memory_space<hbm>>
          %dma_wait3A_327 = arith.constant 0 : i32
          %dma_wait3A_328 = tpu.memref_slice %arg9[%dma_wait3A_327] : memref<8192xi32, #tpu.memory_space<vmem>> -> memref<16xi32, #tpu.memory_space<vmem>>
          tpu.wait_dma2 semaphore(%run_scoped3A : memref<!tpu.dma_semaphore, #tpu.memory_space<semaphore_mem>>) src(%dma_wait3A_328 : memref<16xi32, #tpu.memory_space<vmem>>) dst(%dma_wait3A_326 : memref<16xi32, #tpu.memory_space<hbm>>)
          tpu.yield
        }) : () -> ()
      } else {
      }
      %jit3A_313 = arith.constant 16 : i32
      %jit3A_314 = arith.constant 0 : i32
      %select_n3A_315 = arith.select %ne3A_309, %jit3A_313, %jit3A_314 : i32
      %add3A_316 = arith.addi %add3A_305, %select_n3A_315 : i32
    } else {
    }
    return
  }
}

#map = affine_map<(d0, d1) -> (0)>
#map1 = affine_map<(d0, d1) -> (0, 0)>
module attributes {stable_mosaic.version = 14 : i64} {
  func.func @scatter_kernel(%arg0: i32, %arg1: i32, %arg2: memref<589824xi32, #tpu.memory_space<hbm>>, %arg3: memref<589824xi32, #tpu.memory_space<hbm>>, %arg4: memref<16xi32, #tpu.memory_space<hbm>>, %arg5: memref<32x2048xi32, #tpu.memory_space<hbm>>, %arg6: memref<589824xi32, #tpu.memory_space<hbm>>, %arg7: memref<589824xi32, #tpu.memory_space<hbm>>, %arg8: memref<36864xi32, #tpu.memory_space<vmem>>, %arg9: memref<36864xi32, #tpu.memory_space<vmem>>, %arg10: memref<288x128xi32, #tpu.memory_space<vmem>>, %arg11: memref<72x128xi32, #tpu.memory_space<vmem>>, %arg12: memref<2048xi32, #tpu.memory_space<vmem>>, %arg13: memref<16xi32, #tpu.memory_space<vmem>>, %arg14: memref<65568xi32, #tpu.memory_space<vmem_shared>>, %arg15: memref<65568xi32, #tpu.memory_space<vmem_shared>>, %arg16: memref<!tpu.dma_semaphore, #tpu.memory_space<semaphore_mem>>) attributes {dimension_semantics = [#tpu.dimension_semantics<core_parallel>, #tpu.dimension_semantics<subcore_parallel>], iteration_bounds = array<i64: 2, 16>, scalar_prefetch = 0 : i64, scratch_operands = 9 : i64, tpu.core_type = #tpu.core_type<sc_vector_subcore>, window_params = [{transform_indices = #map}, {transform_indices = #map}, {transform_indices = #map}, {transform_indices = #map1}, {transform_indices = #map}, {transform_indices = #map}]} {
    %mul3A = arith.constant 36864 : i32
    %mul3A_0 = arith.muli %arg1, %mul3A : i32
    %multiple_of3A = tpu.assume_multiple %mul3A_0, 16 : i32
    "tpu.region"() ({
      %run_scoped3A = tpu.sem_alloc : memref<!tpu.dma_semaphore, #tpu.memory_space<semaphore_mem>>
      %dma_start3A = tpu.memref_slice %arg2[%multiple_of3A] : memref<589824xi32, #tpu.memory_space<hbm>> -> memref<36864xi32, #tpu.memory_space<hbm>>
      %dma_start3A_36 = tpu.memref_slice %arg2[%multiple_of3A] : memref<589824xi32, #tpu.memory_space<hbm>> -> memref<36864xi32, #tpu.memory_space<hbm>>
      tpu.enqueue_dma source(%dma_start3A_36 : memref<36864xi32, #tpu.memory_space<hbm>>) target(%arg8 : memref<36864xi32, #tpu.memory_space<vmem>>) target_semaphore(%run_scoped3A : memref<!tpu.dma_semaphore, #tpu.memory_space<semaphore_mem>>)
      %dma_wait3A = tpu.memref_slice %arg2[%multiple_of3A] : memref<589824xi32, #tpu.memory_space<hbm>> -> memref<36864xi32, #tpu.memory_space<hbm>>
      %dma_wait3A_37 = tpu.memref_slice %arg2[%multiple_of3A] : memref<589824xi32, #tpu.memory_space<hbm>> -> memref<36864xi32, #tpu.memory_space<hbm>>
      tpu.wait_dma2 semaphore(%run_scoped3A : memref<!tpu.dma_semaphore, #tpu.memory_space<semaphore_mem>>) src(%dma_wait3A_37 : memref<36864xi32, #tpu.memory_space<hbm>>) dst(%arg8 : memref<36864xi32, #tpu.memory_space<vmem>>)
      tpu.yield
    }) : () -> ()
    %multiple_of3A_1 = tpu.assume_multiple %mul3A_0, 16 : i32
    "tpu.region"() ({
      %run_scoped3A = tpu.sem_alloc : memref<!tpu.dma_semaphore, #tpu.memory_space<semaphore_mem>>
      %dma_start3A = tpu.memref_slice %arg3[%multiple_of3A_1] : memref<589824xi32, #tpu.memory_space<hbm>> -> memref<36864xi32, #tpu.memory_space<hbm>>
      %dma_start3A_36 = tpu.memref_slice %arg3[%multiple_of3A_1] : memref<589824xi32, #tpu.memory_space<hbm>> -> memref<36864xi32, #tpu.memory_space<hbm>>
      tpu.enqueue_dma source(%dma_start3A_36 : memref<36864xi32, #tpu.memory_space<hbm>>) target(%arg9 : memref<36864xi32, #tpu.memory_space<vmem>>) target_semaphore(%run_scoped3A : memref<!tpu.dma_semaphore, #tpu.memory_space<semaphore_mem>>)
      %dma_wait3A = tpu.memref_slice %arg3[%multiple_of3A_1] : memref<589824xi32, #tpu.memory_space<hbm>> -> memref<36864xi32, #tpu.memory_space<hbm>>
      %dma_wait3A_37 = tpu.memref_slice %arg3[%multiple_of3A_1] : memref<589824xi32, #tpu.memory_space<hbm>> -> memref<36864xi32, #tpu.memory_space<hbm>>
      tpu.wait_dma2 semaphore(%run_scoped3A : memref<!tpu.dma_semaphore, #tpu.memory_space<semaphore_mem>>) src(%dma_wait3A_37 : memref<36864xi32, #tpu.memory_space<hbm>>) dst(%arg9 : memref<36864xi32, #tpu.memory_space<vmem>>)
      tpu.yield
    }) : () -> ()
    %mul3A_2 = arith.constant 2 : i32
    %mul3A_3 = arith.muli %mul3A_2, %arg1 : i32
    "tpu.region"() ({
      %run_scoped3A = tpu.sem_alloc : memref<!tpu.dma_semaphore, #tpu.memory_space<semaphore_mem>>
      %dma_start3A = arith.constant 0 : i32
      %dma_start3A_36 = tpu.memref_slice %arg5[%mul3A_3, %dma_start3A] : memref<32x2048xi32, #tpu.memory_space<hbm>> -> memref<1x2048xi32, #tpu.memory_space<hbm>>
      %dma_start3A_37 = tpu.memref_squeeze %dma_start3A_36 : memref<1x2048xi32, #tpu.memory_space<hbm>> -> memref<2048xi32, #tpu.memory_space<hbm>>
      %dma_start3A_38 = arith.constant 0 : i32
      %dma_start3A_39 = tpu.memref_slice %arg5[%mul3A_3, %dma_start3A_38] : memref<32x2048xi32, #tpu.memory_space<hbm>> -> memref<1x2048xi32, #tpu.memory_space<hbm>>
      %dma_start3A_40 = tpu.memref_squeeze %dma_start3A_39 : memref<1x2048xi32, #tpu.memory_space<hbm>> -> memref<2048xi32, #tpu.memory_space<hbm>>
      tpu.enqueue_dma source(%dma_start3A_40 : memref<2048xi32, #tpu.memory_space<hbm>>) target(%arg12 : memref<2048xi32, #tpu.memory_space<vmem>>) target_semaphore(%run_scoped3A : memref<!tpu.dma_semaphore, #tpu.memory_space<semaphore_mem>>)
      %dma_wait3A = arith.constant 0 : i32
      %dma_wait3A_41 = tpu.memref_slice %arg5[%mul3A_3, %dma_wait3A] : memref<32x2048xi32, #tpu.memory_space<hbm>> -> memref<1x2048xi32, #tpu.memory_space<hbm>>
      %dma_wait3A_42 = tpu.memref_squeeze %dma_wait3A_41 : memref<1x2048xi32, #tpu.memory_space<hbm>> -> memref<2048xi32, #tpu.memory_space<hbm>>
      %dma_wait3A_43 = arith.constant 0 : i32
      %dma_wait3A_44 = tpu.memref_slice %arg5[%mul3A_3, %dma_wait3A_43] : memref<32x2048xi32, #tpu.memory_space<hbm>> -> memref<1x2048xi32, #tpu.memory_space<hbm>>
      %dma_wait3A_45 = tpu.memref_squeeze %dma_wait3A_44 : memref<1x2048xi32, #tpu.memory_space<hbm>> -> memref<2048xi32, #tpu.memory_space<hbm>>
      tpu.wait_dma2 semaphore(%run_scoped3A : memref<!tpu.dma_semaphore, #tpu.memory_space<semaphore_mem>>) src(%dma_wait3A_45 : memref<2048xi32, #tpu.memory_space<hbm>>) dst(%arg12 : memref<2048xi32, #tpu.memory_space<vmem>>)
      tpu.yield
    }) : () -> ()
    "tpu.region"() ({
      %run_scoped3A = tpu.sem_alloc : memref<!tpu.dma_semaphore, #tpu.memory_space<semaphore_mem>>
      tpu.enqueue_dma source(%arg4 : memref<16xi32, #tpu.memory_space<hbm>>) target(%arg13 : memref<16xi32, #tpu.memory_space<vmem>>) target_semaphore(%run_scoped3A : memref<!tpu.dma_semaphore, #tpu.memory_space<semaphore_mem>>)
      tpu.wait_dma2 semaphore(%run_scoped3A : memref<!tpu.dma_semaphore, #tpu.memory_space<semaphore_mem>>) src(%arg4 : memref<16xi32, #tpu.memory_space<hbm>>) dst(%arg13 : memref<16xi32, #tpu.memory_space<vmem>>)
      tpu.yield
    }) : () -> ()
    %get3A = arith.constant 0 : index
    %get3A_4 = tpu.vector_load %arg13[%get3A] {strides = array<i32>} : memref<16xi32, #tpu.memory_space<vmem>>, vector<16xi32>,
    %broadcast_in_dim3A = arith.constant 0 : i32
    %broadcast_in_dim3A_5 = vector.broadcast %broadcast_in_dim3A : i32 to vector<16xi32>
    %slice3A = vector.extract_strided_slice %get3A_4 {offsets = [0], sizes = [1], strides = [1]} : vector<16xi32> to vector<1xi32>
    %squeeze3A = vector.extract %slice3A[0] : i32 from vector<1xi32>
    %add3A = vector.broadcast %squeeze3A : i32 to vector<16xi32>
    %add3A_6 = arith.addi %broadcast_in_dim3A_5, %add3A : vector<16xi32>
    %broadcast_in_dim3A_7 = arith.constant 0 : i32
    %broadcast_in_dim3A_8 = vector.broadcast %broadcast_in_dim3A_7 : i32 to vector<16xi32>
    %slice3A_9 = vector.extract_strided_slice %get3A_4 {offsets = [1], sizes = [1], strides = [1]} : vector<16xi32> to vector<1xi32>
    %squeeze3A_10 = vector.extract %slice3A_9[0] : i32 from vector<1xi32>
    %add3A_11 = vector.broadcast %squeeze3A_10 : i32 to vector<16xi32>
    %add3A_12 = arith.addi %broadcast_in_dim3A_8, %add3A_11 : vector<16xi32>
    %broadcast_in_dim3A_13 = arith.constant 0 : i32
    %broadcast_in_dim3A_14 = vector.broadcast %broadcast_in_dim3A_13 : i32 to vector<16xi32>
    %broadcast_in_dim3A_15 = arith.constant true
    %broadcast_in_dim3A_16 = vector.broadcast %broadcast_in_dim3A_15 : i1 to vector<16xi1>
    %unique3A, %unique3A_17 = tpu.scan_count mask(%broadcast_in_dim3A_16 : vector<16xi1>) value(%broadcast_in_dim3A_14 : vector<16xi32>) : vector<16xi1>, vector<16xi32>
    %reduce_min3A = arith.constant true
    %reduce_min3A_18 = vector.broadcast %reduce_min3A : i1 to vector<16xi1>
    %reduce_min3A_19 = arith.constant -2147483648 : i32
    %reduce_min3A_20 = vector.broadcast %reduce_min3A_19 : i32 to vector<16xi32>
    %reduce_min3A_21 = arith.xori %unique3A_17, %reduce_min3A_20 : vector<16xi32>
    %reduce_min3A_22 = tpu.scan <min>, %reduce_min3A_21 masked %reduce_min3A_18 : vector<16xi32>, vector<16xi1> -> vector<16xi32>
    %reduce_min3A_23 = arith.xori %reduce_min3A_22, %reduce_min3A_20 : vector<16xi32>
    %reduce_min3A_24 = vector.extract %reduce_min3A_23[15] : i32 from vector<16xi32>
    %scan3A = arith.constant 0 : i32
    %scan3A_25 = arith.constant 0 : i32
    %scan3A_26 = arith.constant 2304 : i32
    %scan3A_27 = arith.addi %scan3A_25, %scan3A_26 : i32
    %scan3A_28 = arith.constant 1 : i32
    scf.for %scan3A_36 = %scan3A_25 to %scan3A_27 step %scan3A_28  : i32 {
      %mul3A_37 = arith.constant 16 : i32
      %mul3A_38 = arith.muli %scan3A_36, %mul3A_37 : i32
      %get3A_39 = arith.index_cast %mul3A_38 : i32 to index
      %get3A_40 = tpu.vector_load %arg8[%get3A_39] {strides = array<i32>} : memref<36864xi32, #tpu.memory_space<vmem>>, vector<16xi32>,
      %bitcast_convert_type3A = tpu.bitcast %get3A_40 : vector<16xi32> -> vector<16xi32>
      %shift_right_logical3A = arith.shrui %bitcast_convert_type3A, %add3A_6 : vector<16xi32>
      %and3A = arith.andi %shift_right_logical3A, %add3A_12 : vector<16xi32>
      %broadcast_in_dim3A_41 = arith.constant true
      %broadcast_in_dim3A_42 = vector.broadcast %broadcast_in_dim3A_41 : i1 to vector<16xi1>
      %unique3A_43, %unique3A_44 = tpu.scan_count mask(%broadcast_in_dim3A_42 : vector<16xi1>) value(%and3A : vector<16xi32>) : vector<16xi1>, vector<16xi32>
      %sub3A = vector.broadcast %reduce_min3A_24 : i32 to vector<16xi32>
      %sub3A_45 = arith.subi %unique3A_44, %sub3A : vector<16xi32>
      %gather3A = tpu.vector_load_idx %arg12[%and3A] : memref<2048xi32, #tpu.memory_space<vmem>>[vector<16xi32>], vector<16xi32>,
      %add3A_46 = arith.addi %gather3A, %sub3A_45 : vector<16xi32>
      %add3A_47 = arith.constant 1 : i32
      %add3A_48 = vector.broadcast %add3A_47 : i32 to vector<16xi32>
      %add3A_49 = arith.addi %sub3A_45, %add3A_48 : vector<16xi32>
      tpu.vector_store_idx %arg12[%and3A], %add3A_49 masked %unique3A_43 {add = true} : memref<2048xi32, #tpu.memory_space<vmem>>[vector<16xi32>], vector<16xi32>, vector<16xi1>
      %jit3A = arith.constant 8 : i32
      %div3A = arith.divsi %scan3A_36, %jit3A : i32
      %sign3A = arith.constant 0 : i32
      %sign3A_50 = arith.cmpi sgt, %scan3A_36, %sign3A : i32
      %sign3A_51 = arith.extui %sign3A_50 : i1 to i32
      %sign3A_52 = arith.constant 0 : i32
      %sign3A_53 = arith.cmpi slt, %scan3A_36, %sign3A_52 : i32
      %sign3A_54 = arith.extui %sign3A_53 : i1 to i32
      %sign3A_55 = arith.subi %sign3A_51, %sign3A_54 : i32
      %sign3A_56 = arith.constant 0 : i32
      %sign3A_57 = arith.cmpi sgt, %jit3A, %sign3A_56 : i32
      %sign3A_58 = arith.extui %sign3A_57 : i1 to i32
      %sign3A_59 = arith.constant 0 : i32
      %sign3A_60 = arith.cmpi slt, %jit3A, %sign3A_59 : i32
      %sign3A_61 = arith.extui %sign3A_60 : i1 to i32
      %sign3A_62 = arith.subi %sign3A_58, %sign3A_61 : i32
      %ne3A = arith.cmpi ne, %sign3A_55, %sign3A_62 : i32
      %rem3A = arith.remsi %scan3A_36, %jit3A : i32
      %ne3A_63 = arith.constant 0 : i32
      %ne3A_64 = arith.cmpi ne, %rem3A, %ne3A_63 : i32
      %and3A_65 = arith.andi %ne3A, %ne3A_64 : i1
      %sub3A_66 = arith.constant 1 : i32
      %sub3A_67 = arith.subi %div3A, %sub3A_66 : i32
      %select_n3A = arith.select %and3A_65, %sub3A_67, %div3A : i32
      %jit3A_68 = arith.constant 8 : i32
      %eq3A = arith.constant 0 : i32
      %eq3A_69 = arith.cmpi eq, %jit3A_68, %eq3A : i32
      %jit3A_70 = arith.constant 1 : i32
      %select_n3A_71 = arith.select %eq3A_69, %jit3A_70, %jit3A_68 : i32
      %rem3A_72 = arith.remsi %scan3A_36, %select_n3A_71 : i32
      %ne3A_73 = arith.constant 0 : i32
      %ne3A_74 = arith.cmpi ne, %rem3A_72, %ne3A_73 : i32
      %lt3A = arith.constant 0 : i32
      %lt3A_75 = arith.cmpi slt, %rem3A_72, %lt3A : i32
      %lt3A_76 = arith.constant 0 : i32
      %lt3A_77 = arith.cmpi slt, %select_n3A_71, %lt3A_76 : i32
      %ne3A_78 = arith.xori %lt3A_75, %lt3A_77 : i1
      %and3A_79 = arith.andi %ne3A_78, %ne3A_74 : i1
      %add3A_80 = arith.addi %rem3A_72, %select_n3A_71 : i32
      %select_n3A_81 = arith.select %and3A_79, %add3A_80, %rem3A_72 : i32
      %mul3A_82 = arith.constant 16 : i32
      %mul3A_83 = arith.muli %select_n3A_81, %mul3A_82 : i32
      %swap3A = arith.index_cast %select_n3A : i32 to index
      %swap3A_84 = arith.index_cast %mul3A_83 : i32 to index
      %swap3A_85 = tpu.vector_load %arg10[%swap3A, %swap3A_84] {strides = array<i32>} : memref<288x128xi32, #tpu.memory_space<vmem>>, vector<16xi32>,
      tpu.vector_store %arg10[%swap3A, %swap3A_84], %add3A_46 {strides = array<i32>} : memref<288x128xi32, #tpu.memory_space<vmem>>, vector<16xi32>,
    }
    %scan3A_29 = arith.constant 2304 : i32
    %scan3A_30 = arith.constant 0 : i32
    %scan3A_31 = arith.constant 0 : i32
    %scan3A_32 = arith.constant 5 : i32
    %scan3A_33 = arith.addi %scan3A_31, %scan3A_32 : i32
    %scan3A_34 = arith.constant 1 : i32
    scf.for %scan3A_36 = %scan3A_31 to %scan3A_33 step %scan3A_34  : i32 {
      %mul3A_37 = arith.constant 4 : i32
      %mul3A_38 = arith.muli %arg0, %mul3A_37 : i32
      %add3A_39 = arith.addi %mul3A_38, %scan3A_36 : i32
      %mul3A_40 = arith.constant 65536 : i32
      %mul3A_41 = arith.muli %add3A_39, %mul3A_40 : i32
      %scan3A_42 = arith.constant 0 : i32
      %scan3A_43 = arith.constant 0 : i32
      %scan3A_44 = arith.constant 4 : i32
      %scan3A_45 = arith.addi %scan3A_43, %scan3A_44 : i32
      %scan3A_46 = arith.constant 1 : i32
      scf.for %scan3A_53 = %scan3A_43 to %scan3A_45 step %scan3A_46  : i32 {
        %scan3A_54 = arith.constant 0 : i32
        %scan3A_55 = arith.constant 0 : i32
        %scan3A_56 = arith.constant 576 : i32
        %scan3A_57 = arith.addi %scan3A_55, %scan3A_56 : i32
        %scan3A_58 = arith.constant 1 : i32
        scf.for %scan3A_84 = %scan3A_55 to %scan3A_57 step %scan3A_58  : i32 {
          %mul3A_85 = arith.constant 72 : i32
          %mul3A_86 = arith.muli %scan3A_53, %mul3A_85 : i32
          %jit3A = arith.constant 8 : i32
          %div3A = arith.divsi %scan3A_84, %jit3A : i32
          %sign3A = arith.constant 0 : i32
          %sign3A_87 = arith.cmpi sgt, %scan3A_84, %sign3A : i32
          %sign3A_88 = arith.extui %sign3A_87 : i1 to i32
          %sign3A_89 = arith.constant 0 : i32
          %sign3A_90 = arith.cmpi slt, %scan3A_84, %sign3A_89 : i32
          %sign3A_91 = arith.extui %sign3A_90 : i1 to i32
          %sign3A_92 = arith.subi %sign3A_88, %sign3A_91 : i32
          %sign3A_93 = arith.constant 0 : i32
          %sign3A_94 = arith.cmpi sgt, %jit3A, %sign3A_93 : i32
          %sign3A_95 = arith.extui %sign3A_94 : i1 to i32
          %sign3A_96 = arith.constant 0 : i32
          %sign3A_97 = arith.cmpi slt, %jit3A, %sign3A_96 : i32
          %sign3A_98 = arith.extui %sign3A_97 : i1 to i32
          %sign3A_99 = arith.subi %sign3A_95, %sign3A_98 : i32
          %ne3A = arith.cmpi ne, %sign3A_92, %sign3A_99 : i32
          %rem3A = arith.remsi %scan3A_84, %jit3A : i32
          %ne3A_100 = arith.constant 0 : i32
          %ne3A_101 = arith.cmpi ne, %rem3A, %ne3A_100 : i32
          %and3A = arith.andi %ne3A, %ne3A_101 : i1
          %sub3A = arith.constant 1 : i32
          %sub3A_102 = arith.subi %div3A, %sub3A : i32
          %select_n3A = arith.select %and3A, %sub3A_102, %div3A : i32
          %add3A_103 = arith.addi %mul3A_86, %select_n3A : i32
          %jit3A_104 = arith.constant 8 : i32
          %eq3A = arith.constant 0 : i32
          %eq3A_105 = arith.cmpi eq, %jit3A_104, %eq3A : i32
          %jit3A_106 = arith.constant 1 : i32
          %select_n3A_107 = arith.select %eq3A_105, %jit3A_106, %jit3A_104 : i32
          %rem3A_108 = arith.remsi %scan3A_84, %select_n3A_107 : i32
          %ne3A_109 = arith.constant 0 : i32
          %ne3A_110 = arith.cmpi ne, %rem3A_108, %ne3A_109 : i32
          %lt3A = arith.constant 0 : i32
          %lt3A_111 = arith.cmpi slt, %rem3A_108, %lt3A : i32
          %lt3A_112 = arith.constant 0 : i32
          %lt3A_113 = arith.cmpi slt, %select_n3A_107, %lt3A_112 : i32
          %ne3A_114 = arith.xori %lt3A_111, %lt3A_113 : i1
          %and3A_115 = arith.andi %ne3A_114, %ne3A_110 : i1
          %add3A_116 = arith.addi %rem3A_108, %select_n3A_107 : i32
          %select_n3A_117 = arith.select %and3A_115, %add3A_116, %rem3A_108 : i32
          %mul3A_118 = arith.constant 16 : i32
          %mul3A_119 = arith.muli %select_n3A_117, %mul3A_118 : i32
          %get3A_120 = arith.index_cast %add3A_103 : i32 to index
          %get3A_121 = arith.index_cast %mul3A_119 : i32 to index
          %get3A_122 = tpu.vector_load %arg10[%get3A_120, %get3A_121] {strides = array<i32>} : memref<288x128xi32, #tpu.memory_space<vmem>>, vector<16xi32>,
          %sub3A_123 = vector.broadcast %mul3A_41 : i32 to vector<16xi32>
          %sub3A_124 = arith.subi %get3A_122, %sub3A_123 : vector<16xi32>
          %ge3A = arith.constant 0 : i32
          %ge3A_125 = vector.broadcast %ge3A : i32 to vector<16xi32>
          %ge3A_126 = arith.cmpi sge, %sub3A_124, %ge3A_125 : vector<16xi32>
          %lt3A_127 = arith.constant 65536 : i32
          %lt3A_128 = vector.broadcast %lt3A_127 : i32 to vector<16xi32>
          %lt3A_129 = arith.cmpi slt, %sub3A_124, %lt3A_128 : vector<16xi32>
          %and3A_130 = arith.andi %ge3A_126, %lt3A_129 : vector<16xi1>
          %and3A_131 = arith.constant 31 : i32
          %and3A_132 = vector.broadcast %and3A_131 : i32 to vector<16xi32>
          %and3A_133 = arith.andi %get3A_122, %and3A_132 : vector<16xi32>
          %add3A_134 = arith.constant 65536 : i32
          %add3A_135 = vector.broadcast %add3A_134 : i32 to vector<16xi32>
          %add3A_136 = arith.addi %add3A_135, %and3A_133 : vector<16xi32>
          %select_n3A_137 = arith.select %and3A_130, %sub3A_124, %add3A_136 : vector<16xi1>, vector<16xi32>
          %jit3A_138 = arith.constant 8 : i32
          %div3A_139 = arith.divsi %scan3A_84, %jit3A_138 : i32
          %sign3A_140 = arith.constant 0 : i32
          %sign3A_141 = arith.cmpi sgt, %scan3A_84, %sign3A_140 : i32
          %sign3A_142 = arith.extui %sign3A_141 : i1 to i32
          %sign3A_143 = arith.constant 0 : i32
          %sign3A_144 = arith.cmpi slt, %scan3A_84, %sign3A_143 : i32
          %sign3A_145 = arith.extui %sign3A_144 : i1 to i32
          %sign3A_146 = arith.subi %sign3A_142, %sign3A_145 : i32
          %sign3A_147 = arith.constant 0 : i32
          %sign3A_148 = arith.cmpi sgt, %jit3A_138, %sign3A_147 : i32
          %sign3A_149 = arith.extui %sign3A_148 : i1 to i32
          %sign3A_150 = arith.constant 0 : i32
          %sign3A_151 = arith.cmpi slt, %jit3A_138, %sign3A_150 : i32
          %sign3A_152 = arith.extui %sign3A_151 : i1 to i32
          %sign3A_153 = arith.subi %sign3A_149, %sign3A_152 : i32
          %ne3A_154 = arith.cmpi ne, %sign3A_146, %sign3A_153 : i32
          %rem3A_155 = arith.remsi %scan3A_84, %jit3A_138 : i32
          %ne3A_156 = arith.constant 0 : i32
          %ne3A_157 = arith.cmpi ne, %rem3A_155, %ne3A_156 : i32
          %and3A_158 = arith.andi %ne3A_154, %ne3A_157 : i1
          %sub3A_159 = arith.constant 1 : i32
          %sub3A_160 = arith.subi %div3A_139, %sub3A_159 : i32
          %select_n3A_161 = arith.select %and3A_158, %sub3A_160, %div3A_139 : i32
          %jit3A_162 = arith.constant 8 : i32
          %eq3A_163 = arith.constant 0 : i32
          %eq3A_164 = arith.cmpi eq, %jit3A_162, %eq3A_163 : i32
          %jit3A_165 = arith.constant 1 : i32
          %select_n3A_166 = arith.select %eq3A_164, %jit3A_165, %jit3A_162 : i32
          %rem3A_167 = arith.remsi %scan3A_84, %select_n3A_166 : i32
          %ne3A_168 = arith.constant 0 : i32
          %ne3A_169 = arith.cmpi ne, %rem3A_167, %ne3A_168 : i32
          %lt3A_170 = arith.constant 0 : i32
          %lt3A_171 = arith.cmpi slt, %rem3A_167, %lt3A_170 : i32
          %lt3A_172 = arith.constant 0 : i32
          %lt3A_173 = arith.cmpi slt, %select_n3A_166, %lt3A_172 : i32
          %ne3A_174 = arith.xori %lt3A_171, %lt3A_173 : i1
          %and3A_175 = arith.andi %ne3A_174, %ne3A_169 : i1
          %add3A_176 = arith.addi %rem3A_167, %select_n3A_166 : i32
          %select_n3A_177 = arith.select %and3A_175, %add3A_176, %rem3A_167 : i32
          %mul3A_178 = arith.constant 16 : i32
          %mul3A_179 = arith.muli %select_n3A_177, %mul3A_178 : i32
          %swap3A = arith.index_cast %select_n3A_161 : i32 to index
          %swap3A_180 = arith.index_cast %mul3A_179 : i32 to index
          %swap3A_181 = tpu.vector_load %arg11[%swap3A, %swap3A_180] {strides = array<i32>} : memref<72x128xi32, #tpu.memory_space<vmem>>, vector<16xi32>,
          tpu.vector_store %arg11[%swap3A, %swap3A_180], %select_n3A_137 {strides = array<i32>} : memref<72x128xi32, #tpu.memory_space<vmem>>, vector<16xi32>,
        }
        %scan3A_59 = arith.constant 576 : i32
        %mul3A_60 = arith.constant 9216 : i32
        %mul3A_61 = arith.muli %scan3A_53, %mul3A_60 : i32
        %multiple_of3A_62 = tpu.assume_multiple %mul3A_61, 128 : i32
        %scan3A_63 = arith.constant 0 : i32
        %scan3A_64 = arith.constant 0 : i32
        %scan3A_65 = arith.constant 72 : i32
        %scan3A_66 = arith.addi %scan3A_64, %scan3A_65 : i32
        %scan3A_67 = arith.constant 1 : i32
        scf.for %scan3A_84 = %scan3A_64 to %scan3A_66 step %scan3A_67  : i32 {
          %mul3A_85 = arith.constant 128 : i32
          %mul3A_86 = arith.muli %scan3A_84, %mul3A_85 : i32
          %add3A_87 = arith.addi %multiple_of3A_62, %mul3A_86 : i32
          %multiple_of3A_88 = tpu.assume_multiple %add3A_87, 128 : i32
          %dma_start3A = tpu.memref_slice %arg8[%multiple_of3A_88] : memref<36864xi32, #tpu.memory_space<vmem>> -> memref<128xi32, #tpu.memory_space<vmem>>
          %dma_start3A_89 = arith.constant 0 : i32
          %dma_start3A_90 = tpu.memref_slice %arg11[%scan3A_84, %dma_start3A_89] : memref<72x128xi32, #tpu.memory_space<vmem>> -> memref<1x128xi32, #tpu.memory_space<vmem>>
          %dma_start3A_91 = tpu.memref_squeeze %dma_start3A_90 : memref<1x128xi32, #tpu.memory_space<vmem>> -> memref<128xi32, #tpu.memory_space<vmem>>
          %dma_start3A_92 = arith.constant 0 : i32
          %dma_start3A_93 = tpu.memref_slice %arg14[%dma_start3A_92] : memref<65568xi32, #tpu.memory_space<vmem_shared>> -> memref<65568xi32, #tpu.memory_space<vmem_shared>>
          tpu.enqueue_indirect_dma source(%dma_start3A : memref<128xi32, #tpu.memory_space<vmem>>) target(%dma_start3A_93 : memref<65568xi32, #tpu.memory_space<vmem_shared>>) offsets(%dma_start3A_91 : memref<128xi32, #tpu.memory_space<vmem>>) semaphore(%arg16 : memref<!tpu.dma_semaphore, #tpu.memory_space<semaphore_mem>>)
          %dma_start3A_94 = tpu.memref_slice %arg9[%multiple_of3A_88] : memref<36864xi32, #tpu.memory_space<vmem>> -> memref<128xi32, #tpu.memory_space<vmem>>
          %dma_start3A_95 = arith.constant 0 : i32
          %dma_start3A_96 = tpu.memref_slice %arg11[%scan3A_84, %dma_start3A_95] : memref<72x128xi32, #tpu.memory_space<vmem>> -> memref<1x128xi32, #tpu.memory_space<vmem>>
          %dma_start3A_97 = tpu.memref_squeeze %dma_start3A_96 : memref<1x128xi32, #tpu.memory_space<vmem>> -> memref<128xi32, #tpu.memory_space<vmem>>
          %dma_start3A_98 = arith.constant 0 : i32
          %dma_start3A_99 = tpu.memref_slice %arg15[%dma_start3A_98] : memref<65568xi32, #tpu.memory_space<vmem_shared>> -> memref<65568xi32, #tpu.memory_space<vmem_shared>>
          tpu.enqueue_indirect_dma source(%dma_start3A_94 : memref<128xi32, #tpu.memory_space<vmem>>) target(%dma_start3A_99 : memref<65568xi32, #tpu.memory_space<vmem_shared>>) offsets(%dma_start3A_97 : memref<128xi32, #tpu.memory_space<vmem>>) semaphore(%arg16 : memref<!tpu.dma_semaphore, #tpu.memory_space<semaphore_mem>>)
        }
        %scan3A_68 = arith.constant 72 : i32
        %dma_wait3A = arith.constant 0 : i32
        %dma_wait3A_69 = tpu.memref_slice %arg8[%dma_wait3A] : memref<36864xi32, #tpu.memory_space<vmem>> -> memref<9216xi32, #tpu.memory_space<vmem>>
        %dma_wait3A_70 = arith.constant 0 : i32
        %dma_wait3A_71 = tpu.memref_slice %arg2[%dma_wait3A_70] : memref<589824xi32, #tpu.memory_space<hbm>> -> memref<9216xi32, #tpu.memory_space<hbm>>
        %dma_wait3A_72 = arith.constant 0 : i32
        %dma_wait3A_73 = tpu.memref_slice %arg8[%dma_wait3A_72] : memref<36864xi32, #tpu.memory_space<vmem>> -> memref<9216xi32, #tpu.memory_space<vmem>>
        %dma_wait3A_74 = arith.constant 0 : i32
        %dma_wait3A_75 = tpu.memref_slice %arg2[%dma_wait3A_74] : memref<589824xi32, #tpu.memory_space<hbm>> -> memref<9216xi32, #tpu.memory_space<hbm>>
        tpu.wait_dma2 semaphore(%arg16 : memref<!tpu.dma_semaphore, #tpu.memory_space<semaphore_mem>>) src(%dma_wait3A_75 : memref<9216xi32, #tpu.memory_space<hbm>>) dst(%dma_wait3A_73 : memref<9216xi32, #tpu.memory_space<vmem>>)
        %dma_wait3A_76 = arith.constant 0 : i32
        %dma_wait3A_77 = tpu.memref_slice %arg9[%dma_wait3A_76] : memref<36864xi32, #tpu.memory_space<vmem>> -> memref<9216xi32, #tpu.memory_space<vmem>>
        %dma_wait3A_78 = arith.constant 0 : i32
        %dma_wait3A_79 = tpu.memref_slice %arg2[%dma_wait3A_78] : memref<589824xi32, #tpu.memory_space<hbm>> -> memref<9216xi32, #tpu.memory_space<hbm>>
        %dma_wait3A_80 = arith.constant 0 : i32
        %dma_wait3A_81 = tpu.memref_slice %arg9[%dma_wait3A_80] : memref<36864xi32, #tpu.memory_space<vmem>> -> memref<9216xi32, #tpu.memory_space<vmem>>
        %dma_wait3A_82 = arith.constant 0 : i32
        %dma_wait3A_83 = tpu.memref_slice %arg2[%dma_wait3A_82] : memref<589824xi32, #tpu.memory_space<hbm>> -> memref<9216xi32, #tpu.memory_space<hbm>>
        tpu.wait_dma2 semaphore(%arg16 : memref<!tpu.dma_semaphore, #tpu.memory_space<semaphore_mem>>) src(%dma_wait3A_83 : memref<9216xi32, #tpu.memory_space<hbm>>) dst(%dma_wait3A_81 : memref<9216xi32, #tpu.memory_space<vmem>>)
      }
      %scan3A_47 = arith.constant 4 : i32
      %barrier3A = arith.constant 0 : index
      tpu.barrier barrier_id(%barrier3A)
      %mul3A_48 = arith.constant 4096 : i32
      %mul3A_49 = arith.muli %arg1, %mul3A_48 : i32
      %add3A_50 = arith.addi %mul3A_41, %mul3A_49 : i32
      %multiple_of3A_51 = tpu.assume_multiple %add3A_50, 16 : i32
      "tpu.region"() ({
        %run_scoped3A = tpu.sem_alloc : memref<!tpu.dma_semaphore, #tpu.memory_space<semaphore_mem>>
        %dma_start3A = tpu.memref_slice %arg6[%multiple_of3A_51] : memref<589824xi32, #tpu.memory_space<hbm>> -> memref<4096xi32, #tpu.memory_space<hbm>>
        %dma_start3A_53 = tpu.memref_slice %arg14[%mul3A_49] : memref<65568xi32, #tpu.memory_space<vmem_shared>> -> memref<4096xi32, #tpu.memory_space<vmem_shared>>
        tpu.enqueue_dma source(%dma_start3A_53 : memref<4096xi32, #tpu.memory_space<vmem_shared>>) target(%dma_start3A : memref<4096xi32, #tpu.memory_space<hbm>>) target_semaphore(%run_scoped3A : memref<!tpu.dma_semaphore, #tpu.memory_space<semaphore_mem>>)
        %dma_wait3A = tpu.memref_slice %arg6[%multiple_of3A_51] : memref<589824xi32, #tpu.memory_space<hbm>> -> memref<4096xi32, #tpu.memory_space<hbm>>
        %dma_wait3A_54 = tpu.memref_slice %arg14[%mul3A_49] : memref<65568xi32, #tpu.memory_space<vmem_shared>> -> memref<4096xi32, #tpu.memory_space<vmem_shared>>
        tpu.wait_dma2 semaphore(%run_scoped3A : memref<!tpu.dma_semaphore, #tpu.memory_space<semaphore_mem>>) src(%dma_wait3A_54 : memref<4096xi32, #tpu.memory_space<vmem_shared>>) dst(%dma_wait3A : memref<4096xi32, #tpu.memory_space<hbm>>)
        tpu.yield
      }) : () -> ()
      "tpu.region"() ({
        %run_scoped3A = tpu.sem_alloc : memref<!tpu.dma_semaphore, #tpu.memory_space<semaphore_mem>>
        %dma_start3A = tpu.memref_slice %arg7[%multiple_of3A_51] : memref<589824xi32, #tpu.memory_space<hbm>> -> memref<4096xi32, #tpu.memory_space<hbm>>
        %dma_start3A_53 = tpu.memref_slice %arg15[%mul3A_49] : memref<65568xi32, #tpu.memory_space<vmem_shared>> -> memref<4096xi32, #tpu.memory_space<vmem_shared>>
        tpu.enqueue_dma source(%dma_start3A_53 : memref<4096xi32, #tpu.memory_space<vmem_shared>>) target(%dma_start3A : memref<4096xi32, #tpu.memory_space<hbm>>) target_semaphore(%run_scoped3A : memref<!tpu.dma_semaphore, #tpu.memory_space<semaphore_mem>>)
        %dma_wait3A = tpu.memref_slice %arg7[%multiple_of3A_51] : memref<589824xi32, #tpu.memory_space<hbm>> -> memref<4096xi32, #tpu.memory_space<hbm>>
        %dma_wait3A_54 = tpu.memref_slice %arg15[%mul3A_49] : memref<65568xi32, #tpu.memory_space<vmem_shared>> -> memref<4096xi32, #tpu.memory_space<vmem_shared>>
        tpu.wait_dma2 semaphore(%run_scoped3A : memref<!tpu.dma_semaphore, #tpu.memory_space<semaphore_mem>>) src(%dma_wait3A_54 : memref<4096xi32, #tpu.memory_space<vmem_shared>>) dst(%dma_wait3A : memref<4096xi32, #tpu.memory_space<hbm>>)
        tpu.yield
      }) : () -> ()
      %barrier3A_52 = arith.constant 0 : index
      tpu.barrier barrier_id(%barrier3A_52)
    }
    %scan3A_35 = arith.constant 5 : i32
    return
  }
}

#map = affine_map<(d0, d1) -> (0)>
#map1 = affine_map<(d0, d1) -> (0, 0)>
module attributes {stable_mosaic.version = 14 : i64} {
  func.func @count_kernel(%arg0: i32, %arg1: i32, %arg2: memref<589824xi32, #tpu.memory_space<hbm>>, %arg3: memref<16xi32, #tpu.memory_space<hbm>>, %arg4: memref<32x2048xi32, #tpu.memory_space<hbm>>, %arg5: memref<18432xi32, #tpu.memory_space<vmem>>, %arg6: memref<32768xi32, #tpu.memory_space<vmem>>, %arg7: memref<16xi32, #tpu.memory_space<vmem>>) attributes {dimension_semantics = [#tpu.dimension_semantics<core_parallel>, #tpu.dimension_semantics<subcore_parallel>], iteration_bounds = array<i64: 2, 16>, scalar_prefetch = 0 : i64, scratch_operands = 3 : i64, tpu.core_type = #tpu.core_type<sc_vector_subcore>, window_params = [{transform_indices = #map}, {transform_indices = #map}, {transform_indices = #map1}]} {
    %mul3A = arith.constant 2 : i32
    %mul3A_0 = arith.muli %arg1, %mul3A : i32
    %add3A = arith.addi %mul3A_0, %arg0 : i32
    %iota3A = tpu.iota {dimensions = array<i32: 0>} : vector<16xi32>
    %broadcast_in_dim3A = arith.constant 1 : i32
    %broadcast_in_dim3A_1 = vector.broadcast %broadcast_in_dim3A : i32 to vector<16xi32>
    "tpu.region"() ({
      %run_scoped3A = tpu.sem_alloc : memref<!tpu.dma_semaphore, #tpu.memory_space<semaphore_mem>>
      tpu.enqueue_dma source(%arg3 : memref<16xi32, #tpu.memory_space<hbm>>) target(%arg7 : memref<16xi32, #tpu.memory_space<vmem>>) target_semaphore(%run_scoped3A : memref<!tpu.dma_semaphore, #tpu.memory_space<semaphore_mem>>)
      tpu.wait_dma2 semaphore(%run_scoped3A : memref<!tpu.dma_semaphore, #tpu.memory_space<semaphore_mem>>) src(%arg3 : memref<16xi32, #tpu.memory_space<hbm>>) dst(%arg7 : memref<16xi32, #tpu.memory_space<vmem>>)
      tpu.yield
    }) : () -> ()
    %get3A = arith.constant 0 : index
    %get3A_2 = tpu.vector_load %arg7[%get3A] {strides = array<i32>} : memref<16xi32, #tpu.memory_space<vmem>>, vector<16xi32>,
    %broadcast_in_dim3A_3 = arith.constant 0 : i32
    %broadcast_in_dim3A_4 = vector.broadcast %broadcast_in_dim3A_3 : i32 to vector<16xi32>
    %slice3A = vector.extract_strided_slice %get3A_2 {offsets = [0], sizes = [1], strides = [1]} : vector<16xi32> to vector<1xi32>
    %squeeze3A = vector.extract %slice3A[0] : i32 from vector<1xi32>
    %add3A_5 = vector.broadcast %squeeze3A : i32 to vector<16xi32>
    %add3A_6 = arith.addi %broadcast_in_dim3A_4, %add3A_5 : vector<16xi32>
    %broadcast_in_dim3A_7 = arith.constant 0 : i32
    %broadcast_in_dim3A_8 = vector.broadcast %broadcast_in_dim3A_7 : i32 to vector<16xi32>
    %slice3A_9 = vector.extract_strided_slice %get3A_2 {offsets = [1], sizes = [1], strides = [1]} : vector<16xi32> to vector<1xi32>
    %squeeze3A_10 = vector.extract %slice3A_9[0] : i32 from vector<1xi32>
    %add3A_11 = vector.broadcast %squeeze3A_10 : i32 to vector<16xi32>
    %add3A_12 = arith.addi %broadcast_in_dim3A_8, %add3A_11 : vector<16xi32>
    %scan3A = arith.constant 0 : i32
    %scan3A_13 = arith.constant 0 : i32
    %scan3A_14 = arith.constant 2048 : i32
    %scan3A_15 = arith.addi %scan3A_13, %scan3A_14 : i32
    %scan3A_16 = arith.constant 1 : i32
    scf.for %scan3A_32 = %scan3A_13 to %scan3A_15 step %scan3A_16  : i32 {
      %broadcast_in_dim3A_33 = arith.constant 0 : i32
      %broadcast_in_dim3A_34 = vector.broadcast %broadcast_in_dim3A_33 : i32 to vector<16xi32>
      %mul3A_35 = arith.constant 16 : i32
      %mul3A_36 = arith.muli %scan3A_32, %mul3A_35 : i32
      %swap3A = arith.index_cast %mul3A_36 : i32 to index
      %swap3A_37 = tpu.vector_load %arg6[%swap3A] {strides = array<i32>} : memref<32768xi32, #tpu.memory_space<vmem>>, vector<16xi32>,
      tpu.vector_store %arg6[%swap3A], %broadcast_in_dim3A_34 {strides = array<i32>} : memref<32768xi32, #tpu.memory_space<vmem>>, vector<16xi32>,
    }
    %scan3A_17 = arith.constant 2048 : i32
    %mul3A_18 = arith.constant 18432 : i32
    %mul3A_19 = arith.muli %add3A, %mul3A_18 : i32
    %multiple_of3A = tpu.assume_multiple %mul3A_19, 16 : i32
    "tpu.region"() ({
      %run_scoped3A = tpu.sem_alloc : memref<!tpu.dma_semaphore, #tpu.memory_space<semaphore_mem>>
      %dma_start3A = tpu.memref_slice %arg2[%multiple_of3A] : memref<589824xi32, #tpu.memory_space<hbm>> -> memref<18432xi32, #tpu.memory_space<hbm>>
      %dma_start3A_32 = tpu.memref_slice %arg2[%multiple_of3A] : memref<589824xi32, #tpu.memory_space<hbm>> -> memref<18432xi32, #tpu.memory_space<hbm>>
      tpu.enqueue_dma source(%dma_start3A_32 : memref<18432xi32, #tpu.memory_space<hbm>>) target(%arg5 : memref<18432xi32, #tpu.memory_space<vmem>>) target_semaphore(%run_scoped3A : memref<!tpu.dma_semaphore, #tpu.memory_space<semaphore_mem>>)
      %dma_wait3A = tpu.memref_slice %arg2[%multiple_of3A] : memref<589824xi32, #tpu.memory_space<hbm>> -> memref<18432xi32, #tpu.memory_space<hbm>>
      %dma_wait3A_33 = tpu.memref_slice %arg2[%multiple_of3A] : memref<589824xi32, #tpu.memory_space<hbm>> -> memref<18432xi32, #tpu.memory_space<hbm>>
      tpu.wait_dma2 semaphore(%run_scoped3A : memref<!tpu.dma_semaphore, #tpu.memory_space<semaphore_mem>>) src(%dma_wait3A_33 : memref<18432xi32, #tpu.memory_space<hbm>>) dst(%arg5 : memref<18432xi32, #tpu.memory_space<vmem>>)
      tpu.yield
    }) : () -> ()
    %scan3A_20 = arith.constant 0 : i32
    %scan3A_21 = arith.constant 0 : i32
    %scan3A_22 = arith.constant 1152 : i32
    %scan3A_23 = arith.addi %scan3A_21, %scan3A_22 : i32
    %scan3A_24 = arith.constant 1 : i32
    scf.for %scan3A_32 = %scan3A_21 to %scan3A_23 step %scan3A_24  : i32 {
      %mul3A_33 = arith.constant 16 : i32
      %mul3A_34 = arith.muli %scan3A_32, %mul3A_33 : i32
      %get3A_35 = arith.index_cast %mul3A_34 : i32 to index
      %get3A_36 = tpu.vector_load %arg5[%get3A_35] {strides = array<i32>} : memref<18432xi32, #tpu.memory_space<vmem>>, vector<16xi32>,
      %bitcast_convert_type3A = tpu.bitcast %get3A_36 : vector<16xi32> -> vector<16xi32>
      %shift_right_logical3A = arith.shrui %bitcast_convert_type3A, %add3A_6 : vector<16xi32>
      %and3A = arith.andi %shift_right_logical3A, %add3A_12 : vector<16xi32>
      %mul3A_37 = arith.constant 2048 : i32
      %mul3A_38 = vector.broadcast %mul3A_37 : i32 to vector<16xi32>
      %mul3A_39 = arith.muli %iota3A, %mul3A_38 : vector<16xi32>
      %add3A_40 = arith.addi %mul3A_39, %and3A : vector<16xi32>
      tpu.vector_store_idx %arg6[%add3A_40], %broadcast_in_dim3A_1 {add = true} : memref<32768xi32, #tpu.memory_space<vmem>>[vector<16xi32>], vector<16xi32>,
    }
    %scan3A_25 = arith.constant 1152 : i32
    %scan3A_26 = arith.constant 0 : i32
    %scan3A_27 = arith.constant 0 : i32
    %scan3A_28 = arith.constant 128 : i32
    %scan3A_29 = arith.addi %scan3A_27, %scan3A_28 : i32
    %scan3A_30 = arith.constant 1 : i32
    scf.for %scan3A_32 = %scan3A_27 to %scan3A_29 step %scan3A_30  : i32 {
      %broadcast_in_dim3A_33 = arith.constant 0 : i32
      %broadcast_in_dim3A_34 = vector.broadcast %broadcast_in_dim3A_33 : i32 to vector<16xi32>
      %mul3A_35 = arith.constant 16 : i32
      %mul3A_36 = arith.muli %scan3A_32, %mul3A_35 : i32
      %add3A_37 = arith.constant 0 : i32
      %add3A_38 = arith.addi %add3A_37, %mul3A_36 : i32
      %get3A_39 = arith.index_cast %add3A_38 : i32 to index
      %get3A_40 = tpu.vector_load %arg6[%get3A_39] {strides = array<i32>} : memref<32768xi32, #tpu.memory_space<vmem>>, vector<16xi32>,
      %add3A_41 = arith.addi %broadcast_in_dim3A_34, %get3A_40 : vector<16xi32>
      %mul3A_42 = arith.constant 16 : i32
      %mul3A_43 = arith.muli %scan3A_32, %mul3A_42 : i32
      %add3A_44 = arith.constant 2048 : i32
      %add3A_45 = arith.addi %add3A_44, %mul3A_43 : i32
      %get3A_46 = arith.index_cast %add3A_45 : i32 to index
      %get3A_47 = tpu.vector_load %arg6[%get3A_46] {strides = array<i32>} : memref<32768xi32, #tpu.memory_space<vmem>>, vector<16xi32>,
      %add3A_48 = arith.addi %add3A_41, %get3A_47 : vector<16xi32>
      %mul3A_49 = arith.constant 16 : i32
      %mul3A_50 = arith.muli %scan3A_32, %mul3A_49 : i32
      %add3A_51 = arith.constant 4096 : i32
      %add3A_52 = arith.addi %add3A_51, %mul3A_50 : i32
      %get3A_53 = arith.index_cast %add3A_52 : i32 to index
      %get3A_54 = tpu.vector_load %arg6[%get3A_53] {strides = array<i32>} : memref<32768xi32, #tpu.memory_space<vmem>>, vector<16xi32>,
      %add3A_55 = arith.addi %add3A_48, %get3A_54 : vector<16xi32>
      %mul3A_56 = arith.constant 16 : i32
      %mul3A_57 = arith.muli %scan3A_32, %mul3A_56 : i32
      %add3A_58 = arith.constant 6144 : i32
      %add3A_59 = arith.addi %add3A_58, %mul3A_57 : i32
      %get3A_60 = arith.index_cast %add3A_59 : i32 to index
      %get3A_61 = tpu.vector_load %arg6[%get3A_60] {strides = array<i32>} : memref<32768xi32, #tpu.memory_space<vmem>>, vector<16xi32>,
      %add3A_62 = arith.addi %add3A_55, %get3A_61 : vector<16xi32>
      %mul3A_63 = arith.constant 16 : i32
      %mul3A_64 = arith.muli %scan3A_32, %mul3A_63 : i32
      %add3A_65 = arith.constant 8192 : i32
      %add3A_66 = arith.addi %add3A_65, %mul3A_64 : i32
      %get3A_67 = arith.index_cast %add3A_66 : i32 to index
      %get3A_68 = tpu.vector_load %arg6[%get3A_67] {strides = array<i32>} : memref<32768xi32, #tpu.memory_space<vmem>>, vector<16xi32>,
      %add3A_69 = arith.addi %add3A_62, %get3A_68 : vector<16xi32>
      %mul3A_70 = arith.constant 16 : i32
      %mul3A_71 = arith.muli %scan3A_32, %mul3A_70 : i32
      %add3A_72 = arith.constant 10240 : i32
      %add3A_73 = arith.addi %add3A_72, %mul3A_71 : i32
      %get3A_74 = arith.index_cast %add3A_73 : i32 to index
      %get3A_75 = tpu.vector_load %arg6[%get3A_74] {strides = array<i32>} : memref<32768xi32, #tpu.memory_space<vmem>>, vector<16xi32>,
      %add3A_76 = arith.addi %add3A_69, %get3A_75 : vector<16xi32>
      %mul3A_77 = arith.constant 16 : i32
      %mul3A_78 = arith.muli %scan3A_32, %mul3A_77 : i32
      %add3A_79 = arith.constant 12288 : i32
      %add3A_80 = arith.addi %add3A_79, %mul3A_78 : i32
      %get3A_81 = arith.index_cast %add3A_80 : i32 to index
      %get3A_82 = tpu.vector_load %arg6[%get3A_81] {strides = array<i32>} : memref<32768xi32, #tpu.memory_space<vmem>>, vector<16xi32>,
      %add3A_83 = arith.addi %add3A_76, %get3A_82 : vector<16xi32>
      %mul3A_84 = arith.constant 16 : i32
      %mul3A_85 = arith.muli %scan3A_32, %mul3A_84 : i32
      %add3A_86 = arith.constant 14336 : i32
      %add3A_87 = arith.addi %add3A_86, %mul3A_85 : i32
      %get3A_88 = arith.index_cast %add3A_87 : i32 to index
      %get3A_89 = tpu.vector_load %arg6[%get3A_88] {strides = array<i32>} : memref<32768xi32, #tpu.memory_space<vmem>>, vector<16xi32>,
      %add3A_90 = arith.addi %add3A_83, %get3A_89 : vector<16xi32>
      %mul3A_91 = arith.constant 16 : i32
      %mul3A_92 = arith.muli %scan3A_32, %mul3A_91 : i32
      %add3A_93 = arith.constant 16384 : i32
      %add3A_94 = arith.addi %add3A_93, %mul3A_92 : i32
      %get3A_95 = arith.index_cast %add3A_94 : i32 to index
      %get3A_96 = tpu.vector_load %arg6[%get3A_95] {strides = array<i32>} : memref<32768xi32, #tpu.memory_space<vmem>>, vector<16xi32>,
      %add3A_97 = arith.addi %add3A_90, %get3A_96 : vector<16xi32>
      %mul3A_98 = arith.constant 16 : i32
      %mul3A_99 = arith.muli %scan3A_32, %mul3A_98 : i32
      %add3A_100 = arith.constant 18432 : i32
      %add3A_101 = arith.addi %add3A_100, %mul3A_99 : i32
      %get3A_102 = arith.index_cast %add3A_101 : i32 to index
      %get3A_103 = tpu.vector_load %arg6[%get3A_102] {strides = array<i32>} : memref<32768xi32, #tpu.memory_space<vmem>>, vector<16xi32>,
      %add3A_104 = arith.addi %add3A_97, %get3A_103 : vector<16xi32>
      %mul3A_105 = arith.constant 16 : i32
      %mul3A_106 = arith.muli %scan3A_32, %mul3A_105 : i32
      %add3A_107 = arith.constant 20480 : i32
      %add3A_108 = arith.addi %add3A_107, %mul3A_106 : i32
      %get3A_109 = arith.index_cast %add3A_108 : i32 to index
      %get3A_110 = tpu.vector_load %arg6[%get3A_109] {strides = array<i32>} : memref<32768xi32, #tpu.memory_space<vmem>>, vector<16xi32>,
      %add3A_111 = arith.addi %add3A_104, %get3A_110 : vector<16xi32>
      %mul3A_112 = arith.constant 16 : i32
      %mul3A_113 = arith.muli %scan3A_32, %mul3A_112 : i32
      %add3A_114 = arith.constant 22528 : i32
      %add3A_115 = arith.addi %add3A_114, %mul3A_113 : i32
      %get3A_116 = arith.index_cast %add3A_115 : i32 to index
      %get3A_117 = tpu.vector_load %arg6[%get3A_116] {strides = array<i32>} : memref<32768xi32, #tpu.memory_space<vmem>>, vector<16xi32>,
      %add3A_118 = arith.addi %add3A_111, %get3A_117 : vector<16xi32>
      %mul3A_119 = arith.constant 16 : i32
      %mul3A_120 = arith.muli %scan3A_32, %mul3A_119 : i32
      %add3A_121 = arith.constant 24576 : i32
      %add3A_122 = arith.addi %add3A_121, %mul3A_120 : i32
      %get3A_123 = arith.index_cast %add3A_122 : i32 to index
      %get3A_124 = tpu.vector_load %arg6[%get3A_123] {strides = array<i32>} : memref<32768xi32, #tpu.memory_space<vmem>>, vector<16xi32>,
      %add3A_125 = arith.addi %add3A_118, %get3A_124 : vector<16xi32>
      %mul3A_126 = arith.constant 16 : i32
      %mul3A_127 = arith.muli %scan3A_32, %mul3A_126 : i32
      %add3A_128 = arith.constant 26624 : i32
      %add3A_129 = arith.addi %add3A_128, %mul3A_127 : i32
      %get3A_130 = arith.index_cast %add3A_129 : i32 to index
      %get3A_131 = tpu.vector_load %arg6[%get3A_130] {strides = array<i32>} : memref<32768xi32, #tpu.memory_space<vmem>>, vector<16xi32>,
      %add3A_132 = arith.addi %add3A_125, %get3A_131 : vector<16xi32>
      %mul3A_133 = arith.constant 16 : i32
      %mul3A_134 = arith.muli %scan3A_32, %mul3A_133 : i32
      %add3A_135 = arith.constant 28672 : i32
      %add3A_136 = arith.addi %add3A_135, %mul3A_134 : i32
      %get3A_137 = arith.index_cast %add3A_136 : i32 to index
      %get3A_138 = tpu.vector_load %arg6[%get3A_137] {strides = array<i32>} : memref<32768xi32, #tpu.memory_space<vmem>>, vector<16xi32>,
      %add3A_139 = arith.addi %add3A_132, %get3A_138 : vector<16xi32>
      %mul3A_140 = arith.constant 16 : i32
      %mul3A_141 = arith.muli %scan3A_32, %mul3A_140 : i32
      %add3A_142 = arith.constant 30720 : i32
      %add3A_143 = arith.addi %add3A_142, %mul3A_141 : i32
      %get3A_144 = arith.index_cast %add3A_143 : i32 to index
      %get3A_145 = tpu.vector_load %arg6[%get3A_144] {strides = array<i32>} : memref<32768xi32, #tpu.memory_space<vmem>>, vector<16xi32>,
      %add3A_146 = arith.addi %add3A_139, %get3A_145 : vector<16xi32>
      %mul3A_147 = arith.constant 16 : i32
      %mul3A_148 = arith.muli %scan3A_32, %mul3A_147 : i32
      %swap3A = arith.index_cast %mul3A_148 : i32 to index
      %swap3A_149 = tpu.vector_load %arg6[%swap3A] {strides = array<i32>} : memref<32768xi32, #tpu.memory_space<vmem>>, vector<16xi32>,
      tpu.vector_store %arg6[%swap3A], %add3A_146 {strides = array<i32>} : memref<32768xi32, #tpu.memory_space<vmem>>, vector<16xi32>,
    }
    %scan3A_31 = arith.constant 128 : i32
    "tpu.region"() ({
      %run_scoped3A = tpu.sem_alloc : memref<!tpu.dma_semaphore, #tpu.memory_space<semaphore_mem>>
      %dma_start3A = arith.constant 0 : i32
      %dma_start3A_32 = tpu.memref_slice %arg6[%dma_start3A] : memref<32768xi32, #tpu.memory_space<vmem>> -> memref<2048xi32, #tpu.memory_space<vmem>>
      %dma_start3A_33 = arith.constant 0 : i32
      %dma_start3A_34 = tpu.memref_slice %arg4[%add3A, %dma_start3A_33] : memref<32x2048xi32, #tpu.memory_space<hbm>> -> memref<1x2048xi32, #tpu.memory_space<hbm>>
      %dma_start3A_35 = tpu.memref_squeeze %dma_start3A_34 : memref<1x2048xi32, #tpu.memory_space<hbm>> -> memref<2048xi32, #tpu.memory_space<hbm>>
      %dma_start3A_36 = arith.constant 0 : i32
      %dma_start3A_37 = tpu.memref_slice %arg4[%add3A, %dma_start3A_36] : memref<32x2048xi32, #tpu.memory_space<hbm>> -> memref<1x2048xi32, #tpu.memory_space<hbm>>
      %dma_start3A_38 = tpu.memref_squeeze %dma_start3A_37 : memref<1x2048xi32, #tpu.memory_space<hbm>> -> memref<2048xi32, #tpu.memory_space<hbm>>
      %dma_start3A_39 = arith.constant 0 : i32
      %dma_start3A_40 = tpu.memref_slice %arg6[%dma_start3A_39] : memref<32768xi32, #tpu.memory_space<vmem>> -> memref<2048xi32, #tpu.memory_space<vmem>>
      tpu.enqueue_dma source(%dma_start3A_40 : memref<2048xi32, #tpu.memory_space<vmem>>) target(%dma_start3A_38 : memref<2048xi32, #tpu.memory_space<hbm>>) target_semaphore(%run_scoped3A : memref<!tpu.dma_semaphore, #tpu.memory_space<semaphore_mem>>)
      %dma_wait3A = arith.constant 0 : i32
      %dma_wait3A_41 = tpu.memref_slice %arg6[%dma_wait3A] : memref<32768xi32, #tpu.memory_space<vmem>> -> memref<2048xi32, #tpu.memory_space<vmem>>
      %dma_wait3A_42 = arith.constant 0 : i32
      %dma_wait3A_43 = tpu.memref_slice %arg4[%add3A, %dma_wait3A_42] : memref<32x2048xi32, #tpu.memory_space<hbm>> -> memref<1x2048xi32, #tpu.memory_space<hbm>>
      %dma_wait3A_44 = tpu.memref_squeeze %dma_wait3A_43 : memref<1x2048xi32, #tpu.memory_space<hbm>> -> memref<2048xi32, #tpu.memory_space<hbm>>
      %dma_wait3A_45 = arith.constant 0 : i32
      %dma_wait3A_46 = tpu.memref_slice %arg4[%add3A, %dma_wait3A_45] : memref<32x2048xi32, #tpu.memory_space<hbm>> -> memref<1x2048xi32, #tpu.memory_space<hbm>>
      %dma_wait3A_47 = tpu.memref_squeeze %dma_wait3A_46 : memref<1x2048xi32, #tpu.memory_space<hbm>> -> memref<2048xi32, #tpu.memory_space<hbm>>
      %dma_wait3A_48 = arith.constant 0 : i32
      %dma_wait3A_49 = tpu.memref_slice %arg6[%dma_wait3A_48] : memref<32768xi32, #tpu.memory_space<vmem>> -> memref<2048xi32, #tpu.memory_space<vmem>>
      tpu.wait_dma2 semaphore(%run_scoped3A : memref<!tpu.dma_semaphore, #tpu.memory_space<semaphore_mem>>) src(%dma_wait3A_49 : memref<2048xi32, #tpu.memory_space<vmem>>) dst(%dma_wait3A_47 : memref<2048xi32, #tpu.memory_space<hbm>>)
      tpu.yield
    }) : () -> ()
    return
  }
}

#map = affine_map<(d0, d1) -> (0)>
#map1 = affine_map<(d0, d1) -> (0, 0)>
module attributes {stable_mosaic.version = 14 : i64} {
  func.func @count_kernel(%arg0: i32, %arg1: i32, %arg2: memref<589824xi32, #tpu.memory_space<hbm>>, %arg3: memref<16xi32, #tpu.memory_space<hbm>>, %arg4: memref<32x2048xi32, #tpu.memory_space<hbm>>, %arg5: memref<18432xi32, #tpu.memory_space<vmem>>, %arg6: memref<32768xi32, #tpu.memory_space<vmem>>, %arg7: memref<16xi32, #tpu.memory_space<vmem>>) attributes {dimension_semantics = [#tpu.dimension_semantics<core_parallel>, #tpu.dimension_semantics<subcore_parallel>], iteration_bounds = array<i64: 2, 16>, scalar_prefetch = 0 : i64, scratch_operands = 3 : i64, tpu.core_type = #tpu.core_type<sc_vector_subcore>, window_params = [{transform_indices = #map}, {transform_indices = #map}, {transform_indices = #map1}]} {
    %mul3A = arith.constant 2 : i32
    %mul3A_0 = arith.muli %arg1, %mul3A : i32
    %add3A = arith.addi %mul3A_0, %arg0 : i32
    %iota3A = tpu.iota {dimensions = array<i32: 0>} : vector<16xi32>
    %broadcast_in_dim3A = arith.constant 1 : i32
    %broadcast_in_dim3A_1 = vector.broadcast %broadcast_in_dim3A : i32 to vector<16xi32>
    "tpu.region"() ({
      %run_scoped3A = tpu.sem_alloc : memref<!tpu.dma_semaphore, #tpu.memory_space<semaphore_mem>>
      tpu.enqueue_dma source(%arg3 : memref<16xi32, #tpu.memory_space<hbm>>) target(%arg7 : memref<16xi32, #tpu.memory_space<vmem>>) target_semaphore(%run_scoped3A : memref<!tpu.dma_semaphore, #tpu.memory_space<semaphore_mem>>)
      tpu.wait_dma2 semaphore(%run_scoped3A : memref<!tpu.dma_semaphore, #tpu.memory_space<semaphore_mem>>) src(%arg3 : memref<16xi32, #tpu.memory_space<hbm>>) dst(%arg7 : memref<16xi32, #tpu.memory_space<vmem>>)
      tpu.yield
    }) : () -> ()
    %get3A = arith.constant 0 : index
    %get3A_2 = tpu.vector_load %arg7[%get3A] {strides = array<i32>} : memref<16xi32, #tpu.memory_space<vmem>>, vector<16xi32>,
    %broadcast_in_dim3A_3 = arith.constant 0 : i32
    %broadcast_in_dim3A_4 = vector.broadcast %broadcast_in_dim3A_3 : i32 to vector<16xi32>
    %slice3A = vector.extract_strided_slice %get3A_2 {offsets = [0], sizes = [1], strides = [1]} : vector<16xi32> to vector<1xi32>
    %squeeze3A = vector.extract %slice3A[0] : i32 from vector<1xi32>
    %add3A_5 = vector.broadcast %squeeze3A : i32 to vector<16xi32>
    %add3A_6 = arith.addi %broadcast_in_dim3A_4, %add3A_5 : vector<16xi32>
    %broadcast_in_dim3A_7 = arith.constant 0 : i32
    %broadcast_in_dim3A_8 = vector.broadcast %broadcast_in_dim3A_7 : i32 to vector<16xi32>
    %slice3A_9 = vector.extract_strided_slice %get3A_2 {offsets = [1], sizes = [1], strides = [1]} : vector<16xi32> to vector<1xi32>
    %squeeze3A_10 = vector.extract %slice3A_9[0] : i32 from vector<1xi32>
    %add3A_11 = vector.broadcast %squeeze3A_10 : i32 to vector<16xi32>
    %add3A_12 = arith.addi %broadcast_in_dim3A_8, %add3A_11 : vector<16xi32>
    %scan3A = arith.constant 0 : i32
    %scan3A_13 = arith.constant 0 : i32
    %scan3A_14 = arith.constant 2048 : i32
    %scan3A_15 = arith.addi %scan3A_13, %scan3A_14 : i32
    %scan3A_16 = arith.constant 1 : i32
    scf.for %scan3A_32 = %scan3A_13 to %scan3A_15 step %scan3A_16  : i32 {
      %broadcast_in_dim3A_33 = arith.constant 0 : i32
      %broadcast_in_dim3A_34 = vector.broadcast %broadcast_in_dim3A_33 : i32 to vector<16xi32>
      %mul3A_35 = arith.constant 16 : i32
      %mul3A_36 = arith.muli %scan3A_32, %mul3A_35 : i32
      %swap3A = arith.index_cast %mul3A_36 : i32 to index
      %swap3A_37 = tpu.vector_load %arg6[%swap3A] {strides = array<i32>} : memref<32768xi32, #tpu.memory_space<vmem>>, vector<16xi32>,
      tpu.vector_store %arg6[%swap3A], %broadcast_in_dim3A_34 {strides = array<i32>} : memref<32768xi32, #tpu.memory_space<vmem>>, vector<16xi32>,
    }
    %scan3A_17 = arith.constant 2048 : i32
    %mul3A_18 = arith.constant 18432 : i32
    %mul3A_19 = arith.muli %add3A, %mul3A_18 : i32
    %multiple_of3A = tpu.assume_multiple %mul3A_19, 16 : i32
    "tpu.region"() ({
      %run_scoped3A = tpu.sem_alloc : memref<!tpu.dma_semaphore, #tpu.memory_space<semaphore_mem>>
      %dma_start3A = tpu.memref_slice %arg2[%multiple_of3A] : memref<589824xi32, #tpu.memory_space<hbm>> -> memref<18432xi32, #tpu.memory_space<hbm>>
      %dma_start3A_32 = tpu.memref_slice %arg2[%multiple_of3A] : memref<589824xi32, #tpu.memory_space<hbm>> -> memref<18432xi32, #tpu.memory_space<hbm>>
      tpu.enqueue_dma source(%dma_start3A_32 : memref<18432xi32, #tpu.memory_space<hbm>>) target(%arg5 : memref<18432xi32, #tpu.memory_space<vmem>>) target_semaphore(%run_scoped3A : memref<!tpu.dma_semaphore, #tpu.memory_space<semaphore_mem>>)
      %dma_wait3A = tpu.memref_slice %arg2[%multiple_of3A] : memref<589824xi32, #tpu.memory_space<hbm>> -> memref<18432xi32, #tpu.memory_space<hbm>>
      %dma_wait3A_33 = tpu.memref_slice %arg2[%multiple_of3A] : memref<589824xi32, #tpu.memory_space<hbm>> -> memref<18432xi32, #tpu.memory_space<hbm>>
      tpu.wait_dma2 semaphore(%run_scoped3A : memref<!tpu.dma_semaphore, #tpu.memory_space<semaphore_mem>>) src(%dma_wait3A_33 : memref<18432xi32, #tpu.memory_space<hbm>>) dst(%arg5 : memref<18432xi32, #tpu.memory_space<vmem>>)
      tpu.yield
    }) : () -> ()
    %scan3A_20 = arith.constant 0 : i32
    %scan3A_21 = arith.constant 0 : i32
    %scan3A_22 = arith.constant 1152 : i32
    %scan3A_23 = arith.addi %scan3A_21, %scan3A_22 : i32
    %scan3A_24 = arith.constant 1 : i32
    scf.for %scan3A_32 = %scan3A_21 to %scan3A_23 step %scan3A_24  : i32 {
      %mul3A_33 = arith.constant 16 : i32
      %mul3A_34 = arith.muli %scan3A_32, %mul3A_33 : i32
      %get3A_35 = arith.index_cast %mul3A_34 : i32 to index
      %get3A_36 = tpu.vector_load %arg5[%get3A_35] {strides = array<i32>} : memref<18432xi32, #tpu.memory_space<vmem>>, vector<16xi32>,
      %bitcast_convert_type3A = tpu.bitcast %get3A_36 : vector<16xi32> -> vector<16xi32>
      %shift_right_logical3A = arith.shrui %bitcast_convert_type3A, %add3A_6 : vector<16xi32>
      %and3A = arith.andi %shift_right_logical3A, %add3A_12 : vector<16xi32>
      %mul3A_37 = arith.constant 2048 : i32
      %mul3A_38 = vector.broadcast %mul3A_37 : i32 to vector<16xi32>
      %mul3A_39 = arith.muli %iota3A, %mul3A_38 : vector<16xi32>
      %add3A_40 = arith.addi %mul3A_39, %and3A : vector<16xi32>
      tpu.vector_store_idx %arg6[%add3A_40], %broadcast_in_dim3A_1 {add = true} : memref<32768xi32, #tpu.memory_space<vmem>>[vector<16xi32>], vector<16xi32>,
    }
    %scan3A_25 = arith.constant 1152 : i32
    %scan3A_26 = arith.constant 0 : i32
    %scan3A_27 = arith.constant 0 : i32
    %scan3A_28 = arith.constant 128 : i32
    %scan3A_29 = arith.addi %scan3A_27, %scan3A_28 : i32
    %scan3A_30 = arith.constant 1 : i32
    scf.for %scan3A_32 = %scan3A_27 to %scan3A_29 step %scan3A_30  : i32 {
      %broadcast_in_dim3A_33 = arith.constant 0 : i32
      %broadcast_in_dim3A_34 = vector.broadcast %broadcast_in_dim3A_33 : i32 to vector<16xi32>
      %mul3A_35 = arith.constant 16 : i32
      %mul3A_36 = arith.muli %scan3A_32, %mul3A_35 : i32
      %add3A_37 = arith.constant 0 : i32
      %add3A_38 = arith.addi %add3A_37, %mul3A_36 : i32
      %get3A_39 = arith.index_cast %add3A_38 : i32 to index
      %get3A_40 = tpu.vector_load %arg6[%get3A_39] {strides = array<i32>} : memref<32768xi32, #tpu.memory_space<vmem>>, vector<16xi32>,
      %add3A_41 = arith.addi %broadcast_in_dim3A_34, %get3A_40 : vector<16xi32>
      %mul3A_42 = arith.constant 16 : i32
      %mul3A_43 = arith.muli %scan3A_32, %mul3A_42 : i32
      %add3A_44 = arith.constant 2048 : i32
      %add3A_45 = arith.addi %add3A_44, %mul3A_43 : i32
      %get3A_46 = arith.index_cast %add3A_45 : i32 to index
      %get3A_47 = tpu.vector_load %arg6[%get3A_46] {strides = array<i32>} : memref<32768xi32, #tpu.memory_space<vmem>>, vector<16xi32>,
      %add3A_48 = arith.addi %add3A_41, %get3A_47 : vector<16xi32>
      %mul3A_49 = arith.constant 16 : i32
      %mul3A_50 = arith.muli %scan3A_32, %mul3A_49 : i32
      %add3A_51 = arith.constant 4096 : i32
      %add3A_52 = arith.addi %add3A_51, %mul3A_50 : i32
      %get3A_53 = arith.index_cast %add3A_52 : i32 to index
      %get3A_54 = tpu.vector_load %arg6[%get3A_53] {strides = array<i32>} : memref<32768xi32, #tpu.memory_space<vmem>>, vector<16xi32>,
      %add3A_55 = arith.addi %add3A_48, %get3A_54 : vector<16xi32>
      %mul3A_56 = arith.constant 16 : i32
      %mul3A_57 = arith.muli %scan3A_32, %mul3A_56 : i32
      %add3A_58 = arith.constant 6144 : i32
      %add3A_59 = arith.addi %add3A_58, %mul3A_57 : i32
      %get3A_60 = arith.index_cast %add3A_59 : i32 to index
      %get3A_61 = tpu.vector_load %arg6[%get3A_60] {strides = array<i32>} : memref<32768xi32, #tpu.memory_space<vmem>>, vector<16xi32>,
      %add3A_62 = arith.addi %add3A_55, %get3A_61 : vector<16xi32>
      %mul3A_63 = arith.constant 16 : i32
      %mul3A_64 = arith.muli %scan3A_32, %mul3A_63 : i32
      %add3A_65 = arith.constant 8192 : i32
      %add3A_66 = arith.addi %add3A_65, %mul3A_64 : i32
      %get3A_67 = arith.index_cast %add3A_66 : i32 to index
      %get3A_68 = tpu.vector_load %arg6[%get3A_67] {strides = array<i32>} : memref<32768xi32, #tpu.memory_space<vmem>>, vector<16xi32>,
      %add3A_69 = arith.addi %add3A_62, %get3A_68 : vector<16xi32>
      %mul3A_70 = arith.constant 16 : i32
      %mul3A_71 = arith.muli %scan3A_32, %mul3A_70 : i32
      %add3A_72 = arith.constant 10240 : i32
      %add3A_73 = arith.addi %add3A_72, %mul3A_71 : i32
      %get3A_74 = arith.index_cast %add3A_73 : i32 to index
      %get3A_75 = tpu.vector_load %arg6[%get3A_74] {strides = array<i32>} : memref<32768xi32, #tpu.memory_space<vmem>>, vector<16xi32>,
      %add3A_76 = arith.addi %add3A_69, %get3A_75 : vector<16xi32>
      %mul3A_77 = arith.constant 16 : i32
      %mul3A_78 = arith.muli %scan3A_32, %mul3A_77 : i32
      %add3A_79 = arith.constant 12288 : i32
      %add3A_80 = arith.addi %add3A_79, %mul3A_78 : i32
      %get3A_81 = arith.index_cast %add3A_80 : i32 to index
      %get3A_82 = tpu.vector_load %arg6[%get3A_81] {strides = array<i32>} : memref<32768xi32, #tpu.memory_space<vmem>>, vector<16xi32>,
      %add3A_83 = arith.addi %add3A_76, %get3A_82 : vector<16xi32>
      %mul3A_84 = arith.constant 16 : i32
      %mul3A_85 = arith.muli %scan3A_32, %mul3A_84 : i32
      %add3A_86 = arith.constant 14336 : i32
      %add3A_87 = arith.addi %add3A_86, %mul3A_85 : i32
      %get3A_88 = arith.index_cast %add3A_87 : i32 to index
      %get3A_89 = tpu.vector_load %arg6[%get3A_88] {strides = array<i32>} : memref<32768xi32, #tpu.memory_space<vmem>>, vector<16xi32>,
      %add3A_90 = arith.addi %add3A_83, %get3A_89 : vector<16xi32>
      %mul3A_91 = arith.constant 16 : i32
      %mul3A_92 = arith.muli %scan3A_32, %mul3A_91 : i32
      %add3A_93 = arith.constant 16384 : i32
      %add3A_94 = arith.addi %add3A_93, %mul3A_92 : i32
      %get3A_95 = arith.index_cast %add3A_94 : i32 to index
      %get3A_96 = tpu.vector_load %arg6[%get3A_95] {strides = array<i32>} : memref<32768xi32, #tpu.memory_space<vmem>>, vector<16xi32>,
      %add3A_97 = arith.addi %add3A_90, %get3A_96 : vector<16xi32>
      %mul3A_98 = arith.constant 16 : i32
      %mul3A_99 = arith.muli %scan3A_32, %mul3A_98 : i32
      %add3A_100 = arith.constant 18432 : i32
      %add3A_101 = arith.addi %add3A_100, %mul3A_99 : i32
      %get3A_102 = arith.index_cast %add3A_101 : i32 to index
      %get3A_103 = tpu.vector_load %arg6[%get3A_102] {strides = array<i32>} : memref<32768xi32, #tpu.memory_space<vmem>>, vector<16xi32>,
      %add3A_104 = arith.addi %add3A_97, %get3A_103 : vector<16xi32>
      %mul3A_105 = arith.constant 16 : i32
      %mul3A_106 = arith.muli %scan3A_32, %mul3A_105 : i32
      %add3A_107 = arith.constant 20480 : i32
      %add3A_108 = arith.addi %add3A_107, %mul3A_106 : i32
      %get3A_109 = arith.index_cast %add3A_108 : i32 to index
      %get3A_110 = tpu.vector_load %arg6[%get3A_109] {strides = array<i32>} : memref<32768xi32, #tpu.memory_space<vmem>>, vector<16xi32>,
      %add3A_111 = arith.addi %add3A_104, %get3A_110 : vector<16xi32>
      %mul3A_112 = arith.constant 16 : i32
      %mul3A_113 = arith.muli %scan3A_32, %mul3A_112 : i32
      %add3A_114 = arith.constant 22528 : i32
      %add3A_115 = arith.addi %add3A_114, %mul3A_113 : i32
      %get3A_116 = arith.index_cast %add3A_115 : i32 to index
      %get3A_117 = tpu.vector_load %arg6[%get3A_116] {strides = array<i32>} : memref<32768xi32, #tpu.memory_space<vmem>>, vector<16xi32>,
      %add3A_118 = arith.addi %add3A_111, %get3A_117 : vector<16xi32>
      %mul3A_119 = arith.constant 16 : i32
      %mul3A_120 = arith.muli %scan3A_32, %mul3A_119 : i32
      %add3A_121 = arith.constant 24576 : i32
      %add3A_122 = arith.addi %add3A_121, %mul3A_120 : i32
      %get3A_123 = arith.index_cast %add3A_122 : i32 to index
      %get3A_124 = tpu.vector_load %arg6[%get3A_123] {strides = array<i32>} : memref<32768xi32, #tpu.memory_space<vmem>>, vector<16xi32>,
      %add3A_125 = arith.addi %add3A_118, %get3A_124 : vector<16xi32>
      %mul3A_126 = arith.constant 16 : i32
      %mul3A_127 = arith.muli %scan3A_32, %mul3A_126 : i32
      %add3A_128 = arith.constant 26624 : i32
      %add3A_129 = arith.addi %add3A_128, %mul3A_127 : i32
      %get3A_130 = arith.index_cast %add3A_129 : i32 to index
      %get3A_131 = tpu.vector_load %arg6[%get3A_130] {strides = array<i32>} : memref<32768xi32, #tpu.memory_space<vmem>>, vector<16xi32>,
      %add3A_132 = arith.addi %add3A_125, %get3A_131 : vector<16xi32>
      %mul3A_133 = arith.constant 16 : i32
      %mul3A_134 = arith.muli %scan3A_32, %mul3A_133 : i32
      %add3A_135 = arith.constant 28672 : i32
      %add3A_136 = arith.addi %add3A_135, %mul3A_134 : i32
      %get3A_137 = arith.index_cast %add3A_136 : i32 to index
      %get3A_138 = tpu.vector_load %arg6[%get3A_137] {strides = array<i32>} : memref<32768xi32, #tpu.memory_space<vmem>>, vector<16xi32>,
      %add3A_139 = arith.addi %add3A_132, %get3A_138 : vector<16xi32>
      %mul3A_140 = arith.constant 16 : i32
      %mul3A_141 = arith.muli %scan3A_32, %mul3A_140 : i32
      %add3A_142 = arith.constant 30720 : i32
      %add3A_143 = arith.addi %add3A_142, %mul3A_141 : i32
      %get3A_144 = arith.index_cast %add3A_143 : i32 to index
      %get3A_145 = tpu.vector_load %arg6[%get3A_144] {strides = array<i32>} : memref<32768xi32, #tpu.memory_space<vmem>>, vector<16xi32>,
      %add3A_146 = arith.addi %add3A_139, %get3A_145 : vector<16xi32>
      %mul3A_147 = arith.constant 16 : i32
      %mul3A_148 = arith.muli %scan3A_32, %mul3A_147 : i32
      %swap3A = arith.index_cast %mul3A_148 : i32 to index
      %swap3A_149 = tpu.vector_load %arg6[%swap3A] {strides = array<i32>} : memref<32768xi32, #tpu.memory_space<vmem>>, vector<16xi32>,
      tpu.vector_store %arg6[%swap3A], %add3A_146 {strides = array<i32>} : memref<32768xi32, #tpu.memory_space<vmem>>, vector<16xi32>,
    }
    %scan3A_31 = arith.constant 128 : i32
    "tpu.region"() ({
      %run_scoped3A = tpu.sem_alloc : memref<!tpu.dma_semaphore, #tpu.memory_space<semaphore_mem>>
      %dma_start3A = arith.constant 0 : i32
      %dma_start3A_32 = tpu.memref_slice %arg6[%dma_start3A] : memref<32768xi32, #tpu.memory_space<vmem>> -> memref<2048xi32, #tpu.memory_space<vmem>>
      %dma_start3A_33 = arith.constant 0 : i32
      %dma_start3A_34 = tpu.memref_slice %arg4[%add3A, %dma_start3A_33] : memref<32x2048xi32, #tpu.memory_space<hbm>> -> memref<1x2048xi32, #tpu.memory_space<hbm>>
      %dma_start3A_35 = tpu.memref_squeeze %dma_start3A_34 : memref<1x2048xi32, #tpu.memory_space<hbm>> -> memref<2048xi32, #tpu.memory_space<hbm>>
      %dma_start3A_36 = arith.constant 0 : i32
      %dma_start3A_37 = tpu.memref_slice %arg4[%add3A, %dma_start3A_36] : memref<32x2048xi32, #tpu.memory_space<hbm>> -> memref<1x2048xi32, #tpu.memory_space<hbm>>
      %dma_start3A_38 = tpu.memref_squeeze %dma_start3A_37 : memref<1x2048xi32, #tpu.memory_space<hbm>> -> memref<2048xi32, #tpu.memory_space<hbm>>
      %dma_start3A_39 = arith.constant 0 : i32
      %dma_start3A_40 = tpu.memref_slice %arg6[%dma_start3A_39] : memref<32768xi32, #tpu.memory_space<vmem>> -> memref<2048xi32, #tpu.memory_space<vmem>>
      tpu.enqueue_dma source(%dma_start3A_40 : memref<2048xi32, #tpu.memory_space<vmem>>) target(%dma_start3A_38 : memref<2048xi32, #tpu.memory_space<hbm>>) target_semaphore(%run_scoped3A : memref<!tpu.dma_semaphore, #tpu.memory_space<semaphore_mem>>)
      %dma_wait3A = arith.constant 0 : i32
      %dma_wait3A_41 = tpu.memref_slice %arg6[%dma_wait3A] : memref<32768xi32, #tpu.memory_space<vmem>> -> memref<2048xi32, #tpu.memory_space<vmem>>
      %dma_wait3A_42 = arith.constant 0 : i32
      %dma_wait3A_43 = tpu.memref_slice %arg4[%add3A, %dma_wait3A_42] : memref<32x2048xi32, #tpu.memory_space<hbm>> -> memref<1x2048xi32, #tpu.memory_space<hbm>>
      %dma_wait3A_44 = tpu.memref_squeeze %dma_wait3A_43 : memref<1x2048xi32, #tpu.memory_space<hbm>> -> memref<2048xi32, #tpu.memory_space<hbm>>
      %dma_wait3A_45 = arith.constant 0 : i32
      %dma_wait3A_46 = tpu.memref_slice %arg4[%add3A, %dma_wait3A_45] : memref<32x2048xi32, #tpu.memory_space<hbm>> -> memref<1x2048xi32, #tpu.memory_space<hbm>>
      %dma_wait3A_47 = tpu.memref_squeeze %dma_wait3A_46 : memref<1x2048xi32, #tpu.memory_space<hbm>> -> memref<2048xi32, #tpu.memory_space<hbm>>
      %dma_wait3A_48 = arith.constant 0 : i32
      %dma_wait3A_49 = tpu.memref_slice %arg6[%dma_wait3A_48] : memref<32768xi32, #tpu.memory_space<vmem>> -> memref<2048xi32, #tpu.memory_space<vmem>>
      tpu.wait_dma2 semaphore(%run_scoped3A : memref<!tpu.dma_semaphore, #tpu.memory_space<semaphore_mem>>) src(%dma_wait3A_49 : memref<2048xi32, #tpu.memory_space<vmem>>) dst(%dma_wait3A_47 : memref<2048xi32, #tpu.memory_space<hbm>>)
      tpu.yield
    }) : () -> ()
    return
  }
}

#map = affine_map<(d0, d1) -> (0)>
#map1 = affine_map<(d0, d1) -> (0, 0)>
module attributes {stable_mosaic.version = 14 : i64} {
  func.func @scatter_kernel(%arg0: i32, %arg1: i32, %arg2: memref<589824xi32, #tpu.memory_space<hbm>>, %arg3: memref<589824xi32, #tpu.memory_space<hbm>>, %arg4: memref<16xi32, #tpu.memory_space<hbm>>, %arg5: memref<32x2048xi32, #tpu.memory_space<hbm>>, %arg6: memref<589824xi32, #tpu.memory_space<hbm>>, %arg7: memref<589824xi32, #tpu.memory_space<hbm>>, %arg8: memref<36864xi32, #tpu.memory_space<vmem>>, %arg9: memref<36864xi32, #tpu.memory_space<vmem>>, %arg10: memref<288x128xi32, #tpu.memory_space<vmem>>, %arg11: memref<72x128xi32, #tpu.memory_space<vmem>>, %arg12: memref<2048xi32, #tpu.memory_space<vmem>>, %arg13: memref<16xi32, #tpu.memory_space<vmem>>, %arg14: memref<65568xi32, #tpu.memory_space<vmem_shared>>, %arg15: memref<65568xi32, #tpu.memory_space<vmem_shared>>, %arg16: memref<!tpu.dma_semaphore, #tpu.memory_space<semaphore_mem>>) attributes {dimension_semantics = [#tpu.dimension_semantics<core_parallel>, #tpu.dimension_semantics<subcore_parallel>], iteration_bounds = array<i64: 2, 16>, scalar_prefetch = 0 : i64, scratch_operands = 9 : i64, tpu.core_type = #tpu.core_type<sc_vector_subcore>, window_params = [{transform_indices = #map}, {transform_indices = #map}, {transform_indices = #map}, {transform_indices = #map1}, {transform_indices = #map}, {transform_indices = #map}]} {
    %mul3A = arith.constant 36864 : i32
    %mul3A_0 = arith.muli %arg1, %mul3A : i32
    %multiple_of3A = tpu.assume_multiple %mul3A_0, 16 : i32
    "tpu.region"() ({
      %run_scoped3A = tpu.sem_alloc : memref<!tpu.dma_semaphore, #tpu.memory_space<semaphore_mem>>
      %dma_start3A = tpu.memref_slice %arg2[%multiple_of3A] : memref<589824xi32, #tpu.memory_space<hbm>> -> memref<36864xi32, #tpu.memory_space<hbm>>
      %dma_start3A_36 = tpu.memref_slice %arg2[%multiple_of3A] : memref<589824xi32, #tpu.memory_space<hbm>> -> memref<36864xi32, #tpu.memory_space<hbm>>
      tpu.enqueue_dma source(%dma_start3A_36 : memref<36864xi32, #tpu.memory_space<hbm>>) target(%arg8 : memref<36864xi32, #tpu.memory_space<vmem>>) target_semaphore(%run_scoped3A : memref<!tpu.dma_semaphore, #tpu.memory_space<semaphore_mem>>)
      %dma_wait3A = tpu.memref_slice %arg2[%multiple_of3A] : memref<589824xi32, #tpu.memory_space<hbm>> -> memref<36864xi32, #tpu.memory_space<hbm>>
      %dma_wait3A_37 = tpu.memref_slice %arg2[%multiple_of3A] : memref<589824xi32, #tpu.memory_space<hbm>> -> memref<36864xi32, #tpu.memory_space<hbm>>
      tpu.wait_dma2 semaphore(%run_scoped3A : memref<!tpu.dma_semaphore, #tpu.memory_space<semaphore_mem>>) src(%dma_wait3A_37 : memref<36864xi32, #tpu.memory_space<hbm>>) dst(%arg8 : memref<36864xi32, #tpu.memory_space<vmem>>)
      tpu.yield
    }) : () -> ()
    %multiple_of3A_1 = tpu.assume_multiple %mul3A_0, 16 : i32
    "tpu.region"() ({
      %run_scoped3A = tpu.sem_alloc : memref<!tpu.dma_semaphore, #tpu.memory_space<semaphore_mem>>
      %dma_start3A = tpu.memref_slice %arg3[%multiple_of3A_1] : memref<589824xi32, #tpu.memory_space<hbm>> -> memref<36864xi32, #tpu.memory_space<hbm>>
      %dma_start3A_36 = tpu.memref_slice %arg3[%multiple_of3A_1] : memref<589824xi32, #tpu.memory_space<hbm>> -> memref<36864xi32, #tpu.memory_space<hbm>>
      tpu.enqueue_dma source(%dma_start3A_36 : memref<36864xi32, #tpu.memory_space<hbm>>) target(%arg9 : memref<36864xi32, #tpu.memory_space<vmem>>) target_semaphore(%run_scoped3A : memref<!tpu.dma_semaphore, #tpu.memory_space<semaphore_mem>>)
      %dma_wait3A = tpu.memref_slice %arg3[%multiple_of3A_1] : memref<589824xi32, #tpu.memory_space<hbm>> -> memref<36864xi32, #tpu.memory_space<hbm>>
      %dma_wait3A_37 = tpu.memref_slice %arg3[%multiple_of3A_1] : memref<589824xi32, #tpu.memory_space<hbm>> -> memref<36864xi32, #tpu.memory_space<hbm>>
      tpu.wait_dma2 semaphore(%run_scoped3A : memref<!tpu.dma_semaphore, #tpu.memory_space<semaphore_mem>>) src(%dma_wait3A_37 : memref<36864xi32, #tpu.memory_space<hbm>>) dst(%arg9 : memref<36864xi32, #tpu.memory_space<vmem>>)
      tpu.yield
    }) : () -> ()
    %mul3A_2 = arith.constant 2 : i32
    %mul3A_3 = arith.muli %mul3A_2, %arg1 : i32
    "tpu.region"() ({
      %run_scoped3A = tpu.sem_alloc : memref<!tpu.dma_semaphore, #tpu.memory_space<semaphore_mem>>
      %dma_start3A = arith.constant 0 : i32
      %dma_start3A_36 = tpu.memref_slice %arg5[%mul3A_3, %dma_start3A] : memref<32x2048xi32, #tpu.memory_space<hbm>> -> memref<1x2048xi32, #tpu.memory_space<hbm>>
      %dma_start3A_37 = tpu.memref_squeeze %dma_start3A_36 : memref<1x2048xi32, #tpu.memory_space<hbm>> -> memref<2048xi32, #tpu.memory_space<hbm>>
      %dma_start3A_38 = arith.constant 0 : i32
      %dma_start3A_39 = tpu.memref_slice %arg5[%mul3A_3, %dma_start3A_38] : memref<32x2048xi32, #tpu.memory_space<hbm>> -> memref<1x2048xi32, #tpu.memory_space<hbm>>
      %dma_start3A_40 = tpu.memref_squeeze %dma_start3A_39 : memref<1x2048xi32, #tpu.memory_space<hbm>> -> memref<2048xi32, #tpu.memory_space<hbm>>
      tpu.enqueue_dma source(%dma_start3A_40 : memref<2048xi32, #tpu.memory_space<hbm>>) target(%arg12 : memref<2048xi32, #tpu.memory_space<vmem>>) target_semaphore(%run_scoped3A : memref<!tpu.dma_semaphore, #tpu.memory_space<semaphore_mem>>)
      %dma_wait3A = arith.constant 0 : i32
      %dma_wait3A_41 = tpu.memref_slice %arg5[%mul3A_3, %dma_wait3A] : memref<32x2048xi32, #tpu.memory_space<hbm>> -> memref<1x2048xi32, #tpu.memory_space<hbm>>
      %dma_wait3A_42 = tpu.memref_squeeze %dma_wait3A_41 : memref<1x2048xi32, #tpu.memory_space<hbm>> -> memref<2048xi32, #tpu.memory_space<hbm>>
      %dma_wait3A_43 = arith.constant 0 : i32
      %dma_wait3A_44 = tpu.memref_slice %arg5[%mul3A_3, %dma_wait3A_43] : memref<32x2048xi32, #tpu.memory_space<hbm>> -> memref<1x2048xi32, #tpu.memory_space<hbm>>
      %dma_wait3A_45 = tpu.memref_squeeze %dma_wait3A_44 : memref<1x2048xi32, #tpu.memory_space<hbm>> -> memref<2048xi32, #tpu.memory_space<hbm>>
      tpu.wait_dma2 semaphore(%run_scoped3A : memref<!tpu.dma_semaphore, #tpu.memory_space<semaphore_mem>>) src(%dma_wait3A_45 : memref<2048xi32, #tpu.memory_space<hbm>>) dst(%arg12 : memref<2048xi32, #tpu.memory_space<vmem>>)
      tpu.yield
    }) : () -> ()
    "tpu.region"() ({
      %run_scoped3A = tpu.sem_alloc : memref<!tpu.dma_semaphore, #tpu.memory_space<semaphore_mem>>
      tpu.enqueue_dma source(%arg4 : memref<16xi32, #tpu.memory_space<hbm>>) target(%arg13 : memref<16xi32, #tpu.memory_space<vmem>>) target_semaphore(%run_scoped3A : memref<!tpu.dma_semaphore, #tpu.memory_space<semaphore_mem>>)
      tpu.wait_dma2 semaphore(%run_scoped3A : memref<!tpu.dma_semaphore, #tpu.memory_space<semaphore_mem>>) src(%arg4 : memref<16xi32, #tpu.memory_space<hbm>>) dst(%arg13 : memref<16xi32, #tpu.memory_space<vmem>>)
      tpu.yield
    }) : () -> ()
    %get3A = arith.constant 0 : index
    %get3A_4 = tpu.vector_load %arg13[%get3A] {strides = array<i32>} : memref<16xi32, #tpu.memory_space<vmem>>, vector<16xi32>,
    %broadcast_in_dim3A = arith.constant 0 : i32
    %broadcast_in_dim3A_5 = vector.broadcast %broadcast_in_dim3A : i32 to vector<16xi32>
    %slice3A = vector.extract_strided_slice %get3A_4 {offsets = [0], sizes = [1], strides = [1]} : vector<16xi32> to vector<1xi32>
    %squeeze3A = vector.extract %slice3A[0] : i32 from vector<1xi32>
    %add3A = vector.broadcast %squeeze3A : i32 to vector<16xi32>
    %add3A_6 = arith.addi %broadcast_in_dim3A_5, %add3A : vector<16xi32>
    %broadcast_in_dim3A_7 = arith.constant 0 : i32
    %broadcast_in_dim3A_8 = vector.broadcast %broadcast_in_dim3A_7 : i32 to vector<16xi32>
    %slice3A_9 = vector.extract_strided_slice %get3A_4 {offsets = [1], sizes = [1], strides = [1]} : vector<16xi32> to vector<1xi32>
    %squeeze3A_10 = vector.extract %slice3A_9[0] : i32 from vector<1xi32>
    %add3A_11 = vector.broadcast %squeeze3A_10 : i32 to vector<16xi32>
    %add3A_12 = arith.addi %broadcast_in_dim3A_8, %add3A_11 : vector<16xi32>
    %broadcast_in_dim3A_13 = arith.constant 0 : i32
    %broadcast_in_dim3A_14 = vector.broadcast %broadcast_in_dim3A_13 : i32 to vector<16xi32>
    %broadcast_in_dim3A_15 = arith.constant true
    %broadcast_in_dim3A_16 = vector.broadcast %broadcast_in_dim3A_15 : i1 to vector<16xi1>
    %unique3A, %unique3A_17 = tpu.scan_count mask(%broadcast_in_dim3A_16 : vector<16xi1>) value(%broadcast_in_dim3A_14 : vector<16xi32>) : vector<16xi1>, vector<16xi32>
    %reduce_min3A = arith.constant true
    %reduce_min3A_18 = vector.broadcast %reduce_min3A : i1 to vector<16xi1>
    %reduce_min3A_19 = arith.constant -2147483648 : i32
    %reduce_min3A_20 = vector.broadcast %reduce_min3A_19 : i32 to vector<16xi32>
    %reduce_min3A_21 = arith.xori %unique3A_17, %reduce_min3A_20 : vector<16xi32>
    %reduce_min3A_22 = tpu.scan <min>, %reduce_min3A_21 masked %reduce_min3A_18 : vector<16xi32>, vector<16xi1> -> vector<16xi32>
    %reduce_min3A_23 = arith.xori %reduce_min3A_22, %reduce_min3A_20 : vector<16xi32>
    %reduce_min3A_24 = vector.extract %reduce_min3A_23[15] : i32 from vector<16xi32>
    %scan3A = arith.constant 0 : i32
    %scan3A_25 = arith.constant 0 : i32
    %scan3A_26 = arith.constant 2304 : i32
    %scan3A_27 = arith.addi %scan3A_25, %scan3A_26 : i32
    %scan3A_28 = arith.constant 1 : i32
    scf.for %scan3A_36 = %scan3A_25 to %scan3A_27 step %scan3A_28  : i32 {
      %mul3A_37 = arith.constant 16 : i32
      %mul3A_38 = arith.muli %scan3A_36, %mul3A_37 : i32
      %get3A_39 = arith.index_cast %mul3A_38 : i32 to index
      %get3A_40 = tpu.vector_load %arg8[%get3A_39] {strides = array<i32>} : memref<36864xi32, #tpu.memory_space<vmem>>, vector<16xi32>,
      %bitcast_convert_type3A = tpu.bitcast %get3A_40 : vector<16xi32> -> vector<16xi32>
      %shift_right_logical3A = arith.shrui %bitcast_convert_type3A, %add3A_6 : vector<16xi32>
      %and3A = arith.andi %shift_right_logical3A, %add3A_12 : vector<16xi32>
      %broadcast_in_dim3A_41 = arith.constant true
      %broadcast_in_dim3A_42 = vector.broadcast %broadcast_in_dim3A_41 : i1 to vector<16xi1>
      %unique3A_43, %unique3A_44 = tpu.scan_count mask(%broadcast_in_dim3A_42 : vector<16xi1>) value(%and3A : vector<16xi32>) : vector<16xi1>, vector<16xi32>
      %sub3A = vector.broadcast %reduce_min3A_24 : i32 to vector<16xi32>
      %sub3A_45 = arith.subi %unique3A_44, %sub3A : vector<16xi32>
      %gather3A = tpu.vector_load_idx %arg12[%and3A] : memref<2048xi32, #tpu.memory_space<vmem>>[vector<16xi32>], vector<16xi32>,
      %add3A_46 = arith.addi %gather3A, %sub3A_45 : vector<16xi32>
      %add3A_47 = arith.constant 1 : i32
      %add3A_48 = vector.broadcast %add3A_47 : i32 to vector<16xi32>
      %add3A_49 = arith.addi %sub3A_45, %add3A_48 : vector<16xi32>
      tpu.vector_store_idx %arg12[%and3A], %add3A_49 masked %unique3A_43 {add = true} : memref<2048xi32, #tpu.memory_space<vmem>>[vector<16xi32>], vector<16xi32>, vector<16xi1>
      %jit3A = arith.constant 8 : i32
      %div3A = arith.divsi %scan3A_36, %jit3A : i32
      %sign3A = arith.constant 0 : i32
      %sign3A_50 = arith.cmpi sgt, %scan3A_36, %sign3A : i32
      %sign3A_51 = arith.extui %sign3A_50 : i1 to i32
      %sign3A_52 = arith.constant 0 : i32
      %sign3A_53 = arith.cmpi slt, %scan3A_36, %sign3A_52 : i32
      %sign3A_54 = arith.extui %sign3A_53 : i1 to i32
      %sign3A_55 = arith.subi %sign3A_51, %sign3A_54 : i32
      %sign3A_56 = arith.constant 0 : i32
      %sign3A_57 = arith.cmpi sgt, %jit3A, %sign3A_56 : i32
      %sign3A_58 = arith.extui %sign3A_57 : i1 to i32
      %sign3A_59 = arith.constant 0 : i32
      %sign3A_60 = arith.cmpi slt, %jit3A, %sign3A_59 : i32
      %sign3A_61 = arith.extui %sign3A_60 : i1 to i32
      %sign3A_62 = arith.subi %sign3A_58, %sign3A_61 : i32
      %ne3A = arith.cmpi ne, %sign3A_55, %sign3A_62 : i32
      %rem3A = arith.remsi %scan3A_36, %jit3A : i32
      %ne3A_63 = arith.constant 0 : i32
      %ne3A_64 = arith.cmpi ne, %rem3A, %ne3A_63 : i32
      %and3A_65 = arith.andi %ne3A, %ne3A_64 : i1
      %sub3A_66 = arith.constant 1 : i32
      %sub3A_67 = arith.subi %div3A, %sub3A_66 : i32
      %select_n3A = arith.select %and3A_65, %sub3A_67, %div3A : i32
      %jit3A_68 = arith.constant 8 : i32
      %eq3A = arith.constant 0 : i32
      %eq3A_69 = arith.cmpi eq, %jit3A_68, %eq3A : i32
      %jit3A_70 = arith.constant 1 : i32
      %select_n3A_71 = arith.select %eq3A_69, %jit3A_70, %jit3A_68 : i32
      %rem3A_72 = arith.remsi %scan3A_36, %select_n3A_71 : i32
      %ne3A_73 = arith.constant 0 : i32
      %ne3A_74 = arith.cmpi ne, %rem3A_72, %ne3A_73 : i32
      %lt3A = arith.constant 0 : i32
      %lt3A_75 = arith.cmpi slt, %rem3A_72, %lt3A : i32
      %lt3A_76 = arith.constant 0 : i32
      %lt3A_77 = arith.cmpi slt, %select_n3A_71, %lt3A_76 : i32
      %ne3A_78 = arith.xori %lt3A_75, %lt3A_77 : i1
      %and3A_79 = arith.andi %ne3A_78, %ne3A_74 : i1
      %add3A_80 = arith.addi %rem3A_72, %select_n3A_71 : i32
      %select_n3A_81 = arith.select %and3A_79, %add3A_80, %rem3A_72 : i32
      %mul3A_82 = arith.constant 16 : i32
      %mul3A_83 = arith.muli %select_n3A_81, %mul3A_82 : i32
      %swap3A = arith.index_cast %select_n3A : i32 to index
      %swap3A_84 = arith.index_cast %mul3A_83 : i32 to index
      %swap3A_85 = tpu.vector_load %arg10[%swap3A, %swap3A_84] {strides = array<i32>} : memref<288x128xi32, #tpu.memory_space<vmem>>, vector<16xi32>,
      tpu.vector_store %arg10[%swap3A, %swap3A_84], %add3A_46 {strides = array<i32>} : memref<288x128xi32, #tpu.memory_space<vmem>>, vector<16xi32>,
    }
    %scan3A_29 = arith.constant 2304 : i32
    %scan3A_30 = arith.constant 0 : i32
    %scan3A_31 = arith.constant 0 : i32
    %scan3A_32 = arith.constant 5 : i32
    %scan3A_33 = arith.addi %scan3A_31, %scan3A_32 : i32
    %scan3A_34 = arith.constant 1 : i32
    scf.for %scan3A_36 = %scan3A_31 to %scan3A_33 step %scan3A_34  : i32 {
      %mul3A_37 = arith.constant 4 : i32
      %mul3A_38 = arith.muli %arg0, %mul3A_37 : i32
      %add3A_39 = arith.addi %mul3A_38, %scan3A_36 : i32
      %mul3A_40 = arith.constant 65536 : i32
      %mul3A_41 = arith.muli %add3A_39, %mul3A_40 : i32
      %scan3A_42 = arith.constant 0 : i32
      %scan3A_43 = arith.constant 0 : i32
      %scan3A_44 = arith.constant 4 : i32
      %scan3A_45 = arith.addi %scan3A_43, %scan3A_44 : i32
      %scan3A_46 = arith.constant 1 : i32
      scf.for %scan3A_53 = %scan3A_43 to %scan3A_45 step %scan3A_46  : i32 {
        %scan3A_54 = arith.constant 0 : i32
        %scan3A_55 = arith.constant 0 : i32
        %scan3A_56 = arith.constant 576 : i32
        %scan3A_57 = arith.addi %scan3A_55, %scan3A_56 : i32
        %scan3A_58 = arith.constant 1 : i32
        scf.for %scan3A_84 = %scan3A_55 to %scan3A_57 step %scan3A_58  : i32 {
          %mul3A_85 = arith.constant 72 : i32
          %mul3A_86 = arith.muli %scan3A_53, %mul3A_85 : i32
          %jit3A = arith.constant 8 : i32
          %div3A = arith.divsi %scan3A_84, %jit3A : i32
          %sign3A = arith.constant 0 : i32
          %sign3A_87 = arith.cmpi sgt, %scan3A_84, %sign3A : i32
          %sign3A_88 = arith.extui %sign3A_87 : i1 to i32
          %sign3A_89 = arith.constant 0 : i32
          %sign3A_90 = arith.cmpi slt, %scan3A_84, %sign3A_89 : i32
          %sign3A_91 = arith.extui %sign3A_90 : i1 to i32
          %sign3A_92 = arith.subi %sign3A_88, %sign3A_91 : i32
          %sign3A_93 = arith.constant 0 : i32
          %sign3A_94 = arith.cmpi sgt, %jit3A, %sign3A_93 : i32
          %sign3A_95 = arith.extui %sign3A_94 : i1 to i32
          %sign3A_96 = arith.constant 0 : i32
          %sign3A_97 = arith.cmpi slt, %jit3A, %sign3A_96 : i32
          %sign3A_98 = arith.extui %sign3A_97 : i1 to i32
          %sign3A_99 = arith.subi %sign3A_95, %sign3A_98 : i32
          %ne3A = arith.cmpi ne, %sign3A_92, %sign3A_99 : i32
          %rem3A = arith.remsi %scan3A_84, %jit3A : i32
          %ne3A_100 = arith.constant 0 : i32
          %ne3A_101 = arith.cmpi ne, %rem3A, %ne3A_100 : i32
          %and3A = arith.andi %ne3A, %ne3A_101 : i1
          %sub3A = arith.constant 1 : i32
          %sub3A_102 = arith.subi %div3A, %sub3A : i32
          %select_n3A = arith.select %and3A, %sub3A_102, %div3A : i32
          %add3A_103 = arith.addi %mul3A_86, %select_n3A : i32
          %jit3A_104 = arith.constant 8 : i32
          %eq3A = arith.constant 0 : i32
          %eq3A_105 = arith.cmpi eq, %jit3A_104, %eq3A : i32
          %jit3A_106 = arith.constant 1 : i32
          %select_n3A_107 = arith.select %eq3A_105, %jit3A_106, %jit3A_104 : i32
          %rem3A_108 = arith.remsi %scan3A_84, %select_n3A_107 : i32
          %ne3A_109 = arith.constant 0 : i32
          %ne3A_110 = arith.cmpi ne, %rem3A_108, %ne3A_109 : i32
          %lt3A = arith.constant 0 : i32
          %lt3A_111 = arith.cmpi slt, %rem3A_108, %lt3A : i32
          %lt3A_112 = arith.constant 0 : i32
          %lt3A_113 = arith.cmpi slt, %select_n3A_107, %lt3A_112 : i32
          %ne3A_114 = arith.xori %lt3A_111, %lt3A_113 : i1
          %and3A_115 = arith.andi %ne3A_114, %ne3A_110 : i1
          %add3A_116 = arith.addi %rem3A_108, %select_n3A_107 : i32
          %select_n3A_117 = arith.select %and3A_115, %add3A_116, %rem3A_108 : i32
          %mul3A_118 = arith.constant 16 : i32
          %mul3A_119 = arith.muli %select_n3A_117, %mul3A_118 : i32
          %get3A_120 = arith.index_cast %add3A_103 : i32 to index
          %get3A_121 = arith.index_cast %mul3A_119 : i32 to index
          %get3A_122 = tpu.vector_load %arg10[%get3A_120, %get3A_121] {strides = array<i32>} : memref<288x128xi32, #tpu.memory_space<vmem>>, vector<16xi32>,
          %sub3A_123 = vector.broadcast %mul3A_41 : i32 to vector<16xi32>
          %sub3A_124 = arith.subi %get3A_122, %sub3A_123 : vector<16xi32>
          %ge3A = arith.constant 0 : i32
          %ge3A_125 = vector.broadcast %ge3A : i32 to vector<16xi32>
          %ge3A_126 = arith.cmpi sge, %sub3A_124, %ge3A_125 : vector<16xi32>
          %lt3A_127 = arith.constant 65536 : i32
          %lt3A_128 = vector.broadcast %lt3A_127 : i32 to vector<16xi32>
          %lt3A_129 = arith.cmpi slt, %sub3A_124, %lt3A_128 : vector<16xi32>
          %and3A_130 = arith.andi %ge3A_126, %lt3A_129 : vector<16xi1>
          %and3A_131 = arith.constant 31 : i32
          %and3A_132 = vector.broadcast %and3A_131 : i32 to vector<16xi32>
          %and3A_133 = arith.andi %get3A_122, %and3A_132 : vector<16xi32>
          %add3A_134 = arith.constant 65536 : i32
          %add3A_135 = vector.broadcast %add3A_134 : i32 to vector<16xi32>
          %add3A_136 = arith.addi %add3A_135, %and3A_133 : vector<16xi32>
          %select_n3A_137 = arith.select %and3A_130, %sub3A_124, %add3A_136 : vector<16xi1>, vector<16xi32>
          %jit3A_138 = arith.constant 8 : i32
          %div3A_139 = arith.divsi %scan3A_84, %jit3A_138 : i32
          %sign3A_140 = arith.constant 0 : i32
          %sign3A_141 = arith.cmpi sgt, %scan3A_84, %sign3A_140 : i32
          %sign3A_142 = arith.extui %sign3A_141 : i1 to i32
          %sign3A_143 = arith.constant 0 : i32
          %sign3A_144 = arith.cmpi slt, %scan3A_84, %sign3A_143 : i32
          %sign3A_145 = arith.extui %sign3A_144 : i1 to i32
          %sign3A_146 = arith.subi %sign3A_142, %sign3A_145 : i32
          %sign3A_147 = arith.constant 0 : i32
          %sign3A_148 = arith.cmpi sgt, %jit3A_138, %sign3A_147 : i32
          %sign3A_149 = arith.extui %sign3A_148 : i1 to i32
          %sign3A_150 = arith.constant 0 : i32
          %sign3A_151 = arith.cmpi slt, %jit3A_138, %sign3A_150 : i32
          %sign3A_152 = arith.extui %sign3A_151 : i1 to i32
          %sign3A_153 = arith.subi %sign3A_149, %sign3A_152 : i32
          %ne3A_154 = arith.cmpi ne, %sign3A_146, %sign3A_153 : i32
          %rem3A_155 = arith.remsi %scan3A_84, %jit3A_138 : i32
          %ne3A_156 = arith.constant 0 : i32
          %ne3A_157 = arith.cmpi ne, %rem3A_155, %ne3A_156 : i32
          %and3A_158 = arith.andi %ne3A_154, %ne3A_157 : i1
          %sub3A_159 = arith.constant 1 : i32
          %sub3A_160 = arith.subi %div3A_139, %sub3A_159 : i32
          %select_n3A_161 = arith.select %and3A_158, %sub3A_160, %div3A_139 : i32
          %jit3A_162 = arith.constant 8 : i32
          %eq3A_163 = arith.constant 0 : i32
          %eq3A_164 = arith.cmpi eq, %jit3A_162, %eq3A_163 : i32
          %jit3A_165 = arith.constant 1 : i32
          %select_n3A_166 = arith.select %eq3A_164, %jit3A_165, %jit3A_162 : i32
          %rem3A_167 = arith.remsi %scan3A_84, %select_n3A_166 : i32
          %ne3A_168 = arith.constant 0 : i32
          %ne3A_169 = arith.cmpi ne, %rem3A_167, %ne3A_168 : i32
          %lt3A_170 = arith.constant 0 : i32
          %lt3A_171 = arith.cmpi slt, %rem3A_167, %lt3A_170 : i32
          %lt3A_172 = arith.constant 0 : i32
          %lt3A_173 = arith.cmpi slt, %select_n3A_166, %lt3A_172 : i32
          %ne3A_174 = arith.xori %lt3A_171, %lt3A_173 : i1
          %and3A_175 = arith.andi %ne3A_174, %ne3A_169 : i1
          %add3A_176 = arith.addi %rem3A_167, %select_n3A_166 : i32
          %select_n3A_177 = arith.select %and3A_175, %add3A_176, %rem3A_167 : i32
          %mul3A_178 = arith.constant 16 : i32
          %mul3A_179 = arith.muli %select_n3A_177, %mul3A_178 : i32
          %swap3A = arith.index_cast %select_n3A_161 : i32 to index
          %swap3A_180 = arith.index_cast %mul3A_179 : i32 to index
          %swap3A_181 = tpu.vector_load %arg11[%swap3A, %swap3A_180] {strides = array<i32>} : memref<72x128xi32, #tpu.memory_space<vmem>>, vector<16xi32>,
          tpu.vector_store %arg11[%swap3A, %swap3A_180], %select_n3A_137 {strides = array<i32>} : memref<72x128xi32, #tpu.memory_space<vmem>>, vector<16xi32>,
        }
        %scan3A_59 = arith.constant 576 : i32
        %mul3A_60 = arith.constant 9216 : i32
        %mul3A_61 = arith.muli %scan3A_53, %mul3A_60 : i32
        %multiple_of3A_62 = tpu.assume_multiple %mul3A_61, 128 : i32
        %scan3A_63 = arith.constant 0 : i32
        %scan3A_64 = arith.constant 0 : i32
        %scan3A_65 = arith.constant 72 : i32
        %scan3A_66 = arith.addi %scan3A_64, %scan3A_65 : i32
        %scan3A_67 = arith.constant 1 : i32
        scf.for %scan3A_84 = %scan3A_64 to %scan3A_66 step %scan3A_67  : i32 {
          %mul3A_85 = arith.constant 128 : i32
          %mul3A_86 = arith.muli %scan3A_84, %mul3A_85 : i32
          %add3A_87 = arith.addi %multiple_of3A_62, %mul3A_86 : i32
          %multiple_of3A_88 = tpu.assume_multiple %add3A_87, 128 : i32
          %dma_start3A = tpu.memref_slice %arg8[%multiple_of3A_88] : memref<36864xi32, #tpu.memory_space<vmem>> -> memref<128xi32, #tpu.memory_space<vmem>>
          %dma_start3A_89 = arith.constant 0 : i32
          %dma_start3A_90 = tpu.memref_slice %arg11[%scan3A_84, %dma_start3A_89] : memref<72x128xi32, #tpu.memory_space<vmem>> -> memref<1x128xi32, #tpu.memory_space<vmem>>
          %dma_start3A_91 = tpu.memref_squeeze %dma_start3A_90 : memref<1x128xi32, #tpu.memory_space<vmem>> -> memref<128xi32, #tpu.memory_space<vmem>>
          %dma_start3A_92 = arith.constant 0 : i32
          %dma_start3A_93 = tpu.memref_slice %arg14[%dma_start3A_92] : memref<65568xi32, #tpu.memory_space<vmem_shared>> -> memref<65568xi32, #tpu.memory_space<vmem_shared>>
          tpu.enqueue_indirect_dma source(%dma_start3A : memref<128xi32, #tpu.memory_space<vmem>>) target(%dma_start3A_93 : memref<65568xi32, #tpu.memory_space<vmem_shared>>) offsets(%dma_start3A_91 : memref<128xi32, #tpu.memory_space<vmem>>) semaphore(%arg16 : memref<!tpu.dma_semaphore, #tpu.memory_space<semaphore_mem>>)
          %dma_start3A_94 = tpu.memref_slice %arg9[%multiple_of3A_88] : memref<36864xi32, #tpu.memory_space<vmem>> -> memref<128xi32, #tpu.memory_space<vmem>>
          %dma_start3A_95 = arith.constant 0 : i32
          %dma_start3A_96 = tpu.memref_slice %arg11[%scan3A_84, %dma_start3A_95] : memref<72x128xi32, #tpu.memory_space<vmem>> -> memref<1x128xi32, #tpu.memory_space<vmem>>
          %dma_start3A_97 = tpu.memref_squeeze %dma_start3A_96 : memref<1x128xi32, #tpu.memory_space<vmem>> -> memref<128xi32, #tpu.memory_space<vmem>>
          %dma_start3A_98 = arith.constant 0 : i32
          %dma_start3A_99 = tpu.memref_slice %arg15[%dma_start3A_98] : memref<65568xi32, #tpu.memory_space<vmem_shared>> -> memref<65568xi32, #tpu.memory_space<vmem_shared>>
          tpu.enqueue_indirect_dma source(%dma_start3A_94 : memref<128xi32, #tpu.memory_space<vmem>>) target(%dma_start3A_99 : memref<65568xi32, #tpu.memory_space<vmem_shared>>) offsets(%dma_start3A_97 : memref<128xi32, #tpu.memory_space<vmem>>) semaphore(%arg16 : memref<!tpu.dma_semaphore, #tpu.memory_space<semaphore_mem>>)
        }
        %scan3A_68 = arith.constant 72 : i32
        %dma_wait3A = arith.constant 0 : i32
        %dma_wait3A_69 = tpu.memref_slice %arg8[%dma_wait3A] : memref<36864xi32, #tpu.memory_space<vmem>> -> memref<9216xi32, #tpu.memory_space<vmem>>
        %dma_wait3A_70 = arith.constant 0 : i32
        %dma_wait3A_71 = tpu.memref_slice %arg2[%dma_wait3A_70] : memref<589824xi32, #tpu.memory_space<hbm>> -> memref<9216xi32, #tpu.memory_space<hbm>>
        %dma_wait3A_72 = arith.constant 0 : i32
        %dma_wait3A_73 = tpu.memref_slice %arg8[%dma_wait3A_72] : memref<36864xi32, #tpu.memory_space<vmem>> -> memref<9216xi32, #tpu.memory_space<vmem>>
        %dma_wait3A_74 = arith.constant 0 : i32
        %dma_wait3A_75 = tpu.memref_slice %arg2[%dma_wait3A_74] : memref<589824xi32, #tpu.memory_space<hbm>> -> memref<9216xi32, #tpu.memory_space<hbm>>
        tpu.wait_dma2 semaphore(%arg16 : memref<!tpu.dma_semaphore, #tpu.memory_space<semaphore_mem>>) src(%dma_wait3A_75 : memref<9216xi32, #tpu.memory_space<hbm>>) dst(%dma_wait3A_73 : memref<9216xi32, #tpu.memory_space<vmem>>)
        %dma_wait3A_76 = arith.constant 0 : i32
        %dma_wait3A_77 = tpu.memref_slice %arg9[%dma_wait3A_76] : memref<36864xi32, #tpu.memory_space<vmem>> -> memref<9216xi32, #tpu.memory_space<vmem>>
        %dma_wait3A_78 = arith.constant 0 : i32
        %dma_wait3A_79 = tpu.memref_slice %arg2[%dma_wait3A_78] : memref<589824xi32, #tpu.memory_space<hbm>> -> memref<9216xi32, #tpu.memory_space<hbm>>
        %dma_wait3A_80 = arith.constant 0 : i32
        %dma_wait3A_81 = tpu.memref_slice %arg9[%dma_wait3A_80] : memref<36864xi32, #tpu.memory_space<vmem>> -> memref<9216xi32, #tpu.memory_space<vmem>>
        %dma_wait3A_82 = arith.constant 0 : i32
        %dma_wait3A_83 = tpu.memref_slice %arg2[%dma_wait3A_82] : memref<589824xi32, #tpu.memory_space<hbm>> -> memref<9216xi32, #tpu.memory_space<hbm>>
        tpu.wait_dma2 semaphore(%arg16 : memref<!tpu.dma_semaphore, #tpu.memory_space<semaphore_mem>>) src(%dma_wait3A_83 : memref<9216xi32, #tpu.memory_space<hbm>>) dst(%dma_wait3A_81 : memref<9216xi32, #tpu.memory_space<vmem>>)
      }
      %scan3A_47 = arith.constant 4 : i32
      %barrier3A = arith.constant 0 : index
      tpu.barrier barrier_id(%barrier3A)
      %mul3A_48 = arith.constant 4096 : i32
      %mul3A_49 = arith.muli %arg1, %mul3A_48 : i32
      %add3A_50 = arith.addi %mul3A_41, %mul3A_49 : i32
      %multiple_of3A_51 = tpu.assume_multiple %add3A_50, 16 : i32
      "tpu.region"() ({
        %run_scoped3A = tpu.sem_alloc : memref<!tpu.dma_semaphore, #tpu.memory_space<semaphore_mem>>
        %dma_start3A = tpu.memref_slice %arg6[%multiple_of3A_51] : memref<589824xi32, #tpu.memory_space<hbm>> -> memref<4096xi32, #tpu.memory_space<hbm>>
        %dma_start3A_53 = tpu.memref_slice %arg14[%mul3A_49] : memref<65568xi32, #tpu.memory_space<vmem_shared>> -> memref<4096xi32, #tpu.memory_space<vmem_shared>>
        tpu.enqueue_dma source(%dma_start3A_53 : memref<4096xi32, #tpu.memory_space<vmem_shared>>) target(%dma_start3A : memref<4096xi32, #tpu.memory_space<hbm>>) target_semaphore(%run_scoped3A : memref<!tpu.dma_semaphore, #tpu.memory_space<semaphore_mem>>)
        %dma_wait3A = tpu.memref_slice %arg6[%multiple_of3A_51] : memref<589824xi32, #tpu.memory_space<hbm>> -> memref<4096xi32, #tpu.memory_space<hbm>>
        %dma_wait3A_54 = tpu.memref_slice %arg14[%mul3A_49] : memref<65568xi32, #tpu.memory_space<vmem_shared>> -> memref<4096xi32, #tpu.memory_space<vmem_shared>>
        tpu.wait_dma2 semaphore(%run_scoped3A : memref<!tpu.dma_semaphore, #tpu.memory_space<semaphore_mem>>) src(%dma_wait3A_54 : memref<4096xi32, #tpu.memory_space<vmem_shared>>) dst(%dma_wait3A : memref<4096xi32, #tpu.memory_space<hbm>>)
        tpu.yield
      }) : () -> ()
      "tpu.region"() ({
        %run_scoped3A = tpu.sem_alloc : memref<!tpu.dma_semaphore, #tpu.memory_space<semaphore_mem>>
        %dma_start3A = tpu.memref_slice %arg7[%multiple_of3A_51] : memref<589824xi32, #tpu.memory_space<hbm>> -> memref<4096xi32, #tpu.memory_space<hbm>>
        %dma_start3A_53 = tpu.memref_slice %arg15[%mul3A_49] : memref<65568xi32, #tpu.memory_space<vmem_shared>> -> memref<4096xi32, #tpu.memory_space<vmem_shared>>
        tpu.enqueue_dma source(%dma_start3A_53 : memref<4096xi32, #tpu.memory_space<vmem_shared>>) target(%dma_start3A : memref<4096xi32, #tpu.memory_space<hbm>>) target_semaphore(%run_scoped3A : memref<!tpu.dma_semaphore, #tpu.memory_space<semaphore_mem>>)
        %dma_wait3A = tpu.memref_slice %arg7[%multiple_of3A_51] : memref<589824xi32, #tpu.memory_space<hbm>> -> memref<4096xi32, #tpu.memory_space<hbm>>
        %dma_wait3A_54 = tpu.memref_slice %arg15[%mul3A_49] : memref<65568xi32, #tpu.memory_space<vmem_shared>> -> memref<4096xi32, #tpu.memory_space<vmem_shared>>
        tpu.wait_dma2 semaphore(%run_scoped3A : memref<!tpu.dma_semaphore, #tpu.memory_space<semaphore_mem>>) src(%dma_wait3A_54 : memref<4096xi32, #tpu.memory_space<vmem_shared>>) dst(%dma_wait3A : memref<4096xi32, #tpu.memory_space<hbm>>)
        tpu.yield
      }) : () -> ()
      %barrier3A_52 = arith.constant 0 : index
      tpu.barrier barrier_id(%barrier3A_52)
    }
    %scan3A_35 = arith.constant 5 : i32
    return
  }
}

#map = affine_map<(d0, d1) -> (0)>
#map1 = affine_map<(d0, d1) -> (0, 0)>
module attributes {stable_mosaic.version = 14 : i64} {
  func.func @count_kernel(%arg0: i32, %arg1: i32, %arg2: memref<589824xi32, #tpu.memory_space<hbm>>, %arg3: memref<16xi32, #tpu.memory_space<hbm>>, %arg4: memref<32x2048xi32, #tpu.memory_space<hbm>>, %arg5: memref<18432xi32, #tpu.memory_space<vmem>>, %arg6: memref<32768xi32, #tpu.memory_space<vmem>>, %arg7: memref<16xi32, #tpu.memory_space<vmem>>) attributes {dimension_semantics = [#tpu.dimension_semantics<core_parallel>, #tpu.dimension_semantics<subcore_parallel>], iteration_bounds = array<i64: 2, 16>, scalar_prefetch = 0 : i64, scratch_operands = 3 : i64, tpu.core_type = #tpu.core_type<sc_vector_subcore>, window_params = [{transform_indices = #map}, {transform_indices = #map}, {transform_indices = #map1}]} {
    %mul3A = arith.constant 2 : i32
    %mul3A_0 = arith.muli %arg1, %mul3A : i32
    %add3A = arith.addi %mul3A_0, %arg0 : i32
    %iota3A = tpu.iota {dimensions = array<i32: 0>} : vector<16xi32>
    %broadcast_in_dim3A = arith.constant 1 : i32
    %broadcast_in_dim3A_1 = vector.broadcast %broadcast_in_dim3A : i32 to vector<16xi32>
    "tpu.region"() ({
      %run_scoped3A = tpu.sem_alloc : memref<!tpu.dma_semaphore, #tpu.memory_space<semaphore_mem>>
      tpu.enqueue_dma source(%arg3 : memref<16xi32, #tpu.memory_space<hbm>>) target(%arg7 : memref<16xi32, #tpu.memory_space<vmem>>) target_semaphore(%run_scoped3A : memref<!tpu.dma_semaphore, #tpu.memory_space<semaphore_mem>>)
      tpu.wait_dma2 semaphore(%run_scoped3A : memref<!tpu.dma_semaphore, #tpu.memory_space<semaphore_mem>>) src(%arg3 : memref<16xi32, #tpu.memory_space<hbm>>) dst(%arg7 : memref<16xi32, #tpu.memory_space<vmem>>)
      tpu.yield
    }) : () -> ()
    %get3A = arith.constant 0 : index
    %get3A_2 = tpu.vector_load %arg7[%get3A] {strides = array<i32>} : memref<16xi32, #tpu.memory_space<vmem>>, vector<16xi32>,
    %broadcast_in_dim3A_3 = arith.constant 0 : i32
    %broadcast_in_dim3A_4 = vector.broadcast %broadcast_in_dim3A_3 : i32 to vector<16xi32>
    %slice3A = vector.extract_strided_slice %get3A_2 {offsets = [0], sizes = [1], strides = [1]} : vector<16xi32> to vector<1xi32>
    %squeeze3A = vector.extract %slice3A[0] : i32 from vector<1xi32>
    %add3A_5 = vector.broadcast %squeeze3A : i32 to vector<16xi32>
    %add3A_6 = arith.addi %broadcast_in_dim3A_4, %add3A_5 : vector<16xi32>
    %broadcast_in_dim3A_7 = arith.constant 0 : i32
    %broadcast_in_dim3A_8 = vector.broadcast %broadcast_in_dim3A_7 : i32 to vector<16xi32>
    %slice3A_9 = vector.extract_strided_slice %get3A_2 {offsets = [1], sizes = [1], strides = [1]} : vector<16xi32> to vector<1xi32>
    %squeeze3A_10 = vector.extract %slice3A_9[0] : i32 from vector<1xi32>
    %add3A_11 = vector.broadcast %squeeze3A_10 : i32 to vector<16xi32>
    %add3A_12 = arith.addi %broadcast_in_dim3A_8, %add3A_11 : vector<16xi32>
    %scan3A = arith.constant 0 : i32
    %scan3A_13 = arith.constant 0 : i32
    %scan3A_14 = arith.constant 2048 : i32
    %scan3A_15 = arith.addi %scan3A_13, %scan3A_14 : i32
    %scan3A_16 = arith.constant 1 : i32
    scf.for %scan3A_32 = %scan3A_13 to %scan3A_15 step %scan3A_16  : i32 {
      %broadcast_in_dim3A_33 = arith.constant 0 : i32
      %broadcast_in_dim3A_34 = vector.broadcast %broadcast_in_dim3A_33 : i32 to vector<16xi32>
      %mul3A_35 = arith.constant 16 : i32
      %mul3A_36 = arith.muli %scan3A_32, %mul3A_35 : i32
      %swap3A = arith.index_cast %mul3A_36 : i32 to index
      %swap3A_37 = tpu.vector_load %arg6[%swap3A] {strides = array<i32>} : memref<32768xi32, #tpu.memory_space<vmem>>, vector<16xi32>,
      tpu.vector_store %arg6[%swap3A], %broadcast_in_dim3A_34 {strides = array<i32>} : memref<32768xi32, #tpu.memory_space<vmem>>, vector<16xi32>,
    }
    %scan3A_17 = arith.constant 2048 : i32
    %mul3A_18 = arith.constant 18432 : i32
    %mul3A_19 = arith.muli %add3A, %mul3A_18 : i32
    %multiple_of3A = tpu.assume_multiple %mul3A_19, 16 : i32
    "tpu.region"() ({
      %run_scoped3A = tpu.sem_alloc : memref<!tpu.dma_semaphore, #tpu.memory_space<semaphore_mem>>
      %dma_start3A = tpu.memref_slice %arg2[%multiple_of3A] : memref<589824xi32, #tpu.memory_space<hbm>> -> memref<18432xi32, #tpu.memory_space<hbm>>
      %dma_start3A_32 = tpu.memref_slice %arg2[%multiple_of3A] : memref<589824xi32, #tpu.memory_space<hbm>> -> memref<18432xi32, #tpu.memory_space<hbm>>
      tpu.enqueue_dma source(%dma_start3A_32 : memref<18432xi32, #tpu.memory_space<hbm>>) target(%arg5 : memref<18432xi32, #tpu.memory_space<vmem>>) target_semaphore(%run_scoped3A : memref<!tpu.dma_semaphore, #tpu.memory_space<semaphore_mem>>)
      %dma_wait3A = tpu.memref_slice %arg2[%multiple_of3A] : memref<589824xi32, #tpu.memory_space<hbm>> -> memref<18432xi32, #tpu.memory_space<hbm>>
      %dma_wait3A_33 = tpu.memref_slice %arg2[%multiple_of3A] : memref<589824xi32, #tpu.memory_space<hbm>> -> memref<18432xi32, #tpu.memory_space<hbm>>
      tpu.wait_dma2 semaphore(%run_scoped3A : memref<!tpu.dma_semaphore, #tpu.memory_space<semaphore_mem>>) src(%dma_wait3A_33 : memref<18432xi32, #tpu.memory_space<hbm>>) dst(%arg5 : memref<18432xi32, #tpu.memory_space<vmem>>)
      tpu.yield
    }) : () -> ()
    %scan3A_20 = arith.constant 0 : i32
    %scan3A_21 = arith.constant 0 : i32
    %scan3A_22 = arith.constant 1152 : i32
    %scan3A_23 = arith.addi %scan3A_21, %scan3A_22 : i32
    %scan3A_24 = arith.constant 1 : i32
    scf.for %scan3A_32 = %scan3A_21 to %scan3A_23 step %scan3A_24  : i32 {
      %mul3A_33 = arith.constant 16 : i32
      %mul3A_34 = arith.muli %scan3A_32, %mul3A_33 : i32
      %get3A_35 = arith.index_cast %mul3A_34 : i32 to index
      %get3A_36 = tpu.vector_load %arg5[%get3A_35] {strides = array<i32>} : memref<18432xi32, #tpu.memory_space<vmem>>, vector<16xi32>,
      %bitcast_convert_type3A = tpu.bitcast %get3A_36 : vector<16xi32> -> vector<16xi32>
      %shift_right_logical3A = arith.shrui %bitcast_convert_type3A, %add3A_6 : vector<16xi32>
      %and3A = arith.andi %shift_right_logical3A, %add3A_12 : vector<16xi32>
      %mul3A_37 = arith.constant 2048 : i32
      %mul3A_38 = vector.broadcast %mul3A_37 : i32 to vector<16xi32>
      %mul3A_39 = arith.muli %iota3A, %mul3A_38 : vector<16xi32>
      %add3A_40 = arith.addi %mul3A_39, %and3A : vector<16xi32>
      tpu.vector_store_idx %arg6[%add3A_40], %broadcast_in_dim3A_1 {add = true} : memref<32768xi32, #tpu.memory_space<vmem>>[vector<16xi32>], vector<16xi32>,
    }
    %scan3A_25 = arith.constant 1152 : i32
    %scan3A_26 = arith.constant 0 : i32
    %scan3A_27 = arith.constant 0 : i32
    %scan3A_28 = arith.constant 128 : i32
    %scan3A_29 = arith.addi %scan3A_27, %scan3A_28 : i32
    %scan3A_30 = arith.constant 1 : i32
    scf.for %scan3A_32 = %scan3A_27 to %scan3A_29 step %scan3A_30  : i32 {
      %broadcast_in_dim3A_33 = arith.constant 0 : i32
      %broadcast_in_dim3A_34 = vector.broadcast %broadcast_in_dim3A_33 : i32 to vector<16xi32>
      %mul3A_35 = arith.constant 16 : i32
      %mul3A_36 = arith.muli %scan3A_32, %mul3A_35 : i32
      %add3A_37 = arith.constant 0 : i32
      %add3A_38 = arith.addi %add3A_37, %mul3A_36 : i32
      %get3A_39 = arith.index_cast %add3A_38 : i32 to index
      %get3A_40 = tpu.vector_load %arg6[%get3A_39] {strides = array<i32>} : memref<32768xi32, #tpu.memory_space<vmem>>, vector<16xi32>,
      %add3A_41 = arith.addi %broadcast_in_dim3A_34, %get3A_40 : vector<16xi32>
      %mul3A_42 = arith.constant 16 : i32
      %mul3A_43 = arith.muli %scan3A_32, %mul3A_42 : i32
      %add3A_44 = arith.constant 2048 : i32
      %add3A_45 = arith.addi %add3A_44, %mul3A_43 : i32
      %get3A_46 = arith.index_cast %add3A_45 : i32 to index
      %get3A_47 = tpu.vector_load %arg6[%get3A_46] {strides = array<i32>} : memref<32768xi32, #tpu.memory_space<vmem>>, vector<16xi32>,
      %add3A_48 = arith.addi %add3A_41, %get3A_47 : vector<16xi32>
      %mul3A_49 = arith.constant 16 : i32
      %mul3A_50 = arith.muli %scan3A_32, %mul3A_49 : i32
      %add3A_51 = arith.constant 4096 : i32
      %add3A_52 = arith.addi %add3A_51, %mul3A_50 : i32
      %get3A_53 = arith.index_cast %add3A_52 : i32 to index
      %get3A_54 = tpu.vector_load %arg6[%get3A_53] {strides = array<i32>} : memref<32768xi32, #tpu.memory_space<vmem>>, vector<16xi32>,
      %add3A_55 = arith.addi %add3A_48, %get3A_54 : vector<16xi32>
      %mul3A_56 = arith.constant 16 : i32
      %mul3A_57 = arith.muli %scan3A_32, %mul3A_56 : i32
      %add3A_58 = arith.constant 6144 : i32
      %add3A_59 = arith.addi %add3A_58, %mul3A_57 : i32
      %get3A_60 = arith.index_cast %add3A_59 : i32 to index
      %get3A_61 = tpu.vector_load %arg6[%get3A_60] {strides = array<i32>} : memref<32768xi32, #tpu.memory_space<vmem>>, vector<16xi32>,
      %add3A_62 = arith.addi %add3A_55, %get3A_61 : vector<16xi32>
      %mul3A_63 = arith.constant 16 : i32
      %mul3A_64 = arith.muli %scan3A_32, %mul3A_63 : i32
      %add3A_65 = arith.constant 8192 : i32
      %add3A_66 = arith.addi %add3A_65, %mul3A_64 : i32
      %get3A_67 = arith.index_cast %add3A_66 : i32 to index
      %get3A_68 = tpu.vector_load %arg6[%get3A_67] {strides = array<i32>} : memref<32768xi32, #tpu.memory_space<vmem>>, vector<16xi32>,
      %add3A_69 = arith.addi %add3A_62, %get3A_68 : vector<16xi32>
      %mul3A_70 = arith.constant 16 : i32
      %mul3A_71 = arith.muli %scan3A_32, %mul3A_70 : i32
      %add3A_72 = arith.constant 10240 : i32
      %add3A_73 = arith.addi %add3A_72, %mul3A_71 : i32
      %get3A_74 = arith.index_cast %add3A_73 : i32 to index
      %get3A_75 = tpu.vector_load %arg6[%get3A_74] {strides = array<i32>} : memref<32768xi32, #tpu.memory_space<vmem>>, vector<16xi32>,
      %add3A_76 = arith.addi %add3A_69, %get3A_75 : vector<16xi32>
      %mul3A_77 = arith.constant 16 : i32
      %mul3A_78 = arith.muli %scan3A_32, %mul3A_77 : i32
      %add3A_79 = arith.constant 12288 : i32
      %add3A_80 = arith.addi %add3A_79, %mul3A_78 : i32
      %get3A_81 = arith.index_cast %add3A_80 : i32 to index
      %get3A_82 = tpu.vector_load %arg6[%get3A_81] {strides = array<i32>} : memref<32768xi32, #tpu.memory_space<vmem>>, vector<16xi32>,
      %add3A_83 = arith.addi %add3A_76, %get3A_82 : vector<16xi32>
      %mul3A_84 = arith.constant 16 : i32
      %mul3A_85 = arith.muli %scan3A_32, %mul3A_84 : i32
      %add3A_86 = arith.constant 14336 : i32
      %add3A_87 = arith.addi %add3A_86, %mul3A_85 : i32
      %get3A_88 = arith.index_cast %add3A_87 : i32 to index
      %get3A_89 = tpu.vector_load %arg6[%get3A_88] {strides = array<i32>} : memref<32768xi32, #tpu.memory_space<vmem>>, vector<16xi32>,
      %add3A_90 = arith.addi %add3A_83, %get3A_89 : vector<16xi32>
      %mul3A_91 = arith.constant 16 : i32
      %mul3A_92 = arith.muli %scan3A_32, %mul3A_91 : i32
      %add3A_93 = arith.constant 16384 : i32
      %add3A_94 = arith.addi %add3A_93, %mul3A_92 : i32
      %get3A_95 = arith.index_cast %add3A_94 : i32 to index
      %get3A_96 = tpu.vector_load %arg6[%get3A_95] {strides = array<i32>} : memref<32768xi32, #tpu.memory_space<vmem>>, vector<16xi32>,
      %add3A_97 = arith.addi %add3A_90, %get3A_96 : vector<16xi32>
      %mul3A_98 = arith.constant 16 : i32
      %mul3A_99 = arith.muli %scan3A_32, %mul3A_98 : i32
      %add3A_100 = arith.constant 18432 : i32
      %add3A_101 = arith.addi %add3A_100, %mul3A_99 : i32
      %get3A_102 = arith.index_cast %add3A_101 : i32 to index
      %get3A_103 = tpu.vector_load %arg6[%get3A_102] {strides = array<i32>} : memref<32768xi32, #tpu.memory_space<vmem>>, vector<16xi32>,
      %add3A_104 = arith.addi %add3A_97, %get3A_103 : vector<16xi32>
      %mul3A_105 = arith.constant 16 : i32
      %mul3A_106 = arith.muli %scan3A_32, %mul3A_105 : i32
      %add3A_107 = arith.constant 20480 : i32
      %add3A_108 = arith.addi %add3A_107, %mul3A_106 : i32
      %get3A_109 = arith.index_cast %add3A_108 : i32 to index
      %get3A_110 = tpu.vector_load %arg6[%get3A_109] {strides = array<i32>} : memref<32768xi32, #tpu.memory_space<vmem>>, vector<16xi32>,
      %add3A_111 = arith.addi %add3A_104, %get3A_110 : vector<16xi32>
      %mul3A_112 = arith.constant 16 : i32
      %mul3A_113 = arith.muli %scan3A_32, %mul3A_112 : i32
      %add3A_114 = arith.constant 22528 : i32
      %add3A_115 = arith.addi %add3A_114, %mul3A_113 : i32
      %get3A_116 = arith.index_cast %add3A_115 : i32 to index
      %get3A_117 = tpu.vector_load %arg6[%get3A_116] {strides = array<i32>} : memref<32768xi32, #tpu.memory_space<vmem>>, vector<16xi32>,
      %add3A_118 = arith.addi %add3A_111, %get3A_117 : vector<16xi32>
      %mul3A_119 = arith.constant 16 : i32
      %mul3A_120 = arith.muli %scan3A_32, %mul3A_119 : i32
      %add3A_121 = arith.constant 24576 : i32
      %add3A_122 = arith.addi %add3A_121, %mul3A_120 : i32
      %get3A_123 = arith.index_cast %add3A_122 : i32 to index
      %get3A_124 = tpu.vector_load %arg6[%get3A_123] {strides = array<i32>} : memref<32768xi32, #tpu.memory_space<vmem>>, vector<16xi32>,
      %add3A_125 = arith.addi %add3A_118, %get3A_124 : vector<16xi32>
      %mul3A_126 = arith.constant 16 : i32
      %mul3A_127 = arith.muli %scan3A_32, %mul3A_126 : i32
      %add3A_128 = arith.constant 26624 : i32
      %add3A_129 = arith.addi %add3A_128, %mul3A_127 : i32
      %get3A_130 = arith.index_cast %add3A_129 : i32 to index
      %get3A_131 = tpu.vector_load %arg6[%get3A_130] {strides = array<i32>} : memref<32768xi32, #tpu.memory_space<vmem>>, vector<16xi32>,
      %add3A_132 = arith.addi %add3A_125, %get3A_131 : vector<16xi32>
      %mul3A_133 = arith.constant 16 : i32
      %mul3A_134 = arith.muli %scan3A_32, %mul3A_133 : i32
      %add3A_135 = arith.constant 28672 : i32
      %add3A_136 = arith.addi %add3A_135, %mul3A_134 : i32
      %get3A_137 = arith.index_cast %add3A_136 : i32 to index
      %get3A_138 = tpu.vector_load %arg6[%get3A_137] {strides = array<i32>} : memref<32768xi32, #tpu.memory_space<vmem>>, vector<16xi32>,
      %add3A_139 = arith.addi %add3A_132, %get3A_138 : vector<16xi32>
      %mul3A_140 = arith.constant 16 : i32
      %mul3A_141 = arith.muli %scan3A_32, %mul3A_140 : i32
      %add3A_142 = arith.constant 30720 : i32
      %add3A_143 = arith.addi %add3A_142, %mul3A_141 : i32
      %get3A_144 = arith.index_cast %add3A_143 : i32 to index
      %get3A_145 = tpu.vector_load %arg6[%get3A_144] {strides = array<i32>} : memref<32768xi32, #tpu.memory_space<vmem>>, vector<16xi32>,
      %add3A_146 = arith.addi %add3A_139, %get3A_145 : vector<16xi32>
      %mul3A_147 = arith.constant 16 : i32
      %mul3A_148 = arith.muli %scan3A_32, %mul3A_147 : i32
      %swap3A = arith.index_cast %mul3A_148 : i32 to index
      %swap3A_149 = tpu.vector_load %arg6[%swap3A] {strides = array<i32>} : memref<32768xi32, #tpu.memory_space<vmem>>, vector<16xi32>,
      tpu.vector_store %arg6[%swap3A], %add3A_146 {strides = array<i32>} : memref<32768xi32, #tpu.memory_space<vmem>>, vector<16xi32>,
    }
    %scan3A_31 = arith.constant 128 : i32
    "tpu.region"() ({
      %run_scoped3A = tpu.sem_alloc : memref<!tpu.dma_semaphore, #tpu.memory_space<semaphore_mem>>
      %dma_start3A = arith.constant 0 : i32
      %dma_start3A_32 = tpu.memref_slice %arg6[%dma_start3A] : memref<32768xi32, #tpu.memory_space<vmem>> -> memref<2048xi32, #tpu.memory_space<vmem>>
      %dma_start3A_33 = arith.constant 0 : i32
      %dma_start3A_34 = tpu.memref_slice %arg4[%add3A, %dma_start3A_33] : memref<32x2048xi32, #tpu.memory_space<hbm>> -> memref<1x2048xi32, #tpu.memory_space<hbm>>
      %dma_start3A_35 = tpu.memref_squeeze %dma_start3A_34 : memref<1x2048xi32, #tpu.memory_space<hbm>> -> memref<2048xi32, #tpu.memory_space<hbm>>
      %dma_start3A_36 = arith.constant 0 : i32
      %dma_start3A_37 = tpu.memref_slice %arg4[%add3A, %dma_start3A_36] : memref<32x2048xi32, #tpu.memory_space<hbm>> -> memref<1x2048xi32, #tpu.memory_space<hbm>>
      %dma_start3A_38 = tpu.memref_squeeze %dma_start3A_37 : memref<1x2048xi32, #tpu.memory_space<hbm>> -> memref<2048xi32, #tpu.memory_space<hbm>>
      %dma_start3A_39 = arith.constant 0 : i32
      %dma_start3A_40 = tpu.memref_slice %arg6[%dma_start3A_39] : memref<32768xi32, #tpu.memory_space<vmem>> -> memref<2048xi32, #tpu.memory_space<vmem>>
      tpu.enqueue_dma source(%dma_start3A_40 : memref<2048xi32, #tpu.memory_space<vmem>>) target(%dma_start3A_38 : memref<2048xi32, #tpu.memory_space<hbm>>) target_semaphore(%run_scoped3A : memref<!tpu.dma_semaphore, #tpu.memory_space<semaphore_mem>>)
      %dma_wait3A = arith.constant 0 : i32
      %dma_wait3A_41 = tpu.memref_slice %arg6[%dma_wait3A] : memref<32768xi32, #tpu.memory_space<vmem>> -> memref<2048xi32, #tpu.memory_space<vmem>>
      %dma_wait3A_42 = arith.constant 0 : i32
      %dma_wait3A_43 = tpu.memref_slice %arg4[%add3A, %dma_wait3A_42] : memref<32x2048xi32, #tpu.memory_space<hbm>> -> memref<1x2048xi32, #tpu.memory_space<hbm>>
      %dma_wait3A_44 = tpu.memref_squeeze %dma_wait3A_43 : memref<1x2048xi32, #tpu.memory_space<hbm>> -> memref<2048xi32, #tpu.memory_space<hbm>>
      %dma_wait3A_45 = arith.constant 0 : i32
      %dma_wait3A_46 = tpu.memref_slice %arg4[%add3A, %dma_wait3A_45] : memref<32x2048xi32, #tpu.memory_space<hbm>> -> memref<1x2048xi32, #tpu.memory_space<hbm>>
      %dma_wait3A_47 = tpu.memref_squeeze %dma_wait3A_46 : memref<1x2048xi32, #tpu.memory_space<hbm>> -> memref<2048xi32, #tpu.memory_space<hbm>>
      %dma_wait3A_48 = arith.constant 0 : i32
      %dma_wait3A_49 = tpu.memref_slice %arg6[%dma_wait3A_48] : memref<32768xi32, #tpu.memory_space<vmem>> -> memref<2048xi32, #tpu.memory_space<vmem>>
      tpu.wait_dma2 semaphore(%run_scoped3A : memref<!tpu.dma_semaphore, #tpu.memory_space<semaphore_mem>>) src(%dma_wait3A_49 : memref<2048xi32, #tpu.memory_space<vmem>>) dst(%dma_wait3A_47 : memref<2048xi32, #tpu.memory_space<hbm>>)
      tpu.yield
    }) : () -> ()
    return
  }
}

#map = affine_map<(d0, d1) -> (0)>
#map1 = affine_map<(d0, d1) -> (0, 0)>
module attributes {stable_mosaic.version = 14 : i64} {
  func.func @scatter_kernel(%arg0: i32, %arg1: i32, %arg2: memref<589824xi32, #tpu.memory_space<hbm>>, %arg3: memref<589824xi32, #tpu.memory_space<hbm>>, %arg4: memref<16xi32, #tpu.memory_space<hbm>>, %arg5: memref<32x2048xi32, #tpu.memory_space<hbm>>, %arg6: memref<589824xi32, #tpu.memory_space<hbm>>, %arg7: memref<589824xi32, #tpu.memory_space<hbm>>, %arg8: memref<36864xi32, #tpu.memory_space<vmem>>, %arg9: memref<36864xi32, #tpu.memory_space<vmem>>, %arg10: memref<288x128xi32, #tpu.memory_space<vmem>>, %arg11: memref<72x128xi32, #tpu.memory_space<vmem>>, %arg12: memref<2048xi32, #tpu.memory_space<vmem>>, %arg13: memref<16xi32, #tpu.memory_space<vmem>>, %arg14: memref<65568xi32, #tpu.memory_space<vmem_shared>>, %arg15: memref<65568xi32, #tpu.memory_space<vmem_shared>>, %arg16: memref<!tpu.dma_semaphore, #tpu.memory_space<semaphore_mem>>) attributes {dimension_semantics = [#tpu.dimension_semantics<core_parallel>, #tpu.dimension_semantics<subcore_parallel>], iteration_bounds = array<i64: 2, 16>, scalar_prefetch = 0 : i64, scratch_operands = 9 : i64, tpu.core_type = #tpu.core_type<sc_vector_subcore>, window_params = [{transform_indices = #map}, {transform_indices = #map}, {transform_indices = #map}, {transform_indices = #map1}, {transform_indices = #map}, {transform_indices = #map}]} {
    %mul3A = arith.constant 36864 : i32
    %mul3A_0 = arith.muli %arg1, %mul3A : i32
    %multiple_of3A = tpu.assume_multiple %mul3A_0, 16 : i32
    "tpu.region"() ({
      %run_scoped3A = tpu.sem_alloc : memref<!tpu.dma_semaphore, #tpu.memory_space<semaphore_mem>>
      %dma_start3A = tpu.memref_slice %arg2[%multiple_of3A] : memref<589824xi32, #tpu.memory_space<hbm>> -> memref<36864xi32, #tpu.memory_space<hbm>>
      %dma_start3A_36 = tpu.memref_slice %arg2[%multiple_of3A] : memref<589824xi32, #tpu.memory_space<hbm>> -> memref<36864xi32, #tpu.memory_space<hbm>>
      tpu.enqueue_dma source(%dma_start3A_36 : memref<36864xi32, #tpu.memory_space<hbm>>) target(%arg8 : memref<36864xi32, #tpu.memory_space<vmem>>) target_semaphore(%run_scoped3A : memref<!tpu.dma_semaphore, #tpu.memory_space<semaphore_mem>>)
      %dma_wait3A = tpu.memref_slice %arg2[%multiple_of3A] : memref<589824xi32, #tpu.memory_space<hbm>> -> memref<36864xi32, #tpu.memory_space<hbm>>
      %dma_wait3A_37 = tpu.memref_slice %arg2[%multiple_of3A] : memref<589824xi32, #tpu.memory_space<hbm>> -> memref<36864xi32, #tpu.memory_space<hbm>>
      tpu.wait_dma2 semaphore(%run_scoped3A : memref<!tpu.dma_semaphore, #tpu.memory_space<semaphore_mem>>) src(%dma_wait3A_37 : memref<36864xi32, #tpu.memory_space<hbm>>) dst(%arg8 : memref<36864xi32, #tpu.memory_space<vmem>>)
      tpu.yield
    }) : () -> ()
    %multiple_of3A_1 = tpu.assume_multiple %mul3A_0, 16 : i32
    "tpu.region"() ({
      %run_scoped3A = tpu.sem_alloc : memref<!tpu.dma_semaphore, #tpu.memory_space<semaphore_mem>>
      %dma_start3A = tpu.memref_slice %arg3[%multiple_of3A_1] : memref<589824xi32, #tpu.memory_space<hbm>> -> memref<36864xi32, #tpu.memory_space<hbm>>
      %dma_start3A_36 = tpu.memref_slice %arg3[%multiple_of3A_1] : memref<589824xi32, #tpu.memory_space<hbm>> -> memref<36864xi32, #tpu.memory_space<hbm>>
      tpu.enqueue_dma source(%dma_start3A_36 : memref<36864xi32, #tpu.memory_space<hbm>>) target(%arg9 : memref<36864xi32, #tpu.memory_space<vmem>>) target_semaphore(%run_scoped3A : memref<!tpu.dma_semaphore, #tpu.memory_space<semaphore_mem>>)
      %dma_wait3A = tpu.memref_slice %arg3[%multiple_of3A_1] : memref<589824xi32, #tpu.memory_space<hbm>> -> memref<36864xi32, #tpu.memory_space<hbm>>
      %dma_wait3A_37 = tpu.memref_slice %arg3[%multiple_of3A_1] : memref<589824xi32, #tpu.memory_space<hbm>> -> memref<36864xi32, #tpu.memory_space<hbm>>
      tpu.wait_dma2 semaphore(%run_scoped3A : memref<!tpu.dma_semaphore, #tpu.memory_space<semaphore_mem>>) src(%dma_wait3A_37 : memref<36864xi32, #tpu.memory_space<hbm>>) dst(%arg9 : memref<36864xi32, #tpu.memory_space<vmem>>)
      tpu.yield
    }) : () -> ()
    %mul3A_2 = arith.constant 2 : i32
    %mul3A_3 = arith.muli %mul3A_2, %arg1 : i32
    "tpu.region"() ({
      %run_scoped3A = tpu.sem_alloc : memref<!tpu.dma_semaphore, #tpu.memory_space<semaphore_mem>>
      %dma_start3A = arith.constant 0 : i32
      %dma_start3A_36 = tpu.memref_slice %arg5[%mul3A_3, %dma_start3A] : memref<32x2048xi32, #tpu.memory_space<hbm>> -> memref<1x2048xi32, #tpu.memory_space<hbm>>
      %dma_start3A_37 = tpu.memref_squeeze %dma_start3A_36 : memref<1x2048xi32, #tpu.memory_space<hbm>> -> memref<2048xi32, #tpu.memory_space<hbm>>
      %dma_start3A_38 = arith.constant 0 : i32
      %dma_start3A_39 = tpu.memref_slice %arg5[%mul3A_3, %dma_start3A_38] : memref<32x2048xi32, #tpu.memory_space<hbm>> -> memref<1x2048xi32, #tpu.memory_space<hbm>>
      %dma_start3A_40 = tpu.memref_squeeze %dma_start3A_39 : memref<1x2048xi32, #tpu.memory_space<hbm>> -> memref<2048xi32, #tpu.memory_space<hbm>>
      tpu.enqueue_dma source(%dma_start3A_40 : memref<2048xi32, #tpu.memory_space<hbm>>) target(%arg12 : memref<2048xi32, #tpu.memory_space<vmem>>) target_semaphore(%run_scoped3A : memref<!tpu.dma_semaphore, #tpu.memory_space<semaphore_mem>>)
      %dma_wait3A = arith.constant 0 : i32
      %dma_wait3A_41 = tpu.memref_slice %arg5[%mul3A_3, %dma_wait3A] : memref<32x2048xi32, #tpu.memory_space<hbm>> -> memref<1x2048xi32, #tpu.memory_space<hbm>>
      %dma_wait3A_42 = tpu.memref_squeeze %dma_wait3A_41 : memref<1x2048xi32, #tpu.memory_space<hbm>> -> memref<2048xi32, #tpu.memory_space<hbm>>
      %dma_wait3A_43 = arith.constant 0 : i32
      %dma_wait3A_44 = tpu.memref_slice %arg5[%mul3A_3, %dma_wait3A_43] : memref<32x2048xi32, #tpu.memory_space<hbm>> -> memref<1x2048xi32, #tpu.memory_space<hbm>>
      %dma_wait3A_45 = tpu.memref_squeeze %dma_wait3A_44 : memref<1x2048xi32, #tpu.memory_space<hbm>> -> memref<2048xi32, #tpu.memory_space<hbm>>
      tpu.wait_dma2 semaphore(%run_scoped3A : memref<!tpu.dma_semaphore, #tpu.memory_space<semaphore_mem>>) src(%dma_wait3A_45 : memref<2048xi32, #tpu.memory_space<hbm>>) dst(%arg12 : memref<2048xi32, #tpu.memory_space<vmem>>)
      tpu.yield
    }) : () -> ()
    "tpu.region"() ({
      %run_scoped3A = tpu.sem_alloc : memref<!tpu.dma_semaphore, #tpu.memory_space<semaphore_mem>>
      tpu.enqueue_dma source(%arg4 : memref<16xi32, #tpu.memory_space<hbm>>) target(%arg13 : memref<16xi32, #tpu.memory_space<vmem>>) target_semaphore(%run_scoped3A : memref<!tpu.dma_semaphore, #tpu.memory_space<semaphore_mem>>)
      tpu.wait_dma2 semaphore(%run_scoped3A : memref<!tpu.dma_semaphore, #tpu.memory_space<semaphore_mem>>) src(%arg4 : memref<16xi32, #tpu.memory_space<hbm>>) dst(%arg13 : memref<16xi32, #tpu.memory_space<vmem>>)
      tpu.yield
    }) : () -> ()
    %get3A = arith.constant 0 : index
    %get3A_4 = tpu.vector_load %arg13[%get3A] {strides = array<i32>} : memref<16xi32, #tpu.memory_space<vmem>>, vector<16xi32>,
    %broadcast_in_dim3A = arith.constant 0 : i32
    %broadcast_in_dim3A_5 = vector.broadcast %broadcast_in_dim3A : i32 to vector<16xi32>
    %slice3A = vector.extract_strided_slice %get3A_4 {offsets = [0], sizes = [1], strides = [1]} : vector<16xi32> to vector<1xi32>
    %squeeze3A = vector.extract %slice3A[0] : i32 from vector<1xi32>
    %add3A = vector.broadcast %squeeze3A : i32 to vector<16xi32>
    %add3A_6 = arith.addi %broadcast_in_dim3A_5, %add3A : vector<16xi32>
    %broadcast_in_dim3A_7 = arith.constant 0 : i32
    %broadcast_in_dim3A_8 = vector.broadcast %broadcast_in_dim3A_7 : i32 to vector<16xi32>
    %slice3A_9 = vector.extract_strided_slice %get3A_4 {offsets = [1], sizes = [1], strides = [1]} : vector<16xi32> to vector<1xi32>
    %squeeze3A_10 = vector.extract %slice3A_9[0] : i32 from vector<1xi32>
    %add3A_11 = vector.broadcast %squeeze3A_10 : i32 to vector<16xi32>
    %add3A_12 = arith.addi %broadcast_in_dim3A_8, %add3A_11 : vector<16xi32>
    %broadcast_in_dim3A_13 = arith.constant 0 : i32
    %broadcast_in_dim3A_14 = vector.broadcast %broadcast_in_dim3A_13 : i32 to vector<16xi32>
    %broadcast_in_dim3A_15 = arith.constant true
    %broadcast_in_dim3A_16 = vector.broadcast %broadcast_in_dim3A_15 : i1 to vector<16xi1>
    %unique3A, %unique3A_17 = tpu.scan_count mask(%broadcast_in_dim3A_16 : vector<16xi1>) value(%broadcast_in_dim3A_14 : vector<16xi32>) : vector<16xi1>, vector<16xi32>
    %reduce_min3A = arith.constant true
    %reduce_min3A_18 = vector.broadcast %reduce_min3A : i1 to vector<16xi1>
    %reduce_min3A_19 = arith.constant -2147483648 : i32
    %reduce_min3A_20 = vector.broadcast %reduce_min3A_19 : i32 to vector<16xi32>
    %reduce_min3A_21 = arith.xori %unique3A_17, %reduce_min3A_20 : vector<16xi32>
    %reduce_min3A_22 = tpu.scan <min>, %reduce_min3A_21 masked %reduce_min3A_18 : vector<16xi32>, vector<16xi1> -> vector<16xi32>
    %reduce_min3A_23 = arith.xori %reduce_min3A_22, %reduce_min3A_20 : vector<16xi32>
    %reduce_min3A_24 = vector.extract %reduce_min3A_23[15] : i32 from vector<16xi32>
    %scan3A = arith.constant 0 : i32
    %scan3A_25 = arith.constant 0 : i32
    %scan3A_26 = arith.constant 2304 : i32
    %scan3A_27 = arith.addi %scan3A_25, %scan3A_26 : i32
    %scan3A_28 = arith.constant 1 : i32
    scf.for %scan3A_36 = %scan3A_25 to %scan3A_27 step %scan3A_28  : i32 {
      %mul3A_37 = arith.constant 16 : i32
      %mul3A_38 = arith.muli %scan3A_36, %mul3A_37 : i32
      %get3A_39 = arith.index_cast %mul3A_38 : i32 to index
      %get3A_40 = tpu.vector_load %arg8[%get3A_39] {strides = array<i32>} : memref<36864xi32, #tpu.memory_space<vmem>>, vector<16xi32>,
      %bitcast_convert_type3A = tpu.bitcast %get3A_40 : vector<16xi32> -> vector<16xi32>
      %shift_right_logical3A = arith.shrui %bitcast_convert_type3A, %add3A_6 : vector<16xi32>
      %and3A = arith.andi %shift_right_logical3A, %add3A_12 : vector<16xi32>
      %broadcast_in_dim3A_41 = arith.constant true
      %broadcast_in_dim3A_42 = vector.broadcast %broadcast_in_dim3A_41 : i1 to vector<16xi1>
      %unique3A_43, %unique3A_44 = tpu.scan_count mask(%broadcast_in_dim3A_42 : vector<16xi1>) value(%and3A : vector<16xi32>) : vector<16xi1>, vector<16xi32>
      %sub3A = vector.broadcast %reduce_min3A_24 : i32 to vector<16xi32>
      %sub3A_45 = arith.subi %unique3A_44, %sub3A : vector<16xi32>
      %gather3A = tpu.vector_load_idx %arg12[%and3A] : memref<2048xi32, #tpu.memory_space<vmem>>[vector<16xi32>], vector<16xi32>,
      %add3A_46 = arith.addi %gather3A, %sub3A_45 : vector<16xi32>
      %add3A_47 = arith.constant 1 : i32
      %add3A_48 = vector.broadcast %add3A_47 : i32 to vector<16xi32>
      %add3A_49 = arith.addi %sub3A_45, %add3A_48 : vector<16xi32>
      tpu.vector_store_idx %arg12[%and3A], %add3A_49 masked %unique3A_43 {add = true} : memref<2048xi32, #tpu.memory_space<vmem>>[vector<16xi32>], vector<16xi32>, vector<16xi1>
      %jit3A = arith.constant 8 : i32
      %div3A = arith.divsi %scan3A_36, %jit3A : i32
      %sign3A = arith.constant 0 : i32
      %sign3A_50 = arith.cmpi sgt, %scan3A_36, %sign3A : i32
      %sign3A_51 = arith.extui %sign3A_50 : i1 to i32
      %sign3A_52 = arith.constant 0 : i32
      %sign3A_53 = arith.cmpi slt, %scan3A_36, %sign3A_52 : i32
      %sign3A_54 = arith.extui %sign3A_53 : i1 to i32
      %sign3A_55 = arith.subi %sign3A_51, %sign3A_54 : i32
      %sign3A_56 = arith.constant 0 : i32
      %sign3A_57 = arith.cmpi sgt, %jit3A, %sign3A_56 : i32
      %sign3A_58 = arith.extui %sign3A_57 : i1 to i32
      %sign3A_59 = arith.constant 0 : i32
      %sign3A_60 = arith.cmpi slt, %jit3A, %sign3A_59 : i32
      %sign3A_61 = arith.extui %sign3A_60 : i1 to i32
      %sign3A_62 = arith.subi %sign3A_58, %sign3A_61 : i32
      %ne3A = arith.cmpi ne, %sign3A_55, %sign3A_62 : i32
      %rem3A = arith.remsi %scan3A_36, %jit3A : i32
      %ne3A_63 = arith.constant 0 : i32
      %ne3A_64 = arith.cmpi ne, %rem3A, %ne3A_63 : i32
      %and3A_65 = arith.andi %ne3A, %ne3A_64 : i1
      %sub3A_66 = arith.constant 1 : i32
      %sub3A_67 = arith.subi %div3A, %sub3A_66 : i32
      %select_n3A = arith.select %and3A_65, %sub3A_67, %div3A : i32
      %jit3A_68 = arith.constant 8 : i32
      %eq3A = arith.constant 0 : i32
      %eq3A_69 = arith.cmpi eq, %jit3A_68, %eq3A : i32
      %jit3A_70 = arith.constant 1 : i32
      %select_n3A_71 = arith.select %eq3A_69, %jit3A_70, %jit3A_68 : i32
      %rem3A_72 = arith.remsi %scan3A_36, %select_n3A_71 : i32
      %ne3A_73 = arith.constant 0 : i32
      %ne3A_74 = arith.cmpi ne, %rem3A_72, %ne3A_73 : i32
      %lt3A = arith.constant 0 : i32
      %lt3A_75 = arith.cmpi slt, %rem3A_72, %lt3A : i32
      %lt3A_76 = arith.constant 0 : i32
      %lt3A_77 = arith.cmpi slt, %select_n3A_71, %lt3A_76 : i32
      %ne3A_78 = arith.xori %lt3A_75, %lt3A_77 : i1
      %and3A_79 = arith.andi %ne3A_78, %ne3A_74 : i1
      %add3A_80 = arith.addi %rem3A_72, %select_n3A_71 : i32
      %select_n3A_81 = arith.select %and3A_79, %add3A_80, %rem3A_72 : i32
      %mul3A_82 = arith.constant 16 : i32
      %mul3A_83 = arith.muli %select_n3A_81, %mul3A_82 : i32
      %swap3A = arith.index_cast %select_n3A : i32 to index
      %swap3A_84 = arith.index_cast %mul3A_83 : i32 to index
      %swap3A_85 = tpu.vector_load %arg10[%swap3A, %swap3A_84] {strides = array<i32>} : memref<288x128xi32, #tpu.memory_space<vmem>>, vector<16xi32>,
      tpu.vector_store %arg10[%swap3A, %swap3A_84], %add3A_46 {strides = array<i32>} : memref<288x128xi32, #tpu.memory_space<vmem>>, vector<16xi32>,
    }
    %scan3A_29 = arith.constant 2304 : i32
    %scan3A_30 = arith.constant 0 : i32
    %scan3A_31 = arith.constant 0 : i32
    %scan3A_32 = arith.constant 5 : i32
    %scan3A_33 = arith.addi %scan3A_31, %scan3A_32 : i32
    %scan3A_34 = arith.constant 1 : i32
    scf.for %scan3A_36 = %scan3A_31 to %scan3A_33 step %scan3A_34  : i32 {
      %mul3A_37 = arith.constant 4 : i32
      %mul3A_38 = arith.muli %arg0, %mul3A_37 : i32
      %add3A_39 = arith.addi %mul3A_38, %scan3A_36 : i32
      %mul3A_40 = arith.constant 65536 : i32
      %mul3A_41 = arith.muli %add3A_39, %mul3A_40 : i32
      %scan3A_42 = arith.constant 0 : i32
      %scan3A_43 = arith.constant 0 : i32
      %scan3A_44 = arith.constant 4 : i32
      %scan3A_45 = arith.addi %scan3A_43, %scan3A_44 : i32
      %scan3A_46 = arith.constant 1 : i32
      scf.for %scan3A_53 = %scan3A_43 to %scan3A_45 step %scan3A_46  : i32 {
        %scan3A_54 = arith.constant 0 : i32
        %scan3A_55 = arith.constant 0 : i32
        %scan3A_56 = arith.constant 576 : i32
        %scan3A_57 = arith.addi %scan3A_55, %scan3A_56 : i32
        %scan3A_58 = arith.constant 1 : i32
        scf.for %scan3A_84 = %scan3A_55 to %scan3A_57 step %scan3A_58  : i32 {
          %mul3A_85 = arith.constant 72 : i32
          %mul3A_86 = arith.muli %scan3A_53, %mul3A_85 : i32
          %jit3A = arith.constant 8 : i32
          %div3A = arith.divsi %scan3A_84, %jit3A : i32
          %sign3A = arith.constant 0 : i32
          %sign3A_87 = arith.cmpi sgt, %scan3A_84, %sign3A : i32
          %sign3A_88 = arith.extui %sign3A_87 : i1 to i32
          %sign3A_89 = arith.constant 0 : i32
          %sign3A_90 = arith.cmpi slt, %scan3A_84, %sign3A_89 : i32
          %sign3A_91 = arith.extui %sign3A_90 : i1 to i32
          %sign3A_92 = arith.subi %sign3A_88, %sign3A_91 : i32
          %sign3A_93 = arith.constant 0 : i32
          %sign3A_94 = arith.cmpi sgt, %jit3A, %sign3A_93 : i32
          %sign3A_95 = arith.extui %sign3A_94 : i1 to i32
          %sign3A_96 = arith.constant 0 : i32
          %sign3A_97 = arith.cmpi slt, %jit3A, %sign3A_96 : i32
          %sign3A_98 = arith.extui %sign3A_97 : i1 to i32
          %sign3A_99 = arith.subi %sign3A_95, %sign3A_98 : i32
          %ne3A = arith.cmpi ne, %sign3A_92, %sign3A_99 : i32
          %rem3A = arith.remsi %scan3A_84, %jit3A : i32
          %ne3A_100 = arith.constant 0 : i32
          %ne3A_101 = arith.cmpi ne, %rem3A, %ne3A_100 : i32
          %and3A = arith.andi %ne3A, %ne3A_101 : i1
          %sub3A = arith.constant 1 : i32
          %sub3A_102 = arith.subi %div3A, %sub3A : i32
          %select_n3A = arith.select %and3A, %sub3A_102, %div3A : i32
          %add3A_103 = arith.addi %mul3A_86, %select_n3A : i32
          %jit3A_104 = arith.constant 8 : i32
          %eq3A = arith.constant 0 : i32
          %eq3A_105 = arith.cmpi eq, %jit3A_104, %eq3A : i32
          %jit3A_106 = arith.constant 1 : i32
          %select_n3A_107 = arith.select %eq3A_105, %jit3A_106, %jit3A_104 : i32
          %rem3A_108 = arith.remsi %scan3A_84, %select_n3A_107 : i32
          %ne3A_109 = arith.constant 0 : i32
          %ne3A_110 = arith.cmpi ne, %rem3A_108, %ne3A_109 : i32
          %lt3A = arith.constant 0 : i32
          %lt3A_111 = arith.cmpi slt, %rem3A_108, %lt3A : i32
          %lt3A_112 = arith.constant 0 : i32
          %lt3A_113 = arith.cmpi slt, %select_n3A_107, %lt3A_112 : i32
          %ne3A_114 = arith.xori %lt3A_111, %lt3A_113 : i1
          %and3A_115 = arith.andi %ne3A_114, %ne3A_110 : i1
          %add3A_116 = arith.addi %rem3A_108, %select_n3A_107 : i32
          %select_n3A_117 = arith.select %and3A_115, %add3A_116, %rem3A_108 : i32
          %mul3A_118 = arith.constant 16 : i32
          %mul3A_119 = arith.muli %select_n3A_117, %mul3A_118 : i32
          %get3A_120 = arith.index_cast %add3A_103 : i32 to index
          %get3A_121 = arith.index_cast %mul3A_119 : i32 to index
          %get3A_122 = tpu.vector_load %arg10[%get3A_120, %get3A_121] {strides = array<i32>} : memref<288x128xi32, #tpu.memory_space<vmem>>, vector<16xi32>,
          %sub3A_123 = vector.broadcast %mul3A_41 : i32 to vector<16xi32>
          %sub3A_124 = arith.subi %get3A_122, %sub3A_123 : vector<16xi32>
          %ge3A = arith.constant 0 : i32
          %ge3A_125 = vector.broadcast %ge3A : i32 to vector<16xi32>
          %ge3A_126 = arith.cmpi sge, %sub3A_124, %ge3A_125 : vector<16xi32>
          %lt3A_127 = arith.constant 65536 : i32
          %lt3A_128 = vector.broadcast %lt3A_127 : i32 to vector<16xi32>
          %lt3A_129 = arith.cmpi slt, %sub3A_124, %lt3A_128 : vector<16xi32>
          %and3A_130 = arith.andi %ge3A_126, %lt3A_129 : vector<16xi1>
          %and3A_131 = arith.constant 31 : i32
          %and3A_132 = vector.broadcast %and3A_131 : i32 to vector<16xi32>
          %and3A_133 = arith.andi %get3A_122, %and3A_132 : vector<16xi32>
          %add3A_134 = arith.constant 65536 : i32
          %add3A_135 = vector.broadcast %add3A_134 : i32 to vector<16xi32>
          %add3A_136 = arith.addi %add3A_135, %and3A_133 : vector<16xi32>
          %select_n3A_137 = arith.select %and3A_130, %sub3A_124, %add3A_136 : vector<16xi1>, vector<16xi32>
          %jit3A_138 = arith.constant 8 : i32
          %div3A_139 = arith.divsi %scan3A_84, %jit3A_138 : i32
          %sign3A_140 = arith.constant 0 : i32
          %sign3A_141 = arith.cmpi sgt, %scan3A_84, %sign3A_140 : i32
          %sign3A_142 = arith.extui %sign3A_141 : i1 to i32
          %sign3A_143 = arith.constant 0 : i32
          %sign3A_144 = arith.cmpi slt, %scan3A_84, %sign3A_143 : i32
          %sign3A_145 = arith.extui %sign3A_144 : i1 to i32
          %sign3A_146 = arith.subi %sign3A_142, %sign3A_145 : i32
          %sign3A_147 = arith.constant 0 : i32
          %sign3A_148 = arith.cmpi sgt, %jit3A_138, %sign3A_147 : i32
          %sign3A_149 = arith.extui %sign3A_148 : i1 to i32
          %sign3A_150 = arith.constant 0 : i32
          %sign3A_151 = arith.cmpi slt, %jit3A_138, %sign3A_150 : i32
          %sign3A_152 = arith.extui %sign3A_151 : i1 to i32
          %sign3A_153 = arith.subi %sign3A_149, %sign3A_152 : i32
          %ne3A_154 = arith.cmpi ne, %sign3A_146, %sign3A_153 : i32
          %rem3A_155 = arith.remsi %scan3A_84, %jit3A_138 : i32
          %ne3A_156 = arith.constant 0 : i32
          %ne3A_157 = arith.cmpi ne, %rem3A_155, %ne3A_156 : i32
          %and3A_158 = arith.andi %ne3A_154, %ne3A_157 : i1
          %sub3A_159 = arith.constant 1 : i32
          %sub3A_160 = arith.subi %div3A_139, %sub3A_159 : i32
          %select_n3A_161 = arith.select %and3A_158, %sub3A_160, %div3A_139 : i32
          %jit3A_162 = arith.constant 8 : i32
          %eq3A_163 = arith.constant 0 : i32
          %eq3A_164 = arith.cmpi eq, %jit3A_162, %eq3A_163 : i32
          %jit3A_165 = arith.constant 1 : i32
          %select_n3A_166 = arith.select %eq3A_164, %jit3A_165, %jit3A_162 : i32
          %rem3A_167 = arith.remsi %scan3A_84, %select_n3A_166 : i32
          %ne3A_168 = arith.constant 0 : i32
          %ne3A_169 = arith.cmpi ne, %rem3A_167, %ne3A_168 : i32
          %lt3A_170 = arith.constant 0 : i32
          %lt3A_171 = arith.cmpi slt, %rem3A_167, %lt3A_170 : i32
          %lt3A_172 = arith.constant 0 : i32
          %lt3A_173 = arith.cmpi slt, %select_n3A_166, %lt3A_172 : i32
          %ne3A_174 = arith.xori %lt3A_171, %lt3A_173 : i1
          %and3A_175 = arith.andi %ne3A_174, %ne3A_169 : i1
          %add3A_176 = arith.addi %rem3A_167, %select_n3A_166 : i32
          %select_n3A_177 = arith.select %and3A_175, %add3A_176, %rem3A_167 : i32
          %mul3A_178 = arith.constant 16 : i32
          %mul3A_179 = arith.muli %select_n3A_177, %mul3A_178 : i32
          %swap3A = arith.index_cast %select_n3A_161 : i32 to index
          %swap3A_180 = arith.index_cast %mul3A_179 : i32 to index
          %swap3A_181 = tpu.vector_load %arg11[%swap3A, %swap3A_180] {strides = array<i32>} : memref<72x128xi32, #tpu.memory_space<vmem>>, vector<16xi32>,
          tpu.vector_store %arg11[%swap3A, %swap3A_180], %select_n3A_137 {strides = array<i32>} : memref<72x128xi32, #tpu.memory_space<vmem>>, vector<16xi32>,
        }
        %scan3A_59 = arith.constant 576 : i32
        %mul3A_60 = arith.constant 9216 : i32
        %mul3A_61 = arith.muli %scan3A_53, %mul3A_60 : i32
        %multiple_of3A_62 = tpu.assume_multiple %mul3A_61, 128 : i32
        %scan3A_63 = arith.constant 0 : i32
        %scan3A_64 = arith.constant 0 : i32
        %scan3A_65 = arith.constant 72 : i32
        %scan3A_66 = arith.addi %scan3A_64, %scan3A_65 : i32
        %scan3A_67 = arith.constant 1 : i32
        scf.for %scan3A_84 = %scan3A_64 to %scan3A_66 step %scan3A_67  : i32 {
          %mul3A_85 = arith.constant 128 : i32
          %mul3A_86 = arith.muli %scan3A_84, %mul3A_85 : i32
          %add3A_87 = arith.addi %multiple_of3A_62, %mul3A_86 : i32
          %multiple_of3A_88 = tpu.assume_multiple %add3A_87, 128 : i32
          %dma_start3A = tpu.memref_slice %arg8[%multiple_of3A_88] : memref<36864xi32, #tpu.memory_space<vmem>> -> memref<128xi32, #tpu.memory_space<vmem>>
          %dma_start3A_89 = arith.constant 0 : i32
          %dma_start3A_90 = tpu.memref_slice %arg11[%scan3A_84, %dma_start3A_89] : memref<72x128xi32, #tpu.memory_space<vmem>> -> memref<1x128xi32, #tpu.memory_space<vmem>>
          %dma_start3A_91 = tpu.memref_squeeze %dma_start3A_90 : memref<1x128xi32, #tpu.memory_space<vmem>> -> memref<128xi32, #tpu.memory_space<vmem>>
          %dma_start3A_92 = arith.constant 0 : i32
          %dma_start3A_93 = tpu.memref_slice %arg14[%dma_start3A_92] : memref<65568xi32, #tpu.memory_space<vmem_shared>> -> memref<65568xi32, #tpu.memory_space<vmem_shared>>
          tpu.enqueue_indirect_dma source(%dma_start3A : memref<128xi32, #tpu.memory_space<vmem>>) target(%dma_start3A_93 : memref<65568xi32, #tpu.memory_space<vmem_shared>>) offsets(%dma_start3A_91 : memref<128xi32, #tpu.memory_space<vmem>>) semaphore(%arg16 : memref<!tpu.dma_semaphore, #tpu.memory_space<semaphore_mem>>)
          %dma_start3A_94 = tpu.memref_slice %arg9[%multiple_of3A_88] : memref<36864xi32, #tpu.memory_space<vmem>> -> memref<128xi32, #tpu.memory_space<vmem>>
          %dma_start3A_95 = arith.constant 0 : i32
          %dma_start3A_96 = tpu.memref_slice %arg11[%scan3A_84, %dma_start3A_95] : memref<72x128xi32, #tpu.memory_space<vmem>> -> memref<1x128xi32, #tpu.memory_space<vmem>>
          %dma_start3A_97 = tpu.memref_squeeze %dma_start3A_96 : memref<1x128xi32, #tpu.memory_space<vmem>> -> memref<128xi32, #tpu.memory_space<vmem>>
          %dma_start3A_98 = arith.constant 0 : i32
          %dma_start3A_99 = tpu.memref_slice %arg15[%dma_start3A_98] : memref<65568xi32, #tpu.memory_space<vmem_shared>> -> memref<65568xi32, #tpu.memory_space<vmem_shared>>
          tpu.enqueue_indirect_dma source(%dma_start3A_94 : memref<128xi32, #tpu.memory_space<vmem>>) target(%dma_start3A_99 : memref<65568xi32, #tpu.memory_space<vmem_shared>>) offsets(%dma_start3A_97 : memref<128xi32, #tpu.memory_space<vmem>>) semaphore(%arg16 : memref<!tpu.dma_semaphore, #tpu.memory_space<semaphore_mem>>)
        }
        %scan3A_68 = arith.constant 72 : i32
        %dma_wait3A = arith.constant 0 : i32
        %dma_wait3A_69 = tpu.memref_slice %arg8[%dma_wait3A] : memref<36864xi32, #tpu.memory_space<vmem>> -> memref<9216xi32, #tpu.memory_space<vmem>>
        %dma_wait3A_70 = arith.constant 0 : i32
        %dma_wait3A_71 = tpu.memref_slice %arg2[%dma_wait3A_70] : memref<589824xi32, #tpu.memory_space<hbm>> -> memref<9216xi32, #tpu.memory_space<hbm>>
        %dma_wait3A_72 = arith.constant 0 : i32
        %dma_wait3A_73 = tpu.memref_slice %arg8[%dma_wait3A_72] : memref<36864xi32, #tpu.memory_space<vmem>> -> memref<9216xi32, #tpu.memory_space<vmem>>
        %dma_wait3A_74 = arith.constant 0 : i32
        %dma_wait3A_75 = tpu.memref_slice %arg2[%dma_wait3A_74] : memref<589824xi32, #tpu.memory_space<hbm>> -> memref<9216xi32, #tpu.memory_space<hbm>>
        tpu.wait_dma2 semaphore(%arg16 : memref<!tpu.dma_semaphore, #tpu.memory_space<semaphore_mem>>) src(%dma_wait3A_75 : memref<9216xi32, #tpu.memory_space<hbm>>) dst(%dma_wait3A_73 : memref<9216xi32, #tpu.memory_space<vmem>>)
        %dma_wait3A_76 = arith.constant 0 : i32
        %dma_wait3A_77 = tpu.memref_slice %arg9[%dma_wait3A_76] : memref<36864xi32, #tpu.memory_space<vmem>> -> memref<9216xi32, #tpu.memory_space<vmem>>
        %dma_wait3A_78 = arith.constant 0 : i32
        %dma_wait3A_79 = tpu.memref_slice %arg2[%dma_wait3A_78] : memref<589824xi32, #tpu.memory_space<hbm>> -> memref<9216xi32, #tpu.memory_space<hbm>>
        %dma_wait3A_80 = arith.constant 0 : i32
        %dma_wait3A_81 = tpu.memref_slice %arg9[%dma_wait3A_80] : memref<36864xi32, #tpu.memory_space<vmem>> -> memref<9216xi32, #tpu.memory_space<vmem>>
        %dma_wait3A_82 = arith.constant 0 : i32
        %dma_wait3A_83 = tpu.memref_slice %arg2[%dma_wait3A_82] : memref<589824xi32, #tpu.memory_space<hbm>> -> memref<9216xi32, #tpu.memory_space<hbm>>
        tpu.wait_dma2 semaphore(%arg16 : memref<!tpu.dma_semaphore, #tpu.memory_space<semaphore_mem>>) src(%dma_wait3A_83 : memref<9216xi32, #tpu.memory_space<hbm>>) dst(%dma_wait3A_81 : memref<9216xi32, #tpu.memory_space<vmem>>)
      }
      %scan3A_47 = arith.constant 4 : i32
      %barrier3A = arith.constant 0 : index
      tpu.barrier barrier_id(%barrier3A)
      %mul3A_48 = arith.constant 4096 : i32
      %mul3A_49 = arith.muli %arg1, %mul3A_48 : i32
      %add3A_50 = arith.addi %mul3A_41, %mul3A_49 : i32
      %multiple_of3A_51 = tpu.assume_multiple %add3A_50, 16 : i32
      "tpu.region"() ({
        %run_scoped3A = tpu.sem_alloc : memref<!tpu.dma_semaphore, #tpu.memory_space<semaphore_mem>>
        %dma_start3A = tpu.memref_slice %arg6[%multiple_of3A_51] : memref<589824xi32, #tpu.memory_space<hbm>> -> memref<4096xi32, #tpu.memory_space<hbm>>
        %dma_start3A_53 = tpu.memref_slice %arg14[%mul3A_49] : memref<65568xi32, #tpu.memory_space<vmem_shared>> -> memref<4096xi32, #tpu.memory_space<vmem_shared>>
        tpu.enqueue_dma source(%dma_start3A_53 : memref<4096xi32, #tpu.memory_space<vmem_shared>>) target(%dma_start3A : memref<4096xi32, #tpu.memory_space<hbm>>) target_semaphore(%run_scoped3A : memref<!tpu.dma_semaphore, #tpu.memory_space<semaphore_mem>>)
        %dma_wait3A = tpu.memref_slice %arg6[%multiple_of3A_51] : memref<589824xi32, #tpu.memory_space<hbm>> -> memref<4096xi32, #tpu.memory_space<hbm>>
        %dma_wait3A_54 = tpu.memref_slice %arg14[%mul3A_49] : memref<65568xi32, #tpu.memory_space<vmem_shared>> -> memref<4096xi32, #tpu.memory_space<vmem_shared>>
        tpu.wait_dma2 semaphore(%run_scoped3A : memref<!tpu.dma_semaphore, #tpu.memory_space<semaphore_mem>>) src(%dma_wait3A_54 : memref<4096xi32, #tpu.memory_space<vmem_shared>>) dst(%dma_wait3A : memref<4096xi32, #tpu.memory_space<hbm>>)
        tpu.yield
      }) : () -> ()
      "tpu.region"() ({
        %run_scoped3A = tpu.sem_alloc : memref<!tpu.dma_semaphore, #tpu.memory_space<semaphore_mem>>
        %dma_start3A = tpu.memref_slice %arg7[%multiple_of3A_51] : memref<589824xi32, #tpu.memory_space<hbm>> -> memref<4096xi32, #tpu.memory_space<hbm>>
        %dma_start3A_53 = tpu.memref_slice %arg15[%mul3A_49] : memref<65568xi32, #tpu.memory_space<vmem_shared>> -> memref<4096xi32, #tpu.memory_space<vmem_shared>>
        tpu.enqueue_dma source(%dma_start3A_53 : memref<4096xi32, #tpu.memory_space<vmem_shared>>) target(%dma_start3A : memref<4096xi32, #tpu.memory_space<hbm>>) target_semaphore(%run_scoped3A : memref<!tpu.dma_semaphore, #tpu.memory_space<semaphore_mem>>)
        %dma_wait3A = tpu.memref_slice %arg7[%multiple_of3A_51] : memref<589824xi32, #tpu.memory_space<hbm>> -> memref<4096xi32, #tpu.memory_space<hbm>>
        %dma_wait3A_54 = tpu.memref_slice %arg15[%mul3A_49] : memref<65568xi32, #tpu.memory_space<vmem_shared>> -> memref<4096xi32, #tpu.memory_space<vmem_shared>>
        tpu.wait_dma2 semaphore(%run_scoped3A : memref<!tpu.dma_semaphore, #tpu.memory_space<semaphore_mem>>) src(%dma_wait3A_54 : memref<4096xi32, #tpu.memory_space<vmem_shared>>) dst(%dma_wait3A : memref<4096xi32, #tpu.memory_space<hbm>>)
        tpu.yield
      }) : () -> ()
      %barrier3A_52 = arith.constant 0 : index
      tpu.barrier barrier_id(%barrier3A_52)
    }
    %scan3A_35 = arith.constant 5 : i32
    return
  }
}

module attributes {stable_mosaic.version = 14 : i64} {
  func.func @conv_kernel(%arg0: memref<410x1024xi32, #tpu.memory_space<vmem>>, %arg1: memref<410x1024xf32, #tpu.memory_space<vmem>>) attributes {dimension_semantics = [], scalar_prefetch = 0 : i64, scratch_operands = 0 : i64, tpu.core_type = #tpu.core_type<tc>} {
    %get3A = arith.constant 0 : index
    %get3A_0 = arith.constant 0 : index
    %get3A_1 = vector.load %arg0[%get3A, %get3A_0] : memref<410x1024xi32, #tpu.memory_space<vmem>>, vector<410x1024xi32>
    %bitcast_convert_type3A = tpu.bitcast %get3A_1 : vector<410x1024xi32> -> vector<410x1024xi32>
    %not3A = arith.constant dense<-1> : vector<410x1024xi32>
    %not3A_2 = arith.xori %bitcast_convert_type3A, %not3A : vector<410x1024xi32>
    %shift_right_logical3A = arith.constant 31 : i32
    %shift_right_logical3A_3 = vector.broadcast %shift_right_logical3A : i32 to vector<410x1024xi32>
    %shift_right_logical3A_4 = arith.shrui %not3A_2, %shift_right_logical3A_3 : vector<410x1024xi32>
    %mul3A = arith.constant 2147483647 : i32
    %mul3A_5 = vector.broadcast %mul3A : i32 to vector<410x1024xi32>
    %mul3A_6 = arith.muli %shift_right_logical3A_4, %mul3A_5 : vector<410x1024xi32>
    %sub3A = arith.constant -1 : i32
    %sub3A_7 = vector.broadcast %sub3A : i32 to vector<410x1024xi32>
    %sub3A_8 = arith.subi %sub3A_7, %mul3A_6 : vector<410x1024xi32>
    %xor3A = arith.xori %not3A_2, %sub3A_8 : vector<410x1024xi32>
    %bitcast_convert_type3A_9 = tpu.bitcast %xor3A : vector<410x1024xi32> -> vector<410x1024xf32>
    %swap3A = arith.constant 0 : index
    %swap3A_10 = arith.constant 0 : index
    %swap3A_11 = vector.load %arg1[%swap3A, %swap3A_10] : memref<410x1024xf32, #tpu.memory_space<vmem>>, vector<410x1024xf32>
    tpu.vector_store %arg1[%swap3A, %swap3A_10], %bitcast_convert_type3A_9 {strides = array<i32>} : memref<410x1024xf32, #tpu.memory_space<vmem>>, vector<410x1024xf32>,
    return
  }
}

</mosaic_0001>

<sc_bundles>
// kernel: kernel.11.cloned.1.call-start
scs
__scs_entry_jumppad:
0x0: {  	(pc) =	sbr.rel $0x88, $3  }
0x1: {  	(tag) =	ssettag $0x0;
	lr =	simm.s32 $0x1  }
0x2: {  	[smem:$0x3F9F] =	sst lr;
	_ =	strace $0xD0000000  }
0x3: {  	_ = 	snop  }
0x4: {  	_ = 	snop  }
0x5: {  	_ = 	snop  }
0x6: {  	_ = 	snop  }
0x7: {  	_ = 	snop  }
__scs_overlays_trampoline_lowered:
0x8: {  	[smem:$0x3FAE] =	sst s0  }
0x9: {  	[smem:$0x3FAF] =	sst s1  }
0xa: {  	[smem:$0x3FB0] =	sst s2  }
0xb: {  	[smem:$0x3FB1] =	sst s3  }
0xc: {  	[smem:$0x3FB2] =	sst s4  }
0xd: {  	[smem:$0x3FB3] =	sst s5  }
0xe: {  	[smem:$0x3FB4] =	sst s6  }
0xf: {  	[smem:$0x3FB5] =	sst s7  }
0x10: {  	[smem:$0x3FB6] =	sst s8  }
0x11: {  	[smem:$0x3FB7] =	sst s9;
	s0 =	simm.s32 @!p0 $0x0  }
0x12: {  	s1 =	sld [smem:$0x3F9D];
	s0 =	simm.s32 @p0 $0x1  }
0x13: {  	[smem:$0x3FB8] =	sst s0;
	s0 =	simm.s32 @!p1 $0x0  }
0x14: {  	s2 =	sld [smem:$0x3F9C];
	s0 =	simm.s32 @p1 $0x1  }
0x15: {  	[smem:$0x3FB9] =	sst s0;
	s0 =	simm.s32 @!p2 $0x0  }
0x16: {  	s3 =	sld [smem:$0x3FDB];
	s0 =	simm.s32 @p2 $0x1  }
0x17: {  	s4 =	simm.s32 $0x1BF5;
	[smem:$0x3FBB] =	sst s0  }
0x18: {  	s0 =	sld [smem:$0x3F9E];
	_ =	swait.ge [sflag:s4], $0x0  }
0x19: {  	s7 =	sld [smem:$0x3F9F]  }
0x1a: {  	s8 =	sadd.s32 $0xFFFFE003, lr  }
0x1b: {  	s9 =	sadd.s32 $0xFFFFFEF7, lr;
	s5 =	simm.s32 $0xFFFFFFFF;
	p2 =	slt.u32 s8, $0xFFFFF086  }
0x1c: {  	p1 =	slt.u32 s9, $0xF7A;
	s5 =	simm.s32 @!p2 $0x0  }
0x1d: {  	s5 =	simm.s32 @p1 $0x1;
	p0 =	seq.s32 s7, s2  }
0x1e: {  	s7 =	smul.u32 @!p0 $0xF7A, s2;
	p2 =	seq.s32 @!p0 s5, $0x0  }
0x1f: {  	s9 =	smul.u32 $0xF7A, s1;
	s8 =	simm.s32 @!p0 $0x1BF5;
	p2 =	por !p2, p0  }
0x20: {  	[sflag:s8] =	ssyncset.s32 @!p0 $0xFFFFF086;
	s6 =	sadd.s32 @!p0 s3, s7;
	s7 =	simm.s32 @!p0 $0x108  }
0x21: {  	s3 =	sadd.s32 s3, s9;
	s6 =	sadd.s32 @!p0 $0x88, s6;
	s7 =	simm.s32 @p2 $0x1082  }
0x22: {  	[simem:s7], [sflag:s8] =	dma.local @!p0 [hbm:s6], $0xF7A  }
0x23: {  	s9 =	sor.u32 $0xD0000000, s2;
	s6 =	simm.s32 $0x108;
	_ =	swait.ge @!p0 [sflag:s8], $0x0  }
0x24: {  	s3 =	sadd.s32 $0x88, s3;
	s6 =	simm.s32 @!p1 $0x1082;
	[sflag:s4] =	ssyncset.s32 $0xFFFFF086  }
0x25: {  	[simem:s6], [sflag:s4] =	dma.local [hbm:s3], $0xF7A  }
0x26: {  	[smem:$0x3F9F] =	sst s1;
	(tag) =	ssettag s2;
	_ =	strace s9  }
0x27: {  	s1 =	sld [smem:$0x3FAF]  }
0x28: {  	s2 =	sld [smem:$0x3FB0]  }
0x29: {  	s4 =	sld [smem:$0x3FB2]  }
0x2a: {  	p0 =	seq.s32 s5, $0x0;
	s5 =	sld [smem:$0x3FB3]  }
0x2b: {  	s6 =	sld [smem:$0x3FB4]  }
0x2c: {  	s7 =	sld [smem:$0x3FB5]  }
0x2d: {  	s3 =	simm.s32 $0x108;
	s8 =	sld [smem:$0x3FB6]  }
0x2e: {  	s3 =	simm.s32 @!p0 $0x1082;
	s9 =	sld [smem:$0x3FB7]  }
0x2f: {  	lr =	sadd.s32 s0, s3;
	s0 =	sld [smem:$0x3FAE]  }
0x30: {  	s3 =	sld [smem:$0x3FB1]  }
0x31: {  	[smem:$0x3FBA] =	sst s10  }
0x32: {  	s10 =	sld [smem:$0x3FB8];
	_ =	sdelay $0x3  }
0x33: {  	p0 =	seq.s32 s10, $0x1;
	s10 =	sld [smem:$0x3FBA];
	_ =	sdelay $0x3  }
0x34: {  	[smem:$0x3FBA] =	sst s10  }
0x35: {  	s10 =	sld [smem:$0x3FB9];
	_ =	sdelay $0x3  }
0x36: {  	p1 =	seq.s32 s10, $0x1;
	s10 =	sld [smem:$0x3FBA];
	_ =	sdelay $0x3  }
0x37: {  	[smem:$0x3FBA] =	sst s10  }
0x38: {  	s10 =	sld [smem:$0x3FBB]  }
0x39: {  	_ = 	snop;
	(pc) =	sbr.ind lr, $3  }
0x3a: {  	_ = 	snop  }
0x3b: {  	_ = 	snop  }
0x3c: {  	p2 =	seq.s32 s10, $0x1;
	s10 =	sld [smem:$0x3FBA]  }
0x3d: {  	_ =	shalt  }
0x3e: {  	_ =	shalt  }
0x3f: {  	_ =	shalt  }
0x40: {  	_ =	shalt  }
0x41: {  	_ =	shalt  }
0x42: {  	_ =	shalt  }
0x43: {  	_ =	shalt  }
0x44: {  	_ =	shalt  }
0x45: {  	_ =	shalt  }
0x46: {  	_ =	shalt  }
0x47: {  	_ =	shalt  }
0x48: {  	_ =	shalt  }
0x49: {  	_ =	shalt  }
0x4a: {  	_ =	shalt  }
0x4b: {  	_ =	shalt  }
0x4c: {  	_ =	shalt  }
0x4d: {  	_ =	shalt  }
0x4e: {  	_ =	shalt  }
0x4f: {  	_ =	shalt  }
0x50: {  	_ =	shalt  }
0x51: {  	_ =	shalt  }
0x52: {  	_ =	shalt  }
0x53: {  	_ =	shalt  }
0x54: {  	_ =	shalt  }
0x55: {  	_ =	shalt  }
0x56: {  	_ =	shalt  }
0x57: {  	_ =	shalt  }
0x58: {  	_ =	shalt  }
0x59: {  	_ =	shalt  }
0x5a: {  	_ =	shalt  }
0x5b: {  	_ =	shalt  }
0x5c: {  	_ =	shalt  }
0x5d: {  	_ =	shalt  }
0x5e: {  	_ =	shalt  }
0x5f: {  	_ =	shalt  }
0x60: {  	_ =	shalt  }
0x61: {  	_ =	shalt  }
0x62: {  	_ =	shalt  }
0x63: {  	_ =	shalt  }
0x64: {  	_ =	shalt  }
0x65: {  	_ =	shalt  }
0x66: {  	_ =	shalt  }
0x67: {  	_ =	shalt  }
0x68: {  	_ =	shalt  }
0x69: {  	_ =	shalt  }
0x6a: {  	_ =	shalt  }
0x6b: {  	_ =	shalt  }
0x6c: {  	_ =	shalt  }
0x6d: {  	_ =	shalt  }
0x6e: {  	_ =	shalt  }
0x6f: {  	_ =	shalt  }
0x70: {  	_ =	shalt  }
0x71: {  	_ =	shalt  }
0x72: {  	_ =	shalt  }
0x73: {  	_ =	shalt  }
0x74: {  	_ =	shalt  }
0x75: {  	_ =	shalt  }
0x76: {  	_ =	shalt  }
0x77: {  	_ =	shalt  }
0x78: {  	_ =	shalt  }
0x79: {  	_ =	shalt  }
0x7a: {  	_ =	shalt  }
0x7b: {  	_ =	shalt  }
0x7c: {  	_ =	shalt  }
0x7d: {  	_ =	shalt  }
0x7e: {  	_ =	shalt  }
0x7f: {  	_ =	shalt  }
0x80: {  	_ =	shalt  }
0x81: {  	_ =	shalt  }
0x82: {  	_ =	shalt  }
0x83: {  	_ =	shalt  }
0x84: {  	_ =	shalt  }
0x85: {  	_ =	shalt  }
0x86: {  	_ =	shalt  }
0x87: {  	_ =	shalt  }
.Lfunc_end0:
.L_simem_size_0:
called_computation_lowered:
.L_overlay_start_0:
0x88: {  	s2 =	sld [smem:$0x3FD9]  }
0x89: {  	s3 =	sld [smem:$0x3FFE];
	_ =	sdelay $0x1  }
0x8a: {  	s1 =	srdreg.scid  }
0x8b: {  	s0 =	sand.u32 $0x1, s1  }
0x8c: {  	s17 =	sshll.u32 s0, $0xA;
	s2 =	sadd.s32 s3, s2  }
0x8d: {  	s2 =	sadd.s32 s2, s17  }
0x8e: {  	[smem:$0x3FC6] =	sst s2  }
0x8f: {  	_ = 	snop  }
0x90: {  	s2 =	sld [smem:$0x3FC9];
	(tm) =	ssettm $0x1  }
0x91: {  	s18 =	sld [smem:$0x3FFB];
	_ =	sdelay $0x3  }
0x92: {  	_ =	strace s18  }
0x93: {  	s3 =	sld [smem:$0x3FFC];
	_ =	sdelay $0x3  }
0x94: {  	_ =	strace s3  }
0x95: {  	s3 =	sld [smem:$0x3FFD];
	_ =	sdelay $0x3  }
0x96: {  	_ =	strace s3  }
0x97: {  	_ =	strace $0x8FFFFFFF  }
0x98: {  	s19 =	sld [smem:$0x3FDB];
	_ =	sdelay $0x1  }
0x99: {  	s4 =	simm.s32 $_scs_section_size  }
0x9a: {  	s5 =	simm.s32 $_size__tile_overlayer_lowered;
	s6 =	simm.s32 $_tile_overlayer_lowered  }
0x9b: {  	s22 =	simm.s32 $0x1BFF;
	s21 =	sshll.u32 s6, $0x1;
	s3 =	sadd.s32 s4, s19  }
0x9c: {  	s7 =	simm.s32 $0x0;
	s20 =	sshll.u32 s5, $0x1;
	s5 =	sadd.s32 s21, s3  }
0x9d: {  	[timem:s7], [sflag:s22] =	dma.local [hbm:s5], s20  }
0x9e: {  	_ =	swait.ge [sflag:s22], s20  }
0x9f: {  	s4 =	ssub.s32 $0x0, s20;
	[sflag:s22] =	ssyncset.done $0x0  }
0xa0: {  	[sflag:s22] =	ssyncadd.s32 s4;
	_ =	sdelay $0x1  }
0xa1: {  	s23 =	simm.s32 $0x1B8B  }
0xa2: {  	_ =	swait.ge [sflag:s23], $0x1  }
0xa3: {  	[sflag:s23] =	ssyncset.done $0x0  }
0xa4: {  	s25 =	simm.s32 $0x1B8E;
	s24 =	sld [smem:$0x3FFE];
	[sflag:s23] =	ssyncadd.s32 $0xFFFFFFFF  }
0xa5: {  	s26 =	simm.s32 $execute0_lowered;
	[smem:$0x3FD2] =	sst s25  }
0xa6: {  	s5 =	sshll.u32 s26, $0x1;
	_ =	strace $0x80000046;
	[dreg:$0x1] =	wrdreg $0xFFFFFFFF  }
0xa7: {  	s28 =	simm.s32 $_size_execute0_lowered;
	s3 =	sadd.s32 s3, s5;
	[dreg:$0x0] =	wrdreg $0x0  }
0xa8: {  	s5 =	sshll.u32 s28, $0x1;
	[dreg:$0x2] =	wrdreg s3  }
0xa9: {  	[dreg:$0x3] =	wrdreg s5  }
0xaa: {  	[dreg:$0x4] =	wrdreg $0xC0  }
0xab: {  	_ =	task [dreg:s7], $0x5FFFF  }
0xac: {  	[dreg:$0x1] =	wrdreg $0xFFFFFFFF  }
0xad: {  	[dreg:$0x0] =	wrdreg $0x60  }
0xae: {  	[dreg:$0x2] =	wrdreg s2  }
0xaf: {  	[dreg:$0x3] =	wrdreg s24  }
0xb0: {  	[dreg:$0x4] =	wrdreg $0x9  }
0xb1: {  	_ =	task.clear_ibuf [dreg:s7], $0x5FFFF;
	_ =	strace $0x90000046  }
0xb2: {  	s29 =	simm.s32 $0x9;
	_ =	strace $0x80000048  }
0xb3: {  	_ =	swait.ge [sflag:s29], $0x1  }
0xb4: {  	[sflag:s29] =	ssyncadd.s32 $0xFFFFFFFF  }
0xb5: {  	_ =	strace $0x90000048  }
0xb6: {  	_ =	sfence  }
0xb7: {  	s30 =	sld [smem:$0x0];
	_ =	sdelay $0x2  }
0xb8: {  	s31 =	sshll.u32 s1, $0xD;
	s1 =	sshrl.u32 s1, $0x2  }
0xb9: {  	s3 =	sand.u32 $0x4000, s31;
	s1 =	sadd.s32 s1, s30  }
0xba: {  	s0 =	sor.u32 s3, s0;
	s1 =	sshll.u32 s1, $0x11  }
0xbb: {  	s0 =	sor.u32 s1, s0  }
0xbc: {  	s0 =	sadd.s32 $0x8F2B, s0  }
0xbd: {  	[sflag:s0] =	ssyncadd.remote.s32 $0x1  }
0xbe: {  	_ =	sfence.sel $0xFFFF  }
0xbf: {  	[dreg:$0x0] =	wrdreg $0xFFFFFFFF;
	(pc) =	sbr.abs _section_cstart, $3  }
0xc0: {  	[dreg:$0x1] =	wrdreg $0xFFFFFFFF  }
0xc1: {  	_ =	task.clear_ibuf [dreg:s7], $0x2FFFF;
	_ =	strace $0x9FFFFFFF  }
0xc2: {  	(tm) =	ssettm $0x7FFFFFFF  }
0xc3: {  	_ =	shalt  }
tec
execute0_lowered:
.L_overlay_start_1:
0x0: {  	(tag) =	ssettag $0x1  }
0x1: {  	s3 =	rddreg [dreg:$0x0]  }
0x2: {  	s4 =	rddreg [dreg:$0x1]  }
0x3: {  	s0 =	rddreg [dreg:$0x2];
	s2 =	simm.s32 $0x0;
	s5 =	srdreg.scid  }
0x4: {  	s1 =	stileid.u32;
	s9 =	simm.s32 $0x400;
	s10 =	simm.s32 $0x2  }
0x5: {  	s11 =	simm.s32 $0x0;
	[smem:$0x7FF] =	sst s2;
	s5 =	sand.u32 $0x1, s5  }
0x6: {  	s7 =	sshll.u32 s1, $0x1;
	s30 =	sshll.u32 s1, $0xE;
	_ =	strace $0x80000047  }
0x7: {  	s6 =	ssub.s32 $0x2, s5;
	s5 =	sor.u32 s5, s7;
	s7 =	sand.u32 $0x30000, s30  }
0x8: {  	s8 =	sshrl.u32 s6, $0x1;
	s31 =	sshll.u32 s5, $0x4;
	s5 =	sshll.u32 s5, $0xE  }
0x9: {  	s4 =	sadd.s32 s4, s7;
	s6 =	ssub.s32 s6, s8;
	s8 =	sand.u32 $0x70, s31  }
0xa: {  	v1 =	vlaneseq.u32;
	s7 =	simm.s32 $0x4000;
	s3 =	sadd.s32 s3, s5;
	s4 =	sadd.s32 s8, s4  }
0xb: {  	v0 =	vimm.s32 $0x0;
	v2 =	vimm.s32 $0x1;
	v1 =	vmul.u32 $0x1000, v1;
	s5 =	smax.u32 s6, $0x1;
	s6 =	simm.s32 $0x1;
	s8 =	simm.s32 $0x80  }
.LBB2_1:
0xc: {  	s12 =	simm.s32 $0x40;
	s13 =	simm.s32 $0x0  }
.LBB2_2:
0xd: {  	p0 =	sne.s32 s12, $0x3FFC0;
	[tilespmem:s13+$0x4000] =	vst v0;
	s13 =	smov.u32 s12;
	s12 =	sadd.s32 $0x40, s12  }
.Ltmp0:
0xe: {  	(pc) =	sbr.rel @p0 .LBB2_2-.Ltmp0, $2  }
0xf: {  	_ =	sdelay $0x2  }
0x10: {  	s13 =	sshra.s32 s13, $0x2  }
0x11: {  	[tilespmem:s13+$0x4000] =	vst v0;
	s13 =	simm.s32 $0x0;
	s12 =	simm.s32 $0x0;
	s14 =	simm.s32 $0x0  }
.LBB2_4:
0x12: {  	p0 =	seq.s32 s14, $0x3F0  }
.Ltmp1:
0x13: {  	_ = 	snop;
	(pc) =	sbr.rel @!p0 .LBB2_4-.Ltmp1, $4  }
0x14: {  	_ = 	snop  }
0x15: {  	s15 =	sadd.s32 s14, s3  }
0x16: {  	[tilespmem:s12], [sflag:$0x1] =	stream.linear.gather [hbm4b:s15+s13], $0x80, $0x38;
	[tilespmem:$0x14000] =	vst v63  }
0x17: {  	s14 =	sadd.s32 $0x10, s14;
	s12 =	sadd.s32 $0x100, s12  }
0x18: {  	p0 =	por $0x1, $0x1  }
.LBB2_7:
0x19: {  	p1 =	seq.s32 s13, $0xF  }
.Ltmp2:
0x1a: {  	_ = 	snop;
	(pc) =	sbr.rel @p1 .LBB2_11-.Ltmp2, $4  }
0x1b: {  	_ = 	snop  }
0x1c: {  	_ =	swait.ge [sflag:s6], $0x2000  }
0x1d: {  	[sflag:s6] =	ssyncset.done $0x0  }
0x1e: {  	s12 =	sadd.s32 $0x1, s13;
	[sflag:s6] =	ssyncadd.s32 $0xFFFFE000  }
0x1f: {  	s14 =	simm.s32 $0x1  }
0x20: {  	s15 =	sshll.u32 s12, $0xA;
	s14 =	simm.s32 @!p0 $0x0  }
0x21: {  	s15 =	sadd.s32 s15, s3;
	s14 =	sshll.u32 s14, $0x7  }
0x22: {  	s16 =	simm.s32 $0x10;
	s18 =	sadd.s32 $0x0, s15;
	s17 =	sadd.s32 $0x100, s14  }
.LBB2_9:
0x23: {  	[tilespmem:s14], [sflag:$0x1] =	stream.linear.gather [hbm4b:s18+s2], $0x80, $0x38;
	[tilespmem:$0x14000] =	vst v63  }
0x24: {  	s18 =	smov.u32 s16;
	s14 =	smov.u32 s17;
	p1 =	sne.s32 s16, $0x3F0  }
.Ltmp3:
0x25: {  	s16 =	sadd.s32 $0x10, s16;
	(pc) =	sbr.rel @p1 .LBB2_9-.Ltmp3, $2  }
0x26: {  	_ =	sdelay $0x2  }
0x27: {  	s17 =	sadd.s32 $0x100, s17;
	s18 =	sadd.s32 s18, s15  }
0x28: {  	[tilespmem:s14], [sflag:$0x1] =	stream.linear.gather [hbm4b:s18+s2], $0x80, $0x38;
	[tilespmem:$0x14000] =	vst v63  }
.LBB2_11:
0x29: {  	s13 =	sshll.u32 s13, $0x7;
	s14 =	simm.s32 $0x0  }
0x2a: {  	s13 =	sand.u32 $0x80, s13;
	s15 =	sand.u32 $0x3F00, s14  }
0x2b: {  	s14 =	sand.u32 $0x70, s14;
	s15 =	sor.u32 s15, s13  }
0x2c: {  	s14 =	sadd.s32 s14, s15  }
0x2d: {  	v3 =	vld [tilespmem:s14+$0x0];
	_ =	sdelay $0x4  }
0x2e: {  	v4 =	vshra.s32 v3, $0x1F  }
0x2f: {  	v4 =	vor.u32 $0x80000000, v4  }
0x30: {  	v3 =	vxor.u32 v3, v4  }
0x31: {  	v3 =	vshrl.u32 v3, $0x14  }
0x32: {  	v4 =	vand.u32 $0xF80, v3  }
0x33: {  	v3 =	vand.u32 $0x7F, v3;
	v4 =	vor.u32 v1, v4  }
0x34: {  	v3 =	vor.u32 v3, v4;
	_ =	sdelay $0x1  }
0x35: {  	s14 =	simm.s32 $0x20  }
0x36: {  	s16 =	simm.s32 $0x10;
	s15 =	simm.s32 $0x20;
	s17 =	sand.u32 $0x3F00, s14  }
.LBB2_12:
0x37: {  	p1 =	seq.s32 s15, $0x1FF0;
	s16 =	sand.u32 $0x70, s16;
	s17 =	sor.u32 s17, s13  }
0x38: {  	s17 =	sadd.s32 s16, s17;
	[tilespmem:v3+s7+$0x0] =	vst.idx.add.s32.msk $0xffff, v2;
	s16 =	smov.u32 s15  }
0x39: {  	v3 =	vld [tilespmem:s17+$0x0];
	_ =	sdelay $0x4  }
0x3a: {  	v4 =	vshra.s32 v3, $0x1F  }
0x3b: {  	v4 =	vor.u32 $0x80000000, v4  }
0x3c: {  	v3 =	vxor.u32 v3, v4  }
0x3d: {  	v3 =	vshrl.u32 v3, $0x14  }
0x3e: {  	v4 =	vand.u32 $0xF80, v3  }
.Ltmp4:
0x3f: {  	v3 =	vand.u32 $0x7F, v3;
	v4 =	vor.u32 v1, v4;
	(pc) =	sbr.rel @!p1 .LBB2_12-.Ltmp4, $3  }
0x40: {  	v3 =	vor.u32 v3, v4;
	_ =	sdelay $0x1  }
0x41: {  	s14 =	sadd.s32 $0x20, s14  }
0x42: {  	s15 =	sadd.s32 $0x10, s15;
	s17 =	sand.u32 $0x3F00, s14  }
0x43: {  	_ =	sdelay $0x2  }
0x44: {  	s14 =	sand.u32 $0x70, s16;
	s13 =	sor.u32 s17, s13  }
0x45: {  	[tilespmem:v3+s7+$0x0] =	vst.idx.add.s32.msk $0xffff, v2;
	s13 =	sadd.s32 s14, s13  }
0x46: {  	v3 =	vld [tilespmem:s13+$0x0];
	_ =	sdelay $0x4  }
0x47: {  	v4 =	vshra.s32 v3, $0x1F  }
0x48: {  	v4 =	vor.u32 $0x80000000, v4  }
0x49: {  	v3 =	vxor.u32 v3, v4  }
0x4a: {  	v3 =	vshrl.u32 v3, $0x14  }
0x4b: {  	v63 =	vand.u32 $0xF80, v3  }
0x4c: {  	v3 =	vand.u32 $0x7F, v3;
	v4 =	vor.u32 v1, v63  }
0x4d: {  	v3 =	vor.u32 v3, v4;
	_ =	sdelay $0x4  }
0x4e: {  	[tilespmem:v3+s7+$0x0] =	vst.idx.add.s32.msk $0xffff, v2  }
0x4f: {  	p1 =	seq.s32 s12, $0x10  }
.Ltmp5:
0x50: {  	_ = 	snop;
	(pc) =	sbr.rel @!p1 .LBB2_7-.Ltmp5, $2  }
0x51: {  	_ =	sdelay $0x2  }
0x52: {  	p0 =	por !p0, !p0;
	s13 =	smov.u32 s12  }
0x53: {  	s11 =	sadd.s32 $0x1, s11  }
0x54: {  	p0 =	sne.s32 s11, s5  }
.Ltmp6:
0x55: {  	_ = 	snop;
	(pc) =	sbr.rel @p0 .LBB2_1-.Ltmp6, $4  }
0x56: {  	[hbm4b:s4+s8] =	stream.strided.scatter [tilespmem:s7], [sflag:$0x2], $0x10000, s9, s8, $0x38;
	[tilespmem:$0x14000] =	vst v63  }
0x57: {  	_ =	swait.ge [sflag:s10], $0x10000  }
0x58: {  	[sflag:s10] =	ssyncset.done $0x0  }
0x59: {  	[sflag:s10] =	ssyncadd.s32 $0xFFFF0000  }
0x5a: {  	_ =	sfence.sel $0x180000  }
0x5b: {  	[bflag:$0x0] =	sbarrier.arrive $0xFFFF  }
0x5c: {  	p0 =	sne.s32 s1, $0x0;
	_ =	strace $0x90000047  }
0x5d: {  	s0 =	sadd.s32 @!p0 $0x100000, s0;
	[bflag:$0x2] =	sbarrier.arrive $0xFFFF  }
0x5e: {  	[sflag:s0] =	ssyncadd.tile.s32 @!p0 $0x1;
	_ =	shalt  }
.Lfunc_end2:
_tile_overlayer_lowered:
.L_overlay_start_2:
0x5f: {  	(tag) =	ssettag $0x2  }
0x60: {  	s0 =	rddreg [dreg:$0x0];
	s2 =	stileid.u32  }
0x61: {  	s1 =	rddreg [dreg:$0x1];
	p0 =	sne.s32 s2, $0x0  }
0x62: {  	s3 =	rddreg [dreg:$0x2];
	[bflag:$0x3] =	sbarrier.arrive $0xFFFF;
	s2 =	simm.s32 @!p0 $0x1C02  }
0x63: {  	[timem:s3], [sflag:s2] =	dma.local @!p0 [hbm:s0], s1  }
0x64: {  	s0 =	simm.s32 @!p0 $0x2  }
0x65: {  	_ =	swait.ge @!p0 [sflag:s0], s1  }
0x66: {  	s1 =	ssub.s32 @!p0 $0x0, s1;
	[sflag:s0] =	ssyncset.done @!p0 $0x0  }
0x67: {  	[sflag:s0] =	ssyncadd.s32 @!p0 s1  }
0x68: {  	[bflag:$0x3] =	sbarrier.arrive $0xFFFF  }
0x69: {  	_ =	shalt  }

// kernel: kernel.14.cloned.1.call-start
scs
__scs_entry_jumppad:
0x0: {  	(pc) =	sbr.rel $0x88, $3  }
0x1: {  	(tag) =	ssettag $0x0;
	lr =	simm.s32 $0x1  }
0x2: {  	[smem:$0x3F9F] =	sst lr;
	_ =	strace $0xD0000000  }
0x3: {  	_ = 	snop  }
0x4: {  	_ = 	snop  }
0x5: {  	_ = 	snop  }
0x6: {  	_ = 	snop  }
0x7: {  	_ = 	snop  }
__scs_overlays_trampoline_lowered:
0x8: {  	[smem:$0x3FAE] =	sst s0  }
0x9: {  	[smem:$0x3FAF] =	sst s1  }
0xa: {  	[smem:$0x3FB0] =	sst s2  }
0xb: {  	[smem:$0x3FB1] =	sst s3  }
0xc: {  	[smem:$0x3FB2] =	sst s4  }
0xd: {  	[smem:$0x3FB3] =	sst s5  }
0xe: {  	[smem:$0x3FB4] =	sst s6  }
0xf: {  	[smem:$0x3FB5] =	sst s7  }
0x10: {  	[smem:$0x3FB6] =	sst s8  }
0x11: {  	[smem:$0x3FB7] =	sst s9;
	s0 =	simm.s32 @!p0 $0x0  }
0x12: {  	s1 =	sld [smem:$0x3F9D];
	s0 =	simm.s32 @p0 $0x1  }
0x13: {  	[smem:$0x3FB8] =	sst s0;
	s0 =	simm.s32 @!p1 $0x0  }
0x14: {  	s2 =	sld [smem:$0x3F9C];
	s0 =	simm.s32 @p1 $0x1  }
0x15: {  	[smem:$0x3FB9] =	sst s0;
	s0 =	simm.s32 @!p2 $0x0  }
0x16: {  	s3 =	sld [smem:$0x3FDB];
	s0 =	simm.s32 @p2 $0x1  }
0x17: {  	s4 =	simm.s32 $0x1BF5;
	[smem:$0x3FBB] =	sst s0  }
0x18: {  	s0 =	sld [smem:$0x3F9E];
	_ =	swait.ge [sflag:s4], $0x0  }
0x19: {  	s7 =	sld [smem:$0x3F9F]  }
0x1a: {  	s8 =	sadd.s32 $0xFFFFE003, lr  }
0x1b: {  	s9 =	sadd.s32 $0xFFFFFEF7, lr;
	s5 =	simm.s32 $0xFFFFFFFF;
	p2 =	slt.u32 s8, $0xFFFFF086  }
0x1c: {  	p1 =	slt.u32 s9, $0xF7A;
	s5 =	simm.s32 @!p2 $0x0  }
0x1d: {  	s5 =	simm.s32 @p1 $0x1;
	p0 =	seq.s32 s7, s2  }
0x1e: {  	s7 =	smul.u32 @!p0 $0xF7A, s2;
	p2 =	seq.s32 @!p0 s5, $0x0  }
0x1f: {  	s9 =	smul.u32 $0xF7A, s1;
	s8 =	simm.s32 @!p0 $0x1BF5;
	p2 =	por !p2, p0  }
0x20: {  	[sflag:s8] =	ssyncset.s32 @!p0 $0xFFFFF086;
	s6 =	sadd.s32 @!p0 s3, s7;
	s7 =	simm.s32 @!p0 $0x108  }
0x21: {  	s3 =	sadd.s32 s3, s9;
	s6 =	sadd.s32 @!p0 $0x88, s6;
	s7 =	simm.s32 @p2 $0x1082  }
0x22: {  	[simem:s7], [sflag:s8] =	dma.local @!p0 [hbm:s6], $0xF7A  }
0x23: {  	s9 =	sor.u32 $0xD0000000, s2;
	s6 =	simm.s32 $0x108;
	_ =	swait.ge @!p0 [sflag:s8], $0x0  }
0x24: {  	s3 =	sadd.s32 $0x88, s3;
	s6 =	simm.s32 @!p1 $0x1082;
	[sflag:s4] =	ssyncset.s32 $0xFFFFF086  }
0x25: {  	[simem:s6], [sflag:s4] =	dma.local [hbm:s3], $0xF7A  }
0x26: {  	[smem:$0x3F9F] =	sst s1;
	(tag) =	ssettag s2;
	_ =	strace s9  }
0x27: {  	s1 =	sld [smem:$0x3FAF]  }
0x28: {  	s2 =	sld [smem:$0x3FB0]  }
0x29: {  	s4 =	sld [smem:$0x3FB2]  }
0x2a: {  	p0 =	seq.s32 s5, $0x0;
	s5 =	sld [smem:$0x3FB3]  }
0x2b: {  	s6 =	sld [smem:$0x3FB4]  }
0x2c: {  	s7 =	sld [smem:$0x3FB5]  }
0x2d: {  	s3 =	simm.s32 $0x108;
	s8 =	sld [smem:$0x3FB6]  }
0x2e: {  	s3 =	simm.s32 @!p0 $0x1082;
	s9 =	sld [smem:$0x3FB7]  }
0x2f: {  	lr =	sadd.s32 s0, s3;
	s0 =	sld [smem:$0x3FAE]  }
0x30: {  	s3 =	sld [smem:$0x3FB1]  }
0x31: {  	[smem:$0x3FBA] =	sst s10  }
0x32: {  	s10 =	sld [smem:$0x3FB8];
	_ =	sdelay $0x3  }
0x33: {  	p0 =	seq.s32 s10, $0x1;
	s10 =	sld [smem:$0x3FBA];
	_ =	sdelay $0x3  }
0x34: {  	[smem:$0x3FBA] =	sst s10  }
0x35: {  	s10 =	sld [smem:$0x3FB9];
	_ =	sdelay $0x3  }
0x36: {  	p1 =	seq.s32 s10, $0x1;
	s10 =	sld [smem:$0x3FBA];
	_ =	sdelay $0x3  }
0x37: {  	[smem:$0x3FBA] =	sst s10  }
0x38: {  	s10 =	sld [smem:$0x3FBB]  }
0x39: {  	_ = 	snop;
	(pc) =	sbr.ind lr, $3  }
0x3a: {  	_ = 	snop  }
0x3b: {  	_ = 	snop  }
0x3c: {  	p2 =	seq.s32 s10, $0x1;
	s10 =	sld [smem:$0x3FBA]  }
0x3d: {  	_ =	shalt  }
0x3e: {  	_ =	shalt  }
0x3f: {  	_ =	shalt  }
0x40: {  	_ =	shalt  }
0x41: {  	_ =	shalt  }
0x42: {  	_ =	shalt  }
0x43: {  	_ =	shalt  }
0x44: {  	_ =	shalt  }
0x45: {  	_ =	shalt  }
0x46: {  	_ =	shalt  }
0x47: {  	_ =	shalt  }
0x48: {  	_ =	shalt  }
0x49: {  	_ =	shalt  }
0x4a: {  	_ =	shalt  }
0x4b: {  	_ =	shalt  }
0x4c: {  	_ =	shalt  }
0x4d: {  	_ =	shalt  }
0x4e: {  	_ =	shalt  }
0x4f: {  	_ =	shalt  }
0x50: {  	_ =	shalt  }
0x51: {  	_ =	shalt  }
0x52: {  	_ =	shalt  }
0x53: {  	_ =	shalt  }
0x54: {  	_ =	shalt  }
0x55: {  	_ =	shalt  }
0x56: {  	_ =	shalt  }
0x57: {  	_ =	shalt  }
0x58: {  	_ =	shalt  }
0x59: {  	_ =	shalt  }
0x5a: {  	_ =	shalt  }
0x5b: {  	_ =	shalt  }
0x5c: {  	_ =	shalt  }
0x5d: {  	_ =	shalt  }
0x5e: {  	_ =	shalt  }
0x5f: {  	_ =	shalt  }
0x60: {  	_ =	shalt  }
0x61: {  	_ =	shalt  }
0x62: {  	_ =	shalt  }
0x63: {  	_ =	shalt  }
0x64: {  	_ =	shalt  }
0x65: {  	_ =	shalt  }
0x66: {  	_ =	shalt  }
0x67: {  	_ =	shalt  }
0x68: {  	_ =	shalt  }
0x69: {  	_ =	shalt  }
0x6a: {  	_ =	shalt  }
0x6b: {  	_ =	shalt  }
0x6c: {  	_ =	shalt  }
0x6d: {  	_ =	shalt  }
0x6e: {  	_ =	shalt  }
0x6f: {  	_ =	shalt  }
0x70: {  	_ =	shalt  }
0x71: {  	_ =	shalt  }
0x72: {  	_ =	shalt  }
0x73: {  	_ =	shalt  }
0x74: {  	_ =	shalt  }
0x75: {  	_ =	shalt  }
0x76: {  	_ =	shalt  }
0x77: {  	_ =	shalt  }
0x78: {  	_ =	shalt  }
0x79: {  	_ =	shalt  }
0x7a: {  	_ =	shalt  }
0x7b: {  	_ =	shalt  }
0x7c: {  	_ =	shalt  }
0x7d: {  	_ =	shalt  }
0x7e: {  	_ =	shalt  }
0x7f: {  	_ =	shalt  }
0x80: {  	_ =	shalt  }
0x81: {  	_ =	shalt  }
0x82: {  	_ =	shalt  }
0x83: {  	_ =	shalt  }
0x84: {  	_ =	shalt  }
0x85: {  	_ =	shalt  }
0x86: {  	_ =	shalt  }
0x87: {  	_ =	shalt  }
.Lfunc_end0:
.L_simem_size_0:
called_computation.1_lowered:
.L_overlay_start_0:
0x88: {  	s2 =	sld [smem:$0x3FD9]  }
0x89: {  	s3 =	sld [smem:$0x3FFE];
	_ =	sdelay $0x1  }
0x8a: {  	s1 =	srdreg.scid  }
0x8b: {  	s0 =	sand.u32 $0x1, s1  }
0x8c: {  	s14 =	sshll.u32 s0, $0xA;
	s2 =	sadd.s32 s3, s2  }
0x8d: {  	s2 =	sadd.s32 s2, s14  }
0x8e: {  	[smem:$0x3FC6] =	sst s2  }
0x8f: {  	_ = 	snop  }
0x90: {  	s2 =	sld [smem:$0x3FD0];
	_ =	sdelay $0x2  }
0x91: {  	s4 =	simm.s32 $0xA;
	s5 =	simm.s32 $0x10;
	s15 =	sld [smem:$0x3FC9]  }
0x92: {  	[smem:s5], [sflag:s4] =	dma.local [hbm:s2], $0x1  }
0x93: {  	_ =	swait.eq [sflag:s4], $0x1  }
0x94: {  	[sflag:s4] =	ssyncset.done $0x0  }
0x95: {  	[sflag:s4] =	ssyncadd.s32 $0xFFFFFFFF  }
0x96: {  	s16 =	sld [smem:$0x11];
	(tm) =	ssettm $0x1  }
0x97: {  	s17 =	sld [smem:$0x3FFB];
	_ =	sdelay $0x3  }
0x98: {  	_ =	strace s17  }
0x99: {  	s4 =	sld [smem:$0x3FFC];
	_ =	sdelay $0x3  }
0x9a: {  	_ =	strace s4  }
0x9b: {  	s4 =	sld [smem:$0x3FFD];
	_ =	sdelay $0x3  }
0x9c: {  	_ =	strace s4  }
0x9d: {  	_ =	strace $0x8FFFFFFF  }
0x9e: {  	s18 =	sld [smem:$0x3FDB];
	_ =	sdelay $0x1  }
0x9f: {  	s19 =	simm.s32 $_scs_section_size  }
0xa0: {  	s6 =	simm.s32 $_size__tile_overlayer_lowered;
	s7 =	simm.s32 $_tile_overlayer_lowered  }
0xa1: {  	s22 =	simm.s32 $0x1BFF;
	s21 =	sshll.u32 s7, $0x1;
	s4 =	sadd.s32 s19, s18  }
0xa2: {  	s8 =	simm.s32 $0x0;
	s20 =	sshll.u32 s6, $0x1;
	s6 =	sadd.s32 s21, s4  }
0xa3: {  	[timem:s8], [sflag:s22] =	dma.local [hbm:s6], s20  }
0xa4: {  	_ =	swait.ge [sflag:s22], s20  }
0xa5: {  	s5 =	ssub.s32 $0x0, s20;
	[sflag:s22] =	ssyncset.done $0x0  }
0xa6: {  	[sflag:s22] =	ssyncadd.s32 s5;
	_ =	sdelay $0x1  }
0xa7: {  	s23 =	simm.s32 $0x1B8B  }
0xa8: {  	_ =	swait.ge [sflag:s23], $0x1  }
0xa9: {  	[sflag:s23] =	ssyncset.done $0x0  }
0xaa: {  	s25 =	simm.s32 $0x1B8E;
	s24 =	sld [smem:$0x3FFE];
	[sflag:s23] =	ssyncadd.s32 $0xFFFFFFFF  }
0xab: {  	s26 =	simm.s32 $execute0_lowered;
	[smem:$0x3FD2] =	sst s25  }
0xac: {  	s6 =	sshll.u32 s26, $0x1;
	_ =	strace $0x80000049;
	[dreg:$0x1] =	wrdreg $0xFFFFFFFF  }
0xad: {  	s28 =	simm.s32 $_size_execute0_lowered;
	s4 =	sadd.s32 s4, s6;
	[dreg:$0x0] =	wrdreg $0x0  }
0xae: {  	s6 =	sshll.u32 s28, $0x1;
	[dreg:$0x2] =	wrdreg s4  }
0xaf: {  	[dreg:$0x3] =	wrdreg s6  }
0xb0: {  	[dreg:$0x4] =	wrdreg $0xC0  }
0xb1: {  	_ =	task [dreg:s8], $0x5FFFF  }
0xb2: {  	[dreg:$0x1] =	wrdreg $0xFFFFFFFF  }
0xb3: {  	[dreg:$0x0] =	wrdreg $0x60  }
0xb4: {  	[dreg:$0x2] =	wrdreg s15  }
0xb5: {  	[dreg:$0x3] =	wrdreg s16  }
0xb6: {  	[dreg:$0x4] =	wrdreg s24  }
0xb7: {  	[dreg:$0x5] =	wrdreg $0x9  }
0xb8: {  	_ =	task.clear_ibuf [dreg:s8], $0x6FFFF;
	_ =	strace $0x90000049  }
0xb9: {  	s29 =	simm.s32 $0x9;
	_ =	strace $0x8000004B  }
0xba: {  	_ =	swait.ge [sflag:s29], $0x1  }
0xbb: {  	[sflag:s29] =	ssyncadd.s32 $0xFFFFFFFF  }
0xbc: {  	_ =	strace $0x9000004B  }
0xbd: {  	_ =	sfence  }
0xbe: {  	s30 =	sld [smem:$0x0];
	_ =	sdelay $0x2  }
0xbf: {  	s31 =	sshll.u32 s1, $0xD;
	s1 =	sshrl.u32 s1, $0x2  }
0xc0: {  	s3 =	sand.u32 $0x4000, s31;
	s1 =	sadd.s32 s1, s30  }
0xc1: {  	s0 =	sor.u32 s3, s0;
	s1 =	sshll.u32 s1, $0x11  }
0xc2: {  	s0 =	sor.u32 s1, s0  }
0xc3: {  	s0 =	sadd.s32 $0x8F2B, s0  }
0xc4: {  	[sflag:s0] =	ssyncadd.remote.s32 $0x1  }
0xc5: {  	_ =	sfence.sel $0xFFFF  }
0xc6: {  	[dreg:$0x0] =	wrdreg $0xFFFFFFFF;
	(pc) =	sbr.abs _section_cstart, $3  }
0xc7: {  	[dreg:$0x1] =	wrdreg $0xFFFFFFFF  }
0xc8: {  	_ =	task.clear_ibuf [dreg:s8], $0x2FFFF;
	_ =	strace $0x9FFFFFFF  }
0xc9: {  	(tm) =	ssettm $0x7FFFFFFF  }
tec
execute0_lowered:
.L_overlay_start_1:
0x0: {  	(tag) =	ssettag $0x1  }
0x1: {  	s1 =	rddreg [dreg:$0x0]  }
0x2: {  	s2 =	rddreg [dreg:$0x1]  }
0x3: {  	s3 =	rddreg [dreg:$0x2]  }
0x4: {  	s0 =	rddreg [dreg:$0x3]  }
0x5: {  	s5 =	simm.s32 $0x0;
	s6 =	srdreg.scid;
	s4 =	stileid.u32  }
0x6: {  	s15 =	simm.s32 $0x0;
	[smem:$0x7FF] =	sst s5;
	s8 =	sand.u32 $0x1, s6  }
0x7: {  	s9 =	sshll.u32 s4, $0x1;
	s6 =	sadd.s32 $0x12000, s3;
	s12 =	sshll.u32 s4, $0x12  }
0x8: {  	_ =	strace $0x8000004A;
	s7 =	ssub.s32 $0x2, s8;
	s14 =	sor.u32 s8, s9  }
.Ltmp0:
0x9: {  	s13 =	sshll.u32 s8, $0x11;
	s10 =	sshrl.u32 s7, $0x1;
	(pc) =	sbr.rel .LBB2_1-.Ltmp0, $4  }
0xa: {  	s11 =	sadd.s32 $0x1, s14;
	s31 =	sshll.u32 s14, $0xE;
	p0 =	sne.s32 s14, $0x1F  }
0xb: {  	s30 =	ssub.s32 s7, s10;
	s7 =	sshll.u32 s14, $0x11;
	s8 =	sadd.s32 s1, s31  }
0xc: {  	s10 =	sor.u32 s13, s12;
	v0 =	vmov s11;
	s11 =	simm.s32 $0x16100;
	s12 =	simm.s32 $0x2  }
0xd: {  	v1 =	vlaneseq.u32;
	v2 =	vimm.s32 $0x0;
	v3 =	vimm.s32 $0xFFFFFFFF;
	s13 =	simm.s32 $0x1;
	s14 =	simm.s32 $0x14100;
	s9 =	smax.u32 s30, $0x1  }
.LBB2_18:
0xe: {  	[sflag:s12] =	ssyncset.done $0x0  }
0xf: {  	[sflag:s12] =	ssyncadd.s32 $0xFFFFE000  }
.LBB2_19:
0x10: {  	s17 =	sshll.u32 s17, $0xD  }
0x11: {  	s17 =	sadd.s32 s16, s17  }
0x12: {  	s16 =	ssub.s32 $0x90000, s17  }
0x13: {  	s18 =	sand.u32 $0x1000, s16  }
0x14: {  	p1 =	seq.s32 s18, $0x0  }
0x15: {  	s25 =	sand.u32 $0x800, s16;
	s19 =	sshrl.u32 @!p1 s17, $0x3  }
0x16: {  	s20 =	simm.s32 @!p1 $0x0;
	s21 =	simm.s32 @!p1 $0x14100;
	s19 =	sadd.s32 @!p1 s3, s19  }
0x17: {  	[hbm4b:s19+s20] =	stream.linear.scatter @!p1 [tilespmem:s21], [sflag:$0x2], $0x1000, $0x38;
	[tilespmem:$0x16180] =	vst v63  }
0x18: {  	p2 =	seq.s32 s25, $0x0;
	s17 =	sadd.s32 s17, s18;
	s19 =	simm.s32 @!p1 $0x2  }
0x19: {  	s18 =	sshrl.u32 @!p2 s17, $0x3;
	_ =	swait.ge @!p1 [sflag:s19], $0x1000  }
0x1a: {  	s18 =	sadd.s32 @!p2 s3, s18;
	[sflag:s19] =	ssyncset.done @!p1 $0x0  }
0x1b: {  	s21 =	simm.s32 @!p2 $0x14100;
	[sflag:s19] =	ssyncadd.s32 @!p1 $0xFFFFF000;
	s19 =	simm.s32 @!p2 $0x0  }
0x1c: {  	[hbm4b:s18+s19] =	stream.linear.scatter @!p2 [tilespmem:s21], [sflag:$0x2], $0x800, $0x38;
	[tilespmem:$0x16180] =	vst v63  }
0x1d: {  	s18 =	simm.s32 @!p2 $0x2  }
0x1e: {  	s26 =	sand.u32 $0x400, s16;
	_ =	swait.ge @!p2 [sflag:s18], $0x800  }
0x1f: {  	s17 =	sadd.s32 s25, s17;
	p1 =	seq.s32 s26, $0x0;
	[sflag:s18] =	ssyncset.done @!p2 $0x0  }
0x20: {  	[sflag:s18] =	ssyncadd.s32 @!p2 $0xFFFFF800;
	s18 =	sshrl.u32 @!p1 s17, $0x3  }
0x21: {  	s20 =	simm.s32 @!p1 $0x0;
	s21 =	simm.s32 @!p1 $0x14100;
	s18 =	sadd.s32 @!p1 s3, s18  }
0x22: {  	[hbm4b:s18+s20] =	stream.linear.scatter @!p1 [tilespmem:s21], [sflag:$0x2], $0x400, $0x38;
	[tilespmem:$0x16180] =	vst v63  }
0x23: {  	s18 =	simm.s32 @!p1 $0x2  }
0x24: {  	s28 =	sand.u32 $0x200, s16;
	_ =	swait.ge @!p1 [sflag:s18], $0x400  }
0x25: {  	s17 =	sadd.s32 s26, s17;
	p2 =	seq.s32 s28, $0x0;
	[sflag:s18] =	ssyncset.done @!p1 $0x0  }
0x26: {  	[sflag:s18] =	ssyncadd.s32 @!p1 $0xFFFFFC00;
	s18 =	sshrl.u32 @!p2 s17, $0x3  }
0x27: {  	s19 =	simm.s32 @!p2 $0x0;
	s21 =	simm.s32 @!p2 $0x14100;
	s18 =	sadd.s32 @!p2 s3, s18  }
0x28: {  	[hbm4b:s18+s19] =	stream.linear.scatter @!p2 [tilespmem:s21], [sflag:$0x2], $0x200, $0x38;
	[tilespmem:$0x16180] =	vst v63  }
0x29: {  	s18 =	simm.s32 @!p2 $0x2  }
0x2a: {  	s29 =	sand.u32 $0x100, s16;
	_ =	swait.ge @!p2 [sflag:s18], $0x200  }
0x2b: {  	s17 =	sadd.s32 s28, s17;
	p1 =	seq.s32 s29, $0x0;
	[sflag:s18] =	ssyncset.done @!p2 $0x0  }
0x2c: {  	[sflag:s18] =	ssyncadd.s32 @!p2 $0xFFFFFE00;
	s18 =	sshrl.u32 @!p1 s17, $0x3  }
0x2d: {  	s20 =	simm.s32 @!p1 $0x0;
	s21 =	simm.s32 @!p1 $0x14100;
	s18 =	sadd.s32 @!p1 s3, s18  }
0x2e: {  	[hbm4b:s18+s20] =	stream.linear.scatter @!p1 [tilespmem:s21], [sflag:$0x2], $0x100, $0x38;
	[tilespmem:$0x16180] =	vst v63  }
0x2f: {  	s18 =	simm.s32 @!p1 $0x2  }
0x30: {  	s30 =	sand.u32 $0x80, s16;
	_ =	swait.ge @!p1 [sflag:s18], $0x100  }
0x31: {  	s17 =	sadd.s32 s29, s17;
	p2 =	seq.s32 s30, $0x0;
	[sflag:s18] =	ssyncset.done @!p1 $0x0  }
0x32: {  	[sflag:s18] =	ssyncadd.s32 @!p1 $0xFFFFFF00;
	s18 =	sshrl.u32 @!p2 s17, $0x3  }
0x33: {  	s19 =	simm.s32 @!p2 $0x0;
	s21 =	simm.s32 @!p2 $0x14100;
	s18 =	sadd.s32 @!p2 s3, s18  }
0x34: {  	[hbm4b:s18+s19] =	stream.linear.scatter @!p2 [tilespmem:s21], [sflag:$0x2], $0x80, $0x38;
	[tilespmem:$0x16180] =	vst v63  }
0x35: {  	s18 =	simm.s32 @!p2 $0x2  }
0x36: {  	s31 =	sand.u32 $0x40, s16;
	_ =	swait.ge @!p2 [sflag:s18], $0x80  }
0x37: {  	s17 =	sadd.s32 s30, s17;
	p1 =	seq.s32 s31, $0x0;
	[sflag:s18] =	ssyncset.done @!p2 $0x0  }
0x38: {  	[sflag:s18] =	ssyncadd.s32 @!p2 $0xFFFFFF80;
	s18 =	sshrl.u32 @!p1 s17, $0x3  }
0x39: {  	s20 =	simm.s32 @!p1 $0x0;
	s21 =	simm.s32 @!p1 $0x14100;
	s18 =	sadd.s32 @!p1 s3, s18  }
0x3a: {  	[hbm4b:s18+s20] =	stream.linear.scatter @!p1 [tilespmem:s21], [sflag:$0x2], $0x40, $0x38;
	[tilespmem:$0x16180] =	vst v63  }
0x3b: {  	s18 =	simm.s32 @!p1 $0x2  }
0x3c: {  	s20 =	sand.u32 $0x20, s16;
	_ =	swait.ge @!p1 [sflag:s18], $0x40  }
0x3d: {  	s17 =	sadd.s32 s31, s17;
	p2 =	seq.s32 s20, $0x0;
	[sflag:s18] =	ssyncset.done @!p1 $0x0  }
0x3e: {  	s16 =	sand.u32 $0x10, s16;
	[sflag:s18] =	ssyncadd.s32 @!p1 $0xFFFFFFC0;
	s18 =	sshrl.u32 @!p2 s17, $0x3  }
0x3f: {  	s19 =	simm.s32 @!p2 $0x0;
	s21 =	simm.s32 @!p2 $0x14100;
	s18 =	sadd.s32 @!p2 s3, s18  }
0x40: {  	[hbm4b:s18+s19] =	stream.linear.scatter @!p2 [tilespmem:s21], [sflag:$0x2], $0x20, $0x38;
	[tilespmem:$0x16180] =	vst v63  }
0x41: {  	p1 =	seq.s32 s16, $0x0;
	s18 =	simm.s32 @!p2 $0x2  }
0x42: {  	s16 =	sadd.s32 @!p1 s20, s17;
	_ =	swait.ge @!p2 [sflag:s18], $0x20  }
0x43: {  	s17 =	simm.s32 @!p1 $0x0;
	s16 =	sshrl.u32 @!p1 s16, $0x3;
	[sflag:s18] =	ssyncset.done @!p2 $0x0  }
0x44: {  	s16 =	sadd.s32 @!p1 s3, s16;
	[sflag:s18] =	ssyncadd.s32 @!p2 $0xFFFFFFE0;
	s18 =	simm.s32 @!p1 $0x14100  }
0x45: {  	[hbm4b:s16+s17] =	stream.linear.scatter @!p1 [tilespmem:s18], [sflag:$0x2], $0x10, $0x38;
	[tilespmem:$0x16180] =	vst v63  }
0x46: {  	s16 =	simm.s32 @!p1 $0x2  }
0x47: {  	_ =	swait.ge @!p1 [sflag:s16], $0x10  }
0x48: {  	[sflag:s16] =	ssyncset.done @!p1 $0x0  }
0x49: {  	[sflag:s16] =	ssyncadd.s32 @!p1 $0xFFFFFFF0  }
.LBB2_20:
0x4a: {  	s15 =	sadd.s32 $0x1, s15  }
0x4b: {  	p1 =	sne.s32 s15, s9  }
.Ltmp1:
0x4c: {  	_ = 	snop;
	(pc) =	sbr.rel @!p1 .LBB2_21-.Ltmp1, $1  }
0x4d: {  	_ =	sdelay $0x3  }
.LBB2_1:
0x4e: {  	[tilespmem:s11], [sflag:$0x2] =	stream.linear.gather [hbm4b:s2+s5], $0x80, $0x38;
	[tilespmem:$0x16180] =	vst v63  }
0x4f: {  	_ =	swait.ge [sflag:s12], $0x80  }
0x50: {  	[sflag:s12] =	ssyncset.done $0x0  }
0x51: {  	[sflag:s12] =	ssyncadd.s32 $0xFFFFFF80  }
0x52: {  	s16 =	simm.s32 $0x10;
	v5 =	vld [tilespmem:$0x16100]  }
0x53: {  	s19 =	sadd.s32 $0x0, s8;
	s17 =	simm.s32 $0x100;
	s18 =	simm.s32 $0x0;
	v4 =	vld.idx.msk [tilespmem:v0+s11+$0x0], $0xffff  }
.LBB2_2:
0x54: {  	[tilespmem:s18], [sflag:$0x1] =	stream.linear.gather [hbm4b:s19+s5], $0x80, $0x38;
	[tilespmem:$0x16180] =	vst v63  }
0x55: {  	s19 =	smov.u32 s16;
	s18 =	smov.u32 s17;
	p1 =	sne.s32 s16, $0x3F0  }
.Ltmp2:
0x56: {  	s16 =	sadd.s32 $0x10, s16;
	(pc) =	sbr.rel @p1 .LBB2_2-.Ltmp2, $2  }
0x57: {  	_ =	sdelay $0x2  }
0x58: {  	s17 =	sadd.s32 $0x100, s17;
	s19 =	sadd.s32 s19, s8  }
0x59: {  	[tilespmem:s18], [sflag:$0x1] =	stream.linear.gather [hbm4b:s19+s5], $0x80, $0x38;
	[tilespmem:$0x16180] =	vst v63  }
0x5a: {  	s19 =	simm.s32 $0x0  }
0x5b: {  	v5 =	vbroadcast v5, $0x0;
	p1 =	por $0x1, $0x1;
	s16 =	smov.u32 s10;
	s18 =	simm.s32 $0x0  }
.LBB2_5:
0x5c: {  	p2 =	seq.s32 s19, $0xF  }
.Ltmp3:
0x5d: {  	_ = 	snop;
	(pc) =	sbr.rel @p2 .LBB2_9-.Ltmp3, $4  }
0x5e: {  	_ = 	snop  }
0x5f: {  	_ =	swait.ge [sflag:s13], $0x2000  }
0x60: {  	[sflag:s13] =	ssyncset.done $0x0  }
0x61: {  	s17 =	sadd.s32 $0x1, s19;
	[sflag:s13] =	ssyncadd.s32 $0xFFFFE000  }
0x62: {  	s20 =	sshll.u32 s17, $0xD  }
0x63: {  	s21 =	simm.s32 $0x1;
	s20 =	sadd.s32 s7, s20  }
0x64: {  	s21 =	simm.s32 @!p1 $0x0;
	s22 =	sshrl.u32 s20, $0x3  }
0x65: {  	s20 =	sshll.u32 s21, $0x7;
	s21 =	sadd.s32 s1, s22  }
0x66: {  	s22 =	simm.s32 $0x10;
	s23 =	sadd.s32 $0x100, s20;
	s24 =	sadd.s32 $0x0, s21  }
.LBB2_7:
0x67: {  	[tilespmem:s20], [sflag:$0x1] =	stream.linear.gather [hbm4b:s24+s5], $0x80, $0x38;
	[tilespmem:$0x16180] =	vst v63  }
0x68: {  	s24 =	smov.u32 s22;
	s20 =	smov.u32 s23;
	p2 =	sne.s32 s22, $0x3F0  }
.Ltmp4:
0x69: {  	s22 =	sadd.s32 $0x10, s22;
	(pc) =	sbr.rel @p2 .LBB2_7-.Ltmp4, $2  }
0x6a: {  	_ =	sdelay $0x2  }
0x6b: {  	s23 =	sadd.s32 $0x100, s23;
	s24 =	sadd.s32 s24, s21  }
0x6c: {  	[tilespmem:s20], [sflag:$0x1] =	stream.linear.gather [hbm4b:s24+s5], $0x80, $0x38;
	[tilespmem:$0x16180] =	vst v63  }
.LBB2_9:
0x6d: {  	s19 =	sshll.u32 s19, $0x7;
	s21 =	simm.s32 $0x0  }
0x6e: {  	s20 =	sand.u32 $0x80, s19;
	s31 =	sand.u32 $0x3F00, s21  }
0x6f: {  	s21 =	sand.u32 $0x70, s21;
	s19 =	sor.u32 s31, s20  }
0x70: {  	s19 =	sadd.s32 s21, s19  }
0x71: {  	v6 =	vld [tilespmem:s19+$0x0];
	_ =	sdelay $0x4  }
0x72: {  	v7 =	vshra.s32 v6, $0x1F  }
0x73: {  	v7 =	vor.u32 $0x80000000, v7  }
0x74: {  	v6 =	vxor.u32 v6, v7  }
0x75: {  	vm0 =	vge.u32 v6, v5  }
0x76: {  	v7 =	vsel vm0, $0x1, v2  }
0x77: {  	(xrf0) =	vadd.scan.msk.s32 $0xffff, v7;
	_ =	sdelay $0x4  }
0x78: {  	s23 =	sadd.s32 $0x0, s16;
	s21 =	simm.s32 $0x20  }
0x79: {  	s22 =	simm.s32 $0x20;
	s19 =	simm.s32 $0x10;
	s24 =	sand.u32 $0x3F00, s21;
	v6 =	vxor.u32 $0xFFFFFFFF, v6;
	v7, _, _ =	vpop (xrf0)  }
.LBB2_10:
0x7a: {  	p2 =	seq.s32 s22, $0x1FF0;
	s25 =	sand.u32 $0x70, s19;
	s24 =	sor.u32 s24, s20;
	v8 =	vor.u32 s23, v1;
	[tilespmem:s18+$0x4000] =	vst.msk vm0, v6;
	(v2sf) =	vpush v7, $0xF  }
0x7b: {  	s23 =	sadd.s32 s25, s24;
	[tilespmem:s18+$0xC080] =	vst.msk vm0, v8;
	s24 =	smov.u32 s19;
	s19 =	smov.u32 s22  }
0x7c: {  	v6 =	vld [tilespmem:s23+$0x0];
	_ =	sdelay $0x4  }
0x7d: {  	v7 =	vshra.s32 v6, $0x1F  }
0x7e: {  	v7 =	vor.u32 $0x80000000, v7  }
0x7f: {  	v6 =	vxor.u32 v6, v7  }
0x80: {  	vm0 =	vge.u32 v6, v5;
	v6 =	vxor.u32 $0xFFFFFFFF, v6  }
0x81: {  	v7 =	vsel vm0, $0x1, v2  }
0x82: {  	(xrf0) =	vadd.scan.msk.s32 $0xffff, v7;
	_ =	sdelay $0x1  }
.Ltmp5:
0x83: {  	(pc) =	sbr.rel @!p2 .LBB2_10-.Ltmp5, $4  }
0x84: {  	s23 =	spop (v2sf)  }
0x85: {  	s18 =	sadd.s32 s18, s23  }
0x86: {  	s21 =	sadd.s32 $0x20, s21;
	s23 =	sadd.s32 s24, s16;
	p3 =	slt.s32 s18, $0x8000  }
0x87: {  	s22 =	sadd.s32 $0x10, s22;
	s24 =	sand.u32 $0x3F00, s21;
	v7, _, _ =	vpop (xrf0);
	s18 =	simm.s32 @!p3 $0x8000  }
0x88: {  	s21 =	sand.u32 $0x70, s19;
	s20 =	sor.u32 s24, s20;
	v8 =	vor.u32 s23, v1;
	[tilespmem:s18+$0x4000] =	vst.msk vm0, v6  }
0x89: {  	s20 =	sadd.s32 s21, s20;
	[tilespmem:s18+$0xC080] =	vst.msk vm0, v8  }
0x8a: {  	v6 =	vld [tilespmem:s20+$0x0];
	_ =	sdelay $0x4  }
0x8b: {  	v62 =	vshra.s32 v6, $0x1F  }
0x8c: {  	v8 =	vor.u32 $0x80000000, v62  }
0x8d: {  	v6 =	vxor.u32 v6, v8  }
0x8e: {  	vm15 =	vge.u32 v6, v5  }
0x8f: {  	v63 =	vsel vm15, $0x1, v2  }
0x90: {  	(xrf0) =	vadd.scan.msk.s32 $0xffff, v63;
	_ =	sdelay $0x3  }
0x91: {  	(v2sf) =	vpush v7, $0xF;
	_ =	sdelay $0x1  }
0x92: {  	v7, _, _ =	vpop (xrf0)  }
0x93: {  	(v2sf) =	vpush v7, $0xF;
	_ =	sdelay $0xb  }
0x94: {  	s29 =	spop (v2sf)  }
0x95: {  	s20 =	sadd.s32 s18, s29  }
0x96: {  	p2 =	slt.s32 s20, $0x8000  }
0x97: {  	s20 =	simm.s32 @!p2 $0x8000;
	s30 =	spop (v2sf)  }
0x98: {  	s31 =	sadd.s32 s19, s16;
	v6 =	vxor.u32 $0xFFFFFFFF, v6;
	s18 =	sadd.s32 s20, s30  }
0x99: {  	v7 =	vor.u32 s31, v1;
	[tilespmem:s20+$0x4000] =	vst.msk vm15, v6;
	p2 =	slt.s32 s18, $0x8000  }
0x9a: {  	[tilespmem:s20+$0xC080] =	vst.msk vm15, v7;
	s18 =	simm.s32 @!p2 $0x8000  }
0x9b: {  	p2 =	seq.s32 s17, $0x10  }
.Ltmp6:
0x9c: {  	_ = 	snop;
	(pc) =	sbr.rel @!p2 .LBB2_5-.Ltmp6, $2  }
0x9d: {  	_ =	sdelay $0x2  }
0x9e: {  	p1 =	por !p1, !p1;
	s16 =	sadd.s32 $0x2000, s16;
	s19 =	smov.u32 s17  }
0x9f: {  	(v2sf) =	vpush v4, $0x0;
	_ =	sdelay $0xc  }
0xa0: {  	s17 =	sadd.s32 $0xF, s18  }
0xa1: {  	s19 =	sand.u32 $0x8000, s17  }
0xa2: {  	p1 =	seq.s32 s19, $0x0;
	s16 =	spop (v2sf)  }
0xa3: {  	[tilespmem:s18+$0x4000] =	vst v3;
	s20 =	sshrl.u32 @!p1 s16, $0x3  }
0xa4: {  	[tilespmem:s18+$0xC080] =	vst v2;
	s21 =	simm.s32 @!p1 $0x0;
	s22 =	simm.s32 @!p1 $0x4000;
	s18 =	sadd.s32 @!p1 s3, s20  }
0xa5: {  	[hbm4b:s18+s21] =	stream.linear.scatter @!p1 [tilespmem:s22], [sflag:$0x2], $0x8000, $0x38;
	[tilespmem:$0x16180] =	vst v63  }
0xa6: {  	s18 =	simm.s32 @!p1 $0x2  }
0xa7: {  	_ =	swait.ge @!p1 [sflag:s18], $0x8000  }
0xa8: {  	s31 =	sand.u32 $0x4000, s17;
	[sflag:s18] =	ssyncset.done @!p1 $0x0  }
0xa9: {  	s20 =	sadd.s32 @!p1 s6, s20;
	s22 =	simm.s32 @!p1 $0xC080;
	[sflag:s18] =	ssyncadd.s32 @!p1 $0xFFFF8000  }
0xaa: {  	[hbm4b:s20+s21] =	stream.linear.scatter @!p1 [tilespmem:s22], [sflag:$0x2], $0x8000, $0x38;
	[tilespmem:$0x16180] =	vst v63  }
0xab: {  	p2 =	seq.s32 s31, $0x0;
	_ =	swait.ge @!p1 [sflag:s18], $0x8000  }
0xac: {  	s20 =	sadd.s32 @!p2 s16, s19;
	[sflag:s18] =	ssyncset.done @!p1 $0x0  }
0xad: {  	[sflag:s18] =	ssyncadd.s32 @!p1 $0xFFFF8000;
	s18 =	sshrl.u32 @!p2 s20, $0x3  }
0xae: {  	s21 =	sadd.s32 @!p2 $0x4000, s19;
	s22 =	simm.s32 @!p2 $0x0;
	s20 =	sadd.s32 @!p2 s3, s18  }
0xaf: {  	[hbm4b:s20+s22] =	stream.linear.scatter @!p2 [tilespmem:s21], [sflag:$0x2], $0x4000, $0x38;
	[tilespmem:$0x16180] =	vst v63  }
0xb0: {  	s20 =	simm.s32 @!p2 $0x2  }
0xb1: {  	_ =	swait.ge @!p2 [sflag:s20], $0x4000  }
0xb2: {  	s19 =	sadd.s32 @!p2 $0xC080, s19;
	s21 =	sand.u32 $0x2000, s17;
	[sflag:s20] =	ssyncset.done @!p2 $0x0  }
0xb3: {  	s18 =	sadd.s32 @!p2 s6, s18;
	p1 =	seq.s32 s21, $0x0;
	[sflag:s20] =	ssyncadd.s32 @!p2 $0xFFFFC000  }
0xb4: {  	[hbm4b:s18+s22] =	stream.linear.scatter @!p2 [tilespmem:s19], [sflag:$0x2], $0x4000, $0x38;
	[tilespmem:$0x16180] =	vst v63  }
0xb5: {  	s18 =	sand.u32 @!p1 $0xC000, s17  }
0xb6: {  	_ =	swait.ge @!p2 [sflag:s20], $0x4000;
	s19 =	sadd.s32 @!p1 s16, s18  }
0xb7: {  	s22 =	simm.s32 @!p1 $0x0;
	[sflag:s20] =	ssyncset.done @!p2 $0x0;
	s19 =	sshrl.u32 @!p1 s19, $0x3  }
0xb8: {  	s21 =	sadd.s32 @!p1 $0x4000, s18;
	[sflag:s20] =	ssyncadd.s32 @!p2 $0xFFFFC000;
	s20 =	sadd.s32 @!p1 s3, s19  }
0xb9: {  	[hbm4b:s20+s22] =	stream.linear.scatter @!p1 [tilespmem:s21], [sflag:$0x2], $0x2000, $0x38;
	[tilespmem:$0x16180] =	vst v63  }
0xba: {  	s20 =	simm.s32 @!p1 $0x2  }
0xbb: {  	_ =	swait.ge @!p1 [sflag:s20], $0x2000  }
0xbc: {  	[sflag:s20] =	ssyncset.done @!p1 $0x0  }
0xbd: {  	s18 =	sadd.s32 @!p1 $0xC080, s18;
	s19 =	sadd.s32 @!p1 s6, s19;
	[sflag:s20] =	ssyncadd.s32 @!p1 $0xFFFFE000  }
0xbe: {  	[hbm4b:s19+s22] =	stream.linear.scatter @!p1 [tilespmem:s18], [sflag:$0x2], $0x2000, $0x38;
	[tilespmem:$0x16180] =	vst v63  }
0xbf: {  	s22 =	sand.u32 $0x1000, s17  }
0xc0: {  	p2 =	seq.s32 s22, $0x0  }
0xc1: {  	s18 =	sand.u32 @!p2 $0xE000, s17  }
0xc2: {  	_ =	swait.ge @!p1 [sflag:s20], $0x2000;
	s19 =	sadd.s32 @!p2 s16, s18  }
0xc3: {  	[sflag:s20] =	ssyncset.done @!p1 $0x0;
	s22 =	simm.s32 @!p2 $0x0;
	s19 =	sshrl.u32 @!p2 s19, $0x3  }
0xc4: {  	[sflag:s20] =	ssyncadd.s32 @!p1 $0xFFFFE000;
	s21 =	sadd.s32 @!p2 $0x4000, s18;
	s20 =	sadd.s32 @!p2 s3, s19  }
0xc5: {  	[hbm4b:s20+s22] =	stream.linear.scatter @!p2 [tilespmem:s21], [sflag:$0x2], $0x1000, $0x38;
	[tilespmem:$0x16180] =	vst v63  }
0xc6: {  	s20 =	simm.s32 @!p2 $0x2  }
0xc7: {  	_ =	swait.ge @!p2 [sflag:s20], $0x1000  }
0xc8: {  	s23 =	sand.u32 $0x800, s17;
	s18 =	sadd.s32 @!p2 $0xC080, s18;
	[sflag:s20] =	ssyncset.done @!p2 $0x0  }
0xc9: {  	p1 =	seq.s32 s23, $0x0;
	s19 =	sadd.s32 @!p2 s6, s19;
	[sflag:s20] =	ssyncadd.s32 @!p2 $0xFFFFF000  }
0xca: {  	[hbm4b:s19+s22] =	stream.linear.scatter @!p2 [tilespmem:s18], [sflag:$0x2], $0x1000, $0x38;
	[tilespmem:$0x16180] =	vst v63  }
0xcb: {  	s18 =	sand.u32 @!p1 $0xF000, s17  }
0xcc: {  	_ =	swait.ge @!p2 [sflag:s20], $0x1000;
	s19 =	sadd.s32 @!p1 s16, s18  }
0xcd: {  	s22 =	simm.s32 @!p1 $0x0;
	[sflag:s20] =	ssyncset.done @!p2 $0x0;
	s19 =	sshrl.u32 @!p1 s19, $0x3  }
0xce: {  	s21 =	sadd.s32 @!p1 $0x4000, s18;
	[sflag:s20] =	ssyncadd.s32 @!p2 $0xFFFFF000;
	s20 =	sadd.s32 @!p1 s3, s19  }
0xcf: {  	[hbm4b:s20+s22] =	stream.linear.scatter @!p1 [tilespmem:s21], [sflag:$0x2], $0x800, $0x38;
	[tilespmem:$0x16180] =	vst v63  }
0xd0: {  	s20 =	simm.s32 @!p1 $0x2  }
0xd1: {  	_ =	swait.ge @!p1 [sflag:s20], $0x800  }
0xd2: {  	s24 =	sand.u32 $0x400, s17;
	s18 =	sadd.s32 @!p1 $0xC080, s18;
	[sflag:s20] =	ssyncset.done @!p1 $0x0  }
0xd3: {  	s19 =	sadd.s32 @!p1 s6, s19;
	p2 =	seq.s32 s24, $0x0;
	[sflag:s20] =	ssyncadd.s32 @!p1 $0xFFFFF800  }
0xd4: {  	[hbm4b:s19+s22] =	stream.linear.scatter @!p1 [tilespmem:s18], [sflag:$0x2], $0x800, $0x38;
	[tilespmem:$0x16180] =	vst v63  }
0xd5: {  	s18 =	sand.u32 @!p2 $0xF800, s17  }
0xd6: {  	_ =	swait.ge @!p1 [sflag:s20], $0x800;
	s19 =	sadd.s32 @!p2 s16, s18  }
0xd7: {  	s22 =	simm.s32 @!p2 $0x0;
	[sflag:s20] =	ssyncset.done @!p1 $0x0;
	s19 =	sshrl.u32 @!p2 s19, $0x3  }
0xd8: {  	s21 =	sadd.s32 @!p2 $0x4000, s18;
	[sflag:s20] =	ssyncadd.s32 @!p1 $0xFFFFF800;
	s20 =	sadd.s32 @!p2 s3, s19  }
0xd9: {  	[hbm4b:s20+s22] =	stream.linear.scatter @!p2 [tilespmem:s21], [sflag:$0x2], $0x400, $0x38;
	[tilespmem:$0x16180] =	vst v63  }
0xda: {  	s20 =	simm.s32 @!p2 $0x2  }
0xdb: {  	_ =	swait.ge @!p2 [sflag:s20], $0x400  }
0xdc: {  	s25 =	sand.u32 $0x200, s17;
	s18 =	sadd.s32 @!p2 $0xC080, s18;
	[sflag:s20] =	ssyncset.done @!p2 $0x0  }
0xdd: {  	s19 =	sadd.s32 @!p2 s6, s19;
	p1 =	seq.s32 s25, $0x0;
	[sflag:s20] =	ssyncadd.s32 @!p2 $0xFFFFFC00  }
0xde: {  	[hbm4b:s19+s22] =	stream.linear.scatter @!p2 [tilespmem:s18], [sflag:$0x2], $0x400, $0x38;
	[tilespmem:$0x16180] =	vst v63  }
0xdf: {  	s18 =	sand.u32 @!p1 $0xFC00, s17  }
0xe0: {  	_ =	swait.ge @!p2 [sflag:s20], $0x400;
	s19 =	sadd.s32 @!p1 s16, s18  }
0xe1: {  	s22 =	simm.s32 @!p1 $0x0;
	[sflag:s20] =	ssyncset.done @!p2 $0x0;
	s19 =	sshrl.u32 @!p1 s19, $0x3  }
0xe2: {  	s21 =	sadd.s32 @!p1 $0x4000, s18;
	[sflag:s20] =	ssyncadd.s32 @!p2 $0xFFFFFC00;
	s20 =	sadd.s32 @!p1 s3, s19  }
0xe3: {  	[hbm4b:s20+s22] =	stream.linear.scatter @!p1 [tilespmem:s21], [sflag:$0x2], $0x200, $0x38;
	[tilespmem:$0x16180] =	vst v63  }
0xe4: {  	s20 =	simm.s32 @!p1 $0x2  }
0xe5: {  	_ =	swait.ge @!p1 [sflag:s20], $0x200  }
0xe6: {  	s26 =	sand.u32 $0x100, s17;
	s18 =	sadd.s32 @!p1 $0xC080, s18;
	[sflag:s20] =	ssyncset.done @!p1 $0x0  }
0xe7: {  	s19 =	sadd.s32 @!p1 s6, s19;
	p2 =	seq.s32 s26, $0x0;
	[sflag:s20] =	ssyncadd.s32 @!p1 $0xFFFFFE00  }
0xe8: {  	[hbm4b:s19+s22] =	stream.linear.scatter @!p1 [tilespmem:s18], [sflag:$0x2], $0x200, $0x38;
	[tilespmem:$0x16180] =	vst v63  }
0xe9: {  	s18 =	sand.u32 @!p2 $0xFE00, s17  }
0xea: {  	_ =	swait.ge @!p1 [sflag:s20], $0x200;
	s19 =	sadd.s32 @!p2 s16, s18  }
0xeb: {  	s22 =	simm.s32 @!p2 $0x0;
	[sflag:s20] =	ssyncset.done @!p1 $0x0;
	s19 =	sshrl.u32 @!p2 s19, $0x3  }
0xec: {  	s21 =	sadd.s32 @!p2 $0x4000, s18;
	[sflag:s20] =	ssyncadd.s32 @!p1 $0xFFFFFE00;
	s20 =	sadd.s32 @!p2 s3, s19  }
0xed: {  	[hbm4b:s20+s22] =	stream.linear.scatter @!p2 [tilespmem:s21], [sflag:$0x2], $0x100, $0x38;
	[tilespmem:$0x16180] =	vst v63  }
0xee: {  	s20 =	simm.s32 @!p2 $0x2  }
0xef: {  	_ =	swait.ge @!p2 [sflag:s20], $0x100  }
0xf0: {  	s28 =	sand.u32 $0x80, s17;
	s18 =	sadd.s32 @!p2 $0xC080, s18;
	[sflag:s20] =	ssyncset.done @!p2 $0x0  }
0xf1: {  	s19 =	sadd.s32 @!p2 s6, s19;
	p1 =	seq.s32 s28, $0x0;
	[sflag:s20] =	ssyncadd.s32 @!p2 $0xFFFFFF00  }
0xf2: {  	[hbm4b:s19+s22] =	stream.linear.scatter @!p2 [tilespmem:s18], [sflag:$0x2], $0x100, $0x38;
	[tilespmem:$0x16180] =	vst v63  }
0xf3: {  	s18 =	sand.u32 @!p1 $0xFF00, s17  }
0xf4: {  	_ =	swait.ge @!p2 [sflag:s20], $0x100;
	s19 =	sadd.s32 @!p1 s16, s18  }
0xf5: {  	s22 =	simm.s32 @!p1 $0x0;
	[sflag:s20] =	ssyncset.done @!p2 $0x0;
	s19 =	sshrl.u32 @!p1 s19, $0x3  }
0xf6: {  	s21 =	sadd.s32 @!p1 $0x4000, s18;
	[sflag:s20] =	ssyncadd.s32 @!p2 $0xFFFFFF00;
	s20 =	sadd.s32 @!p1 s3, s19  }
0xf7: {  	[hbm4b:s20+s22] =	stream.linear.scatter @!p1 [tilespmem:s21], [sflag:$0x2], $0x80, $0x38;
	[tilespmem:$0x16180] =	vst v63  }
0xf8: {  	s20 =	simm.s32 @!p1 $0x2  }
0xf9: {  	_ =	swait.ge @!p1 [sflag:s20], $0x80  }
0xfa: {  	s29 =	sand.u32 $0x40, s17;
	s18 =	sadd.s32 @!p1 $0xC080, s18;
	[sflag:s20] =	ssyncset.done @!p1 $0x0  }
0xfb: {  	s19 =	sadd.s32 @!p1 s6, s19;
	p2 =	seq.s32 s29, $0x0;
	[sflag:s20] =	ssyncadd.s32 @!p1 $0xFFFFFF80  }
0xfc: {  	[hbm4b:s19+s22] =	stream.linear.scatter @!p1 [tilespmem:s18], [sflag:$0x2], $0x80, $0x38;
	[tilespmem:$0x16180] =	vst v63  }
0xfd: {  	s18 =	sand.u32 @!p2 $0xFF80, s17  }
0xfe: {  	_ =	swait.ge @!p1 [sflag:s20], $0x80;
	s19 =	sadd.s32 @!p2 s16, s18  }
0xff: {  	s22 =	simm.s32 @!p2 $0x0;
	[sflag:s20] =	ssyncset.done @!p1 $0x0;
	s19 =	sshrl.u32 @!p2 s19, $0x3  }
0x100: {  	s21 =	sadd.s32 @!p2 $0x4000, s18;
	[sflag:s20] =	ssyncadd.s32 @!p1 $0xFFFFFF80;
	s20 =	sadd.s32 @!p2 s3, s19  }
0x101: {  	[hbm4b:s20+s22] =	stream.linear.scatter @!p2 [tilespmem:s21], [sflag:$0x2], $0x40, $0x38;
	[tilespmem:$0x16180] =	vst v63  }
0x102: {  	s20 =	simm.s32 @!p2 $0x2  }
0x103: {  	_ =	swait.ge @!p2 [sflag:s20], $0x40  }
0x104: {  	s30 =	sand.u32 $0x20, s17;
	s18 =	sadd.s32 @!p2 $0xC080, s18;
	[sflag:s20] =	ssyncset.done @!p2 $0x0  }
0x105: {  	s19 =	sadd.s32 @!p2 s6, s19;
	p1 =	seq.s32 s30, $0x0;
	[sflag:s20] =	ssyncadd.s32 @!p2 $0xFFFFFFC0  }
0x106: {  	[hbm4b:s19+s22] =	stream.linear.scatter @!p2 [tilespmem:s18], [sflag:$0x2], $0x40, $0x38;
	[tilespmem:$0x16180] =	vst v63  }
0x107: {  	s18 =	sand.u32 @!p1 $0xFFC0, s17  }
0x108: {  	_ =	swait.ge @!p2 [sflag:s20], $0x40;
	s19 =	sadd.s32 @!p1 s16, s18  }
0x109: {  	s22 =	simm.s32 @!p1 $0x0;
	[sflag:s20] =	ssyncset.done @!p2 $0x0;
	s19 =	sshrl.u32 @!p1 s19, $0x3  }
0x10a: {  	s21 =	sadd.s32 @!p1 $0x4000, s18;
	[sflag:s20] =	ssyncadd.s32 @!p2 $0xFFFFFFC0;
	s20 =	sadd.s32 @!p1 s3, s19  }
0x10b: {  	[hbm4b:s20+s22] =	stream.linear.scatter @!p1 [tilespmem:s21], [sflag:$0x2], $0x20, $0x38;
	[tilespmem:$0x16180] =	vst v63  }
0x10c: {  	s31 =	sand.u32 $0x10, s17;
	s20 =	simm.s32 @!p1 $0x2  }
0x10d: {  	p2 =	seq.s32 s31, $0x0;
	_ =	swait.ge @!p1 [sflag:s20], $0x20  }
0x10e: {  	s18 =	sadd.s32 @!p1 $0xC080, s18;
	s17 =	sand.u32 @!p2 $0xFFE0, s17;
	[sflag:s20] =	ssyncset.done @!p1 $0x0  }
0x10f: {  	s19 =	sadd.s32 @!p1 s6, s19;
	s16 =	sadd.s32 @!p2 s16, s17;
	[sflag:s20] =	ssyncadd.s32 @!p1 $0xFFFFFFE0  }
0x110: {  	[hbm4b:s19+s22] =	stream.linear.scatter @!p1 [tilespmem:s18], [sflag:$0x2], $0x20, $0x38;
	[tilespmem:$0x16180] =	vst v63  }
0x111: {  	s16 =	sshrl.u32 @!p2 s16, $0x3;
	_ =	swait.ge @!p1 [sflag:s20], $0x20  }
0x112: {  	s18 =	sadd.s32 @!p2 s3, s16;
	[sflag:s20] =	ssyncset.done @!p1 $0x0  }
0x113: {  	s19 =	sadd.s32 @!p2 $0x4000, s17;
	[sflag:s20] =	ssyncadd.s32 @!p1 $0xFFFFFFE0;
	s20 =	simm.s32 @!p2 $0x0  }
0x114: {  	[hbm4b:s18+s20] =	stream.linear.scatter @!p2 [tilespmem:s19], [sflag:$0x2], $0x10, $0x38;
	[tilespmem:$0x16180] =	vst v63  }
0x115: {  	s18 =	simm.s32 @!p2 $0x2  }
0x116: {  	_ =	swait.ge @!p2 [sflag:s18], $0x10  }
0x117: {  	s16 =	sadd.s32 @!p2 s6, s16;
	[sflag:s18] =	ssyncset.done @!p2 $0x0  }
.Ltmp7:
0x118: {  	s17 =	sadd.s32 @!p2 $0xC080, s17;
	[sflag:s18] =	ssyncadd.s32 @!p2 $0xFFFFFFF0;
	(pc) =	sbr.rel @p0 .LBB2_20-.Ltmp7, $4  }
0x119: {  	[hbm4b:s16+s20] =	stream.linear.scatter @!p2 [tilespmem:s17], [sflag:$0x2], $0x10, $0x38;
	[tilespmem:$0x16180] =	vst v63  }
0x11a: {  	_ =	swait.ge @!p2 [sflag:s18], $0x10  }
0x11b: {  	[sflag:s18] =	ssyncset.done @!p2 $0x0  }
0x11c: {  	[sflag:s18] =	ssyncadd.s32 @!p2 $0xFFFFFFF0  }
0x11d: {  	s16 =	simm.s32 $0x40;
	s17 =	simm.s32 $0x0  }
.LBB2_14:
0x11e: {  	p1 =	sne.s32 s16, $0x7FC0;
	[tilespmem:s17+$0x14100] =	vst v3;
	s17 =	smov.u32 s16;
	s16 =	sadd.s32 $0x40, s16  }
.Ltmp8:
0x11f: {  	(pc) =	sbr.rel @p1 .LBB2_14-.Ltmp8, $2  }
0x120: {  	_ =	sdelay $0x2  }
0x121: {  	s17 =	sshra.s32 s17, $0x2  }
0x122: {  	[tilespmem:s17+$0x14100] =	vst v3  }
0x123: {  	v4 =	vld [tilespmem:$0x16118];
	_ =	sdelay $0x4  }
0x124: {  	(v2sf) =	vpush v4, $0x9;
	_ =	sdelay $0xe  }
0x125: {  	s16 =	spop (v2sf)  }
0x126: {  	s18 =	simm.s32 $0x1;
	s30 =	ssub.s32 $0x90000, s16;
	p1 =	sne.s32 s16, $0x90000  }
0x127: {  	s19 =	sshra.s32 s30, $0x1F;
	s18 =	simm.s32 @!p1 $0x0  }
0x128: {  	s20 =	sand.u32 $0x1FFF, s30;
	s18 =	sor.u32 s18, s19  }
0x129: {  	p2 =	sne.s32 s20, $0x0;
	p6 =	sne.s32 s18, $0x1  }
0x12a: {  	s31 =	sshrl.u32 s19, $0x13;
	p1 =	por !p2, !p6  }
0x12b: {  	s17 =	sadd.s32 s31, s30;
	s18 =	simm.s32 $0x1;
	p1 =	por !p1, !p1  }
0x12c: {  	s17 =	sshra.s32 s17, $0xD;
	s18 =	simm.s32 @!p1 $0x0  }
0x12d: {  	s17 =	ssub.s32 s17, s18  }
0x12e: {  	p1 =	slt.s32 s17, $0x1  }
.Ltmp9:
0x12f: {  	_ = 	snop;
	(pc) =	sbr.rel @p1 .LBB2_19-.Ltmp9, $1  }
0x130: {  	_ =	sdelay $0x3  }
0x131: {  	p1 =	sne.s32 s17, $0x1  }
.Ltmp10:
0x132: {  	_ = 	snop;
	(pc) =	sbr.rel @!p1 .LBB2_18-.Ltmp10, $4  }
0x133: {  	s18 =	sshrl.u32 s16, $0x3  }
0x134: {  	s18 =	sadd.s32 s3, s18  }
0x135: {  	[hbm4b:s18+s5] =	stream.linear.scatter [tilespmem:s14], [sflag:$0x2], $0x2000, $0x38;
	[tilespmem:$0x16180] =	vst v63  }
0x136: {  	s19 =	sadd.s32 $0x2000, s16;
	s18 =	sadd.s32 $0xFFFFFFFF, s17;
	_ =	swait.ge [sflag:s12], $0x2000  }
.LBB2_17:
0x137: {  	s20 =	sshrl.u32 s19, $0x3;
	[sflag:s12] =	ssyncset.done $0x0;
	p1 =	sne.s32 s18, $0x1  }
.Ltmp11:
0x138: {  	s20 =	sadd.s32 s3, s20;
	[sflag:s12] =	ssyncadd.s32 $0xFFFFE000;
	(pc) =	sbr.rel @p1 .LBB2_17-.Ltmp11, $3  }
0x139: {  	[hbm4b:s20+s5] =	stream.linear.scatter [tilespmem:s14], [sflag:$0x2], $0x2000, $0x38;
	[tilespmem:$0x16180] =	vst v63  }
0x13a: {  	s18 =	sadd.s32 $0xFFFFFFFF, s18;
	_ =	sdelay $0x1  }
0x13b: {  	s19 =	sadd.s32 $0x2000, s19;
	_ =	swait.ge [sflag:s12], $0x2000  }
.Ltmp12:
0x13c: {  	_ = 	snop;
	(pc) =	sbr.rel .LBB2_18-.Ltmp12, $1  }
0x13d: {  	_ =	sdelay $0x3  }
.LBB2_21:
0x13e: {  	_ =	sfence.sel $0x180000  }
0x13f: {  	[bflag:$0x0] =	sbarrier.arrive $0xFFFF  }
0x140: {  	p0 =	sne.s32 s4, $0x0;
	_ =	strace $0x9000004A  }
0x141: {  	s0 =	sadd.s32 @!p0 $0x100000, s0;
	[bflag:$0x2] =	sbarrier.arrive $0xFFFF  }
0x142: {  	[sflag:s0] =	ssyncadd.tile.s32 @!p0 $0x1;
	_ =	shalt  }
.Lfunc_end2:
_tile_overlayer_lowered:
.L_overlay_start_2:
0x143: {  	(tag) =	ssettag $0x2  }
0x144: {  	s0 =	rddreg [dreg:$0x0];
	s2 =	stileid.u32  }
0x145: {  	s1 =	rddreg [dreg:$0x1];
	p0 =	sne.s32 s2, $0x0  }
0x146: {  	s3 =	rddreg [dreg:$0x2];
	[bflag:$0x3] =	sbarrier.arrive $0xFFFF;
	s2 =	simm.s32 @!p0 $0x1C02  }
0x147: {  	[timem:s3], [sflag:s2] =	dma.local @!p0 [hbm:s0], s1  }
0x148: {  	s0 =	simm.s32 @!p0 $0x2  }
0x149: {  	_ =	swait.ge @!p0 [sflag:s0], s1  }
0x14a: {  	s1 =	ssub.s32 @!p0 $0x0, s1;
	[sflag:s0] =	ssyncset.done @!p0 $0x0  }
0x14b: {  	[sflag:s0] =	ssyncadd.s32 @!p0 s1  }
0x14c: {  	[bflag:$0x3] =	sbarrier.arrive $0xFFFF  }
0x14d: {  	_ =	shalt  }

// kernel: kernel.17.cloned.1.call-start
scs
__scs_entry_jumppad:
0x0: {  	(pc) =	sbr.rel $0x88, $3  }
0x1: {  	(tag) =	ssettag $0x0;
	lr =	simm.s32 $0x1  }
0x2: {  	[smem:$0x3F9F] =	sst lr;
	_ =	strace $0xD0000000  }
0x3: {  	_ = 	snop  }
0x4: {  	_ = 	snop  }
0x5: {  	_ = 	snop  }
0x6: {  	_ = 	snop  }
0x7: {  	_ = 	snop  }
__scs_overlays_trampoline_lowered:
0x8: {  	[smem:$0x3FAE] =	sst s0  }
0x9: {  	[smem:$0x3FAF] =	sst s1  }
0xa: {  	[smem:$0x3FB0] =	sst s2  }
0xb: {  	[smem:$0x3FB1] =	sst s3  }
0xc: {  	[smem:$0x3FB2] =	sst s4  }
0xd: {  	[smem:$0x3FB3] =	sst s5  }
0xe: {  	[smem:$0x3FB4] =	sst s6  }
0xf: {  	[smem:$0x3FB5] =	sst s7  }
0x10: {  	[smem:$0x3FB6] =	sst s8  }
0x11: {  	[smem:$0x3FB7] =	sst s9;
	s0 =	simm.s32 @!p0 $0x0  }
0x12: {  	s1 =	sld [smem:$0x3F9D];
	s0 =	simm.s32 @p0 $0x1  }
0x13: {  	[smem:$0x3FB8] =	sst s0;
	s0 =	simm.s32 @!p1 $0x0  }
0x14: {  	s2 =	sld [smem:$0x3F9C];
	s0 =	simm.s32 @p1 $0x1  }
0x15: {  	[smem:$0x3FB9] =	sst s0;
	s0 =	simm.s32 @!p2 $0x0  }
0x16: {  	s3 =	sld [smem:$0x3FDB];
	s0 =	simm.s32 @p2 $0x1  }
0x17: {  	s4 =	simm.s32 $0x1BF5;
	[smem:$0x3FBB] =	sst s0  }
0x18: {  	s0 =	sld [smem:$0x3F9E];
	_ =	swait.ge [sflag:s4], $0x0  }
0x19: {  	s7 =	sld [smem:$0x3F9F]  }
0x1a: {  	s8 =	sadd.s32 $0xFFFFE003, lr  }
0x1b: {  	s9 =	sadd.s32 $0xFFFFFEF7, lr;
	s5 =	simm.s32 $0xFFFFFFFF;
	p2 =	slt.u32 s8, $0xFFFFF086  }
0x1c: {  	p1 =	slt.u32 s9, $0xF7A;
	s5 =	simm.s32 @!p2 $0x0  }
0x1d: {  	s5 =	simm.s32 @p1 $0x1;
	p0 =	seq.s32 s7, s2  }
0x1e: {  	s7 =	smul.u32 @!p0 $0xF7A, s2;
	p2 =	seq.s32 @!p0 s5, $0x0  }
0x1f: {  	s9 =	smul.u32 $0xF7A, s1;
	s8 =	simm.s32 @!p0 $0x1BF5;
	p2 =	por !p2, p0  }
0x20: {  	[sflag:s8] =	ssyncset.s32 @!p0 $0xFFFFF086;
	s6 =	sadd.s32 @!p0 s3, s7;
	s7 =	simm.s32 @!p0 $0x108  }
0x21: {  	s3 =	sadd.s32 s3, s9;
	s6 =	sadd.s32 @!p0 $0x88, s6;
	s7 =	simm.s32 @p2 $0x1082  }
0x22: {  	[simem:s7], [sflag:s8] =	dma.local @!p0 [hbm:s6], $0xF7A  }
0x23: {  	s9 =	sor.u32 $0xD0000000, s2;
	s6 =	simm.s32 $0x108;
	_ =	swait.ge @!p0 [sflag:s8], $0x0  }
0x24: {  	s3 =	sadd.s32 $0x88, s3;
	s6 =	simm.s32 @!p1 $0x1082;
	[sflag:s4] =	ssyncset.s32 $0xFFFFF086  }
0x25: {  	[simem:s6], [sflag:s4] =	dma.local [hbm:s3], $0xF7A  }
0x26: {  	[smem:$0x3F9F] =	sst s1;
	(tag) =	ssettag s2;
	_ =	strace s9  }
0x27: {  	s1 =	sld [smem:$0x3FAF]  }
0x28: {  	s2 =	sld [smem:$0x3FB0]  }
0x29: {  	s4 =	sld [smem:$0x3FB2]  }
0x2a: {  	p0 =	seq.s32 s5, $0x0;
	s5 =	sld [smem:$0x3FB3]  }
0x2b: {  	s6 =	sld [smem:$0x3FB4]  }
0x2c: {  	s7 =	sld [smem:$0x3FB5]  }
0x2d: {  	s3 =	simm.s32 $0x108;
	s8 =	sld [smem:$0x3FB6]  }
0x2e: {  	s3 =	simm.s32 @!p0 $0x1082;
	s9 =	sld [smem:$0x3FB7]  }
0x2f: {  	lr =	sadd.s32 s0, s3;
	s0 =	sld [smem:$0x3FAE]  }
0x30: {  	s3 =	sld [smem:$0x3FB1]  }
0x31: {  	[smem:$0x3FBA] =	sst s10  }
0x32: {  	s10 =	sld [smem:$0x3FB8];
	_ =	sdelay $0x3  }
0x33: {  	p0 =	seq.s32 s10, $0x1;
	s10 =	sld [smem:$0x3FBA];
	_ =	sdelay $0x3  }
0x34: {  	[smem:$0x3FBA] =	sst s10  }
0x35: {  	s10 =	sld [smem:$0x3FB9];
	_ =	sdelay $0x3  }
0x36: {  	p1 =	seq.s32 s10, $0x1;
	s10 =	sld [smem:$0x3FBA];
	_ =	sdelay $0x3  }
0x37: {  	[smem:$0x3FBA] =	sst s10  }
0x38: {  	s10 =	sld [smem:$0x3FBB]  }
0x39: {  	_ = 	snop;
	(pc) =	sbr.ind lr, $3  }
0x3a: {  	_ = 	snop  }
0x3b: {  	_ = 	snop  }
0x3c: {  	p2 =	seq.s32 s10, $0x1;
	s10 =	sld [smem:$0x3FBA]  }
0x3d: {  	_ =	shalt  }
0x3e: {  	_ =	shalt  }
0x3f: {  	_ =	shalt  }
0x40: {  	_ =	shalt  }
0x41: {  	_ =	shalt  }
0x42: {  	_ =	shalt  }
0x43: {  	_ =	shalt  }
0x44: {  	_ =	shalt  }
0x45: {  	_ =	shalt  }
0x46: {  	_ =	shalt  }
0x47: {  	_ =	shalt  }
0x48: {  	_ =	shalt  }
0x49: {  	_ =	shalt  }
0x4a: {  	_ =	shalt  }
0x4b: {  	_ =	shalt  }
0x4c: {  	_ =	shalt  }
0x4d: {  	_ =	shalt  }
0x4e: {  	_ =	shalt  }
0x4f: {  	_ =	shalt  }
0x50: {  	_ =	shalt  }
0x51: {  	_ =	shalt  }
0x52: {  	_ =	shalt  }
0x53: {  	_ =	shalt  }
0x54: {  	_ =	shalt  }
0x55: {  	_ =	shalt  }
0x56: {  	_ =	shalt  }
0x57: {  	_ =	shalt  }
0x58: {  	_ =	shalt  }
0x59: {  	_ =	shalt  }
0x5a: {  	_ =	shalt  }
0x5b: {  	_ =	shalt  }
0x5c: {  	_ =	shalt  }
0x5d: {  	_ =	shalt  }
0x5e: {  	_ =	shalt  }
0x5f: {  	_ =	shalt  }
0x60: {  	_ =	shalt  }
0x61: {  	_ =	shalt  }
0x62: {  	_ =	shalt  }
0x63: {  	_ =	shalt  }
0x64: {  	_ =	shalt  }
0x65: {  	_ =	shalt  }
0x66: {  	_ =	shalt  }
0x67: {  	_ =	shalt  }
0x68: {  	_ =	shalt  }
0x69: {  	_ =	shalt  }
0x6a: {  	_ =	shalt  }
0x6b: {  	_ =	shalt  }
0x6c: {  	_ =	shalt  }
0x6d: {  	_ =	shalt  }
0x6e: {  	_ =	shalt  }
0x6f: {  	_ =	shalt  }
0x70: {  	_ =	shalt  }
0x71: {  	_ =	shalt  }
0x72: {  	_ =	shalt  }
0x73: {  	_ =	shalt  }
0x74: {  	_ =	shalt  }
0x75: {  	_ =	shalt  }
0x76: {  	_ =	shalt  }
0x77: {  	_ =	shalt  }
0x78: {  	_ =	shalt  }
0x79: {  	_ =	shalt  }
0x7a: {  	_ =	shalt  }
0x7b: {  	_ =	shalt  }
0x7c: {  	_ =	shalt  }
0x7d: {  	_ =	shalt  }
0x7e: {  	_ =	shalt  }
0x7f: {  	_ =	shalt  }
0x80: {  	_ =	shalt  }
0x81: {  	_ =	shalt  }
0x82: {  	_ =	shalt  }
0x83: {  	_ =	shalt  }
0x84: {  	_ =	shalt  }
0x85: {  	_ =	shalt  }
0x86: {  	_ =	shalt  }
0x87: {  	_ =	shalt  }
.Lfunc_end0:
.L_simem_size_0:
called_computation.2_lowered:
.L_overlay_start_0:
0x88: {  	s2 =	sld [smem:$0x3FD9]  }
0x89: {  	s3 =	sld [smem:$0x3FFE];
	_ =	sdelay $0x1  }
0x8a: {  	s1 =	srdreg.scid  }
0x8b: {  	s0 =	sand.u32 $0x1, s1  }
0x8c: {  	s14 =	sshll.u32 s0, $0xA;
	s2 =	sadd.s32 s3, s2  }
0x8d: {  	s2 =	sadd.s32 s2, s14  }
0x8e: {  	[smem:$0x3FC6] =	sst s2  }
0x8f: {  	_ = 	snop  }
0x90: {  	s2 =	sld [smem:$0x3FD0];
	_ =	sdelay $0x2  }
0x91: {  	s15 =	simm.s32 $0xA;
	s4 =	simm.s32 $0x10  }
0x92: {  	[smem:s4], [sflag:s15] =	dma.local [hbm:s2], $0x1  }
0x93: {  	_ =	swait.eq [sflag:s15], $0x1  }
0x94: {  	[sflag:s15] =	ssyncset.done $0x0  }
0x95: {  	[sflag:s15] =	ssyncadd.s32 $0xFFFFFFFF  }
0x96: {  	s16 =	sld [smem:$0x11];
	(tm) =	ssettm $0x1  }
0x97: {  	s17 =	sld [smem:$0x3FFB];
	_ =	sdelay $0x3  }
0x98: {  	_ =	strace s17  }
0x99: {  	s3 =	sld [smem:$0x3FFC];
	_ =	sdelay $0x3  }
0x9a: {  	_ =	strace s3  }
0x9b: {  	s3 =	sld [smem:$0x3FFD];
	_ =	sdelay $0x3  }
0x9c: {  	_ =	strace s3  }
0x9d: {  	_ =	strace $0x8FFFFFFF  }
0x9e: {  	s18 =	sld [smem:$0x3FDB];
	_ =	sdelay $0x1  }
0x9f: {  	s19 =	simm.s32 $_scs_section_size  }
0xa0: {  	s5 =	simm.s32 $_size__tile_overlayer_lowered;
	s6 =	simm.s32 $_tile_overlayer_lowered  }
0xa1: {  	s22 =	simm.s32 $0x1BFF;
	s21 =	sshll.u32 s6, $0x1;
	s3 =	sadd.s32 s19, s18  }
0xa2: {  	s7 =	simm.s32 $0x0;
	s20 =	sshll.u32 s5, $0x1;
	s5 =	sadd.s32 s21, s3  }
0xa3: {  	[timem:s7], [sflag:s22] =	dma.local [hbm:s5], s20  }
0xa4: {  	_ =	swait.ge [sflag:s22], s20  }
0xa5: {  	s4 =	ssub.s32 $0x0, s20;
	[sflag:s22] =	ssyncset.done $0x0  }
0xa6: {  	[sflag:s22] =	ssyncadd.s32 s4;
	_ =	sdelay $0x1  }
0xa7: {  	s23 =	simm.s32 $0x1B8B  }
0xa8: {  	_ =	swait.ge [sflag:s23], $0x1  }
0xa9: {  	[sflag:s23] =	ssyncset.done $0x0  }
0xaa: {  	s25 =	simm.s32 $0x1B8E;
	s24 =	sld [smem:$0x3FFE];
	[sflag:s23] =	ssyncadd.s32 $0xFFFFFFFF  }
0xab: {  	s26 =	simm.s32 $execute0_lowered;
	[smem:$0x3FD2] =	sst s25  }
0xac: {  	s5 =	sshll.u32 s26, $0x1;
	_ =	strace $0x8000004C;
	[dreg:$0x1] =	wrdreg $0xFFFFFFFF  }
0xad: {  	s28 =	simm.s32 $_size_execute0_lowered;
	s3 =	sadd.s32 s3, s5;
	[dreg:$0x0] =	wrdreg $0x0  }
0xae: {  	s5 =	sshll.u32 s28, $0x1;
	[dreg:$0x2] =	wrdreg s3  }
0xaf: {  	[dreg:$0x3] =	wrdreg s5  }
0xb0: {  	[dreg:$0x4] =	wrdreg $0xC0  }
0xb1: {  	_ =	task [dreg:s7], $0x5FFFF  }
0xb2: {  	[dreg:$0x1] =	wrdreg $0xFFFFFFFF  }
0xb3: {  	[dreg:$0x0] =	wrdreg $0x60  }
0xb4: {  	[dreg:$0x2] =	wrdreg s24  }
0xb5: {  	[dreg:$0x3] =	wrdreg s16  }
0xb6: {  	[dreg:$0x4] =	wrdreg $0x9  }
0xb7: {  	_ =	task.clear_ibuf [dreg:s7], $0x5FFFF;
	_ =	strace $0x9000004C  }
0xb8: {  	s29 =	simm.s32 $0x9;
	_ =	strace $0x8000004E  }
0xb9: {  	_ =	swait.ge [sflag:s29], $0x1  }
0xba: {  	[sflag:s29] =	ssyncadd.s32 $0xFFFFFFFF  }
0xbb: {  	_ =	strace $0x9000004E  }
0xbc: {  	_ =	sfence  }
0xbd: {  	s30 =	sld [smem:$0x0];
	_ =	sdelay $0x2  }
0xbe: {  	s31 =	sshll.u32 s1, $0xD;
	s1 =	sshrl.u32 s1, $0x2  }
0xbf: {  	s3 =	sand.u32 $0x4000, s31;
	s1 =	sadd.s32 s1, s30  }
0xc0: {  	s0 =	sor.u32 s3, s0;
	s1 =	sshll.u32 s1, $0x11  }
0xc1: {  	s0 =	sor.u32 s1, s0  }
0xc2: {  	s0 =	sadd.s32 $0x8F2B, s0  }
0xc3: {  	[sflag:s0] =	ssyncadd.remote.s32 $0x1  }
0xc4: {  	_ =	sfence.sel $0xFFFF  }
0xc5: {  	[dreg:$0x0] =	wrdreg $0xFFFFFFFF;
	(pc) =	sbr.abs _section_cstart, $3  }
0xc6: {  	[dreg:$0x1] =	wrdreg $0xFFFFFFFF  }
0xc7: {  	_ =	task.clear_ibuf [dreg:s7], $0x2FFFF;
	_ =	strace $0x9FFFFFFF  }
0xc8: {  	(tm) =	ssettm $0x7FFFFFFF  }
0xc9: {  	_ =	shalt  }
tec
execute0_lowered:
.L_overlay_start_1:
0x0: {  	(tag) =	ssettag $0x1  }
0x1: {  	s4 =	rddreg [dreg:$0x0]  }
0x2: {  	s5 =	rddreg [dreg:$0x1]  }
0x3: {  	s0 =	rddreg [dreg:$0x2]  }
0x4: {  	s2 =	simm.s32 $0x0;
	s3 =	srdreg.scid;
	s1 =	stileid.u32  }
0x5: {  	s11 =	simm.s32 $0x4800;
	s12 =	simm.s32 $0x0;
	[smem:$0x7FF] =	sst s2  }
0x6: {  	s6 =	sand.u32 $0x1, s3;
	s3 =	sadd.s32 $0x24000, s4;
	s8 =	sshll.u32 s1, $0x1  }
0x7: {  	s31 =	sshll.u32 s1, $0x9;
	_ =	strace $0x8000004D;
	s7 =	ssub.s32 $0x2, s6  }
0x8: {  	s6 =	sor.u32 s6, s8;
	s8 =	sand.u32 $0x1800, s31;
	s9 =	sshrl.u32 s7, $0x1  }
0x9: {  	s10 =	smul.u32 $0x900, s6;
	s6 =	sshll.u32 s6, $0x4;
	s5 =	sadd.s32 s5, s8  }
0xa: {  	s8 =	simm.s32 $0x1;
	s7 =	ssub.s32 s7, s9;
	s6 =	sand.u32 $0x70, s6  }
0xb: {  	v1 =	vlaneseq.u32;
	s9 =	simm.s32 $0x80;
	s4 =	sadd.s32 s4, s10;
	s5 =	sadd.s32 s6, s5  }
0xc: {  	v0 =	vimm.s32 $0x0;
	v2 =	vimm.s32 $0x1;
	v1 =	vmul.u32 $0x800, v1;
	s6 =	smax.u32 s7, $0x1;
	s7 =	simm.s32 $0xC800;
	s10 =	simm.s32 $0x400  }
.LBB2_1:
0xd: {  	[tilespmem:s7], [sflag:$0x1] =	stream.linear.gather [hbm4b:s3+s2], $0x80, $0x38;
	[tilespmem:$0xC880] =	vst v63  }
0xe: {  	_ =	swait.ge [sflag:s8], $0x80  }
0xf: {  	[sflag:s8] =	ssyncset.done $0x0  }
0x10: {  	[sflag:s8] =	ssyncadd.s32 $0xFFFFFF80  }
0x11: {  	s13 =	simm.s32 $0x40;
	s14 =	simm.s32 $0x0;
	v4 =	vld [tilespmem:$0xC800]  }
.LBB2_2:
0x12: {  	p0 =	sne.s32 s13, $0x1FFC0;
	[tilespmem:s14+$0x4800] =	vst v0;
	s14 =	smov.u32 s13;
	s13 =	sadd.s32 $0x40, s13  }
.Ltmp0:
0x13: {  	(pc) =	sbr.rel @p0 .LBB2_2-.Ltmp0, $2  }
0x14: {  	_ =	sdelay $0x2  }
0x15: {  	s14 =	sshra.s32 s14, $0x2  }
0x16: {  	[tilespmem:s14+$0x4800] =	vst v0;
	s14 =	simm.s32 $0x0  }
0x17: {  	[tilespmem:s14], [sflag:$0x1] =	stream.linear.gather [hbm4b:s4+s14], $0x4800, $0x38;
	[tilespmem:$0xC880] =	vst v63  }
0x18: {  	_ =	swait.ge [sflag:s8], $0x4800  }
0x19: {  	[sflag:s8] =	ssyncset.done $0x0  }
0x1a: {  	v3 =	vbroadcast v4, $0x0;
	v4 =	vbroadcast v4, $0x1;
	s16 =	simm.s32 $0x0;
	s15 =	simm.s32 $0x40;
	[sflag:s8] =	ssyncadd.s32 $0xFFFFB800  }
.LBB2_4:
0x1b: {  	p0 =	sne.s32 s15, $0x11FC0;
	v5 =	vld [tilespmem:s16+$0x0];
	_ =	sdelay $0x4  }
0x1c: {  	v5 =	vshrl.u32 v5, v3  }
0x1d: {  	v5 =	vand.u32 v4, v5  }
0x1e: {  	v5 =	vadd.s32 v1, v5  }
.Ltmp1:
0x1f: {  	(pc) =	sbr.rel @p0 .LBB2_4-.Ltmp1, $3  }
0x20: {  	_ =	sdelay $0x1  }
0x21: {  	s13 =	simm.s32 $0x4800  }
0x22: {  	s16 =	sshra.s32 s15, $0x2;
	s15 =	sadd.s32 $0x40, s15;
	[tilespmem:v5+s13+$0x0] =	vst.idx.add.s32.msk $0xffff, v2  }
0x23: {  	v5 =	vld [tilespmem:s16+$0x0];
	_ =	sdelay $0x4  }
0x24: {  	v3 =	vshrl.u32 v5, v3  }
0x25: {  	v3 =	vand.u32 v4, v3  }
0x26: {  	v3 =	vadd.s32 v1, v3;
	_ =	sdelay $0x4  }
0x27: {  	s14 =	sand.u32 $0x7F0, s14;
	[tilespmem:v3+s13+$0x0] =	vst.idx.add.s32.msk $0xffff, v2  }
0x28: {  	s15 =	simm.s32 $0x10;
	v3 =	vld [tilespmem:s14+$0x5000]  }
.LBB2_6:
0x29: {  	p0 =	sne.s32 s15, $0x7F0;
	v4 =	vld [tilespmem:s13+$0x0]  }
0x2a: {  	v5 =	vld [tilespmem:s14+$0x5800]  }
0x2b: {  	v6 =	vld [tilespmem:s14+$0x6000]  }
0x2c: {  	v7 =	vld [tilespmem:s14+$0x6800]  }
0x2d: {  	v8 =	vld [tilespmem:s14+$0x7000]  }
0x2e: {  	v3 =	vadd.s32 v4, v3;
	v4 =	vld [tilespmem:s14+$0x7800]  }
0x2f: {  	v3 =	vadd.s32 v5, v3;
	v5 =	vld [tilespmem:s14+$0x8000]  }
0x30: {  	v3 =	vadd.s32 v6, v3;
	v6 =	vld [tilespmem:s14+$0x8800]  }
0x31: {  	v3 =	vadd.s32 v7, v3;
	v7 =	vld [tilespmem:s14+$0x9000]  }
0x32: {  	v3 =	vadd.s32 v8, v3;
	v8 =	vld [tilespmem:s14+$0x9800]  }
0x33: {  	v3 =	vadd.s32 v4, v3;
	v4 =	vld [tilespmem:s14+$0xA000]  }
0x34: {  	v3 =	vadd.s32 v5, v3;
	v5 =	vld [tilespmem:s14+$0xA800]  }
0x35: {  	v3 =	vadd.s32 v6, v3;
	v6 =	vld [tilespmem:s14+$0xB000]  }
0x36: {  	v3 =	vadd.s32 v7, v3;
	v7 =	vld [tilespmem:s14+$0xB800]  }
0x37: {  	v3 =	vadd.s32 v8, v3;
	v8 =	vld [tilespmem:s14+$0xC000]  }
0x38: {  	v3 =	vadd.s32 v4, v3  }
0x39: {  	v3 =	vadd.s32 v5, v3  }
.Ltmp2:
0x3a: {  	v3 =	vadd.s32 v6, v3;
	(pc) =	sbr.rel @p0 .LBB2_6-.Ltmp2, $4  }
0x3b: {  	v3 =	vadd.s32 v7, v3  }
0x3c: {  	v3 =	vadd.s32 v8, v3  }
0x3d: {  	s14 =	sand.u32 $0x7F0, s15;
	[tilespmem:s13+$0x0] =	vst v3  }
0x3e: {  	s15 =	sadd.s32 $0x10, s15;
	s13 =	sadd.s32 $0x10, s13;
	v3 =	vld [tilespmem:s14+$0x5000]  }
0x3f: {  	v4 =	vld [tilespmem:s13+$0x0]  }
0x40: {  	v5 =	vld [tilespmem:s14+$0x5800]  }
0x41: {  	v6 =	vld [tilespmem:s14+$0x6000]  }
0x42: {  	v7 =	vld [tilespmem:s14+$0x6800]  }
0x43: {  	v8 =	vld [tilespmem:s14+$0x7000]  }
0x44: {  	v54 =	vld [tilespmem:s14+$0x7800];
	v3 =	vadd.s32 v4, v3  }
0x45: {  	v55 =	vld [tilespmem:s14+$0x8000];
	v3 =	vadd.s32 v5, v3  }
0x46: {  	v56 =	vld [tilespmem:s14+$0x8800];
	v3 =	vadd.s32 v6, v3  }
0x47: {  	v57 =	vld [tilespmem:s14+$0x9000];
	v3 =	vadd.s32 v7, v3  }
0x48: {  	v58 =	vld [tilespmem:s14+$0x9800];
	v3 =	vadd.s32 v8, v3  }
0x49: {  	v59 =	vld [tilespmem:s14+$0xA000];
	v3 =	vadd.s32 v54, v3  }
0x4a: {  	v60 =	vld [tilespmem:s14+$0xA800];
	v3 =	vadd.s32 v55, v3  }
0x4b: {  	v61 =	vld [tilespmem:s14+$0xB000];
	v3 =	vadd.s32 v56, v3  }
0x4c: {  	v62 =	vld [tilespmem:s14+$0xB800];
	v3 =	vadd.s32 v57, v3  }
0x4d: {  	v63 =	vld [tilespmem:s14+$0xC000];
	v3 =	vadd.s32 v58, v3  }
0x4e: {  	v3 =	vadd.s32 v59, v3  }
0x4f: {  	v3 =	vadd.s32 v60, v3  }
0x50: {  	v3 =	vadd.s32 v61, v3  }
0x51: {  	s12 =	sadd.s32 $0x1, s12;
	v3 =	vadd.s32 v62, v3  }
0x52: {  	p0 =	sne.s32 s12, s6;
	v3 =	vadd.s32 v63, v3  }
.Ltmp3:
0x53: {  	[tilespmem:s13+$0x0] =	vst v3;
	(pc) =	sbr.rel @p0 .LBB2_1-.Ltmp3, $4  }
0x54: {  	[hbm4b:s5+s9] =	stream.strided.scatter [tilespmem:s11], [sflag:$0x1], $0x800, s10, s9, $0x38;
	[tilespmem:$0xC880] =	vst v63  }
0x55: {  	_ =	swait.ge [sflag:s8], $0x800  }
0x56: {  	[sflag:s8] =	ssyncset.done $0x0  }
0x57: {  	[sflag:s8] =	ssyncadd.s32 $0xFFFFF800  }
0x58: {  	_ =	sfence.sel $0x180000  }
0x59: {  	[bflag:$0x0] =	sbarrier.arrive $0xFFFF  }
0x5a: {  	p0 =	sne.s32 s1, $0x0;
	_ =	strace $0x9000004D  }
0x5b: {  	s0 =	sadd.s32 @!p0 $0x100000, s0;
	[bflag:$0x2] =	sbarrier.arrive $0xFFFF  }
0x5c: {  	[sflag:s0] =	ssyncadd.tile.s32 @!p0 $0x1;
	_ =	shalt  }
.Lfunc_end2:
_tile_overlayer_lowered:
.L_overlay_start_2:
0x5d: {  	(tag) =	ssettag $0x2  }
0x5e: {  	s0 =	rddreg [dreg:$0x0];
	s2 =	stileid.u32  }
0x5f: {  	s1 =	rddreg [dreg:$0x1];
	p0 =	sne.s32 s2, $0x0  }
0x60: {  	s3 =	rddreg [dreg:$0x2];
	[bflag:$0x3] =	sbarrier.arrive $0xFFFF;
	s2 =	simm.s32 @!p0 $0x1C01  }
0x61: {  	[timem:s3], [sflag:s2] =	dma.local @!p0 [hbm:s0], s1  }
0x62: {  	s0 =	simm.s32 @!p0 $0x1  }
0x63: {  	_ =	swait.ge @!p0 [sflag:s0], s1  }
0x64: {  	s1 =	ssub.s32 @!p0 $0x0, s1;
	[sflag:s0] =	ssyncset.done @!p0 $0x0  }
0x65: {  	[sflag:s0] =	ssyncadd.s32 @!p0 s1  }
0x66: {  	[bflag:$0x3] =	sbarrier.arrive $0xFFFF  }
0x67: {  	_ =	shalt  }

// kernel: kernel.20.cloned.1.call-start
scs
__scs_entry_jumppad:
0x0: {  	(pc) =	sbr.rel $0x88, $3  }
0x1: {  	(tag) =	ssettag $0x0;
	lr =	simm.s32 $0x1  }
0x2: {  	[smem:$0x3F9F] =	sst lr;
	_ =	strace $0xD0000000  }
0x3: {  	_ = 	snop  }
0x4: {  	_ = 	snop  }
0x5: {  	_ = 	snop  }
0x6: {  	_ = 	snop  }
0x7: {  	_ = 	snop  }
__scs_overlays_trampoline_lowered:
0x8: {  	[smem:$0x3FAE] =	sst s0  }
0x9: {  	[smem:$0x3FAF] =	sst s1  }
0xa: {  	[smem:$0x3FB0] =	sst s2  }
0xb: {  	[smem:$0x3FB1] =	sst s3  }
0xc: {  	[smem:$0x3FB2] =	sst s4  }
0xd: {  	[smem:$0x3FB3] =	sst s5  }
0xe: {  	[smem:$0x3FB4] =	sst s6  }
0xf: {  	[smem:$0x3FB5] =	sst s7  }
0x10: {  	[smem:$0x3FB6] =	sst s8  }
0x11: {  	[smem:$0x3FB7] =	sst s9;
	s0 =	simm.s32 @!p0 $0x0  }
0x12: {  	s1 =	sld [smem:$0x3F9D];
	s0 =	simm.s32 @p0 $0x1  }
0x13: {  	[smem:$0x3FB8] =	sst s0;
	s0 =	simm.s32 @!p1 $0x0  }
0x14: {  	s2 =	sld [smem:$0x3F9C];
	s0 =	simm.s32 @p1 $0x1  }
0x15: {  	[smem:$0x3FB9] =	sst s0;
	s0 =	simm.s32 @!p2 $0x0  }
0x16: {  	s3 =	sld [smem:$0x3FDB];
	s0 =	simm.s32 @p2 $0x1  }
0x17: {  	s4 =	simm.s32 $0x1BF5;
	[smem:$0x3FBB] =	sst s0  }
0x18: {  	s0 =	sld [smem:$0x3F9E];
	_ =	swait.ge [sflag:s4], $0x0  }
0x19: {  	s7 =	sld [smem:$0x3F9F]  }
0x1a: {  	s8 =	sadd.s32 $0xFFFFE003, lr  }
0x1b: {  	s9 =	sadd.s32 $0xFFFFFEF7, lr;
	s5 =	simm.s32 $0xFFFFFFFF;
	p2 =	slt.u32 s8, $0xFFFFF086  }
0x1c: {  	p1 =	slt.u32 s9, $0xF7A;
	s5 =	simm.s32 @!p2 $0x0  }
0x1d: {  	s5 =	simm.s32 @p1 $0x1;
	p0 =	seq.s32 s7, s2  }
0x1e: {  	s7 =	smul.u32 @!p0 $0xF7A, s2;
	p2 =	seq.s32 @!p0 s5, $0x0  }
0x1f: {  	s9 =	smul.u32 $0xF7A, s1;
	s8 =	simm.s32 @!p0 $0x1BF5;
	p2 =	por !p2, p0  }
0x20: {  	[sflag:s8] =	ssyncset.s32 @!p0 $0xFFFFF086;
	s6 =	sadd.s32 @!p0 s3, s7;
	s7 =	simm.s32 @!p0 $0x108  }
0x21: {  	s3 =	sadd.s32 s3, s9;
	s6 =	sadd.s32 @!p0 $0x88, s6;
	s7 =	simm.s32 @p2 $0x1082  }
0x22: {  	[simem:s7], [sflag:s8] =	dma.local @!p0 [hbm:s6], $0xF7A  }
0x23: {  	s9 =	sor.u32 $0xD0000000, s2;
	s6 =	simm.s32 $0x108;
	_ =	swait.ge @!p0 [sflag:s8], $0x0  }
0x24: {  	s3 =	sadd.s32 $0x88, s3;
	s6 =	simm.s32 @!p1 $0x1082;
	[sflag:s4] =	ssyncset.s32 $0xFFFFF086  }
0x25: {  	[simem:s6], [sflag:s4] =	dma.local [hbm:s3], $0xF7A  }
0x26: {  	[smem:$0x3F9F] =	sst s1;
	(tag) =	ssettag s2;
	_ =	strace s9  }
0x27: {  	s1 =	sld [smem:$0x3FAF]  }
0x28: {  	s2 =	sld [smem:$0x3FB0]  }
0x29: {  	s4 =	sld [smem:$0x3FB2]  }
0x2a: {  	p0 =	seq.s32 s5, $0x0;
	s5 =	sld [smem:$0x3FB3]  }
0x2b: {  	s6 =	sld [smem:$0x3FB4]  }
0x2c: {  	s7 =	sld [smem:$0x3FB5]  }
0x2d: {  	s3 =	simm.s32 $0x108;
	s8 =	sld [smem:$0x3FB6]  }
0x2e: {  	s3 =	simm.s32 @!p0 $0x1082;
	s9 =	sld [smem:$0x3FB7]  }
0x2f: {  	lr =	sadd.s32 s0, s3;
	s0 =	sld [smem:$0x3FAE]  }
0x30: {  	s3 =	sld [smem:$0x3FB1]  }
0x31: {  	[smem:$0x3FBA] =	sst s10  }
0x32: {  	s10 =	sld [smem:$0x3FB8];
	_ =	sdelay $0x3  }
0x33: {  	p0 =	seq.s32 s10, $0x1;
	s10 =	sld [smem:$0x3FBA];
	_ =	sdelay $0x3  }
0x34: {  	[smem:$0x3FBA] =	sst s10  }
0x35: {  	s10 =	sld [smem:$0x3FB9];
	_ =	sdelay $0x3  }
0x36: {  	p1 =	seq.s32 s10, $0x1;
	s10 =	sld [smem:$0x3FBA];
	_ =	sdelay $0x3  }
0x37: {  	[smem:$0x3FBA] =	sst s10  }
0x38: {  	s10 =	sld [smem:$0x3FBB]  }
0x39: {  	_ = 	snop;
	(pc) =	sbr.ind lr, $3  }
0x3a: {  	_ = 	snop  }
0x3b: {  	_ = 	snop  }
0x3c: {  	p2 =	seq.s32 s10, $0x1;
	s10 =	sld [smem:$0x3FBA]  }
0x3d: {  	_ =	shalt  }
0x3e: {  	_ =	shalt  }
0x3f: {  	_ =	shalt  }
0x40: {  	_ =	shalt  }
0x41: {  	_ =	shalt  }
0x42: {  	_ =	shalt  }
0x43: {  	_ =	shalt  }
0x44: {  	_ =	shalt  }
0x45: {  	_ =	shalt  }
0x46: {  	_ =	shalt  }
0x47: {  	_ =	shalt  }
0x48: {  	_ =	shalt  }
0x49: {  	_ =	shalt  }
0x4a: {  	_ =	shalt  }
0x4b: {  	_ =	shalt  }
0x4c: {  	_ =	shalt  }
0x4d: {  	_ =	shalt  }
0x4e: {  	_ =	shalt  }
0x4f: {  	_ =	shalt  }
0x50: {  	_ =	shalt  }
0x51: {  	_ =	shalt  }
0x52: {  	_ =	shalt  }
0x53: {  	_ =	shalt  }
0x54: {  	_ =	shalt  }
0x55: {  	_ =	shalt  }
0x56: {  	_ =	shalt  }
0x57: {  	_ =	shalt  }
0x58: {  	_ =	shalt  }
0x59: {  	_ =	shalt  }
0x5a: {  	_ =	shalt  }
0x5b: {  	_ =	shalt  }
0x5c: {  	_ =	shalt  }
0x5d: {  	_ =	shalt  }
0x5e: {  	_ =	shalt  }
0x5f: {  	_ =	shalt  }
0x60: {  	_ =	shalt  }
0x61: {  	_ =	shalt  }
0x62: {  	_ =	shalt  }
0x63: {  	_ =	shalt  }
0x64: {  	_ =	shalt  }
0x65: {  	_ =	shalt  }
0x66: {  	_ =	shalt  }
0x67: {  	_ =	shalt  }
0x68: {  	_ =	shalt  }
0x69: {  	_ =	shalt  }
0x6a: {  	_ =	shalt  }
0x6b: {  	_ =	shalt  }
0x6c: {  	_ =	shalt  }
0x6d: {  	_ =	shalt  }
0x6e: {  	_ =	shalt  }
0x6f: {  	_ =	shalt  }
0x70: {  	_ =	shalt  }
0x71: {  	_ =	shalt  }
0x72: {  	_ =	shalt  }
0x73: {  	_ =	shalt  }
0x74: {  	_ =	shalt  }
0x75: {  	_ =	shalt  }
0x76: {  	_ =	shalt  }
0x77: {  	_ =	shalt  }
0x78: {  	_ =	shalt  }
0x79: {  	_ =	shalt  }
0x7a: {  	_ =	shalt  }
0x7b: {  	_ =	shalt  }
0x7c: {  	_ =	shalt  }
0x7d: {  	_ =	shalt  }
0x7e: {  	_ =	shalt  }
0x7f: {  	_ =	shalt  }
0x80: {  	_ =	shalt  }
0x81: {  	_ =	shalt  }
0x82: {  	_ =	shalt  }
0x83: {  	_ =	shalt  }
0x84: {  	_ =	shalt  }
0x85: {  	_ =	shalt  }
0x86: {  	_ =	shalt  }
0x87: {  	_ =	shalt  }
.Lfunc_end0:
.L_simem_size_0:
called_computation.3_lowered:
.L_overlay_start_0:
0x88: {  	s2 =	sld [smem:$0x3FD9]  }
0x89: {  	s3 =	sld [smem:$0x3FFE];
	_ =	sdelay $0x1  }
0x8a: {  	s1 =	srdreg.scid  }
0x8b: {  	s0 =	sand.u32 $0x1, s1  }
0x8c: {  	s14 =	sshll.u32 s0, $0xA;
	s2 =	sadd.s32 s3, s2  }
0x8d: {  	s2 =	sadd.s32 s2, s14  }
0x8e: {  	[smem:$0x3FC6] =	sst s2  }
0x8f: {  	_ = 	snop  }
0x90: {  	s2 =	sld [smem:$0x3FD0];
	_ =	sdelay $0x2  }
0x91: {  	s15 =	simm.s32 $0xA;
	s4 =	simm.s32 $0x10  }
0x92: {  	[smem:s4], [sflag:s15] =	dma.local [hbm:s2], $0x1  }
0x93: {  	_ =	swait.eq [sflag:s15], $0x1  }
0x94: {  	[sflag:s15] =	ssyncset.done $0x0  }
0x95: {  	s16 =	sld [smem:$0x10];
	[sflag:s15] =	ssyncadd.s32 $0xFFFFFFFF  }
0x96: {  	s17 =	sld [smem:$0x11];
	(tm) =	ssettm $0x1  }
0x97: {  	s18 =	sld [smem:$0x3FFB];
	_ =	sdelay $0x3  }
0x98: {  	_ =	strace s18  }
0x99: {  	s4 =	sld [smem:$0x3FFC];
	_ =	sdelay $0x3  }
0x9a: {  	_ =	strace s4  }
0x9b: {  	s4 =	sld [smem:$0x3FFD];
	_ =	sdelay $0x3  }
0x9c: {  	_ =	strace s4  }
0x9d: {  	_ =	strace $0x8FFFFFFF  }
0x9e: {  	s19 =	sld [smem:$0x3FDB];
	_ =	sdelay $0x1  }
0x9f: {  	s5 =	simm.s32 $_scs_section_size  }
0xa0: {  	s6 =	simm.s32 $_size__tile_overlayer_lowered;
	s7 =	simm.s32 $_tile_overlayer_lowered  }
0xa1: {  	s22 =	simm.s32 $0x1BFF;
	s21 =	sshll.u32 s7, $0x1;
	s4 =	sadd.s32 s5, s19  }
0xa2: {  	s8 =	simm.s32 $0x0;
	s20 =	sshll.u32 s6, $0x1;
	s6 =	sadd.s32 s21, s4  }
0xa3: {  	[timem:s8], [sflag:s22] =	dma.local [hbm:s6], s20  }
0xa4: {  	_ =	swait.ge [sflag:s22], s20  }
0xa5: {  	s5 =	ssub.s32 $0x0, s20;
	[sflag:s22] =	ssyncset.done $0x0  }
0xa6: {  	[sflag:s22] =	ssyncadd.s32 s5;
	_ =	sdelay $0x1  }
0xa7: {  	s23 =	simm.s32 $0x1B8B  }
0xa8: {  	_ =	swait.ge [sflag:s23], $0x1  }
0xa9: {  	[sflag:s23] =	ssyncset.done $0x0  }
0xaa: {  	s25 =	simm.s32 $0x1B8E;
	s24 =	sld [smem:$0x3FFE];
	[sflag:s23] =	ssyncadd.s32 $0xFFFFFFFF  }
0xab: {  	s26 =	simm.s32 $execute0_lowered;
	[smem:$0x3FD2] =	sst s25  }
0xac: {  	s6 =	sshll.u32 s26, $0x1;
	_ =	strace $0x8000004F;
	[dreg:$0x1] =	wrdreg $0xFFFFFFFF  }
0xad: {  	s28 =	simm.s32 $_size_execute0_lowered;
	s4 =	sadd.s32 s4, s6;
	[dreg:$0x0] =	wrdreg $0x0  }
0xae: {  	s6 =	sshll.u32 s28, $0x1;
	[dreg:$0x2] =	wrdreg s4  }
0xaf: {  	[dreg:$0x3] =	wrdreg s6  }
0xb0: {  	[dreg:$0x4] =	wrdreg $0xC0  }
0xb1: {  	_ =	task [dreg:s8], $0x5FFFF  }
0xb2: {  	[dreg:$0x1] =	wrdreg $0xFFFFFFFF  }
0xb3: {  	[dreg:$0x0] =	wrdreg $0x60  }
0xb4: {  	[dreg:$0x2] =	wrdreg s24  }
0xb5: {  	[dreg:$0x3] =	wrdreg s16  }
0xb6: {  	[dreg:$0x4] =	wrdreg s17  }
0xb7: {  	[dreg:$0x5] =	wrdreg $0x1DC800  }
0xb8: {  	[dreg:$0x6] =	wrdreg $0x1EC880  }
0xb9: {  	[dreg:$0x7] =	wrdreg $0x9  }
0xba: {  	_ =	task.clear_ibuf [dreg:s8], $0x8FFFF;
	_ =	strace $0x9000004F  }
0xbb: {  	s29 =	simm.s32 $0x9;
	_ =	strace $0x80000051  }
0xbc: {  	_ =	swait.ge [sflag:s29], $0x1  }
0xbd: {  	[sflag:s29] =	ssyncadd.s32 $0xFFFFFFFF  }
0xbe: {  	_ =	strace $0x90000051  }
0xbf: {  	_ =	sfence  }
0xc0: {  	s30 =	sld [smem:$0x0];
	_ =	sdelay $0x2  }
0xc1: {  	s31 =	sshll.u32 s1, $0xD;
	s1 =	sshrl.u32 s1, $0x2  }
0xc2: {  	s3 =	sand.u32 $0x4000, s31;
	s1 =	sadd.s32 s1, s30  }
0xc3: {  	s0 =	sor.u32 s3, s0;
	s1 =	sshll.u32 s1, $0x11  }
0xc4: {  	s0 =	sor.u32 s1, s0  }
0xc5: {  	s0 =	sadd.s32 $0x8F2B, s0  }
0xc6: {  	[sflag:s0] =	ssyncadd.remote.s32 $0x1  }
0xc7: {  	_ =	sfence.sel $0xFFFF  }
0xc8: {  	[dreg:$0x0] =	wrdreg $0xFFFFFFFF;
	(pc) =	sbr.abs _section_cstart, $3  }
0xc9: {  	[dreg:$0x1] =	wrdreg $0xFFFFFFFF  }
0xca: {  	_ =	task.clear_ibuf [dreg:s8], $0x2FFFF;
	_ =	strace $0x9FFFFFFF  }
0xcb: {  	(tm) =	ssettm $0x7FFFFFFF  }
tec
execute0_lowered:
.L_overlay_start_1:
0x0: {  	(tag) =	ssettag $0x1  }
0x1: {  	s0 =	rddreg [dreg:$0x0]  }
0x2: {  	s1 =	rddreg [dreg:$0x2]  }
0x3: {  	s2 =	rddreg [dreg:$0x3];
	s4 =	simm.s32 $0x0  }
0x4: {  	[smem:$0x7FF] =	sst s4  }
0x5: {  	s3 =	rddreg [dreg:$0x4];
	v0 =	vimm.s32 $0x0;
	_ =	strace $0x80000050  }
0x6: {  	(xrf1) =	vunique.msk.u32 $0xffff, v0;
	_ =	sdelay $0xd  }
0x7: {  	_, v0, _ =	vpop (xrf1)  }
0x8: {  	v0 =	vxor.u32 $0x80000000, v0  }
0x9: {  	(xrf0) =	vmin.scan.msk.u32 $0xffff, v0;
	_ =	sdelay $0x5  }
0xa: {  	v0, _, _ =	vpop (xrf0)  }
0xb: {  	(v2sf) =	vpush v0, $0xF;
	_ =	sdelay $0x7  }
0xc: {  	s7 =	srdreg.scid;
	s5 =	stileid.u32;
	s14 =	simm.s32 $0x2  }
0xd: {  	s16 =	simm.s32 $0x80;
	s18 =	simm.s32 $0x1D400;
	s20 =	simm.s32 $0x1  }
0xe: {  	s23 =	simm.s32 $0x0;
	s6 =	sadd.s32 $0x24000, s0;
	s12 =	sand.u32 $0x1, s7  }
0xf: {  	s7 =	sshll.u32 s5, $0xC;
	s8 =	sshll.u32 s5, $0x8;
	s10 =	smul.u32 $0x1200, s5  }
0x10: {  	s9 =	ssub.s32 $0x2, s12;
	s11 =	sor.u32 s8, s7;
	s8 =	sadd.s32 $0x36000, s0  }
0x11: {  	s12 =	sshll.u32 s12, $0x12;
	s31 =	sadd.s32 s7, s2;
	s15 =	sadd.s32 s7, s3  }
0x12: {  	s13 =	sshrl.u32 s9, $0x1;
	s11 =	sand.u32 $0xC300, s11;
	s21 =	sshrl.u32 s31, $0x3  }
0x13: {  	s22 =	sshrl.u32 s15, $0x3;
	s13 =	ssub.s32 s9, s13;
	s30 =	spop (v2sf)  }
0x14: {  	s9 =	sadd.s32 s0, s10;
	s29 =	sshrl.u32 s11, $0x3;
	s0 =	sxor.u32 $0x80000000, s30  }
0x15: {  	s10 =	sadd.s32 $0x12000, s9;
	s11 =	sadd.s32 s1, s29;
	s13 =	smax.u32 s13, $0x1;
	v0 =	vmov s0  }
.LBB2_1:
0x16: {  	[tilespmem:s4], [sflag:$0x2] =	stream.linear.gather [hbm4b:s9+s4], $0x9000, $0x38;
	[tilespmem:$0x1FC90] =	vst v63  }
0x17: {  	_ =	swait.ge [sflag:s14], $0x9000  }
0x18: {  	[sflag:s14] =	ssyncset.done $0x0  }
0x19: {  	s0 =	simm.s32 $0x9000;
	[sflag:s14] =	ssyncadd.s32 $0xFFFF7000  }
0x1a: {  	[tilespmem:s0], [sflag:$0x2] =	stream.linear.gather [hbm4b:s10+s4], $0x9000, $0x38;
	[tilespmem:$0x1FC90] =	vst v63  }
0x1b: {  	_ =	swait.ge [sflag:s14], $0x9000  }
0x1c: {  	[sflag:s14] =	ssyncset.done $0x0  }
0x1d: {  	s29 =	simm.s32 $0x400;
	[sflag:s14] =	ssyncadd.s32 $0xFFFF7000  }
0x1e: {  	[tilespmem:s18], [sflag:$0x2] =	stream.strided.gather [hbm4b:s11+s16], $0x800, s29, s16, $0x38;
	[tilespmem:$0x1FC90] =	vst v63  }
0x1f: {  	_ =	swait.ge [sflag:s14], $0x800  }
0x20: {  	[sflag:s14] =	ssyncset.done $0x0  }
0x21: {  	[sflag:s14] =	ssyncadd.s32 $0xFFFFF800  }
0x22: {  	s1 =	simm.s32 $0x1DC00;
	s30 =	rddreg [dreg:$0x1]  }
0x23: {  	[tilespmem:s1], [sflag:$0x2] =	stream.linear.gather [hbm4b:s30+s4], $0x80, $0x38;
	[tilespmem:$0x1FC90] =	vst v63  }
0x24: {  	_ =	swait.ge [sflag:s14], $0x80  }
0x25: {  	[sflag:s14] =	ssyncset.done $0x0  }
0x26: {  	[sflag:s14] =	ssyncadd.s32 $0xFFFFFF80  }
0x27: {  	v2 =	vld [tilespmem:$0x1DC00];
	_ =	sdelay $0x3  }
0x28: {  	s31 =	simm.s32 $0x0  }
0x29: {  	s26 =	simm.s32 $0x10;
	s24 =	simm.s32 $0x0;
	s25 =	simm.s32 $0x0;
	v3 =	vld [tilespmem:s31+$0x0];
	v1 =	vbroadcast v2, $0x0;
	v2 =	vbroadcast v2, $0x1  }
.LBB2_2:
0x2a: {  	p0 =	sne.s32 s26, $0x8FF0;
	_ =	sdelay $0x3  }
0x2b: {  	v3 =	vshrl.u32 v3, v1  }
0x2c: {  	v3 =	vand.u32 v2, v3  }
0x2d: {  	(xrf1) =	vunique.msk.u32 $0xffff, v3;
	_ =	sdelay $0xd  }
0x2e: {  	v4 =	vld.idx.msk [tilespmem:v3+s18+$0x0], $0xffff;
	_, v5, vm0 =	vpop (xrf1);
	_ =	sdelay $0x3  }
.Ltmp0:
0x2f: {  	s0 =	sand.u32 $0x3FE00, s24;
	v5 =	vsub.s32 v5, v0;
	(pc) =	sbr.rel @p0 .LBB2_2-.Ltmp0, $4  }
0x30: {  	s1 =	sand.u32 $0x70, s25;
	s25 =	smov.u32 s26;
	s0 =	sshrl.u32 s0, $0x2;
	v6 =	vadd.s32 $0x1, v5  }
0x31: {  	s24 =	sadd.s32 $0x40, s24;
	s0 =	sor.u32 s1, s0;
	v4 =	vadd.s32 v4, v5;
	[tilespmem:v3+s18+$0x0] =	vst.idx.add.s32.msk vm0, v6  }
0x32: {  	s1 =	sshra.s32 s24, $0x2;
	[tilespmem:s0+$0x12000] =	vst v4  }
0x33: {  	s26 =	sadd.s32 $0x10, s26;
	v3 =	vld [tilespmem:s1+$0x0]  }
0x34: {  	_ =	sdelay $0x3  }
0x35: {  	v1 =	vshrl.u32 v3, v1  }
0x36: {  	v1 =	vand.u32 v2, v1  }
0x37: {  	(xrf1) =	vunique.msk.u32 $0xffff, v1;
	_ =	sdelay $0xd  }
0x38: {  	_, v2, vm0 =	vpop (xrf1)  }
0x39: {  	v3 =	vld.idx.msk [tilespmem:v1+s18+$0x0], $0xffff;
	_ =	sdelay $0x2  }
0x3a: {  	s0 =	sand.u32 $0x3FE00, s24;
	v2 =	vsub.s32 v2, v0  }
0x3b: {  	s1 =	sand.u32 $0x70, s25;
	s0 =	sshrl.u32 s0, $0x2;
	v4 =	vadd.s32 $0x1, v2  }
0x3c: {  	s0 =	sor.u32 s1, s0;
	v2 =	vadd.s32 v3, v2;
	[tilespmem:v1+s18+$0x0] =	vst.idx.add.s32.msk vm0, v4  }
0x3d: {  	s24 =	simm.s32 $0x0;
	[tilespmem:s0+$0x12000] =	vst v2  }
.LBB2_4:
0x3e: {  	s0 =	sshll.u32 s24, $0x10  }
0x3f: {  	s25 =	sadd.s32 s12, s0  }
0x40: {  	s26 =	simm.s32 $0x9000;
	s28 =	simm.s32 $0x0;
	s29 =	simm.s32 $0x0;
	v1 =	vmov s25  }
.LBB2_5:
0x41: {  	s0 =	smul.u32 $0x48, s29;
	_ =	sdelay $0x1  }
0x42: {  	s1 =	sadd.s32 $0x0, s0  }
0x43: {  	s17 =	simm.s32 $0x0;
	s1 =	sshll.u32 s1, $0x7  }
0x44: {  	s31 =	sand.u32 $0x70, s17;
	s1 =	sand.u32 $0x3FFFFF80, s1  }
0x45: {  	s1 =	sor.u32 s31, s1  }
0x46: {  	v2 =	vld [tilespmem:s1+$0x12000];
	_ =	sdelay $0x2  }
0x47: {  	s30 =	simm.s32 $0x1  }
0x48: {  	s19 =	simm.s32 $0x0;
	s15 =	simm.s32 $0x2;
	s1 =	simm.s32 $0x0  }
.LBB2_6:
0x49: {  	p0 =	sne.s32 s15, $0x23F;
	s19 =	sadd.s32 s0, s19;
	v3 =	vsub.s32 v2, v1;
	v2 =	vand.u32 $0x1F, v2;
	s17 =	sshll.u32 s17, $0x4  }
0x4a: {  	s1 =	sadd.s32 $0x10, s1;
	s19 =	sshll.u32 s19, $0x7;
	vm0 =	vlt.u32 v3, $0x10000;
	v2 =	vor.u32 $0x10000, v2;
	s17 =	sand.u32 $0x3FFFFF80, s17  }
0x4b: {  	s19 =	sand.u32 $0x3FFFFF80, s19;
	v2 =	vsel vm0, v3, v2;
	s17 =	sor.u32 s31, s17;
	s31 =	sand.u32 $0x70, s1  }
0x4c: {  	s19 =	sor.u32 s31, s19;
	[tilespmem:s17+$0x1B000] =	vst v2;
	s17 =	smov.u32 s30;
	s30 =	smov.u32 s15  }
.Ltmp1:
0x4d: {  	v2 =	vld [tilespmem:s19+$0x12000];
	(pc) =	sbr.rel @p0 .LBB2_6-.Ltmp1, $2  }
0x4e: {  	_ =	sdelay $0x2  }
0x4f: {  	s15 =	sadd.s32 $0x1, s15;
	s19 =	sshrl.u32 s30, $0x3  }
0x50: {  	s0 =	sadd.s32 s0, s19;
	v3 =	vsub.s32 v2, v1;
	v2 =	vand.u32 $0x1F, v2;
	s15 =	sshll.u32 s17, $0x4  }
0x51: {  	s1 =	sadd.s32 $0x10, s1;
	s0 =	sshll.u32 s0, $0x7;
	vm0 =	vlt.u32 v3, $0x10000;
	v2 =	vor.u32 $0x10000, v2;
	s15 =	sand.u32 $0x3FFFFF80, s15  }
0x52: {  	s1 =	sand.u32 $0x70, s1;
	s0 =	sand.u32 $0x3FFFFF80, s0;
	v2 =	vsel vm0, v3, v2;
	s15 =	sor.u32 s31, s15  }
0x53: {  	s0 =	sor.u32 s1, s0;
	[tilespmem:s15+$0x1B000] =	vst v2  }
0x54: {  	v2 =	vld [tilespmem:s0+$0x12000];
	_ =	sdelay $0x4  }
0x55: {  	s30 =	sshll.u32 s30, $0x4;
	v3 =	vsub.s32 v2, v1;
	v2 =	vand.u32 $0x1F, v2  }
0x56: {  	s0 =	sand.u32 $0x3FFFFF80, s30;
	vm15 =	vlt.u32 v3, $0x10000;
	v2 =	vor.u32 $0x10000, v2  }
0x57: {  	s31 =	sadd.s32 $0x0, s28;
	s0 =	sor.u32 s1, s0;
	v2 =	vsel vm15, v3, v2  }
0x58: {  	s15 =	sadd.s32 $0x0, s26;
	s1 =	simm.s32 $0x1B000;
	[tilespmem:s0+$0x1B000] =	vst v2;
	s0 =	simm.s32 $0x200  }
0x59: {  	[spmem:s2] =	stream.indirect.scatter [tilespmem:s31], [sflag:$0x1], $0x1, s1, s16, $0xb8;
	[tilespmem:$0x1FC90] =	vst v63  }
.LBB2_8:
0x5a: {  	[spmem:s3] =	stream.indirect.scatter [tilespmem:s15], [sflag:$0x1], $0x1, s1, s16, $0xb8;
	[tilespmem:$0x1FC90] =	vst v63  }
0x5b: {  	s1 =	smov.u32 s0;
	p0 =	sne.s32 s0, $0x8E00  }
.Ltmp2:
0x5c: {  	s0 =	sadd.s32 $0x200, s0;
	(pc) =	sbr.rel @p0 .LBB2_8-.Ltmp2, $4  }
0x5d: {  	s15 =	sshra.s32 s1, $0x2  }
0x5e: {  	s17 =	sadd.s32 s15, s28;
	s1 =	sadd.s32 $0x1B000, s15  }
0x5f: {  	[spmem:s2] =	stream.indirect.scatter [tilespmem:s17], [sflag:$0x1], $0x1, s1, s16, $0xb8;
	[tilespmem:$0x1FC90] =	vst v63  }
0x60: {  	s15 =	sadd.s32 s15, s26  }
0x61: {  	[spmem:s3] =	stream.indirect.scatter [tilespmem:s15], [sflag:$0x1], $0x1, s1, s16, $0xb8;
	[tilespmem:$0x1FC90] =	vst v63  }
0x62: {  	s29 =	sadd.s32 $0x1, s29  }
0x63: {  	_ =	swait.ge [sflag:s20], $0x2400;
	p0 =	sne.s32 s29, $0x4  }
.Ltmp3:
0x64: {  	[sflag:s20] =	ssyncset.done $0x0;
	(pc) =	sbr.rel @p0 .LBB2_5-.Ltmp3, $4  }
0x65: {  	[sflag:s20] =	ssyncadd.s32 $0xFFFFDC00  }
0x66: {  	_ =	swait.ge [sflag:s20], $0x2400  }
0x67: {  	[sflag:s20] =	ssyncset.done $0x0  }
0x68: {  	s28 =	sadd.s32 $0x2400, s28;
	s26 =	sadd.s32 $0x2400, s26;
	[sflag:s20] =	ssyncadd.s32 $0xFFFFDC00  }
0x69: {  	s0 =	sor.u32 s7, s25  }
0x6a: {  	s1 =	sshll.u32 s5, $0x6;
	s0 =	sshrl.u32 s0, $0x3  }
0x6b: {  	[bflag:$0x0] =	sbarrier.arrive $0xFFFF;
	s1 =	sor.u32 $0x1C02, s1;
	s15 =	sadd.s32 s6, s0  }
0x6c: {  	[hbm:s15], [sflag:s1] =	dma.local [spmem:s21], $0x200  }
0x6d: {  	_ =	swait.ge [sflag:s14], $0x200  }
0x6e: {  	s24 =	sadd.s32 $0x1, s24;
	[sflag:s14] =	ssyncset.done $0x0  }
0x6f: {  	p0 =	sne.s32 s24, $0x5;
	s0 =	sadd.s32 s8, s0;
	[sflag:s14] =	ssyncadd.s32 $0xFFFFFE00  }
0x70: {  	[hbm:s0], [sflag:s1] =	dma.local [spmem:s22], $0x200  }
.Ltmp4:
0x71: {  	_ =	swait.ge [sflag:s14], $0x200;
	(pc) =	sbr.rel @p0 .LBB2_4-.Ltmp4, $3  }
0x72: {  	[sflag:s14] =	ssyncset.done $0x0  }
0x73: {  	[sflag:s14] =	ssyncadd.s32 $0xFFFFFE00  }
0x74: {  	[bflag:$0x0] =	sbarrier.arrive $0xFFFF;
	_ =	sdelay $0x1  }
0x75: {  	s23 =	sadd.s32 $0x1, s23  }
0x76: {  	p0 =	sne.s32 s23, s13  }
.Ltmp5:
0x77: {  	_ = 	snop;
	(pc) =	sbr.rel @p0 .LBB2_1-.Ltmp5, $1  }
0x78: {  	_ =	sdelay $0x3  }
0x79: {  	_ =	sfence.sel $0x180000  }
0x7a: {  	[bflag:$0x0] =	sbarrier.arrive $0xFFFF  }
0x7b: {  	_ =	strace $0x90000050  }
0x7c: {  	[bflag:$0x2] =	sbarrier.arrive $0xFFFF  }
0x7d: {  	p0 =	sne.s32 s5, $0x0;
	s0 =	rddreg [dreg:$0x5]  }
0x7e: {  	s0 =	sadd.s32 @!p0 $0x100000, s0  }
0x7f: {  	[sflag:s0] =	ssyncadd.tile.s32 @!p0 $0x1;
	_ =	shalt  }
.Lfunc_end2:
_tile_overlayer_lowered:
.L_overlay_start_2:
0x80: {  	(tag) =	ssettag $0x2  }
0x81: {  	s0 =	rddreg [dreg:$0x0];
	s2 =	stileid.u32  }
0x82: {  	s1 =	rddreg [dreg:$0x1];
	p0 =	sne.s32 s2, $0x0  }
0x83: {  	s3 =	rddreg [dreg:$0x2];
	[bflag:$0x3] =	sbarrier.arrive $0xFFFF;
	s2 =	simm.s32 @!p0 $0x1C02  }
0x84: {  	[timem:s3], [sflag:s2] =	dma.local @!p0 [hbm:s0], s1  }
0x85: {  	s0 =	simm.s32 @!p0 $0x2  }
0x86: {  	_ =	swait.ge @!p0 [sflag:s0], s1  }
0x87: {  	s1 =	ssub.s32 @!p0 $0x0, s1;
	[sflag:s0] =	ssyncset.done @!p0 $0x0  }
0x88: {  	[sflag:s0] =	ssyncadd.s32 @!p0 s1  }
0x89: {  	[bflag:$0x3] =	sbarrier.arrive $0xFFFF  }
0x8a: {  	_ =	shalt  }

// kernel: kernel.23.cloned.1.call-start
scs
__scs_entry_jumppad:
0x0: {  	(pc) =	sbr.rel $0x88, $3  }
0x1: {  	(tag) =	ssettag $0x0;
	lr =	simm.s32 $0x1  }
0x2: {  	[smem:$0x3F9F] =	sst lr;
	_ =	strace $0xD0000000  }
0x3: {  	_ = 	snop  }
0x4: {  	_ = 	snop  }
0x5: {  	_ = 	snop  }
0x6: {  	_ = 	snop  }
0x7: {  	_ = 	snop  }
__scs_overlays_trampoline_lowered:
0x8: {  	[smem:$0x3FAE] =	sst s0  }
0x9: {  	[smem:$0x3FAF] =	sst s1  }
0xa: {  	[smem:$0x3FB0] =	sst s2  }
0xb: {  	[smem:$0x3FB1] =	sst s3  }
0xc: {  	[smem:$0x3FB2] =	sst s4  }
0xd: {  	[smem:$0x3FB3] =	sst s5  }
0xe: {  	[smem:$0x3FB4] =	sst s6  }
0xf: {  	[smem:$0x3FB5] =	sst s7  }
0x10: {  	[smem:$0x3FB6] =	sst s8  }
0x11: {  	[smem:$0x3FB7] =	sst s9;
	s0 =	simm.s32 @!p0 $0x0  }
0x12: {  	s1 =	sld [smem:$0x3F9D];
	s0 =	simm.s32 @p0 $0x1  }
0x13: {  	[smem:$0x3FB8] =	sst s0;
	s0 =	simm.s32 @!p1 $0x0  }
0x14: {  	s2 =	sld [smem:$0x3F9C];
	s0 =	simm.s32 @p1 $0x1  }
0x15: {  	[smem:$0x3FB9] =	sst s0;
	s0 =	simm.s32 @!p2 $0x0  }
0x16: {  	s3 =	sld [smem:$0x3FDB];
	s0 =	simm.s32 @p2 $0x1  }
0x17: {  	s4 =	simm.s32 $0x1BF5;
	[smem:$0x3FBB] =	sst s0  }
0x18: {  	s0 =	sld [smem:$0x3F9E];
	_ =	swait.ge [sflag:s4], $0x0  }
0x19: {  	s7 =	sld [smem:$0x3F9F]  }
0x1a: {  	s8 =	sadd.s32 $0xFFFFE003, lr  }
0x1b: {  	s9 =	sadd.s32 $0xFFFFFEF7, lr;
	s5 =	simm.s32 $0xFFFFFFFF;
	p2 =	slt.u32 s8, $0xFFFFF086  }
0x1c: {  	p1 =	slt.u32 s9, $0xF7A;
	s5 =	simm.s32 @!p2 $0x0  }
0x1d: {  	s5 =	simm.s32 @p1 $0x1;
	p0 =	seq.s32 s7, s2  }
0x1e: {  	s7 =	smul.u32 @!p0 $0xF7A, s2;
	p2 =	seq.s32 @!p0 s5, $0x0  }
0x1f: {  	s9 =	smul.u32 $0xF7A, s1;
	s8 =	simm.s32 @!p0 $0x1BF5;
	p2 =	por !p2, p0  }
0x20: {  	[sflag:s8] =	ssyncset.s32 @!p0 $0xFFFFF086;
	s6 =	sadd.s32 @!p0 s3, s7;
	s7 =	simm.s32 @!p0 $0x108  }
0x21: {  	s3 =	sadd.s32 s3, s9;
	s6 =	sadd.s32 @!p0 $0x88, s6;
	s7 =	simm.s32 @p2 $0x1082  }
0x22: {  	[simem:s7], [sflag:s8] =	dma.local @!p0 [hbm:s6], $0xF7A  }
0x23: {  	s9 =	sor.u32 $0xD0000000, s2;
	s6 =	simm.s32 $0x108;
	_ =	swait.ge @!p0 [sflag:s8], $0x0  }
0x24: {  	s3 =	sadd.s32 $0x88, s3;
	s6 =	simm.s32 @!p1 $0x1082;
	[sflag:s4] =	ssyncset.s32 $0xFFFFF086  }
0x25: {  	[simem:s6], [sflag:s4] =	dma.local [hbm:s3], $0xF7A  }
0x26: {  	[smem:$0x3F9F] =	sst s1;
	(tag) =	ssettag s2;
	_ =	strace s9  }
0x27: {  	s1 =	sld [smem:$0x3FAF]  }
0x28: {  	s2 =	sld [smem:$0x3FB0]  }
0x29: {  	s4 =	sld [smem:$0x3FB2]  }
0x2a: {  	p0 =	seq.s32 s5, $0x0;
	s5 =	sld [smem:$0x3FB3]  }
0x2b: {  	s6 =	sld [smem:$0x3FB4]  }
0x2c: {  	s7 =	sld [smem:$0x3FB5]  }
0x2d: {  	s3 =	simm.s32 $0x108;
	s8 =	sld [smem:$0x3FB6]  }
0x2e: {  	s3 =	simm.s32 @!p0 $0x1082;
	s9 =	sld [smem:$0x3FB7]  }
0x2f: {  	lr =	sadd.s32 s0, s3;
	s0 =	sld [smem:$0x3FAE]  }
0x30: {  	s3 =	sld [smem:$0x3FB1]  }
0x31: {  	[smem:$0x3FBA] =	sst s10  }
0x32: {  	s10 =	sld [smem:$0x3FB8];
	_ =	sdelay $0x3  }
0x33: {  	p0 =	seq.s32 s10, $0x1;
	s10 =	sld [smem:$0x3FBA];
	_ =	sdelay $0x3  }
0x34: {  	[smem:$0x3FBA] =	sst s10  }
0x35: {  	s10 =	sld [smem:$0x3FB9];
	_ =	sdelay $0x3  }
0x36: {  	p1 =	seq.s32 s10, $0x1;
	s10 =	sld [smem:$0x3FBA];
	_ =	sdelay $0x3  }
0x37: {  	[smem:$0x3FBA] =	sst s10  }
0x38: {  	s10 =	sld [smem:$0x3FBB]  }
0x39: {  	_ = 	snop;
	(pc) =	sbr.ind lr, $3  }
0x3a: {  	_ = 	snop  }
0x3b: {  	_ = 	snop  }
0x3c: {  	p2 =	seq.s32 s10, $0x1;
	s10 =	sld [smem:$0x3FBA]  }
0x3d: {  	_ =	shalt  }
0x3e: {  	_ =	shalt  }
0x3f: {  	_ =	shalt  }
0x40: {  	_ =	shalt  }
0x41: {  	_ =	shalt  }
0x42: {  	_ =	shalt  }
0x43: {  	_ =	shalt  }
0x44: {  	_ =	shalt  }
0x45: {  	_ =	shalt  }
0x46: {  	_ =	shalt  }
0x47: {  	_ =	shalt  }
0x48: {  	_ =	shalt  }
0x49: {  	_ =	shalt  }
0x4a: {  	_ =	shalt  }
0x4b: {  	_ =	shalt  }
0x4c: {  	_ =	shalt  }
0x4d: {  	_ =	shalt  }
0x4e: {  	_ =	shalt  }
0x4f: {  	_ =	shalt  }
0x50: {  	_ =	shalt  }
0x51: {  	_ =	shalt  }
0x52: {  	_ =	shalt  }
0x53: {  	_ =	shalt  }
0x54: {  	_ =	shalt  }
0x55: {  	_ =	shalt  }
0x56: {  	_ =	shalt  }
0x57: {  	_ =	shalt  }
0x58: {  	_ =	shalt  }
0x59: {  	_ =	shalt  }
0x5a: {  	_ =	shalt  }
0x5b: {  	_ =	shalt  }
0x5c: {  	_ =	shalt  }
0x5d: {  	_ =	shalt  }
0x5e: {  	_ =	shalt  }
0x5f: {  	_ =	shalt  }
0x60: {  	_ =	shalt  }
0x61: {  	_ =	shalt  }
0x62: {  	_ =	shalt  }
0x63: {  	_ =	shalt  }
0x64: {  	_ =	shalt  }
0x65: {  	_ =	shalt  }
0x66: {  	_ =	shalt  }
0x67: {  	_ =	shalt  }
0x68: {  	_ =	shalt  }
0x69: {  	_ =	shalt  }
0x6a: {  	_ =	shalt  }
0x6b: {  	_ =	shalt  }
0x6c: {  	_ =	shalt  }
0x6d: {  	_ =	shalt  }
0x6e: {  	_ =	shalt  }
0x6f: {  	_ =	shalt  }
0x70: {  	_ =	shalt  }
0x71: {  	_ =	shalt  }
0x72: {  	_ =	shalt  }
0x73: {  	_ =	shalt  }
0x74: {  	_ =	shalt  }
0x75: {  	_ =	shalt  }
0x76: {  	_ =	shalt  }
0x77: {  	_ =	shalt  }
0x78: {  	_ =	shalt  }
0x79: {  	_ =	shalt  }
0x7a: {  	_ =	shalt  }
0x7b: {  	_ =	shalt  }
0x7c: {  	_ =	shalt  }
0x7d: {  	_ =	shalt  }
0x7e: {  	_ =	shalt  }
0x7f: {  	_ =	shalt  }
0x80: {  	_ =	shalt  }
0x81: {  	_ =	shalt  }
0x82: {  	_ =	shalt  }
0x83: {  	_ =	shalt  }
0x84: {  	_ =	shalt  }
0x85: {  	_ =	shalt  }
0x86: {  	_ =	shalt  }
0x87: {  	_ =	shalt  }
.Lfunc_end0:
.L_simem_size_0:
called_computation.4_lowered:
.L_overlay_start_0:
0x88: {  	s2 =	sld [smem:$0x3FD9]  }
0x89: {  	s3 =	sld [smem:$0x3FFE];
	_ =	sdelay $0x1  }
0x8a: {  	s1 =	srdreg.scid  }
0x8b: {  	s0 =	sand.u32 $0x1, s1  }
0x8c: {  	s14 =	sshll.u32 s0, $0xA;
	s2 =	sadd.s32 s3, s2  }
0x8d: {  	s2 =	sadd.s32 s2, s14  }
0x8e: {  	[smem:$0x3FC6] =	sst s2  }
0x8f: {  	_ = 	snop  }
0x90: {  	s2 =	sld [smem:$0x3FD0];
	_ =	sdelay $0x2  }
0x91: {  	s15 =	simm.s32 $0xA;
	s4 =	simm.s32 $0x10  }
0x92: {  	[smem:s4], [sflag:s15] =	dma.local [hbm:s2], $0x1  }
0x93: {  	_ =	swait.eq [sflag:s15], $0x1  }
0x94: {  	[sflag:s15] =	ssyncset.done $0x0  }
0x95: {  	[sflag:s15] =	ssyncadd.s32 $0xFFFFFFFF  }
0x96: {  	s16 =	sld [smem:$0x11];
	(tm) =	ssettm $0x1  }
0x97: {  	s17 =	sld [smem:$0x3FFB];
	_ =	sdelay $0x3  }
0x98: {  	_ =	strace s17  }
0x99: {  	s3 =	sld [smem:$0x3FFC];
	_ =	sdelay $0x3  }
0x9a: {  	_ =	strace s3  }
0x9b: {  	s3 =	sld [smem:$0x3FFD];
	_ =	sdelay $0x3  }
0x9c: {  	_ =	strace s3  }
0x9d: {  	_ =	strace $0x8FFFFFFF  }
0x9e: {  	s18 =	sld [smem:$0x3FDB];
	_ =	sdelay $0x1  }
0x9f: {  	s19 =	simm.s32 $_scs_section_size  }
0xa0: {  	s5 =	simm.s32 $_size__tile_overlayer_lowered;
	s6 =	simm.s32 $_tile_overlayer_lowered  }
0xa1: {  	s22 =	simm.s32 $0x1BFF;
	s21 =	sshll.u32 s6, $0x1;
	s3 =	sadd.s32 s19, s18  }
0xa2: {  	s7 =	simm.s32 $0x0;
	s20 =	sshll.u32 s5, $0x1;
	s5 =	sadd.s32 s21, s3  }
0xa3: {  	[timem:s7], [sflag:s22] =	dma.local [hbm:s5], s20  }
0xa4: {  	_ =	swait.ge [sflag:s22], s20  }
0xa5: {  	s4 =	ssub.s32 $0x0, s20;
	[sflag:s22] =	ssyncset.done $0x0  }
0xa6: {  	[sflag:s22] =	ssyncadd.s32 s4;
	_ =	sdelay $0x1  }
0xa7: {  	s23 =	simm.s32 $0x1B8B  }
0xa8: {  	_ =	swait.ge [sflag:s23], $0x1  }
0xa9: {  	[sflag:s23] =	ssyncset.done $0x0  }
0xaa: {  	s25 =	simm.s32 $0x1B8E;
	s24 =	sld [smem:$0x3FFE];
	[sflag:s23] =	ssyncadd.s32 $0xFFFFFFFF  }
0xab: {  	s26 =	simm.s32 $execute0_lowered;
	[smem:$0x3FD2] =	sst s25  }
0xac: {  	s5 =	sshll.u32 s26, $0x1;
	_ =	strace $0x80000052;
	[dreg:$0x1] =	wrdreg $0xFFFFFFFF  }
0xad: {  	s28 =	simm.s32 $_size_execute0_lowered;
	s3 =	sadd.s32 s3, s5;
	[dreg:$0x0] =	wrdreg $0x0  }
0xae: {  	s5 =	sshll.u32 s28, $0x1;
	[dreg:$0x2] =	wrdreg s3  }
0xaf: {  	[dreg:$0x3] =	wrdreg s5  }
0xb0: {  	[dreg:$0x4] =	wrdreg $0xC0  }
0xb1: {  	_ =	task [dreg:s7], $0x5FFFF  }
0xb2: {  	[dreg:$0x1] =	wrdreg $0xFFFFFFFF  }
0xb3: {  	[dreg:$0x0] =	wrdreg $0x60  }
0xb4: {  	[dreg:$0x2] =	wrdreg s24  }
0xb5: {  	[dreg:$0x3] =	wrdreg s16  }
0xb6: {  	[dreg:$0x4] =	wrdreg $0x9  }
0xb7: {  	_ =	task.clear_ibuf [dreg:s7], $0x5FFFF;
	_ =	strace $0x90000052  }
0xb8: {  	s29 =	simm.s32 $0x9;
	_ =	strace $0x80000054  }
0xb9: {  	_ =	swait.ge [sflag:s29], $0x1  }
0xba: {  	[sflag:s29] =	ssyncadd.s32 $0xFFFFFFFF  }
0xbb: {  	_ =	strace $0x90000054  }
0xbc: {  	_ =	sfence  }
0xbd: {  	s30 =	sld [smem:$0x0];
	_ =	sdelay $0x2  }
0xbe: {  	s31 =	sshll.u32 s1, $0xD;
	s1 =	sshrl.u32 s1, $0x2  }
0xbf: {  	s3 =	sand.u32 $0x4000, s31;
	s1 =	sadd.s32 s1, s30  }
0xc0: {  	s0 =	sor.u32 s3, s0;
	s1 =	sshll.u32 s1, $0x11  }
0xc1: {  	s0 =	sor.u32 s1, s0  }
0xc2: {  	s0 =	sadd.s32 $0x8F2B, s0  }
0xc3: {  	[sflag:s0] =	ssyncadd.remote.s32 $0x1  }
0xc4: {  	_ =	sfence.sel $0xFFFF  }
0xc5: {  	[dreg:$0x0] =	wrdreg $0xFFFFFFFF;
	(pc) =	sbr.abs _section_cstart, $3  }
0xc6: {  	[dreg:$0x1] =	wrdreg $0xFFFFFFFF  }
0xc7: {  	_ =	task.clear_ibuf [dreg:s7], $0x2FFFF;
	_ =	strace $0x9FFFFFFF  }
0xc8: {  	(tm) =	ssettm $0x7FFFFFFF  }
0xc9: {  	_ =	shalt  }
tec
execute0_lowered:
.L_overlay_start_1:
0x0: {  	(tag) =	ssettag $0x1  }
0x1: {  	s2 =	rddreg [dreg:$0x0]  }
0x2: {  	s1 =	srdreg.scid;
	s0 =	stileid.u32  }
0x3: {  	s4 =	rddreg [dreg:$0x1];
	s3 =	simm.s32 $0x0;
	s10 =	simm.s32 $0x400  }
0x4: {  	s11 =	simm.s32 $0x4800;
	s5 =	sand.u32 $0x1, s1;
	s1 =	rddreg [dreg:$0x2]  }
0x5: {  	s12 =	simm.s32 $0x0;
	s6 =	sshll.u32 s0, $0x1;
	[smem:$0x7FF] =	sst s3  }
0x6: {  	s8 =	sshll.u32 s0, $0x9;
	s6 =	sor.u32 s5, s6;
	_ =	strace $0x80000053  }
0x7: {  	s5 =	ssub.s32 $0x2, s5;
	s8 =	sand.u32 $0x1800, s8;
	s7 =	smul.u32 $0x900, s6  }
0x8: {  	s9 =	sshrl.u32 s5, $0x1;
	s6 =	sshll.u32 s6, $0x4;
	s31 =	sadd.s32 s4, s8  }
0x9: {  	s8 =	simm.s32 $0x1;
	s9 =	ssub.s32 s5, s9;
	s30 =	sand.u32 $0x70, s6  }
0xa: {  	v1 =	vlaneseq.u32;
	s7 =	sadd.s32 s7, s2;
	s5 =	sadd.s32 s30, s31;
	s6 =	smax.u32 s9, $0x1  }
0xb: {  	v0 =	vimm.s32 $0x0;
	v2 =	vimm.s32 $0x1;
	v1 =	vmul.u32 $0x800, v1;
	s9 =	simm.s32 $0x80;
	s4 =	sadd.s32 $0x24000, s7;
	s7 =	simm.s32 $0xC800  }
.LBB2_1:
0xc: {  	[tilespmem:s7], [sflag:$0x1] =	stream.linear.gather [hbm4b:s2+s3], $0x80, $0x38;
	[tilespmem:$0xC880] =	vst v63  }
0xd: {  	_ =	swait.ge [sflag:s8], $0x80  }
0xe: {  	[sflag:s8] =	ssyncset.done $0x0  }
0xf: {  	[sflag:s8] =	ssyncadd.s32 $0xFFFFFF80  }
0x10: {  	s13 =	simm.s32 $0x40;
	s14 =	simm.s32 $0x0;
	v4 =	vld [tilespmem:$0xC800]  }
.LBB2_2:
0x11: {  	p0 =	sne.s32 s13, $0x1FFC0;
	[tilespmem:s14+$0x4800] =	vst v0;
	s14 =	smov.u32 s13;
	s13 =	sadd.s32 $0x40, s13  }
.Ltmp0:
0x12: {  	(pc) =	sbr.rel @p0 .LBB2_2-.Ltmp0, $2  }
0x13: {  	_ =	sdelay $0x2  }
0x14: {  	s14 =	sshra.s32 s14, $0x2  }
0x15: {  	[tilespmem:s14+$0x4800] =	vst v0;
	s14 =	simm.s32 $0x0  }
0x16: {  	[tilespmem:s14], [sflag:$0x1] =	stream.linear.gather [hbm4b:s4+s14], $0x4800, $0x38;
	[tilespmem:$0xC880] =	vst v63  }
0x17: {  	_ =	swait.ge [sflag:s8], $0x4800  }
0x18: {  	[sflag:s8] =	ssyncset.done $0x0  }
0x19: {  	v3 =	vbroadcast v4, $0x0;
	v4 =	vbroadcast v4, $0x1;
	s16 =	simm.s32 $0x0;
	s15 =	simm.s32 $0x40;
	[sflag:s8] =	ssyncadd.s32 $0xFFFFB800  }
.LBB2_4:
0x1a: {  	p0 =	sne.s32 s15, $0x11FC0;
	v5 =	vld [tilespmem:s16+$0x0];
	_ =	sdelay $0x4  }
0x1b: {  	v5 =	vshrl.u32 v5, v3  }
0x1c: {  	v5 =	vand.u32 v4, v5  }
0x1d: {  	v5 =	vadd.s32 v1, v5  }
.Ltmp1:
0x1e: {  	(pc) =	sbr.rel @p0 .LBB2_4-.Ltmp1, $3  }
0x1f: {  	_ =	sdelay $0x1  }
0x20: {  	s13 =	simm.s32 $0x4800  }
0x21: {  	s16 =	sshra.s32 s15, $0x2;
	s15 =	sadd.s32 $0x40, s15;
	[tilespmem:v5+s13+$0x0] =	vst.idx.add.s32.msk $0xffff, v2  }
0x22: {  	v5 =	vld [tilespmem:s16+$0x0];
	_ =	sdelay $0x4  }
0x23: {  	v3 =	vshrl.u32 v5, v3  }
0x24: {  	v3 =	vand.u32 v4, v3  }
0x25: {  	v3 =	vadd.s32 v1, v3;
	_ =	sdelay $0x4  }
0x26: {  	s14 =	sand.u32 $0x7F0, s14;
	[tilespmem:v3+s13+$0x0] =	vst.idx.add.s32.msk $0xffff, v2  }
0x27: {  	s15 =	simm.s32 $0x10;
	v3 =	vld [tilespmem:s14+$0x5000]  }
.LBB2_6:
0x28: {  	p0 =	sne.s32 s15, $0x7F0;
	v4 =	vld [tilespmem:s13+$0x0]  }
0x29: {  	v5 =	vld [tilespmem:s14+$0x5800]  }
0x2a: {  	v6 =	vld [tilespmem:s14+$0x6000]  }
0x2b: {  	v7 =	vld [tilespmem:s14+$0x6800]  }
0x2c: {  	v8 =	vld [tilespmem:s14+$0x7000]  }
0x2d: {  	v3 =	vadd.s32 v4, v3;
	v4 =	vld [tilespmem:s14+$0x7800]  }
0x2e: {  	v3 =	vadd.s32 v5, v3;
	v5 =	vld [tilespmem:s14+$0x8000]  }
0x2f: {  	v3 =	vadd.s32 v6, v3;
	v6 =	vld [tilespmem:s14+$0x8800]  }
0x30: {  	v3 =	vadd.s32 v7, v3;
	v7 =	vld [tilespmem:s14+$0x9000]  }
0x31: {  	v3 =	vadd.s32 v8, v3;
	v8 =	vld [tilespmem:s14+$0x9800]  }
0x32: {  	v3 =	vadd.s32 v4, v3;
	v4 =	vld [tilespmem:s14+$0xA000]  }
0x33: {  	v3 =	vadd.s32 v5, v3;
	v5 =	vld [tilespmem:s14+$0xA800]  }
0x34: {  	v3 =	vadd.s32 v6, v3;
	v6 =	vld [tilespmem:s14+$0xB000]  }
0x35: {  	v3 =	vadd.s32 v7, v3;
	v7 =	vld [tilespmem:s14+$0xB800]  }
0x36: {  	v3 =	vadd.s32 v8, v3;
	v8 =	vld [tilespmem:s14+$0xC000]  }
0x37: {  	v3 =	vadd.s32 v4, v3  }
0x38: {  	v3 =	vadd.s32 v5, v3  }
.Ltmp2:
0x39: {  	v3 =	vadd.s32 v6, v3;
	(pc) =	sbr.rel @p0 .LBB2_6-.Ltmp2, $4  }
0x3a: {  	v3 =	vadd.s32 v7, v3  }
0x3b: {  	v3 =	vadd.s32 v8, v3  }
0x3c: {  	s14 =	sand.u32 $0x7F0, s15;
	[tilespmem:s13+$0x0] =	vst v3  }
0x3d: {  	s15 =	sadd.s32 $0x10, s15;
	s13 =	sadd.s32 $0x10, s13;
	v3 =	vld [tilespmem:s14+$0x5000]  }
0x3e: {  	v4 =	vld [tilespmem:s13+$0x0]  }
0x3f: {  	v5 =	vld [tilespmem:s14+$0x5800]  }
0x40: {  	v6 =	vld [tilespmem:s14+$0x6000]  }
0x41: {  	v7 =	vld [tilespmem:s14+$0x6800]  }
0x42: {  	v8 =	vld [tilespmem:s14+$0x7000]  }
0x43: {  	v54 =	vld [tilespmem:s14+$0x7800];
	v3 =	vadd.s32 v4, v3  }
0x44: {  	v55 =	vld [tilespmem:s14+$0x8000];
	v3 =	vadd.s32 v5, v3  }
0x45: {  	v56 =	vld [tilespmem:s14+$0x8800];
	v3 =	vadd.s32 v6, v3  }
0x46: {  	v57 =	vld [tilespmem:s14+$0x9000];
	v3 =	vadd.s32 v7, v3  }
0x47: {  	v58 =	vld [tilespmem:s14+$0x9800];
	v3 =	vadd.s32 v8, v3  }
0x48: {  	v59 =	vld [tilespmem:s14+$0xA000];
	v3 =	vadd.s32 v54, v3  }
0x49: {  	v60 =	vld [tilespmem:s14+$0xA800];
	v3 =	vadd.s32 v55, v3  }
0x4a: {  	v61 =	vld [tilespmem:s14+$0xB000];
	v3 =	vadd.s32 v56, v3  }
0x4b: {  	v62 =	vld [tilespmem:s14+$0xB800];
	v3 =	vadd.s32 v57, v3  }
0x4c: {  	v63 =	vld [tilespmem:s14+$0xC000];
	v3 =	vadd.s32 v58, v3  }
0x4d: {  	v3 =	vadd.s32 v59, v3  }
0x4e: {  	v3 =	vadd.s32 v60, v3  }
0x4f: {  	v3 =	vadd.s32 v61, v3  }
0x50: {  	s12 =	sadd.s32 $0x1, s12;
	v3 =	vadd.s32 v62, v3  }
0x51: {  	p0 =	sne.s32 s12, s6;
	v3 =	vadd.s32 v63, v3  }
.Ltmp3:
0x52: {  	[tilespmem:s13+$0x0] =	vst v3;
	(pc) =	sbr.rel @p0 .LBB2_1-.Ltmp3, $4  }
0x53: {  	[hbm4b:s5+s9] =	stream.strided.scatter [tilespmem:s11], [sflag:$0x1], $0x800, s10, s9, $0x38;
	[tilespmem:$0xC880] =	vst v63  }
0x54: {  	_ =	swait.ge [sflag:s8], $0x800  }
0x55: {  	[sflag:s8] =	ssyncset.done $0x0  }
0x56: {  	[sflag:s8] =	ssyncadd.s32 $0xFFFFF800  }
0x57: {  	_ =	sfence.sel $0x180000  }
0x58: {  	[bflag:$0x0] =	sbarrier.arrive $0xFFFF  }
0x59: {  	p0 =	sne.s32 s0, $0x0;
	_ =	strace $0x90000053  }
0x5a: {  	s0 =	sadd.s32 @!p0 $0x100000, s1;
	[bflag:$0x2] =	sbarrier.arrive $0xFFFF  }
0x5b: {  	[sflag:s0] =	ssyncadd.tile.s32 @!p0 $0x1;
	_ =	shalt  }
.Lfunc_end2:
_tile_overlayer_lowered:
.L_overlay_start_2:
0x5c: {  	(tag) =	ssettag $0x2  }
0x5d: {  	s0 =	rddreg [dreg:$0x0];
	s2 =	stileid.u32  }
0x5e: {  	s1 =	rddreg [dreg:$0x1];
	p0 =	sne.s32 s2, $0x0  }
0x5f: {  	s3 =	rddreg [dreg:$0x2];
	[bflag:$0x3] =	sbarrier.arrive $0xFFFF;
	s2 =	simm.s32 @!p0 $0x1C01  }
0x60: {  	[timem:s3], [sflag:s2] =	dma.local @!p0 [hbm:s0], s1  }
0x61: {  	s0 =	simm.s32 @!p0 $0x1  }
0x62: {  	_ =	swait.ge @!p0 [sflag:s0], s1  }
0x63: {  	s1 =	ssub.s32 @!p0 $0x0, s1;
	[sflag:s0] =	ssyncset.done @!p0 $0x0  }
0x64: {  	[sflag:s0] =	ssyncadd.s32 @!p0 s1  }
0x65: {  	[bflag:$0x3] =	sbarrier.arrive $0xFFFF  }
0x66: {  	_ =	shalt  }

// kernel: kernel.26.cloned.1.call-start
scs
__scs_entry_jumppad:
0x0: {  	(pc) =	sbr.rel $0x88, $3  }
0x1: {  	(tag) =	ssettag $0x0;
	lr =	simm.s32 $0x1  }
0x2: {  	[smem:$0x3F9F] =	sst lr;
	_ =	strace $0xD0000000  }
0x3: {  	_ = 	snop  }
0x4: {  	_ = 	snop  }
0x5: {  	_ = 	snop  }
0x6: {  	_ = 	snop  }
0x7: {  	_ = 	snop  }
__scs_overlays_trampoline_lowered:
0x8: {  	[smem:$0x3FAE] =	sst s0  }
0x9: {  	[smem:$0x3FAF] =	sst s1  }
0xa: {  	[smem:$0x3FB0] =	sst s2  }
0xb: {  	[smem:$0x3FB1] =	sst s3  }
0xc: {  	[smem:$0x3FB2] =	sst s4  }
0xd: {  	[smem:$0x3FB3] =	sst s5  }
0xe: {  	[smem:$0x3FB4] =	sst s6  }
0xf: {  	[smem:$0x3FB5] =	sst s7  }
0x10: {  	[smem:$0x3FB6] =	sst s8  }
0x11: {  	[smem:$0x3FB7] =	sst s9;
	s0 =	simm.s32 @!p0 $0x0  }
0x12: {  	s1 =	sld [smem:$0x3F9D];
	s0 =	simm.s32 @p0 $0x1  }
0x13: {  	[smem:$0x3FB8] =	sst s0;
	s0 =	simm.s32 @!p1 $0x0  }
0x14: {  	s2 =	sld [smem:$0x3F9C];
	s0 =	simm.s32 @p1 $0x1  }
0x15: {  	[smem:$0x3FB9] =	sst s0;
	s0 =	simm.s32 @!p2 $0x0  }
0x16: {  	s3 =	sld [smem:$0x3FDB];
	s0 =	simm.s32 @p2 $0x1  }
0x17: {  	s4 =	simm.s32 $0x1BF5;
	[smem:$0x3FBB] =	sst s0  }
0x18: {  	s0 =	sld [smem:$0x3F9E];
	_ =	swait.ge [sflag:s4], $0x0  }
0x19: {  	s7 =	sld [smem:$0x3F9F]  }
0x1a: {  	s8 =	sadd.s32 $0xFFFFE003, lr  }
0x1b: {  	s9 =	sadd.s32 $0xFFFFFEF7, lr;
	s5 =	simm.s32 $0xFFFFFFFF;
	p2 =	slt.u32 s8, $0xFFFFF086  }
0x1c: {  	p1 =	slt.u32 s9, $0xF7A;
	s5 =	simm.s32 @!p2 $0x0  }
0x1d: {  	s5 =	simm.s32 @p1 $0x1;
	p0 =	seq.s32 s7, s2  }
0x1e: {  	s7 =	smul.u32 @!p0 $0xF7A, s2;
	p2 =	seq.s32 @!p0 s5, $0x0  }
0x1f: {  	s9 =	smul.u32 $0xF7A, s1;
	s8 =	simm.s32 @!p0 $0x1BF5;
	p2 =	por !p2, p0  }
0x20: {  	[sflag:s8] =	ssyncset.s32 @!p0 $0xFFFFF086;
	s6 =	sadd.s32 @!p0 s3, s7;
	s7 =	simm.s32 @!p0 $0x108  }
0x21: {  	s3 =	sadd.s32 s3, s9;
	s6 =	sadd.s32 @!p0 $0x88, s6;
	s7 =	simm.s32 @p2 $0x1082  }
0x22: {  	[simem:s7], [sflag:s8] =	dma.local @!p0 [hbm:s6], $0xF7A  }
0x23: {  	s9 =	sor.u32 $0xD0000000, s2;
	s6 =	simm.s32 $0x108;
	_ =	swait.ge @!p0 [sflag:s8], $0x0  }
0x24: {  	s3 =	sadd.s32 $0x88, s3;
	s6 =	simm.s32 @!p1 $0x1082;
	[sflag:s4] =	ssyncset.s32 $0xFFFFF086  }
0x25: {  	[simem:s6], [sflag:s4] =	dma.local [hbm:s3], $0xF7A  }
0x26: {  	[smem:$0x3F9F] =	sst s1;
	(tag) =	ssettag s2;
	_ =	strace s9  }
0x27: {  	s1 =	sld [smem:$0x3FAF]  }
0x28: {  	s2 =	sld [smem:$0x3FB0]  }
0x29: {  	s4 =	sld [smem:$0x3FB2]  }
0x2a: {  	p0 =	seq.s32 s5, $0x0;
	s5 =	sld [smem:$0x3FB3]  }
0x2b: {  	s6 =	sld [smem:$0x3FB4]  }
0x2c: {  	s7 =	sld [smem:$0x3FB5]  }
0x2d: {  	s3 =	simm.s32 $0x108;
	s8 =	sld [smem:$0x3FB6]  }
0x2e: {  	s3 =	simm.s32 @!p0 $0x1082;
	s9 =	sld [smem:$0x3FB7]  }
0x2f: {  	lr =	sadd.s32 s0, s3;
	s0 =	sld [smem:$0x3FAE]  }
0x30: {  	s3 =	sld [smem:$0x3FB1]  }
0x31: {  	[smem:$0x3FBA] =	sst s10  }
0x32: {  	s10 =	sld [smem:$0x3FB8];
	_ =	sdelay $0x3  }
0x33: {  	p0 =	seq.s32 s10, $0x1;
	s10 =	sld [smem:$0x3FBA];
	_ =	sdelay $0x3  }
0x34: {  	[smem:$0x3FBA] =	sst s10  }
0x35: {  	s10 =	sld [smem:$0x3FB9];
	_ =	sdelay $0x3  }
0x36: {  	p1 =	seq.s32 s10, $0x1;
	s10 =	sld [smem:$0x3FBA];
	_ =	sdelay $0x3  }
0x37: {  	[smem:$0x3FBA] =	sst s10  }
0x38: {  	s10 =	sld [smem:$0x3FBB]  }
0x39: {  	_ = 	snop;
	(pc) =	sbr.ind lr, $3  }
0x3a: {  	_ = 	snop  }
0x3b: {  	_ = 	snop  }
0x3c: {  	p2 =	seq.s32 s10, $0x1;
	s10 =	sld [smem:$0x3FBA]  }
0x3d: {  	_ =	shalt  }
0x3e: {  	_ =	shalt  }
0x3f: {  	_ =	shalt  }
0x40: {  	_ =	shalt  }
0x41: {  	_ =	shalt  }
0x42: {  	_ =	shalt  }
0x43: {  	_ =	shalt  }
0x44: {  	_ =	shalt  }
0x45: {  	_ =	shalt  }
0x46: {  	_ =	shalt  }
0x47: {  	_ =	shalt  }
0x48: {  	_ =	shalt  }
0x49: {  	_ =	shalt  }
0x4a: {  	_ =	shalt  }
0x4b: {  	_ =	shalt  }
0x4c: {  	_ =	shalt  }
0x4d: {  	_ =	shalt  }
0x4e: {  	_ =	shalt  }
0x4f: {  	_ =	shalt  }
0x50: {  	_ =	shalt  }
0x51: {  	_ =	shalt  }
0x52: {  	_ =	shalt  }
0x53: {  	_ =	shalt  }
0x54: {  	_ =	shalt  }
0x55: {  	_ =	shalt  }
0x56: {  	_ =	shalt  }
0x57: {  	_ =	shalt  }
0x58: {  	_ =	shalt  }
0x59: {  	_ =	shalt  }
0x5a: {  	_ =	shalt  }
0x5b: {  	_ =	shalt  }
0x5c: {  	_ =	shalt  }
0x5d: {  	_ =	shalt  }
0x5e: {  	_ =	shalt  }
0x5f: {  	_ =	shalt  }
0x60: {  	_ =	shalt  }
0x61: {  	_ =	shalt  }
0x62: {  	_ =	shalt  }
0x63: {  	_ =	shalt  }
0x64: {  	_ =	shalt  }
0x65: {  	_ =	shalt  }
0x66: {  	_ =	shalt  }
0x67: {  	_ =	shalt  }
0x68: {  	_ =	shalt  }
0x69: {  	_ =	shalt  }
0x6a: {  	_ =	shalt  }
0x6b: {  	_ =	shalt  }
0x6c: {  	_ =	shalt  }
0x6d: {  	_ =	shalt  }
0x6e: {  	_ =	shalt  }
0x6f: {  	_ =	shalt  }
0x70: {  	_ =	shalt  }
0x71: {  	_ =	shalt  }
0x72: {  	_ =	shalt  }
0x73: {  	_ =	shalt  }
0x74: {  	_ =	shalt  }
0x75: {  	_ =	shalt  }
0x76: {  	_ =	shalt  }
0x77: {  	_ =	shalt  }
0x78: {  	_ =	shalt  }
0x79: {  	_ =	shalt  }
0x7a: {  	_ =	shalt  }
0x7b: {  	_ =	shalt  }
0x7c: {  	_ =	shalt  }
0x7d: {  	_ =	shalt  }
0x7e: {  	_ =	shalt  }
0x7f: {  	_ =	shalt  }
0x80: {  	_ =	shalt  }
0x81: {  	_ =	shalt  }
0x82: {  	_ =	shalt  }
0x83: {  	_ =	shalt  }
0x84: {  	_ =	shalt  }
0x85: {  	_ =	shalt  }
0x86: {  	_ =	shalt  }
0x87: {  	_ =	shalt  }
.Lfunc_end0:
.L_simem_size_0:
called_computation.5_lowered:
.L_overlay_start_0:
0x88: {  	s2 =	sld [smem:$0x3FD9]  }
0x89: {  	s3 =	sld [smem:$0x3FFE];
	_ =	sdelay $0x1  }
0x8a: {  	s1 =	srdreg.scid  }
0x8b: {  	s0 =	sand.u32 $0x1, s1  }
0x8c: {  	s14 =	sshll.u32 s0, $0xA;
	s2 =	sadd.s32 s3, s2  }
0x8d: {  	s2 =	sadd.s32 s2, s14  }
0x8e: {  	[smem:$0x3FC6] =	sst s2  }
0x8f: {  	_ = 	snop  }
0x90: {  	s2 =	sld [smem:$0x3FD0];
	_ =	sdelay $0x2  }
0x91: {  	s15 =	simm.s32 $0xA;
	s4 =	simm.s32 $0x10  }
0x92: {  	[smem:s4], [sflag:s15] =	dma.local [hbm:s2], $0x1  }
0x93: {  	_ =	swait.eq [sflag:s15], $0x1  }
0x94: {  	[sflag:s15] =	ssyncset.done $0x0  }
0x95: {  	s16 =	sld [smem:$0x10];
	[sflag:s15] =	ssyncadd.s32 $0xFFFFFFFF  }
0x96: {  	s17 =	sld [smem:$0x11];
	(tm) =	ssettm $0x1  }
0x97: {  	s18 =	sld [smem:$0x3FFB];
	_ =	sdelay $0x3  }
0x98: {  	_ =	strace s18  }
0x99: {  	s4 =	sld [smem:$0x3FFC];
	_ =	sdelay $0x3  }
0x9a: {  	_ =	strace s4  }
0x9b: {  	s4 =	sld [smem:$0x3FFD];
	_ =	sdelay $0x3  }
0x9c: {  	_ =	strace s4  }
0x9d: {  	_ =	strace $0x8FFFFFFF  }
0x9e: {  	s19 =	sld [smem:$0x3FDB];
	_ =	sdelay $0x1  }
0x9f: {  	s5 =	simm.s32 $_scs_section_size  }
0xa0: {  	s6 =	simm.s32 $_size__tile_overlayer_lowered;
	s7 =	simm.s32 $_tile_overlayer_lowered  }
0xa1: {  	s22 =	simm.s32 $0x1BFF;
	s21 =	sshll.u32 s7, $0x1;
	s4 =	sadd.s32 s5, s19  }
0xa2: {  	s8 =	simm.s32 $0x0;
	s20 =	sshll.u32 s6, $0x1;
	s6 =	sadd.s32 s21, s4  }
0xa3: {  	[timem:s8], [sflag:s22] =	dma.local [hbm:s6], s20  }
0xa4: {  	_ =	swait.ge [sflag:s22], s20  }
0xa5: {  	s5 =	ssub.s32 $0x0, s20;
	[sflag:s22] =	ssyncset.done $0x0  }
0xa6: {  	[sflag:s22] =	ssyncadd.s32 s5;
	_ =	sdelay $0x1  }
0xa7: {  	s23 =	simm.s32 $0x1B8B  }
0xa8: {  	_ =	swait.ge [sflag:s23], $0x1  }
0xa9: {  	[sflag:s23] =	ssyncset.done $0x0  }
0xaa: {  	s25 =	simm.s32 $0x1B8E;
	s24 =	sld [smem:$0x3FFE];
	[sflag:s23] =	ssyncadd.s32 $0xFFFFFFFF  }
0xab: {  	s26 =	simm.s32 $execute0_lowered;
	[smem:$0x3FD2] =	sst s25  }
0xac: {  	s6 =	sshll.u32 s26, $0x1;
	_ =	strace $0x80000055;
	[dreg:$0x1] =	wrdreg $0xFFFFFFFF  }
0xad: {  	s28 =	simm.s32 $_size_execute0_lowered;
	s4 =	sadd.s32 s4, s6;
	[dreg:$0x0] =	wrdreg $0x0  }
0xae: {  	s6 =	sshll.u32 s28, $0x1;
	[dreg:$0x2] =	wrdreg s4  }
0xaf: {  	[dreg:$0x3] =	wrdreg s6  }
0xb0: {  	[dreg:$0x4] =	wrdreg $0xC0  }
0xb1: {  	_ =	task [dreg:s8], $0x5FFFF  }
0xb2: {  	[dreg:$0x1] =	wrdreg $0xFFFFFFFF  }
0xb3: {  	[dreg:$0x0] =	wrdreg $0x60  }
0xb4: {  	[dreg:$0x2] =	wrdreg s24  }
0xb5: {  	[dreg:$0x3] =	wrdreg s16  }
0xb6: {  	[dreg:$0x4] =	wrdreg s17  }
0xb7: {  	[dreg:$0x5] =	wrdreg $0x1DC800  }
0xb8: {  	[dreg:$0x6] =	wrdreg $0x1EC880  }
0xb9: {  	[dreg:$0x7] =	wrdreg $0x9  }
0xba: {  	_ =	task.clear_ibuf [dreg:s8], $0x8FFFF;
	_ =	strace $0x90000055  }
0xbb: {  	s29 =	simm.s32 $0x9;
	_ =	strace $0x80000057  }
0xbc: {  	_ =	swait.ge [sflag:s29], $0x1  }
0xbd: {  	[sflag:s29] =	ssyncadd.s32 $0xFFFFFFFF  }
0xbe: {  	_ =	strace $0x90000057  }
0xbf: {  	_ =	sfence  }
0xc0: {  	s30 =	sld [smem:$0x0];
	_ =	sdelay $0x2  }
0xc1: {  	s31 =	sshll.u32 s1, $0xD;
	s1 =	sshrl.u32 s1, $0x2  }
0xc2: {  	s3 =	sand.u32 $0x4000, s31;
	s1 =	sadd.s32 s1, s30  }
0xc3: {  	s0 =	sor.u32 s3, s0;
	s1 =	sshll.u32 s1, $0x11  }
0xc4: {  	s0 =	sor.u32 s1, s0  }
0xc5: {  	s0 =	sadd.s32 $0x8F2B, s0  }
0xc6: {  	[sflag:s0] =	ssyncadd.remote.s32 $0x1  }
0xc7: {  	_ =	sfence.sel $0xFFFF  }
0xc8: {  	[dreg:$0x0] =	wrdreg $0xFFFFFFFF;
	(pc) =	sbr.abs _section_cstart, $3  }
0xc9: {  	[dreg:$0x1] =	wrdreg $0xFFFFFFFF  }
0xca: {  	_ =	task.clear_ibuf [dreg:s8], $0x2FFFF;
	_ =	strace $0x9FFFFFFF  }
0xcb: {  	(tm) =	ssettm $0x7FFFFFFF  }
tec
execute0_lowered:
.L_overlay_start_1:
0x0: {  	(tag) =	ssettag $0x1  }
0x1: {  	s1 =	rddreg [dreg:$0x0]  }
0x2: {  	s0 =	rddreg [dreg:$0x2]  }
0x3: {  	s3 =	rddreg [dreg:$0x3];
	s5 =	simm.s32 $0x0  }
0x4: {  	[smem:$0x7FF] =	sst s5  }
0x5: {  	s4 =	rddreg [dreg:$0x4];
	v0 =	vimm.s32 $0x0;
	_ =	strace $0x80000056  }
0x6: {  	(xrf1) =	vunique.msk.u32 $0xffff, v0;
	_ =	sdelay $0xd  }
0x7: {  	_, v0, _ =	vpop (xrf1)  }
0x8: {  	v0 =	vxor.u32 $0x80000000, v0  }
0x9: {  	(xrf0) =	vmin.scan.msk.u32 $0xffff, v0;
	_ =	sdelay $0x5  }
0xa: {  	v0, _, _ =	vpop (xrf0)  }
0xb: {  	(v2sf) =	vpush v0, $0xF;
	_ =	sdelay $0x7  }
0xc: {  	s6 =	stileid.u32;
	s7 =	srdreg.scid;
	s14 =	simm.s32 $0x2  }
0xd: {  	s16 =	simm.s32 $0x80;
	s18 =	simm.s32 $0x1D400;
	s20 =	simm.s32 $0x1  }
0xe: {  	s23 =	simm.s32 $0x0;
	s2 =	smul.u32 $0x1200, s6;
	s12 =	sand.u32 $0x1, s7  }
0xf: {  	s7 =	sshll.u32 s6, $0xC;
	s8 =	sshll.u32 s6, $0x8;
	s9 =	ssub.s32 $0x2, s12  }
0x10: {  	s10 =	sor.u32 s8, s7;
	s8 =	sadd.s32 $0x12000, s1;
	s12 =	sshll.u32 s12, $0x12  }
0x11: {  	s31 =	sadd.s32 s7, s3;
	s15 =	sadd.s32 s7, s4;
	s2 =	sadd.s32 s2, s1  }
0x12: {  	s11 =	sshrl.u32 s9, $0x1;
	s10 =	sand.u32 $0xC300, s10;
	s21 =	sshrl.u32 s31, $0x3  }
0x13: {  	s22 =	sshrl.u32 s15, $0x3;
	s29 =	sshrl.u32 s10, $0x3;
	s30 =	spop (v2sf)  }
0x14: {  	s13 =	ssub.s32 s9, s11;
	s11 =	sadd.s32 s0, s29;
	s0 =	sxor.u32 $0x80000000, s30  }
0x15: {  	s9 =	sadd.s32 $0x24000, s2;
	s10 =	sadd.s32 $0x36000, s2;
	s13 =	smax.u32 s13, $0x1;
	v0 =	vmov s0  }
.LBB2_1:
0x16: {  	[tilespmem:s5], [sflag:$0x2] =	stream.linear.gather [hbm4b:s9+s5], $0x9000, $0x38;
	[tilespmem:$0x1FC90] =	vst v63  }
0x17: {  	_ =	swait.ge [sflag:s14], $0x9000  }
0x18: {  	[sflag:s14] =	ssyncset.done $0x0  }
0x19: {  	s0 =	simm.s32 $0x9000;
	[sflag:s14] =	ssyncadd.s32 $0xFFFF7000  }
0x1a: {  	[tilespmem:s0], [sflag:$0x2] =	stream.linear.gather [hbm4b:s10+s5], $0x9000, $0x38;
	[tilespmem:$0x1FC90] =	vst v63  }
0x1b: {  	_ =	swait.ge [sflag:s14], $0x9000  }
0x1c: {  	[sflag:s14] =	ssyncset.done $0x0  }
0x1d: {  	s29 =	simm.s32 $0x400;
	[sflag:s14] =	ssyncadd.s32 $0xFFFF7000  }
0x1e: {  	[tilespmem:s18], [sflag:$0x2] =	stream.strided.gather [hbm4b:s11+s16], $0x800, s29, s16, $0x38;
	[tilespmem:$0x1FC90] =	vst v63  }
0x1f: {  	_ =	swait.ge [sflag:s14], $0x800  }
0x20: {  	[sflag:s14] =	ssyncset.done $0x0  }
0x21: {  	[sflag:s14] =	ssyncadd.s32 $0xFFFFF800  }
0x22: {  	s2 =	simm.s32 $0x1DC00;
	s30 =	rddreg [dreg:$0x1]  }
0x23: {  	[tilespmem:s2], [sflag:$0x2] =	stream.linear.gather [hbm4b:s30+s5], $0x80, $0x38;
	[tilespmem:$0x1FC90] =	vst v63  }
0x24: {  	_ =	swait.ge [sflag:s14], $0x80  }
0x25: {  	[sflag:s14] =	ssyncset.done $0x0  }
0x26: {  	[sflag:s14] =	ssyncadd.s32 $0xFFFFFF80  }
0x27: {  	v2 =	vld [tilespmem:$0x1DC00];
	_ =	sdelay $0x3  }
0x28: {  	s31 =	simm.s32 $0x0  }
0x29: {  	s26 =	simm.s32 $0x10;
	s24 =	simm.s32 $0x0;
	s25 =	simm.s32 $0x0;
	v3 =	vld [tilespmem:s31+$0x0];
	v1 =	vbroadcast v2, $0x0;
	v2 =	vbroadcast v2, $0x1  }
.LBB2_2:
0x2a: {  	p0 =	sne.s32 s26, $0x8FF0;
	_ =	sdelay $0x3  }
0x2b: {  	v3 =	vshrl.u32 v3, v1  }
0x2c: {  	v3 =	vand.u32 v2, v3  }
0x2d: {  	(xrf1) =	vunique.msk.u32 $0xffff, v3;
	_ =	sdelay $0xd  }
0x2e: {  	v4 =	vld.idx.msk [tilespmem:v3+s18+$0x0], $0xffff;
	_, v5, vm0 =	vpop (xrf1);
	_ =	sdelay $0x3  }
.Ltmp0:
0x2f: {  	s0 =	sand.u32 $0x3FE00, s24;
	v5 =	vsub.s32 v5, v0;
	(pc) =	sbr.rel @p0 .LBB2_2-.Ltmp0, $4  }
0x30: {  	s2 =	sand.u32 $0x70, s25;
	s25 =	smov.u32 s26;
	s0 =	sshrl.u32 s0, $0x2;
	v6 =	vadd.s32 $0x1, v5  }
0x31: {  	s24 =	sadd.s32 $0x40, s24;
	s0 =	sor.u32 s2, s0;
	v4 =	vadd.s32 v4, v5;
	[tilespmem:v3+s18+$0x0] =	vst.idx.add.s32.msk vm0, v6  }
0x32: {  	s2 =	sshra.s32 s24, $0x2;
	[tilespmem:s0+$0x12000] =	vst v4  }
0x33: {  	s26 =	sadd.s32 $0x10, s26;
	v3 =	vld [tilespmem:s2+$0x0]  }
0x34: {  	_ =	sdelay $0x3  }
0x35: {  	v1 =	vshrl.u32 v3, v1  }
0x36: {  	v1 =	vand.u32 v2, v1  }
0x37: {  	(xrf1) =	vunique.msk.u32 $0xffff, v1;
	_ =	sdelay $0xd  }
0x38: {  	_, v2, vm0 =	vpop (xrf1)  }
0x39: {  	v3 =	vld.idx.msk [tilespmem:v1+s18+$0x0], $0xffff;
	_ =	sdelay $0x2  }
0x3a: {  	s0 =	sand.u32 $0x3FE00, s24;
	v2 =	vsub.s32 v2, v0  }
0x3b: {  	s2 =	sand.u32 $0x70, s25;
	s0 =	sshrl.u32 s0, $0x2;
	v4 =	vadd.s32 $0x1, v2  }
0x3c: {  	s0 =	sor.u32 s2, s0;
	v2 =	vadd.s32 v3, v2;
	[tilespmem:v1+s18+$0x0] =	vst.idx.add.s32.msk vm0, v4  }
0x3d: {  	s24 =	simm.s32 $0x0;
	[tilespmem:s0+$0x12000] =	vst v2  }
.LBB2_4:
0x3e: {  	s0 =	sshll.u32 s24, $0x10  }
0x3f: {  	s25 =	sadd.s32 s12, s0  }
0x40: {  	s26 =	simm.s32 $0x9000;
	s28 =	simm.s32 $0x0;
	s29 =	simm.s32 $0x0;
	v1 =	vmov s25  }
.LBB2_5:
0x41: {  	s0 =	smul.u32 $0x48, s29;
	_ =	sdelay $0x1  }
0x42: {  	s2 =	sadd.s32 $0x0, s0  }
0x43: {  	s17 =	simm.s32 $0x0;
	s2 =	sshll.u32 s2, $0x7  }
0x44: {  	s31 =	sand.u32 $0x70, s17;
	s2 =	sand.u32 $0x3FFFFF80, s2  }
0x45: {  	s2 =	sor.u32 s31, s2  }
0x46: {  	v2 =	vld [tilespmem:s2+$0x12000];
	_ =	sdelay $0x2  }
0x47: {  	s30 =	simm.s32 $0x1  }
0x48: {  	s19 =	simm.s32 $0x0;
	s15 =	simm.s32 $0x2;
	s2 =	simm.s32 $0x0  }
.LBB2_6:
0x49: {  	p0 =	sne.s32 s15, $0x23F;
	s19 =	sadd.s32 s0, s19;
	v3 =	vsub.s32 v2, v1;
	v2 =	vand.u32 $0x1F, v2;
	s17 =	sshll.u32 s17, $0x4  }
0x4a: {  	s2 =	sadd.s32 $0x10, s2;
	s19 =	sshll.u32 s19, $0x7;
	vm0 =	vlt.u32 v3, $0x10000;
	v2 =	vor.u32 $0x10000, v2;
	s17 =	sand.u32 $0x3FFFFF80, s17  }
0x4b: {  	s19 =	sand.u32 $0x3FFFFF80, s19;
	v2 =	vsel vm0, v3, v2;
	s17 =	sor.u32 s31, s17;
	s31 =	sand.u32 $0x70, s2  }
0x4c: {  	s19 =	sor.u32 s31, s19;
	[tilespmem:s17+$0x1B000] =	vst v2;
	s17 =	smov.u32 s30;
	s30 =	smov.u32 s15  }
.Ltmp1:
0x4d: {  	v2 =	vld [tilespmem:s19+$0x12000];
	(pc) =	sbr.rel @p0 .LBB2_6-.Ltmp1, $2  }
0x4e: {  	_ =	sdelay $0x2  }
0x4f: {  	s15 =	sadd.s32 $0x1, s15;
	s19 =	sshrl.u32 s30, $0x3  }
0x50: {  	s0 =	sadd.s32 s0, s19;
	v3 =	vsub.s32 v2, v1;
	v2 =	vand.u32 $0x1F, v2;
	s15 =	sshll.u32 s17, $0x4  }
0x51: {  	s2 =	sadd.s32 $0x10, s2;
	s0 =	sshll.u32 s0, $0x7;
	vm0 =	vlt.u32 v3, $0x10000;
	v2 =	vor.u32 $0x10000, v2;
	s15 =	sand.u32 $0x3FFFFF80, s15  }
0x52: {  	s2 =	sand.u32 $0x70, s2;
	s0 =	sand.u32 $0x3FFFFF80, s0;
	v2 =	vsel vm0, v3, v2;
	s15 =	sor.u32 s31, s15  }
0x53: {  	s0 =	sor.u32 s2, s0;
	[tilespmem:s15+$0x1B000] =	vst v2  }
0x54: {  	v2 =	vld [tilespmem:s0+$0x12000];
	_ =	sdelay $0x4  }
0x55: {  	s30 =	sshll.u32 s30, $0x4;
	v3 =	vsub.s32 v2, v1;
	v2 =	vand.u32 $0x1F, v2  }
0x56: {  	s0 =	sand.u32 $0x3FFFFF80, s30;
	vm15 =	vlt.u32 v3, $0x10000;
	v2 =	vor.u32 $0x10000, v2  }
0x57: {  	s31 =	sadd.s32 $0x0, s28;
	s0 =	sor.u32 s2, s0;
	v2 =	vsel vm15, v3, v2  }
0x58: {  	s15 =	sadd.s32 $0x0, s26;
	s2 =	simm.s32 $0x1B000;
	[tilespmem:s0+$0x1B000] =	vst v2;
	s0 =	simm.s32 $0x200  }
0x59: {  	[spmem:s3] =	stream.indirect.scatter [tilespmem:s31], [sflag:$0x1], $0x1, s2, s16, $0xb8;
	[tilespmem:$0x1FC90] =	vst v63  }
.LBB2_8:
0x5a: {  	[spmem:s4] =	stream.indirect.scatter [tilespmem:s15], [sflag:$0x1], $0x1, s2, s16, $0xb8;
	[tilespmem:$0x1FC90] =	vst v63  }
0x5b: {  	s2 =	smov.u32 s0;
	p0 =	sne.s32 s0, $0x8E00  }
.Ltmp2:
0x5c: {  	s0 =	sadd.s32 $0x200, s0;
	(pc) =	sbr.rel @p0 .LBB2_8-.Ltmp2, $4  }
0x5d: {  	s15 =	sshra.s32 s2, $0x2  }
0x5e: {  	s17 =	sadd.s32 s15, s28;
	s2 =	sadd.s32 $0x1B000, s15  }
0x5f: {  	[spmem:s3] =	stream.indirect.scatter [tilespmem:s17], [sflag:$0x1], $0x1, s2, s16, $0xb8;
	[tilespmem:$0x1FC90] =	vst v63  }
0x60: {  	s15 =	sadd.s32 s15, s26  }
0x61: {  	[spmem:s4] =	stream.indirect.scatter [tilespmem:s15], [sflag:$0x1], $0x1, s2, s16, $0xb8;
	[tilespmem:$0x1FC90] =	vst v63  }
0x62: {  	s29 =	sadd.s32 $0x1, s29  }
0x63: {  	_ =	swait.ge [sflag:s20], $0x2400;
	p0 =	sne.s32 s29, $0x4  }
.Ltmp3:
0x64: {  	[sflag:s20] =	ssyncset.done $0x0;
	(pc) =	sbr.rel @p0 .LBB2_5-.Ltmp3, $4  }
0x65: {  	[sflag:s20] =	ssyncadd.s32 $0xFFFFDC00  }
0x66: {  	_ =	swait.ge [sflag:s20], $0x2400  }
0x67: {  	[sflag:s20] =	ssyncset.done $0x0  }
0x68: {  	s28 =	sadd.s32 $0x2400, s28;
	s26 =	sadd.s32 $0x2400, s26;
	[sflag:s20] =	ssyncadd.s32 $0xFFFFDC00  }
0x69: {  	s0 =	sor.u32 s7, s25  }
0x6a: {  	s2 =	sshll.u32 s6, $0x6;
	s0 =	sshrl.u32 s0, $0x3  }
0x6b: {  	[bflag:$0x0] =	sbarrier.arrive $0xFFFF;
	s2 =	sor.u32 $0x1C02, s2;
	s15 =	sadd.s32 s1, s0  }
0x6c: {  	[hbm:s15], [sflag:s2] =	dma.local [spmem:s21], $0x200  }
0x6d: {  	_ =	swait.ge [sflag:s14], $0x200  }
0x6e: {  	s24 =	sadd.s32 $0x1, s24;
	[sflag:s14] =	ssyncset.done $0x0  }
0x6f: {  	p0 =	sne.s32 s24, $0x5;
	s0 =	sadd.s32 s8, s0;
	[sflag:s14] =	ssyncadd.s32 $0xFFFFFE00  }
0x70: {  	[hbm:s0], [sflag:s2] =	dma.local [spmem:s22], $0x200  }
.Ltmp4:
0x71: {  	_ =	swait.ge [sflag:s14], $0x200;
	(pc) =	sbr.rel @p0 .LBB2_4-.Ltmp4, $3  }
0x72: {  	[sflag:s14] =	ssyncset.done $0x0  }
0x73: {  	[sflag:s14] =	ssyncadd.s32 $0xFFFFFE00  }
0x74: {  	[bflag:$0x0] =	sbarrier.arrive $0xFFFF;
	_ =	sdelay $0x1  }
0x75: {  	s23 =	sadd.s32 $0x1, s23  }
0x76: {  	p0 =	sne.s32 s23, s13  }
.Ltmp5:
0x77: {  	_ = 	snop;
	(pc) =	sbr.rel @p0 .LBB2_1-.Ltmp5, $1  }
0x78: {  	_ =	sdelay $0x3  }
0x79: {  	_ =	sfence.sel $0x180000  }
0x7a: {  	[bflag:$0x0] =	sbarrier.arrive $0xFFFF  }
0x7b: {  	_ =	strace $0x90000056  }
0x7c: {  	[bflag:$0x2] =	sbarrier.arrive $0xFFFF  }
0x7d: {  	p0 =	sne.s32 s6, $0x0;
	s0 =	rddreg [dreg:$0x5]  }
0x7e: {  	s0 =	sadd.s32 @!p0 $0x100000, s0  }
0x7f: {  	[sflag:s0] =	ssyncadd.tile.s32 @!p0 $0x1;
	_ =	shalt  }
.Lfunc_end2:
_tile_overlayer_lowered:
.L_overlay_start_2:
0x80: {  	(tag) =	ssettag $0x2  }
0x81: {  	s0 =	rddreg [dreg:$0x0];
	s2 =	stileid.u32  }
0x82: {  	s1 =	rddreg [dreg:$0x1];
	p0 =	sne.s32 s2, $0x0  }
0x83: {  	s3 =	rddreg [dreg:$0x2];
	[bflag:$0x3] =	sbarrier.arrive $0xFFFF;
	s2 =	simm.s32 @!p0 $0x1C02  }
0x84: {  	[timem:s3], [sflag:s2] =	dma.local @!p0 [hbm:s0], s1  }
0x85: {  	s0 =	simm.s32 @!p0 $0x2  }
0x86: {  	_ =	swait.ge @!p0 [sflag:s0], s1  }
0x87: {  	s1 =	ssub.s32 @!p0 $0x0, s1;
	[sflag:s0] =	ssyncset.done @!p0 $0x0  }
0x88: {  	[sflag:s0] =	ssyncadd.s32 @!p0 s1  }
0x89: {  	[bflag:$0x3] =	sbarrier.arrive $0xFFFF  }
0x8a: {  	_ =	shalt  }

// kernel: kernel.29.cloned.1.call-start
scs
__scs_entry_jumppad:
0x0: {  	(pc) =	sbr.rel $0x88, $3  }
0x1: {  	(tag) =	ssettag $0x0;
	lr =	simm.s32 $0x1  }
0x2: {  	[smem:$0x3F9F] =	sst lr;
	_ =	strace $0xD0000000  }
0x3: {  	_ = 	snop  }
0x4: {  	_ = 	snop  }
0x5: {  	_ = 	snop  }
0x6: {  	_ = 	snop  }
0x7: {  	_ = 	snop  }
__scs_overlays_trampoline_lowered:
0x8: {  	[smem:$0x3FAE] =	sst s0  }
0x9: {  	[smem:$0x3FAF] =	sst s1  }
0xa: {  	[smem:$0x3FB0] =	sst s2  }
0xb: {  	[smem:$0x3FB1] =	sst s3  }
0xc: {  	[smem:$0x3FB2] =	sst s4  }
0xd: {  	[smem:$0x3FB3] =	sst s5  }
0xe: {  	[smem:$0x3FB4] =	sst s6  }
0xf: {  	[smem:$0x3FB5] =	sst s7  }
0x10: {  	[smem:$0x3FB6] =	sst s8  }
0x11: {  	[smem:$0x3FB7] =	sst s9;
	s0 =	simm.s32 @!p0 $0x0  }
0x12: {  	s1 =	sld [smem:$0x3F9D];
	s0 =	simm.s32 @p0 $0x1  }
0x13: {  	[smem:$0x3FB8] =	sst s0;
	s0 =	simm.s32 @!p1 $0x0  }
0x14: {  	s2 =	sld [smem:$0x3F9C];
	s0 =	simm.s32 @p1 $0x1  }
0x15: {  	[smem:$0x3FB9] =	sst s0;
	s0 =	simm.s32 @!p2 $0x0  }
0x16: {  	s3 =	sld [smem:$0x3FDB];
	s0 =	simm.s32 @p2 $0x1  }
0x17: {  	s4 =	simm.s32 $0x1BF5;
	[smem:$0x3FBB] =	sst s0  }
0x18: {  	s0 =	sld [smem:$0x3F9E];
	_ =	swait.ge [sflag:s4], $0x0  }
0x19: {  	s7 =	sld [smem:$0x3F9F]  }
0x1a: {  	s8 =	sadd.s32 $0xFFFFE003, lr  }
0x1b: {  	s9 =	sadd.s32 $0xFFFFFEF7, lr;
	s5 =	simm.s32 $0xFFFFFFFF;
	p2 =	slt.u32 s8, $0xFFFFF086  }
0x1c: {  	p1 =	slt.u32 s9, $0xF7A;
	s5 =	simm.s32 @!p2 $0x0  }
0x1d: {  	s5 =	simm.s32 @p1 $0x1;
	p0 =	seq.s32 s7, s2  }
0x1e: {  	s7 =	smul.u32 @!p0 $0xF7A, s2;
	p2 =	seq.s32 @!p0 s5, $0x0  }
0x1f: {  	s9 =	smul.u32 $0xF7A, s1;
	s8 =	simm.s32 @!p0 $0x1BF5;
	p2 =	por !p2, p0  }
0x20: {  	[sflag:s8] =	ssyncset.s32 @!p0 $0xFFFFF086;
	s6 =	sadd.s32 @!p0 s3, s7;
	s7 =	simm.s32 @!p0 $0x108  }
0x21: {  	s3 =	sadd.s32 s3, s9;
	s6 =	sadd.s32 @!p0 $0x88, s6;
	s7 =	simm.s32 @p2 $0x1082  }
0x22: {  	[simem:s7], [sflag:s8] =	dma.local @!p0 [hbm:s6], $0xF7A  }
0x23: {  	s9 =	sor.u32 $0xD0000000, s2;
	s6 =	simm.s32 $0x108;
	_ =	swait.ge @!p0 [sflag:s8], $0x0  }
0x24: {  	s3 =	sadd.s32 $0x88, s3;
	s6 =	simm.s32 @!p1 $0x1082;
	[sflag:s4] =	ssyncset.s32 $0xFFFFF086  }
0x25: {  	[simem:s6], [sflag:s4] =	dma.local [hbm:s3], $0xF7A  }
0x26: {  	[smem:$0x3F9F] =	sst s1;
	(tag) =	ssettag s2;
	_ =	strace s9  }
0x27: {  	s1 =	sld [smem:$0x3FAF]  }
0x28: {  	s2 =	sld [smem:$0x3FB0]  }
0x29: {  	s4 =	sld [smem:$0x3FB2]  }
0x2a: {  	p0 =	seq.s32 s5, $0x0;
	s5 =	sld [smem:$0x3FB3]  }
0x2b: {  	s6 =	sld [smem:$0x3FB4]  }
0x2c: {  	s7 =	sld [smem:$0x3FB5]  }
0x2d: {  	s3 =	simm.s32 $0x108;
	s8 =	sld [smem:$0x3FB6]  }
0x2e: {  	s3 =	simm.s32 @!p0 $0x1082;
	s9 =	sld [smem:$0x3FB7]  }
0x2f: {  	lr =	sadd.s32 s0, s3;
	s0 =	sld [smem:$0x3FAE]  }
0x30: {  	s3 =	sld [smem:$0x3FB1]  }
0x31: {  	[smem:$0x3FBA] =	sst s10  }
0x32: {  	s10 =	sld [smem:$0x3FB8];
	_ =	sdelay $0x3  }
0x33: {  	p0 =	seq.s32 s10, $0x1;
	s10 =	sld [smem:$0x3FBA];
	_ =	sdelay $0x3  }
0x34: {  	[smem:$0x3FBA] =	sst s10  }
0x35: {  	s10 =	sld [smem:$0x3FB9];
	_ =	sdelay $0x3  }
0x36: {  	p1 =	seq.s32 s10, $0x1;
	s10 =	sld [smem:$0x3FBA];
	_ =	sdelay $0x3  }
0x37: {  	[smem:$0x3FBA] =	sst s10  }
0x38: {  	s10 =	sld [smem:$0x3FBB]  }
0x39: {  	_ = 	snop;
	(pc) =	sbr.ind lr, $3  }
0x3a: {  	_ = 	snop  }
0x3b: {  	_ = 	snop  }
0x3c: {  	p2 =	seq.s32 s10, $0x1;
	s10 =	sld [smem:$0x3FBA]  }
0x3d: {  	_ =	shalt  }
0x3e: {  	_ =	shalt  }
0x3f: {  	_ =	shalt  }
0x40: {  	_ =	shalt  }
0x41: {  	_ =	shalt  }
0x42: {  	_ =	shalt  }
0x43: {  	_ =	shalt  }
0x44: {  	_ =	shalt  }
0x45: {  	_ =	shalt  }
0x46: {  	_ =	shalt  }
0x47: {  	_ =	shalt  }
0x48: {  	_ =	shalt  }
0x49: {  	_ =	shalt  }
0x4a: {  	_ =	shalt  }
0x4b: {  	_ =	shalt  }
0x4c: {  	_ =	shalt  }
0x4d: {  	_ =	shalt  }
0x4e: {  	_ =	shalt  }
0x4f: {  	_ =	shalt  }
0x50: {  	_ =	shalt  }
0x51: {  	_ =	shalt  }
0x52: {  	_ =	shalt  }
0x53: {  	_ =	shalt  }
0x54: {  	_ =	shalt  }
0x55: {  	_ =	shalt  }
0x56: {  	_ =	shalt  }
0x57: {  	_ =	shalt  }
0x58: {  	_ =	shalt  }
0x59: {  	_ =	shalt  }
0x5a: {  	_ =	shalt  }
0x5b: {  	_ =	shalt  }
0x5c: {  	_ =	shalt  }
0x5d: {  	_ =	shalt  }
0x5e: {  	_ =	shalt  }
0x5f: {  	_ =	shalt  }
0x60: {  	_ =	shalt  }
0x61: {  	_ =	shalt  }
0x62: {  	_ =	shalt  }
0x63: {  	_ =	shalt  }
0x64: {  	_ =	shalt  }
0x65: {  	_ =	shalt  }
0x66: {  	_ =	shalt  }
0x67: {  	_ =	shalt  }
0x68: {  	_ =	shalt  }
0x69: {  	_ =	shalt  }
0x6a: {  	_ =	shalt  }
0x6b: {  	_ =	shalt  }
0x6c: {  	_ =	shalt  }
0x6d: {  	_ =	shalt  }
0x6e: {  	_ =	shalt  }
0x6f: {  	_ =	shalt  }
0x70: {  	_ =	shalt  }
0x71: {  	_ =	shalt  }
0x72: {  	_ =	shalt  }
0x73: {  	_ =	shalt  }
0x74: {  	_ =	shalt  }
0x75: {  	_ =	shalt  }
0x76: {  	_ =	shalt  }
0x77: {  	_ =	shalt  }
0x78: {  	_ =	shalt  }
0x79: {  	_ =	shalt  }
0x7a: {  	_ =	shalt  }
0x7b: {  	_ =	shalt  }
0x7c: {  	_ =	shalt  }
0x7d: {  	_ =	shalt  }
0x7e: {  	_ =	shalt  }
0x7f: {  	_ =	shalt  }
0x80: {  	_ =	shalt  }
0x81: {  	_ =	shalt  }
0x82: {  	_ =	shalt  }
0x83: {  	_ =	shalt  }
0x84: {  	_ =	shalt  }
0x85: {  	_ =	shalt  }
0x86: {  	_ =	shalt  }
0x87: {  	_ =	shalt  }
.Lfunc_end0:
.L_simem_size_0:
called_computation.6_lowered:
.L_overlay_start_0:
0x88: {  	s2 =	sld [smem:$0x3FD9]  }
0x89: {  	s3 =	sld [smem:$0x3FFE];
	_ =	sdelay $0x1  }
0x8a: {  	s1 =	srdreg.scid  }
0x8b: {  	s0 =	sand.u32 $0x1, s1  }
0x8c: {  	s14 =	sshll.u32 s0, $0xA;
	s2 =	sadd.s32 s3, s2  }
0x8d: {  	s2 =	sadd.s32 s2, s14  }
0x8e: {  	[smem:$0x3FC6] =	sst s2  }
0x8f: {  	_ = 	snop  }
0x90: {  	s2 =	sld [smem:$0x3FD0];
	_ =	sdelay $0x2  }
0x91: {  	s15 =	simm.s32 $0xA;
	s4 =	simm.s32 $0x10  }
0x92: {  	[smem:s4], [sflag:s15] =	dma.local [hbm:s2], $0x1  }
0x93: {  	_ =	swait.eq [sflag:s15], $0x1  }
0x94: {  	[sflag:s15] =	ssyncset.done $0x0  }
0x95: {  	[sflag:s15] =	ssyncadd.s32 $0xFFFFFFFF  }
0x96: {  	s16 =	sld [smem:$0x11];
	(tm) =	ssettm $0x1  }
0x97: {  	s17 =	sld [smem:$0x3FFB];
	_ =	sdelay $0x3  }
0x98: {  	_ =	strace s17  }
0x99: {  	s3 =	sld [smem:$0x3FFC];
	_ =	sdelay $0x3  }
0x9a: {  	_ =	strace s3  }
0x9b: {  	s3 =	sld [smem:$0x3FFD];
	_ =	sdelay $0x3  }
0x9c: {  	_ =	strace s3  }
0x9d: {  	_ =	strace $0x8FFFFFFF  }
0x9e: {  	s18 =	sld [smem:$0x3FDB];
	_ =	sdelay $0x1  }
0x9f: {  	s19 =	simm.s32 $_scs_section_size  }
0xa0: {  	s5 =	simm.s32 $_size__tile_overlayer_lowered;
	s6 =	simm.s32 $_tile_overlayer_lowered  }
0xa1: {  	s22 =	simm.s32 $0x1BFF;
	s21 =	sshll.u32 s6, $0x1;
	s3 =	sadd.s32 s19, s18  }
0xa2: {  	s7 =	simm.s32 $0x0;
	s20 =	sshll.u32 s5, $0x1;
	s5 =	sadd.s32 s21, s3  }
0xa3: {  	[timem:s7], [sflag:s22] =	dma.local [hbm:s5], s20  }
0xa4: {  	_ =	swait.ge [sflag:s22], s20  }
0xa5: {  	s4 =	ssub.s32 $0x0, s20;
	[sflag:s22] =	ssyncset.done $0x0  }
0xa6: {  	[sflag:s22] =	ssyncadd.s32 s4;
	_ =	sdelay $0x1  }
0xa7: {  	s23 =	simm.s32 $0x1B8B  }
0xa8: {  	_ =	swait.ge [sflag:s23], $0x1  }
0xa9: {  	[sflag:s23] =	ssyncset.done $0x0  }
0xaa: {  	s25 =	simm.s32 $0x1B8E;
	s24 =	sld [smem:$0x3FFE];
	[sflag:s23] =	ssyncadd.s32 $0xFFFFFFFF  }
0xab: {  	s26 =	simm.s32 $execute0_lowered;
	[smem:$0x3FD2] =	sst s25  }
0xac: {  	s5 =	sshll.u32 s26, $0x1;
	_ =	strace $0x80000058;
	[dreg:$0x1] =	wrdreg $0xFFFFFFFF  }
0xad: {  	s28 =	simm.s32 $_size_execute0_lowered;
	s3 =	sadd.s32 s3, s5;
	[dreg:$0x0] =	wrdreg $0x0  }
0xae: {  	s5 =	sshll.u32 s28, $0x1;
	[dreg:$0x2] =	wrdreg s3  }
0xaf: {  	[dreg:$0x3] =	wrdreg s5  }
0xb0: {  	[dreg:$0x4] =	wrdreg $0xC0  }
0xb1: {  	_ =	task [dreg:s7], $0x5FFFF  }
0xb2: {  	[dreg:$0x1] =	wrdreg $0xFFFFFFFF  }
0xb3: {  	[dreg:$0x0] =	wrdreg $0x60  }
0xb4: {  	[dreg:$0x2] =	wrdreg s24  }
0xb5: {  	[dreg:$0x3] =	wrdreg s16  }
0xb6: {  	[dreg:$0x4] =	wrdreg $0x9  }
0xb7: {  	_ =	task.clear_ibuf [dreg:s7], $0x5FFFF;
	_ =	strace $0x90000058  }
0xb8: {  	s29 =	simm.s32 $0x9;
	_ =	strace $0x8000005A  }
0xb9: {  	_ =	swait.ge [sflag:s29], $0x1  }
0xba: {  	[sflag:s29] =	ssyncadd.s32 $0xFFFFFFFF  }
0xbb: {  	_ =	strace $0x9000005A  }
0xbc: {  	_ =	sfence  }
0xbd: {  	s30 =	sld [smem:$0x0];
	_ =	sdelay $0x2  }
0xbe: {  	s31 =	sshll.u32 s1, $0xD;
	s1 =	sshrl.u32 s1, $0x2  }
0xbf: {  	s3 =	sand.u32 $0x4000, s31;
	s1 =	sadd.s32 s1, s30  }
0xc0: {  	s0 =	sor.u32 s3, s0;
	s1 =	sshll.u32 s1, $0x11  }
0xc1: {  	s0 =	sor.u32 s1, s0  }
0xc2: {  	s0 =	sadd.s32 $0x8F2B, s0  }
0xc3: {  	[sflag:s0] =	ssyncadd.remote.s32 $0x1  }
0xc4: {  	_ =	sfence.sel $0xFFFF  }
0xc5: {  	[dreg:$0x0] =	wrdreg $0xFFFFFFFF;
	(pc) =	sbr.abs _section_cstart, $3  }
0xc6: {  	[dreg:$0x1] =	wrdreg $0xFFFFFFFF  }
0xc7: {  	_ =	task.clear_ibuf [dreg:s7], $0x2FFFF;
	_ =	strace $0x9FFFFFFF  }
0xc8: {  	(tm) =	ssettm $0x7FFFFFFF  }
0xc9: {  	_ =	shalt  }
tec
execute0_lowered:
.L_overlay_start_1:
0x0: {  	(tag) =	ssettag $0x1  }
0x1: {  	s4 =	rddreg [dreg:$0x0]  }
0x2: {  	s5 =	rddreg [dreg:$0x1]  }
0x3: {  	s0 =	rddreg [dreg:$0x2]  }
0x4: {  	s2 =	simm.s32 $0x0;
	s3 =	srdreg.scid;
	s1 =	stileid.u32  }
0x5: {  	s11 =	simm.s32 $0x4800;
	s12 =	simm.s32 $0x0;
	[smem:$0x7FF] =	sst s2  }
0x6: {  	s6 =	sand.u32 $0x1, s3;
	s3 =	sadd.s32 $0x24000, s4;
	s8 =	sshll.u32 s1, $0x1  }
0x7: {  	s31 =	sshll.u32 s1, $0x9;
	_ =	strace $0x80000059;
	s7 =	ssub.s32 $0x2, s6  }
0x8: {  	s6 =	sor.u32 s6, s8;
	s8 =	sand.u32 $0x1800, s31;
	s9 =	sshrl.u32 s7, $0x1  }
0x9: {  	s10 =	smul.u32 $0x900, s6;
	s6 =	sshll.u32 s6, $0x4;
	s5 =	sadd.s32 s5, s8  }
0xa: {  	s8 =	simm.s32 $0x1;
	s7 =	ssub.s32 s7, s9;
	s6 =	sand.u32 $0x70, s6  }
0xb: {  	v1 =	vlaneseq.u32;
	s9 =	simm.s32 $0x80;
	s4 =	sadd.s32 s4, s10;
	s5 =	sadd.s32 s6, s5  }
0xc: {  	v0 =	vimm.s32 $0x0;
	v2 =	vimm.s32 $0x1;
	v1 =	vmul.u32 $0x800, v1;
	s6 =	smax.u32 s7, $0x1;
	s7 =	simm.s32 $0xC800;
	s10 =	simm.s32 $0x400  }
.LBB2_1:
0xd: {  	[tilespmem:s7], [sflag:$0x1] =	stream.linear.gather [hbm4b:s3+s2], $0x80, $0x38;
	[tilespmem:$0xC880] =	vst v63  }
0xe: {  	_ =	swait.ge [sflag:s8], $0x80  }
0xf: {  	[sflag:s8] =	ssyncset.done $0x0  }
0x10: {  	[sflag:s8] =	ssyncadd.s32 $0xFFFFFF80  }
0x11: {  	s13 =	simm.s32 $0x40;
	s14 =	simm.s32 $0x0;
	v4 =	vld [tilespmem:$0xC800]  }
.LBB2_2:
0x12: {  	p0 =	sne.s32 s13, $0x1FFC0;
	[tilespmem:s14+$0x4800] =	vst v0;
	s14 =	smov.u32 s13;
	s13 =	sadd.s32 $0x40, s13  }
.Ltmp0:
0x13: {  	(pc) =	sbr.rel @p0 .LBB2_2-.Ltmp0, $2  }
0x14: {  	_ =	sdelay $0x2  }
0x15: {  	s14 =	sshra.s32 s14, $0x2  }
0x16: {  	[tilespmem:s14+$0x4800] =	vst v0;
	s14 =	simm.s32 $0x0  }
0x17: {  	[tilespmem:s14], [sflag:$0x1] =	stream.linear.gather [hbm4b:s4+s14], $0x4800, $0x38;
	[tilespmem:$0xC880] =	vst v63  }
0x18: {  	_ =	swait.ge [sflag:s8], $0x4800  }
0x19: {  	[sflag:s8] =	ssyncset.done $0x0  }
0x1a: {  	v3 =	vbroadcast v4, $0x0;
	v4 =	vbroadcast v4, $0x1;
	s16 =	simm.s32 $0x0;
	s15 =	simm.s32 $0x40;
	[sflag:s8] =	ssyncadd.s32 $0xFFFFB800  }
.LBB2_4:
0x1b: {  	p0 =	sne.s32 s15, $0x11FC0;
	v5 =	vld [tilespmem:s16+$0x0];
	_ =	sdelay $0x4  }
0x1c: {  	v5 =	vshrl.u32 v5, v3  }
0x1d: {  	v5 =	vand.u32 v4, v5  }
0x1e: {  	v5 =	vadd.s32 v1, v5  }
.Ltmp1:
0x1f: {  	(pc) =	sbr.rel @p0 .LBB2_4-.Ltmp1, $3  }
0x20: {  	_ =	sdelay $0x1  }
0x21: {  	s13 =	simm.s32 $0x4800  }
0x22: {  	s16 =	sshra.s32 s15, $0x2;
	s15 =	sadd.s32 $0x40, s15;
	[tilespmem:v5+s13+$0x0] =	vst.idx.add.s32.msk $0xffff, v2  }
0x23: {  	v5 =	vld [tilespmem:s16+$0x0];
	_ =	sdelay $0x4  }
0x24: {  	v3 =	vshrl.u32 v5, v3  }
0x25: {  	v3 =	vand.u32 v4, v3  }
0x26: {  	v3 =	vadd.s32 v1, v3;
	_ =	sdelay $0x4  }
0x27: {  	s14 =	sand.u32 $0x7F0, s14;
	[tilespmem:v3+s13+$0x0] =	vst.idx.add.s32.msk $0xffff, v2  }
0x28: {  	s15 =	simm.s32 $0x10;
	v3 =	vld [tilespmem:s14+$0x5000]  }
.LBB2_6:
0x29: {  	p0 =	sne.s32 s15, $0x7F0;
	v4 =	vld [tilespmem:s13+$0x0]  }
0x2a: {  	v5 =	vld [tilespmem:s14+$0x5800]  }
0x2b: {  	v6 =	vld [tilespmem:s14+$0x6000]  }
0x2c: {  	v7 =	vld [tilespmem:s14+$0x6800]  }
0x2d: {  	v8 =	vld [tilespmem:s14+$0x7000]  }
0x2e: {  	v3 =	vadd.s32 v4, v3;
	v4 =	vld [tilespmem:s14+$0x7800]  }
0x2f: {  	v3 =	vadd.s32 v5, v3;
	v5 =	vld [tilespmem:s14+$0x8000]  }
0x30: {  	v3 =	vadd.s32 v6, v3;
	v6 =	vld [tilespmem:s14+$0x8800]  }
0x31: {  	v3 =	vadd.s32 v7, v3;
	v7 =	vld [tilespmem:s14+$0x9000]  }
0x32: {  	v3 =	vadd.s32 v8, v3;
	v8 =	vld [tilespmem:s14+$0x9800]  }
0x33: {  	v3 =	vadd.s32 v4, v3;
	v4 =	vld [tilespmem:s14+$0xA000]  }
0x34: {  	v3 =	vadd.s32 v5, v3;
	v5 =	vld [tilespmem:s14+$0xA800]  }
0x35: {  	v3 =	vadd.s32 v6, v3;
	v6 =	vld [tilespmem:s14+$0xB000]  }
0x36: {  	v3 =	vadd.s32 v7, v3;
	v7 =	vld [tilespmem:s14+$0xB800]  }
0x37: {  	v3 =	vadd.s32 v8, v3;
	v8 =	vld [tilespmem:s14+$0xC000]  }
0x38: {  	v3 =	vadd.s32 v4, v3  }
0x39: {  	v3 =	vadd.s32 v5, v3  }
.Ltmp2:
0x3a: {  	v3 =	vadd.s32 v6, v3;
	(pc) =	sbr.rel @p0 .LBB2_6-.Ltmp2, $4  }
0x3b: {  	v3 =	vadd.s32 v7, v3  }
0x3c: {  	v3 =	vadd.s32 v8, v3  }
0x3d: {  	s14 =	sand.u32 $0x7F0, s15;
	[tilespmem:s13+$0x0] =	vst v3  }
0x3e: {  	s15 =	sadd.s32 $0x10, s15;
	s13 =	sadd.s32 $0x10, s13;
	v3 =	vld [tilespmem:s14+$0x5000]  }
0x3f: {  	v4 =	vld [tilespmem:s13+$0x0]  }
0x40: {  	v5 =	vld [tilespmem:s14+$0x5800]  }
0x41: {  	v6 =	vld [tilespmem:s14+$0x6000]  }
0x42: {  	v7 =	vld [tilespmem:s14+$0x6800]  }
0x43: {  	v8 =	vld [tilespmem:s14+$0x7000]  }
0x44: {  	v54 =	vld [tilespmem:s14+$0x7800];
	v3 =	vadd.s32 v4, v3  }
0x45: {  	v55 =	vld [tilespmem:s14+$0x8000];
	v3 =	vadd.s32 v5, v3  }
0x46: {  	v56 =	vld [tilespmem:s14+$0x8800];
	v3 =	vadd.s32 v6, v3  }
0x47: {  	v57 =	vld [tilespmem:s14+$0x9000];
	v3 =	vadd.s32 v7, v3  }
0x48: {  	v58 =	vld [tilespmem:s14+$0x9800];
	v3 =	vadd.s32 v8, v3  }
0x49: {  	v59 =	vld [tilespmem:s14+$0xA000];
	v3 =	vadd.s32 v54, v3  }
0x4a: {  	v60 =	vld [tilespmem:s14+$0xA800];
	v3 =	vadd.s32 v55, v3  }
0x4b: {  	v61 =	vld [tilespmem:s14+$0xB000];
	v3 =	vadd.s32 v56, v3  }
0x4c: {  	v62 =	vld [tilespmem:s14+$0xB800];
	v3 =	vadd.s32 v57, v3  }
0x4d: {  	v63 =	vld [tilespmem:s14+$0xC000];
	v3 =	vadd.s32 v58, v3  }
0x4e: {  	v3 =	vadd.s32 v59, v3  }
0x4f: {  	v3 =	vadd.s32 v60, v3  }
0x50: {  	v3 =	vadd.s32 v61, v3  }
0x51: {  	s12 =	sadd.s32 $0x1, s12;
	v3 =	vadd.s32 v62, v3  }
0x52: {  	p0 =	sne.s32 s12, s6;
	v3 =	vadd.s32 v63, v3  }
.Ltmp3:
0x53: {  	[tilespmem:s13+$0x0] =	vst v3;
	(pc) =	sbr.rel @p0 .LBB2_1-.Ltmp3, $4  }
0x54: {  	[hbm4b:s5+s9] =	stream.strided.scatter [tilespmem:s11], [sflag:$0x1], $0x800, s10, s9, $0x38;
	[tilespmem:$0xC880] =	vst v63  }
0x55: {  	_ =	swait.ge [sflag:s8], $0x800  }
0x56: {  	[sflag:s8] =	ssyncset.done $0x0  }
0x57: {  	[sflag:s8] =	ssyncadd.s32 $0xFFFFF800  }
0x58: {  	_ =	sfence.sel $0x180000  }
0x59: {  	[bflag:$0x0] =	sbarrier.arrive $0xFFFF  }
0x5a: {  	p0 =	sne.s32 s1, $0x0;
	_ =	strace $0x90000059  }
0x5b: {  	s0 =	sadd.s32 @!p0 $0x100000, s0;
	[bflag:$0x2] =	sbarrier.arrive $0xFFFF  }
0x5c: {  	[sflag:s0] =	ssyncadd.tile.s32 @!p0 $0x1;
	_ =	shalt  }
.Lfunc_end2:
_tile_overlayer_lowered:
.L_overlay_start_2:
0x5d: {  	(tag) =	ssettag $0x2  }
0x5e: {  	s0 =	rddreg [dreg:$0x0];
	s2 =	stileid.u32  }
0x5f: {  	s1 =	rddreg [dreg:$0x1];
	p0 =	sne.s32 s2, $0x0  }
0x60: {  	s3 =	rddreg [dreg:$0x2];
	[bflag:$0x3] =	sbarrier.arrive $0xFFFF;
	s2 =	simm.s32 @!p0 $0x1C01  }
0x61: {  	[timem:s3], [sflag:s2] =	dma.local @!p0 [hbm:s0], s1  }
0x62: {  	s0 =	simm.s32 @!p0 $0x1  }
0x63: {  	_ =	swait.ge @!p0 [sflag:s0], s1  }
0x64: {  	s1 =	ssub.s32 @!p0 $0x0, s1;
	[sflag:s0] =	ssyncset.done @!p0 $0x0  }
0x65: {  	[sflag:s0] =	ssyncadd.s32 @!p0 s1  }
0x66: {  	[bflag:$0x3] =	sbarrier.arrive $0xFFFF  }
0x67: {  	_ =	shalt  }

// kernel: kernel.32.cloned.1.call-start
scs
__scs_entry_jumppad:
0x0: {  	(pc) =	sbr.rel $0x88, $3  }
0x1: {  	(tag) =	ssettag $0x0;
	lr =	simm.s32 $0x1  }
0x2: {  	[smem:$0x3F9F] =	sst lr;
	_ =	strace $0xD0000000  }
0x3: {  	_ = 	snop  }
0x4: {  	_ = 	snop  }
0x5: {  	_ = 	snop  }
0x6: {  	_ = 	snop  }
0x7: {  	_ = 	snop  }
__scs_overlays_trampoline_lowered:
0x8: {  	[smem:$0x3FAE] =	sst s0  }
0x9: {  	[smem:$0x3FAF] =	sst s1  }
0xa: {  	[smem:$0x3FB0] =	sst s2  }
0xb: {  	[smem:$0x3FB1] =	sst s3  }
0xc: {  	[smem:$0x3FB2] =	sst s4  }
0xd: {  	[smem:$0x3FB3] =	sst s5  }
0xe: {  	[smem:$0x3FB4] =	sst s6  }
0xf: {  	[smem:$0x3FB5] =	sst s7  }
0x10: {  	[smem:$0x3FB6] =	sst s8  }
0x11: {  	[smem:$0x3FB7] =	sst s9;
	s0 =	simm.s32 @!p0 $0x0  }
0x12: {  	s1 =	sld [smem:$0x3F9D];
	s0 =	simm.s32 @p0 $0x1  }
0x13: {  	[smem:$0x3FB8] =	sst s0;
	s0 =	simm.s32 @!p1 $0x0  }
0x14: {  	s2 =	sld [smem:$0x3F9C];
	s0 =	simm.s32 @p1 $0x1  }
0x15: {  	[smem:$0x3FB9] =	sst s0;
	s0 =	simm.s32 @!p2 $0x0  }
0x16: {  	s3 =	sld [smem:$0x3FDB];
	s0 =	simm.s32 @p2 $0x1  }
0x17: {  	s4 =	simm.s32 $0x1BF5;
	[smem:$0x3FBB] =	sst s0  }
0x18: {  	s0 =	sld [smem:$0x3F9E];
	_ =	swait.ge [sflag:s4], $0x0  }
0x19: {  	s7 =	sld [smem:$0x3F9F]  }
0x1a: {  	s8 =	sadd.s32 $0xFFFFE003, lr  }
0x1b: {  	s9 =	sadd.s32 $0xFFFFFEF7, lr;
	s5 =	simm.s32 $0xFFFFFFFF;
	p2 =	slt.u32 s8, $0xFFFFF086  }
0x1c: {  	p1 =	slt.u32 s9, $0xF7A;
	s5 =	simm.s32 @!p2 $0x0  }
0x1d: {  	s5 =	simm.s32 @p1 $0x1;
	p0 =	seq.s32 s7, s2  }
0x1e: {  	s7 =	smul.u32 @!p0 $0xF7A, s2;
	p2 =	seq.s32 @!p0 s5, $0x0  }
0x1f: {  	s9 =	smul.u32 $0xF7A, s1;
	s8 =	simm.s32 @!p0 $0x1BF5;
	p2 =	por !p2, p0  }
0x20: {  	[sflag:s8] =	ssyncset.s32 @!p0 $0xFFFFF086;
	s6 =	sadd.s32 @!p0 s3, s7;
	s7 =	simm.s32 @!p0 $0x108  }
0x21: {  	s3 =	sadd.s32 s3, s9;
	s6 =	sadd.s32 @!p0 $0x88, s6;
	s7 =	simm.s32 @p2 $0x1082  }
0x22: {  	[simem:s7], [sflag:s8] =	dma.local @!p0 [hbm:s6], $0xF7A  }
0x23: {  	s9 =	sor.u32 $0xD0000000, s2;
	s6 =	simm.s32 $0x108;
	_ =	swait.ge @!p0 [sflag:s8], $0x0  }
0x24: {  	s3 =	sadd.s32 $0x88, s3;
	s6 =	simm.s32 @!p1 $0x1082;
	[sflag:s4] =	ssyncset.s32 $0xFFFFF086  }
0x25: {  	[simem:s6], [sflag:s4] =	dma.local [hbm:s3], $0xF7A  }
0x26: {  	[smem:$0x3F9F] =	sst s1;
	(tag) =	ssettag s2;
	_ =	strace s9  }
0x27: {  	s1 =	sld [smem:$0x3FAF]  }
0x28: {  	s2 =	sld [smem:$0x3FB0]  }
0x29: {  	s4 =	sld [smem:$0x3FB2]  }
0x2a: {  	p0 =	seq.s32 s5, $0x0;
	s5 =	sld [smem:$0x3FB3]  }
0x2b: {  	s6 =	sld [smem:$0x3FB4]  }
0x2c: {  	s7 =	sld [smem:$0x3FB5]  }
0x2d: {  	s3 =	simm.s32 $0x108;
	s8 =	sld [smem:$0x3FB6]  }
0x2e: {  	s3 =	simm.s32 @!p0 $0x1082;
	s9 =	sld [smem:$0x3FB7]  }
0x2f: {  	lr =	sadd.s32 s0, s3;
	s0 =	sld [smem:$0x3FAE]  }
0x30: {  	s3 =	sld [smem:$0x3FB1]  }
0x31: {  	[smem:$0x3FBA] =	sst s10  }
0x32: {  	s10 =	sld [smem:$0x3FB8];
	_ =	sdelay $0x3  }
0x33: {  	p0 =	seq.s32 s10, $0x1;
	s10 =	sld [smem:$0x3FBA];
	_ =	sdelay $0x3  }
0x34: {  	[smem:$0x3FBA] =	sst s10  }
0x35: {  	s10 =	sld [smem:$0x3FB9];
	_ =	sdelay $0x3  }
0x36: {  	p1 =	seq.s32 s10, $0x1;
	s10 =	sld [smem:$0x3FBA];
	_ =	sdelay $0x3  }
0x37: {  	[smem:$0x3FBA] =	sst s10  }
0x38: {  	s10 =	sld [smem:$0x3FBB]  }
0x39: {  	_ = 	snop;
	(pc) =	sbr.ind lr, $3  }
0x3a: {  	_ = 	snop  }
0x3b: {  	_ = 	snop  }
0x3c: {  	p2 =	seq.s32 s10, $0x1;
	s10 =	sld [smem:$0x3FBA]  }
0x3d: {  	_ =	shalt  }
0x3e: {  	_ =	shalt  }
0x3f: {  	_ =	shalt  }
0x40: {  	_ =	shalt  }
0x41: {  	_ =	shalt  }
0x42: {  	_ =	shalt  }
0x43: {  	_ =	shalt  }
0x44: {  	_ =	shalt  }
0x45: {  	_ =	shalt  }
0x46: {  	_ =	shalt  }
0x47: {  	_ =	shalt  }
0x48: {  	_ =	shalt  }
0x49: {  	_ =	shalt  }
0x4a: {  	_ =	shalt  }
0x4b: {  	_ =	shalt  }
0x4c: {  	_ =	shalt  }
0x4d: {  	_ =	shalt  }
0x4e: {  	_ =	shalt  }
0x4f: {  	_ =	shalt  }
0x50: {  	_ =	shalt  }
0x51: {  	_ =	shalt  }
0x52: {  	_ =	shalt  }
0x53: {  	_ =	shalt  }
0x54: {  	_ =	shalt  }
0x55: {  	_ =	shalt  }
0x56: {  	_ =	shalt  }
0x57: {  	_ =	shalt  }
0x58: {  	_ =	shalt  }
0x59: {  	_ =	shalt  }
0x5a: {  	_ =	shalt  }
0x5b: {  	_ =	shalt  }
0x5c: {  	_ =	shalt  }
0x5d: {  	_ =	shalt  }
0x5e: {  	_ =	shalt  }
0x5f: {  	_ =	shalt  }
0x60: {  	_ =	shalt  }
0x61: {  	_ =	shalt  }
0x62: {  	_ =	shalt  }
0x63: {  	_ =	shalt  }
0x64: {  	_ =	shalt  }
0x65: {  	_ =	shalt  }
0x66: {  	_ =	shalt  }
0x67: {  	_ =	shalt  }
0x68: {  	_ =	shalt  }
0x69: {  	_ =	shalt  }
0x6a: {  	_ =	shalt  }
0x6b: {  	_ =	shalt  }
0x6c: {  	_ =	shalt  }
0x6d: {  	_ =	shalt  }
0x6e: {  	_ =	shalt  }
0x6f: {  	_ =	shalt  }
0x70: {  	_ =	shalt  }
0x71: {  	_ =	shalt  }
0x72: {  	_ =	shalt  }
0x73: {  	_ =	shalt  }
0x74: {  	_ =	shalt  }
0x75: {  	_ =	shalt  }
0x76: {  	_ =	shalt  }
0x77: {  	_ =	shalt  }
0x78: {  	_ =	shalt  }
0x79: {  	_ =	shalt  }
0x7a: {  	_ =	shalt  }
0x7b: {  	_ =	shalt  }
0x7c: {  	_ =	shalt  }
0x7d: {  	_ =	shalt  }
0x7e: {  	_ =	shalt  }
0x7f: {  	_ =	shalt  }
0x80: {  	_ =	shalt  }
0x81: {  	_ =	shalt  }
0x82: {  	_ =	shalt  }
0x83: {  	_ =	shalt  }
0x84: {  	_ =	shalt  }
0x85: {  	_ =	shalt  }
0x86: {  	_ =	shalt  }
0x87: {  	_ =	shalt  }
.Lfunc_end0:
.L_simem_size_0:
called_computation.7_lowered:
.L_overlay_start_0:
0x88: {  	s2 =	sld [smem:$0x3FD9]  }
0x89: {  	s3 =	sld [smem:$0x3FFE];
	_ =	sdelay $0x1  }
0x8a: {  	s1 =	srdreg.scid  }
0x8b: {  	s0 =	sand.u32 $0x1, s1  }
0x8c: {  	s14 =	sshll.u32 s0, $0xA;
	s2 =	sadd.s32 s3, s2  }
0x8d: {  	s2 =	sadd.s32 s2, s14  }
0x8e: {  	[smem:$0x3FC6] =	sst s2  }
0x8f: {  	_ = 	snop  }
0x90: {  	s2 =	sld [smem:$0x3FD0];
	_ =	sdelay $0x2  }
0x91: {  	s15 =	simm.s32 $0xA;
	s4 =	simm.s32 $0x10  }
0x92: {  	[smem:s4], [sflag:s15] =	dma.local [hbm:s2], $0x1  }
0x93: {  	_ =	swait.eq [sflag:s15], $0x1  }
0x94: {  	[sflag:s15] =	ssyncset.done $0x0  }
0x95: {  	s16 =	sld [smem:$0x10];
	[sflag:s15] =	ssyncadd.s32 $0xFFFFFFFF  }
0x96: {  	s17 =	sld [smem:$0x11];
	(tm) =	ssettm $0x1  }
0x97: {  	s18 =	sld [smem:$0x3FFB];
	_ =	sdelay $0x3  }
0x98: {  	_ =	strace s18  }
0x99: {  	s4 =	sld [smem:$0x3FFC];
	_ =	sdelay $0x3  }
0x9a: {  	_ =	strace s4  }
0x9b: {  	s4 =	sld [smem:$0x3FFD];
	_ =	sdelay $0x3  }
0x9c: {  	_ =	strace s4  }
0x9d: {  	_ =	strace $0x8FFFFFFF  }
0x9e: {  	s19 =	sld [smem:$0x3FDB];
	_ =	sdelay $0x1  }
0x9f: {  	s5 =	simm.s32 $_scs_section_size  }
0xa0: {  	s6 =	simm.s32 $_size__tile_overlayer_lowered;
	s7 =	simm.s32 $_tile_overlayer_lowered  }
0xa1: {  	s22 =	simm.s32 $0x1BFF;
	s21 =	sshll.u32 s7, $0x1;
	s4 =	sadd.s32 s5, s19  }
0xa2: {  	s8 =	simm.s32 $0x0;
	s20 =	sshll.u32 s6, $0x1;
	s6 =	sadd.s32 s21, s4  }
0xa3: {  	[timem:s8], [sflag:s22] =	dma.local [hbm:s6], s20  }
0xa4: {  	_ =	swait.ge [sflag:s22], s20  }
0xa5: {  	s5 =	ssub.s32 $0x0, s20;
	[sflag:s22] =	ssyncset.done $0x0  }
0xa6: {  	[sflag:s22] =	ssyncadd.s32 s5;
	_ =	sdelay $0x1  }
0xa7: {  	s23 =	simm.s32 $0x1B8B  }
0xa8: {  	_ =	swait.ge [sflag:s23], $0x1  }
0xa9: {  	[sflag:s23] =	ssyncset.done $0x0  }
0xaa: {  	s25 =	simm.s32 $0x1B8E;
	s24 =	sld [smem:$0x3FFE];
	[sflag:s23] =	ssyncadd.s32 $0xFFFFFFFF  }
0xab: {  	s26 =	simm.s32 $execute0_lowered;
	[smem:$0x3FD2] =	sst s25  }
0xac: {  	s6 =	sshll.u32 s26, $0x1;
	_ =	strace $0x8000005B;
	[dreg:$0x1] =	wrdreg $0xFFFFFFFF  }
0xad: {  	s28 =	simm.s32 $_size_execute0_lowered;
	s4 =	sadd.s32 s4, s6;
	[dreg:$0x0] =	wrdreg $0x0  }
0xae: {  	s6 =	sshll.u32 s28, $0x1;
	[dreg:$0x2] =	wrdreg s4  }
0xaf: {  	[dreg:$0x3] =	wrdreg s6  }
0xb0: {  	[dreg:$0x4] =	wrdreg $0xC0  }
0xb1: {  	_ =	task [dreg:s8], $0x5FFFF  }
0xb2: {  	[dreg:$0x1] =	wrdreg $0xFFFFFFFF  }
0xb3: {  	[dreg:$0x0] =	wrdreg $0x60  }
0xb4: {  	[dreg:$0x2] =	wrdreg s24  }
0xb5: {  	[dreg:$0x3] =	wrdreg s16  }
0xb6: {  	[dreg:$0x4] =	wrdreg s17  }
0xb7: {  	[dreg:$0x5] =	wrdreg $0x1DC800  }
0xb8: {  	[dreg:$0x6] =	wrdreg $0x1EC880  }
0xb9: {  	[dreg:$0x7] =	wrdreg $0x9  }
0xba: {  	_ =	task.clear_ibuf [dreg:s8], $0x8FFFF;
	_ =	strace $0x9000005B  }
0xbb: {  	s29 =	simm.s32 $0x9;
	_ =	strace $0x8000005D  }
0xbc: {  	_ =	swait.ge [sflag:s29], $0x1  }
0xbd: {  	[sflag:s29] =	ssyncadd.s32 $0xFFFFFFFF  }
0xbe: {  	_ =	strace $0x9000005D  }
0xbf: {  	_ =	sfence  }
0xc0: {  	s30 =	sld [smem:$0x0];
	_ =	sdelay $0x2  }
0xc1: {  	s31 =	sshll.u32 s1, $0xD;
	s1 =	sshrl.u32 s1, $0x2  }
0xc2: {  	s3 =	sand.u32 $0x4000, s31;
	s1 =	sadd.s32 s1, s30  }
0xc3: {  	s0 =	sor.u32 s3, s0;
	s1 =	sshll.u32 s1, $0x11  }
0xc4: {  	s0 =	sor.u32 s1, s0  }
0xc5: {  	s0 =	sadd.s32 $0x8F2B, s0  }
0xc6: {  	[sflag:s0] =	ssyncadd.remote.s32 $0x1  }
0xc7: {  	_ =	sfence.sel $0xFFFF  }
0xc8: {  	[dreg:$0x0] =	wrdreg $0xFFFFFFFF;
	(pc) =	sbr.abs _section_cstart, $3  }
0xc9: {  	[dreg:$0x1] =	wrdreg $0xFFFFFFFF  }
0xca: {  	_ =	task.clear_ibuf [dreg:s8], $0x2FFFF;
	_ =	strace $0x9FFFFFFF  }
0xcb: {  	(tm) =	ssettm $0x7FFFFFFF  }
tec
execute0_lowered:
.L_overlay_start_1:
0x0: {  	(tag) =	ssettag $0x1  }
0x1: {  	s0 =	rddreg [dreg:$0x0]  }
0x2: {  	s1 =	rddreg [dreg:$0x2]  }
0x3: {  	s2 =	rddreg [dreg:$0x3];
	s4 =	simm.s32 $0x0  }
0x4: {  	[smem:$0x7FF] =	sst s4  }
0x5: {  	s3 =	rddreg [dreg:$0x4];
	v0 =	vimm.s32 $0x0;
	_ =	strace $0x8000005C  }
0x6: {  	(xrf1) =	vunique.msk.u32 $0xffff, v0;
	_ =	sdelay $0xd  }
0x7: {  	_, v0, _ =	vpop (xrf1)  }
0x8: {  	v0 =	vxor.u32 $0x80000000, v0  }
0x9: {  	(xrf0) =	vmin.scan.msk.u32 $0xffff, v0;
	_ =	sdelay $0x5  }
0xa: {  	v0, _, _ =	vpop (xrf0)  }
0xb: {  	(v2sf) =	vpush v0, $0xF;
	_ =	sdelay $0x7  }
0xc: {  	s7 =	srdreg.scid;
	s5 =	stileid.u32;
	s14 =	simm.s32 $0x2  }
0xd: {  	s16 =	simm.s32 $0x80;
	s18 =	simm.s32 $0x1D400;
	s20 =	simm.s32 $0x1  }
0xe: {  	s23 =	simm.s32 $0x0;
	s6 =	sadd.s32 $0x24000, s0;
	s12 =	sand.u32 $0x1, s7  }
0xf: {  	s7 =	sshll.u32 s5, $0xC;
	s8 =	sshll.u32 s5, $0x8;
	s10 =	smul.u32 $0x1200, s5  }
0x10: {  	s9 =	ssub.s32 $0x2, s12;
	s11 =	sor.u32 s8, s7;
	s8 =	sadd.s32 $0x36000, s0  }
0x11: {  	s12 =	sshll.u32 s12, $0x12;
	s31 =	sadd.s32 s7, s2;
	s15 =	sadd.s32 s7, s3  }
0x12: {  	s13 =	sshrl.u32 s9, $0x1;
	s11 =	sand.u32 $0xC300, s11;
	s21 =	sshrl.u32 s31, $0x3  }
0x13: {  	s22 =	sshrl.u32 s15, $0x3;
	s13 =	ssub.s32 s9, s13;
	s30 =	spop (v2sf)  }
0x14: {  	s9 =	sadd.s32 s0, s10;
	s29 =	sshrl.u32 s11, $0x3;
	s0 =	sxor.u32 $0x80000000, s30  }
0x15: {  	s10 =	sadd.s32 $0x12000, s9;
	s11 =	sadd.s32 s1, s29;
	s13 =	smax.u32 s13, $0x1;
	v0 =	vmov s0  }
.LBB2_1:
0x16: {  	[tilespmem:s4], [sflag:$0x2] =	stream.linear.gather [hbm4b:s9+s4], $0x9000, $0x38;
	[tilespmem:$0x1FC90] =	vst v63  }
0x17: {  	_ =	swait.ge [sflag:s14], $0x9000  }
0x18: {  	[sflag:s14] =	ssyncset.done $0x0  }
0x19: {  	s0 =	simm.s32 $0x9000;
	[sflag:s14] =	ssyncadd.s32 $0xFFFF7000  }
0x1a: {  	[tilespmem:s0], [sflag:$0x2] =	stream.linear.gather [hbm4b:s10+s4], $0x9000, $0x38;
	[tilespmem:$0x1FC90] =	vst v63  }
0x1b: {  	_ =	swait.ge [sflag:s14], $0x9000  }
0x1c: {  	[sflag:s14] =	ssyncset.done $0x0  }
0x1d: {  	s29 =	simm.s32 $0x400;
	[sflag:s14] =	ssyncadd.s32 $0xFFFF7000  }
0x1e: {  	[tilespmem:s18], [sflag:$0x2] =	stream.strided.gather [hbm4b:s11+s16], $0x800, s29, s16, $0x38;
	[tilespmem:$0x1FC90] =	vst v63  }
0x1f: {  	_ =	swait.ge [sflag:s14], $0x800  }
0x20: {  	[sflag:s14] =	ssyncset.done $0x0  }
0x21: {  	[sflag:s14] =	ssyncadd.s32 $0xFFFFF800  }
0x22: {  	s1 =	simm.s32 $0x1DC00;
	s30 =	rddreg [dreg:$0x1]  }
0x23: {  	[tilespmem:s1], [sflag:$0x2] =	stream.linear.gather [hbm4b:s30+s4], $0x80, $0x38;
	[tilespmem:$0x1FC90] =	vst v63  }
0x24: {  	_ =	swait.ge [sflag:s14], $0x80  }
0x25: {  	[sflag:s14] =	ssyncset.done $0x0  }
0x26: {  	[sflag:s14] =	ssyncadd.s32 $0xFFFFFF80  }
0x27: {  	v2 =	vld [tilespmem:$0x1DC00];
	_ =	sdelay $0x3  }
0x28: {  	s31 =	simm.s32 $0x0  }
0x29: {  	s26 =	simm.s32 $0x10;
	s24 =	simm.s32 $0x0;
	s25 =	simm.s32 $0x0;
	v3 =	vld [tilespmem:s31+$0x0];
	v1 =	vbroadcast v2, $0x0;
	v2 =	vbroadcast v2, $0x1  }
.LBB2_2:
0x2a: {  	p0 =	sne.s32 s26, $0x8FF0;
	_ =	sdelay $0x3  }
0x2b: {  	v3 =	vshrl.u32 v3, v1  }
0x2c: {  	v3 =	vand.u32 v2, v3  }
0x2d: {  	(xrf1) =	vunique.msk.u32 $0xffff, v3;
	_ =	sdelay $0xd  }
0x2e: {  	v4 =	vld.idx.msk [tilespmem:v3+s18+$0x0], $0xffff;
	_, v5, vm0 =	vpop (xrf1);
	_ =	sdelay $0x3  }
.Ltmp0:
0x2f: {  	s0 =	sand.u32 $0x3FE00, s24;
	v5 =	vsub.s32 v5, v0;
	(pc) =	sbr.rel @p0 .LBB2_2-.Ltmp0, $4  }
0x30: {  	s1 =	sand.u32 $0x70, s25;
	s25 =	smov.u32 s26;
	s0 =	sshrl.u32 s0, $0x2;
	v6 =	vadd.s32 $0x1, v5  }
0x31: {  	s24 =	sadd.s32 $0x40, s24;
	s0 =	sor.u32 s1, s0;
	v4 =	vadd.s32 v4, v5;
	[tilespmem:v3+s18+$0x0] =	vst.idx.add.s32.msk vm0, v6  }
0x32: {  	s1 =	sshra.s32 s24, $0x2;
	[tilespmem:s0+$0x12000] =	vst v4  }
0x33: {  	s26 =	sadd.s32 $0x10, s26;
	v3 =	vld [tilespmem:s1+$0x0]  }
0x34: {  	_ =	sdelay $0x3  }
0x35: {  	v1 =	vshrl.u32 v3, v1  }
0x36: {  	v1 =	vand.u32 v2, v1  }
0x37: {  	(xrf1) =	vunique.msk.u32 $0xffff, v1;
	_ =	sdelay $0xd  }
0x38: {  	_, v2, vm0 =	vpop (xrf1)  }
0x39: {  	v3 =	vld.idx.msk [tilespmem:v1+s18+$0x0], $0xffff;
	_ =	sdelay $0x2  }
0x3a: {  	s0 =	sand.u32 $0x3FE00, s24;
	v2 =	vsub.s32 v2, v0  }
0x3b: {  	s1 =	sand.u32 $0x70, s25;
	s0 =	sshrl.u32 s0, $0x2;
	v4 =	vadd.s32 $0x1, v2  }
0x3c: {  	s0 =	sor.u32 s1, s0;
	v2 =	vadd.s32 v3, v2;
	[tilespmem:v1+s18+$0x0] =	vst.idx.add.s32.msk vm0, v4  }
0x3d: {  	s24 =	simm.s32 $0x0;
	[tilespmem:s0+$0x12000] =	vst v2  }
.LBB2_4:
0x3e: {  	s0 =	sshll.u32 s24, $0x10  }
0x3f: {  	s25 =	sadd.s32 s12, s0  }
0x40: {  	s26 =	simm.s32 $0x9000;
	s28 =	simm.s32 $0x0;
	s29 =	simm.s32 $0x0;
	v1 =	vmov s25  }
.LBB2_5:
0x41: {  	s0 =	smul.u32 $0x48, s29;
	_ =	sdelay $0x1  }
0x42: {  	s1 =	sadd.s32 $0x0, s0  }
0x43: {  	s17 =	simm.s32 $0x0;
	s1 =	sshll.u32 s1, $0x7  }
0x44: {  	s31 =	sand.u32 $0x70, s17;
	s1 =	sand.u32 $0x3FFFFF80, s1  }
0x45: {  	s1 =	sor.u32 s31, s1  }
0x46: {  	v2 =	vld [tilespmem:s1+$0x12000];
	_ =	sdelay $0x2  }
0x47: {  	s30 =	simm.s32 $0x1  }
0x48: {  	s19 =	simm.s32 $0x0;
	s15 =	simm.s32 $0x2;
	s1 =	simm.s32 $0x0  }
.LBB2_6:
0x49: {  	p0 =	sne.s32 s15, $0x23F;
	s19 =	sadd.s32 s0, s19;
	v3 =	vsub.s32 v2, v1;
	v2 =	vand.u32 $0x1F, v2;
	s17 =	sshll.u32 s17, $0x4  }
0x4a: {  	s1 =	sadd.s32 $0x10, s1;
	s19 =	sshll.u32 s19, $0x7;
	vm0 =	vlt.u32 v3, $0x10000;
	v2 =	vor.u32 $0x10000, v2;
	s17 =	sand.u32 $0x3FFFFF80, s17  }
0x4b: {  	s19 =	sand.u32 $0x3FFFFF80, s19;
	v2 =	vsel vm0, v3, v2;
	s17 =	sor.u32 s31, s17;
	s31 =	sand.u32 $0x70, s1  }
0x4c: {  	s19 =	sor.u32 s31, s19;
	[tilespmem:s17+$0x1B000] =	vst v2;
	s17 =	smov.u32 s30;
	s30 =	smov.u32 s15  }
.Ltmp1:
0x4d: {  	v2 =	vld [tilespmem:s19+$0x12000];
	(pc) =	sbr.rel @p0 .LBB2_6-.Ltmp1, $2  }
0x4e: {  	_ =	sdelay $0x2  }
0x4f: {  	s15 =	sadd.s32 $0x1, s15;
	s19 =	sshrl.u32 s30, $0x3  }
0x50: {  	s0 =	sadd.s32 s0, s19;
	v3 =	vsub.s32 v2, v1;
	v2 =	vand.u32 $0x1F, v2;
	s15 =	sshll.u32 s17, $0x4  }
0x51: {  	s1 =	sadd.s32 $0x10, s1;
	s0 =	sshll.u32 s0, $0x7;
	vm0 =	vlt.u32 v3, $0x10000;
	v2 =	vor.u32 $0x10000, v2;
	s15 =	sand.u32 $0x3FFFFF80, s15  }
0x52: {  	s1 =	sand.u32 $0x70, s1;
	s0 =	sand.u32 $0x3FFFFF80, s0;
	v2 =	vsel vm0, v3, v2;
	s15 =	sor.u32 s31, s15  }
0x53: {  	s0 =	sor.u32 s1, s0;
	[tilespmem:s15+$0x1B000] =	vst v2  }
0x54: {  	v2 =	vld [tilespmem:s0+$0x12000];
	_ =	sdelay $0x4  }
0x55: {  	s30 =	sshll.u32 s30, $0x4;
	v3 =	vsub.s32 v2, v1;
	v2 =	vand.u32 $0x1F, v2  }
0x56: {  	s0 =	sand.u32 $0x3FFFFF80, s30;
	vm15 =	vlt.u32 v3, $0x10000;
	v2 =	vor.u32 $0x10000, v2  }
0x57: {  	s31 =	sadd.s32 $0x0, s28;
	s0 =	sor.u32 s1, s0;
	v2 =	vsel vm15, v3, v2  }
0x58: {  	s15 =	sadd.s32 $0x0, s26;
	s1 =	simm.s32 $0x1B000;
	[tilespmem:s0+$0x1B000] =	vst v2;
	s0 =	simm.s32 $0x200  }
0x59: {  	[spmem:s2] =	stream.indirect.scatter [tilespmem:s31], [sflag:$0x1], $0x1, s1, s16, $0xb8;
	[tilespmem:$0x1FC90] =	vst v63  }
.LBB2_8:
0x5a: {  	[spmem:s3] =	stream.indirect.scatter [tilespmem:s15], [sflag:$0x1], $0x1, s1, s16, $0xb8;
	[tilespmem:$0x1FC90] =	vst v63  }
0x5b: {  	s1 =	smov.u32 s0;
	p0 =	sne.s32 s0, $0x8E00  }
.Ltmp2:
0x5c: {  	s0 =	sadd.s32 $0x200, s0;
	(pc) =	sbr.rel @p0 .LBB2_8-.Ltmp2, $4  }
0x5d: {  	s15 =	sshra.s32 s1, $0x2  }
0x5e: {  	s17 =	sadd.s32 s15, s28;
	s1 =	sadd.s32 $0x1B000, s15  }
0x5f: {  	[spmem:s2] =	stream.indirect.scatter [tilespmem:s17], [sflag:$0x1], $0x1, s1, s16, $0xb8;
	[tilespmem:$0x1FC90] =	vst v63  }
0x60: {  	s15 =	sadd.s32 s15, s26  }
0x61: {  	[spmem:s3] =	stream.indirect.scatter [tilespmem:s15], [sflag:$0x1], $0x1, s1, s16, $0xb8;
	[tilespmem:$0x1FC90] =	vst v63  }
0x62: {  	s29 =	sadd.s32 $0x1, s29  }
0x63: {  	_ =	swait.ge [sflag:s20], $0x2400;
	p0 =	sne.s32 s29, $0x4  }
.Ltmp3:
0x64: {  	[sflag:s20] =	ssyncset.done $0x0;
	(pc) =	sbr.rel @p0 .LBB2_5-.Ltmp3, $4  }
0x65: {  	[sflag:s20] =	ssyncadd.s32 $0xFFFFDC00  }
0x66: {  	_ =	swait.ge [sflag:s20], $0x2400  }
0x67: {  	[sflag:s20] =	ssyncset.done $0x0  }
0x68: {  	s28 =	sadd.s32 $0x2400, s28;
	s26 =	sadd.s32 $0x2400, s26;
	[sflag:s20] =	ssyncadd.s32 $0xFFFFDC00  }
0x69: {  	s0 =	sor.u32 s7, s25  }
0x6a: {  	s1 =	sshll.u32 s5, $0x6;
	s0 =	sshrl.u32 s0, $0x3  }
0x6b: {  	[bflag:$0x0] =	sbarrier.arrive $0xFFFF;
	s1 =	sor.u32 $0x1C02, s1;
	s15 =	sadd.s32 s6, s0  }
0x6c: {  	[hbm:s15], [sflag:s1] =	dma.local [spmem:s21], $0x200  }
0x6d: {  	_ =	swait.ge [sflag:s14], $0x200  }
0x6e: {  	s24 =	sadd.s32 $0x1, s24;
	[sflag:s14] =	ssyncset.done $0x0  }
0x6f: {  	p0 =	sne.s32 s24, $0x5;
	s0 =	sadd.s32 s8, s0;
	[sflag:s14] =	ssyncadd.s32 $0xFFFFFE00  }
0x70: {  	[hbm:s0], [sflag:s1] =	dma.local [spmem:s22], $0x200  }
.Ltmp4:
0x71: {  	_ =	swait.ge [sflag:s14], $0x200;
	(pc) =	sbr.rel @p0 .LBB2_4-.Ltmp4, $3  }
0x72: {  	[sflag:s14] =	ssyncset.done $0x0  }
0x73: {  	[sflag:s14] =	ssyncadd.s32 $0xFFFFFE00  }
0x74: {  	[bflag:$0x0] =	sbarrier.arrive $0xFFFF;
	_ =	sdelay $0x1  }
0x75: {  	s23 =	sadd.s32 $0x1, s23  }
0x76: {  	p0 =	sne.s32 s23, s13  }
.Ltmp5:
0x77: {  	_ = 	snop;
	(pc) =	sbr.rel @p0 .LBB2_1-.Ltmp5, $1  }
0x78: {  	_ =	sdelay $0x3  }
0x79: {  	_ =	sfence.sel $0x180000  }
0x7a: {  	[bflag:$0x0] =	sbarrier.arrive $0xFFFF  }
0x7b: {  	_ =	strace $0x9000005C  }
0x7c: {  	[bflag:$0x2] =	sbarrier.arrive $0xFFFF  }
0x7d: {  	p0 =	sne.s32 s5, $0x0;
	s0 =	rddreg [dreg:$0x5]  }
0x7e: {  	s0 =	sadd.s32 @!p0 $0x100000, s0  }
0x7f: {  	[sflag:s0] =	ssyncadd.tile.s32 @!p0 $0x1;
	_ =	shalt  }
.Lfunc_end2:
_tile_overlayer_lowered:
.L_overlay_start_2:
0x80: {  	(tag) =	ssettag $0x2  }
0x81: {  	s0 =	rddreg [dreg:$0x0];
	s2 =	stileid.u32  }
0x82: {  	s1 =	rddreg [dreg:$0x1];
	p0 =	sne.s32 s2, $0x0  }
0x83: {  	s3 =	rddreg [dreg:$0x2];
	[bflag:$0x3] =	sbarrier.arrive $0xFFFF;
	s2 =	simm.s32 @!p0 $0x1C02  }
0x84: {  	[timem:s3], [sflag:s2] =	dma.local @!p0 [hbm:s0], s1  }
0x85: {  	s0 =	simm.s32 @!p0 $0x2  }
0x86: {  	_ =	swait.ge @!p0 [sflag:s0], s1  }
0x87: {  	s1 =	ssub.s32 @!p0 $0x0, s1;
	[sflag:s0] =	ssyncset.done @!p0 $0x0  }
0x88: {  	[sflag:s0] =	ssyncadd.s32 @!p0 s1  }
0x89: {  	[bflag:$0x3] =	sbarrier.arrive $0xFFFF  }
0x8a: {  	_ =	shalt  }

</sc_bundles>
